<compile_context>
chip_gen: v7x
topology: tpu7x:2x2x1
jax: 0.10.2.dev20260603
libtpu: 0.0.44.dev20260713+nightly
codegen_flags: <defaults>
</compile_context>

<pallas_src>
import functools

import jax
import jax.numpy as jnp
from jax import lax
from jax.experimental import pallas as pl
from jax.experimental.pallas import tpu as pltpu
from jax.experimental.pallas import tpu_sc as plsc

N = 100000
E = 3200000
NC = 2
NS = 16
NW = NC * NS
EPW = E // NW
CG = 200
CS = 2000
NPT = N // NS

_f32 = jnp.float32
_mesh = plsc.VectorSubcoreMesh(core_axis_name="c", subcore_axis_name="s")


EH = E // 2
EPWH = EH // NW


def _make_gather(e0):
  @functools.partial(
      pl.kernel,
      mesh=_mesh,
      compiler_params=pltpu.CompilerParams(use_tc_tiling_on_sc=False),
      out_type=[
          jax.ShapeDtypeStruct((EH, 32), _f32),
          jax.ShapeDtypeStruct((EH, 32), _f32),
      ],
      scratch_types=[
          pltpu.VMEM((CG,), jnp.int32),
          pltpu.VMEM((CG,), jnp.int32),
          pltpu.VMEM((CG,), jnp.int32),
          pltpu.VMEM((CG,), jnp.int32),
          pltpu.VMEM((CG, 32), _f32),
          pltpu.VMEM((CG, 32), _f32),
          pltpu.VMEM((CG, 32), _f32),
          pltpu.VMEM((CG, 32), _f32),
          pltpu.SemaphoreType.DMA,
          pltpu.SemaphoreType.DMA,
          pltpu.SemaphoreType.DMA,
          pltpu.SemaphoreType.DMA,
          pltpu.SemaphoreType.DMA,
          pltpu.SemaphoreType.DMA,
      ],
  )
  def _sc_gather(p_hbm, q_hbm, dst_hbm, src_hbm, pg_hbm, qg_hbm,
                 idxd0, idxd1, idxs0, idxs1, bp0, bp1, bq0, bq1,
                 si0, si1, sg0, sg1, so0, so1):
    wid = lax.axis_index("s") * NC + lax.axis_index("c")
    idxd, idxs = (idxd0, idxd1), (idxs0, idxs1)
    bp, bq = (bp0, bp1), (bq0, bq1)
    si, sg, so = (si0, si1), (sg0, sg1), (so0, so1)
    ni = EPWH // CG

    def eb(i):
        return wid * EPWH + i * CG

    def ebi(i):
        return e0 + wid * EPWH + i * CG

    def issue_idx(i, b):
        pltpu.async_copy(dst_hbm.at[pl.ds(ebi(i), CG)], idxd[b], si[b])
        pltpu.async_copy(src_hbm.at[pl.ds(ebi(i), CG)], idxs[b], si[b])

    def wait_idx(i, b):
        pltpu.make_async_copy(dst_hbm.at[pl.ds(ebi(i), CG)], idxd[b], si[b]).wait()
        pltpu.make_async_copy(src_hbm.at[pl.ds(ebi(i), CG)], idxs[b], si[b]).wait()

    def issue_gather(b):
        pltpu.async_copy(p_hbm.at[idxd[b]], bp[b], sg[b])
        pltpu.async_copy(q_hbm.at[idxs[b]], bq[b], sg[b])

    def wait_gather(b):
        pltpu.make_async_copy(p_hbm.at[idxd[b]], bp[b], sg[b]).wait()
        pltpu.make_async_copy(q_hbm.at[idxs[b]], bq[b], sg[b]).wait()

    def issue_store(i, b):
        pltpu.async_copy(bp[b], pg_hbm.at[pl.ds(eb(i), CG)], so[b])
        pltpu.async_copy(bq[b], qg_hbm.at[pl.ds(eb(i), CG)], so[b])

    def wait_store(i, b):
        pltpu.make_async_copy(bp[b], pg_hbm.at[pl.ds(eb(i), CG)], so[b]).wait()
        pltpu.make_async_copy(bq[b], qg_hbm.at[pl.ds(eb(i), CG)], so[b]).wait()

    issue_idx(0, 0)

    def body(i2, carry):
        for b in (0, 1):
            i = 2 * i2 + b
            o = 1 - b

            @pl.when(i >= 2)
            def _():
                wait_store(i - 2, b)

            @pl.when(i >= 1)
            def _():
                wait_gather(o)
                issue_store(i - 1, o)

            wait_idx(i, b)
            issue_gather(b)

            @pl.when(i + 1 < ni)
            def _():
                issue_idx(i + 1, o)
        return carry

    lax.fori_loop(0, ni // 2, body, 0)
    wait_gather(1)
    issue_store(ni - 1, 1)
    wait_store(ni - 2, 0)
    wait_store(ni - 1, 1)

  return _sc_gather


_sc_gather_a = _make_gather(0)
_sc_gather_b = _make_gather(EH)


NH = N // NC
NACC = NH + NS
NPT2 = NH // NS
EPT = E // NS


@functools.partial(
    pl.kernel,
    mesh=_mesh,
    compiler_params=pltpu.CompilerParams(use_tc_tiling_on_sc=False),
    out_type=jax.ShapeDtypeStruct((NC, NH, 8), _f32),
    scratch_types=[
        pltpu.VMEM((CS,), jnp.int32),
        pltpu.VMEM((CS,), jnp.int32),
        pltpu.VMEM((CS, 8), _f32),
        pltpu.VMEM((CS, 8), _f32),
        pltpu.VMEM_SHARED((NACC, 8), _f32),
        pltpu.SemaphoreType.DMA,
        pltpu.SemaphoreType.DMA,
        pltpu.SemaphoreType.DMA,
        pltpu.SemaphoreType.DMA,
    ],
)
def _sc_scatter(ma_hbm, mb_hbm, dst_hbm, zeros_hbm, out_hbm,
                idx0, idx1, buf0, buf1, acc, sl0, sl1, ss0, ss1):
    cid = lax.axis_index("c")
    sid = lax.axis_index("s")
    pltpu.sync_copy(zeros_hbm, acc.at[pl.ds(sid * (NACC // NS), NACC // NS)])
    plsc.subcore_barrier()
    lo = cid * NH
    trash = NH + sid
    idx, buf = (idx0, idx1), (buf0, buf1)
    sl, ss = (sl0, sl1), (ss0, ss1)
    ni = EPT // CS

    def run(m_hbm, hsid):
        def eb(i):
            return sid * EPT + i * CS

        def ebl(i):
            return hsid * EPT + i * CS

        def issue_load(i, b):
            pltpu.async_copy(dst_hbm.at[pl.ds(eb(i), CS)], idx[b], sl[b])
            pltpu.async_copy(m_hbm.at[pl.ds(ebl(i), CS), pl.ds(0, 8)],
                             buf[b], sl[b])

        def wait_load(i, b):
            pltpu.make_async_copy(dst_hbm.at[pl.ds(eb(i), CS)],
                                  idx[b], sl[b]).wait()
            pltpu.make_async_copy(m_hbm.at[pl.ds(ebl(i), CS), pl.ds(0, 8)],
                                  buf[b], sl[b]).wait()

        def wait_scat(b):
            pltpu.make_async_copy(buf[b], acc.at[idx[b]], ss[b]).wait()

        issue_load(0, 0)

        def body(i2, carry):
            for b in (0, 1):
                i = 2 * i2 + b
                o = 1 - b
                wait_load(i, b)

                def fix(v, carry2):
                    iv = idx[b][pl.ds(v * 16, 16)]
                    loc = iv - lo
                    oob = (loc < 0) | (loc >= NH)
                    idx[b][pl.ds(v * 16, 16)] = jnp.where(oob, trash, loc)
                    return carry2

                lax.fori_loop(0, CS // 16, fix, 0)
                pltpu.async_copy(buf[b], acc.at[idx[b]], ss[b], add=True)

                @pl.when(i + 1 < ni)
                def _():
                    @pl.when(i >= 1)
                    def _():
                        wait_scat(o)

                    issue_load(i + 1, o)
            return carry

        lax.fori_loop(0, ni // 2, body, 0)
        wait_scat(0)
        wait_scat(1)

    @pl.when(sid < NS // 2)
    def _():
        run(ma_hbm, sid)

    @pl.when(sid >= NS // 2)
    def _():
        run(mb_hbm, sid - NS // 2)

    plsc.subcore_barrier()
    pltpu.sync_copy(acc.at[pl.ds(sid * NPT2, NPT2)],
                    out_hbm.at[cid, pl.ds(sid * NPT2, NPT2)])


def _pre_body(x_ref, wa_ref, wb_ref, b_ref, p_ref, q_ref):
    x = x_ref[...]
    wb = wb_ref[...]
    q = jnp.dot(x, wb, preferred_element_type=_f32)
    p = jnp.dot(x, wa_ref[...] - wb, preferred_element_type=_f32) + b_ref[...]
    p_ref[...] = p
    q_ref[...] = q


def _tc_pre(x, wa, wb, b1, d_in):
    bn = 4000
    return pl.pallas_call(
        _pre_body,
        grid=(N // bn,),
        in_specs=[
            pl.BlockSpec((bn, d_in), lambda i: (i, 0)),
            pl.BlockSpec((d_in, 32), lambda i: (0, 0)),
            pl.BlockSpec((d_in, 32), lambda i: (0, 0)),
            pl.BlockSpec((1, 32), lambda i: (0, 0)),
        ],
        out_specs=[
            pl.BlockSpec((bn, 32), lambda i: (i, 0)),
            pl.BlockSpec((bn, 32), lambda i: (i, 0)),
        ],
        out_shape=[
            jax.ShapeDtypeStruct((N, 32), _f32),
            jax.ShapeDtypeStruct((N, 32), _f32),
        ],
    )(x, wa, wb, b1)


def _edge_body(with_count, pg_ref, qg_ref, w2_ref, b2_ref, w48_ref, m_ref):
    h = jnp.maximum(pg_ref[...] + qg_ref[...], 0.0)
    h = jnp.maximum(jnp.dot(h, w2_ref[...], preferred_element_type=_f32)
                    + b2_ref[...], 0.0)
    m = jnp.dot(h, w48_ref[...], preferred_element_type=_f32)
    if with_count:
        col = lax.broadcasted_iota(jnp.int32, m.shape, 1)
        m = m + jnp.where(col % 32 == 4, 1.0, 0.0).astype(_f32)
    m_ref[...] = m


def _tc_edge_mlp(pg4, qg4, w2bd, b2t, w48bd, with_count):
    be4 = 4000
    ne = pg4.shape[0] * 4
    return pl.pallas_call(
        functools.partial(_edge_body, with_count),
        grid=(ne // (4 * be4),),
        in_specs=[
            pl.BlockSpec((be4, 128), lambda i: (i, 0)),
            pl.BlockSpec((be4, 128), lambda i: (i, 0)),
            pl.BlockSpec((128, 128), lambda i: (0, 0)),
            pl.BlockSpec((1, 128), lambda i: (0, 0)),
            pl.BlockSpec((128, 128), lambda i: (0, 0)),
        ],
        out_specs=pl.BlockSpec((be4, 128), lambda i: (i, 0)),
        out_shape=jax.ShapeDtypeStruct((ne // 4, 128), _f32),
    )(pg4, qg4, w2bd, b2t, w48bd)


def _head_body(a_ref, eps_ref, bmu_ref, bvar_ref, wda_ref, wdb_ref, bd1_ref,
               mu_ref, lv_ref, p2_ref, q2_ref, ig_ref):
    s = a_ref[...]
    cnt = s[:, 4:5]
    inv = 1.0 / jnp.maximum(cnt, 1.0)
    mu = s[:, 0:2] * inv + bmu_ref[...]
    lv = s[:, 2:4] * inv + bvar_ref[...]
    z = mu + eps_ref[...] * jnp.exp(0.5 * lv)
    wdb = wdb_ref[...]
    p2 = jnp.dot(z, wda_ref[...] - wdb, preferred_element_type=_f32) \
        + bd1_ref[...]
    q2 = jnp.dot(z, wdb, preferred_element_type=_f32)
    mu_ref[...] = mu
    lv_ref[...] = lv
    p2_ref[...] = p2
    q2_ref[...] = q2
    ig_ref[...] = jnp.concatenate([inv, cnt * inv], axis=1)


def _tc_head(a, eps, bmu, bvar, wda, wdb, bd1):
    bn = 2000
    return pl.pallas_call(
        _head_body,
        grid=(N // bn,),
        in_specs=[
            pl.BlockSpec((bn, 8), lambda i: (i, 0)),
            pl.BlockSpec((bn, 2), lambda i: (i, 0)),
            pl.BlockSpec((1, 2), lambda i: (0, 0)),
            pl.BlockSpec((1, 2), lambda i: (0, 0)),
            pl.BlockSpec((2, 32), lambda i: (0, 0)),
            pl.BlockSpec((2, 32), lambda i: (0, 0)),
            pl.BlockSpec((1, 32), lambda i: (0, 0)),
        ],
        out_specs=[
            pl.BlockSpec((bn, 2), lambda i: (i, 0)),
            pl.BlockSpec((bn, 2), lambda i: (i, 0)),
            pl.BlockSpec((bn, 32), lambda i: (i, 0)),
            pl.BlockSpec((bn, 32), lambda i: (i, 0)),
            pl.BlockSpec((bn, 2), lambda i: (i, 0)),
        ],
        out_shape=[
            jax.ShapeDtypeStruct((N, 2), _f32),
            jax.ShapeDtypeStruct((N, 2), _f32),
            jax.ShapeDtypeStruct((N, 32), _f32),
            jax.ShapeDtypeStruct((N, 32), _f32),
            jax.ShapeDtypeStruct((N, 2), _f32),
        ],
    )(a, eps, bmu, bvar, wda, wdb, bd1)


def _out_body(b_ref, ig_ref, bd3_ref, out_ref):
    s = b_ref[...]
    ig = ig_ref[...]
    out_ref[...] = (s[:, 0:4] * ig[:, 0:1] + ig[:, 1:2] * bd3_ref[...])


def _tc_out(b, ig, bd3):
    bn = 4000
    return pl.pallas_call(
        _out_body,
        grid=(N // bn,),
        in_specs=[
            pl.BlockSpec((bn, 8), lambda i: (i, 0)),
            pl.BlockSpec((bn, 2), lambda i: (i, 0)),
            pl.BlockSpec((1, 4), lambda i: (0, 0)),
        ],
        out_specs=pl.BlockSpec((bn, 4), lambda i: (i, 0)),
        out_shape=jax.ShapeDtypeStruct((N, 4), _f32),
    )(b, ig, bd3)


def kernel(x, edge_index, eps, We1, be1, We2, be2, Wmu, bmu, Wvar, bvar,
           Wd1, bd1, Wd2, bd2, Wd3, bd3):
    src = edge_index[0]
    dst = edge_index[1]
    zeros_tile = jnp.zeros((NACC // NS, 8), _f32)
    eye4 = jnp.eye(4, dtype=_f32)

    p, q = _tc_pre(x, We1[:4], We1[4:], be1.reshape(1, 32), 4)
    w48 = jnp.concatenate([Wmu, Wvar, jnp.zeros((32, 28), _f32)], axis=1)
    w2bd = jnp.kron(eye4, We2)
    b2t = jnp.tile(be2, 4).reshape(1, 128)
    w48bd = jnp.kron(eye4, w48)
    pga, qga = _sc_gather_a(p, q, dst, src)
    pgb, qgb = _sc_gather_b(p, q, dst, src)
    ma = _tc_edge_mlp(pga.reshape(EH // 4, 128), qga.reshape(EH // 4, 128),
                      w2bd, b2t, w48bd, True)
    mb = _tc_edge_mlp(pgb.reshape(EH // 4, 128), qgb.reshape(EH // 4, 128),
                      w2bd, b2t, w48bd, True)
    a = _sc_scatter(ma.reshape(EH, 32), mb.reshape(EH, 32), dst, zeros_tile)

    mu, lv, p2, q2, ig = _tc_head(
        a.reshape(N, 8), eps, bmu.reshape(1, 2), bvar.reshape(1, 2),
        Wd1[:2], Wd1[2:], bd1.reshape(1, 32))

    wd38 = jnp.concatenate([Wd3, jnp.zeros((32, 28), _f32)], axis=1)
    wd2bd = jnp.kron(eye4, Wd2)
    bd2t = jnp.tile(bd2, 4).reshape(1, 128)
    wd38bd = jnp.kron(eye4, wd38)
    pg2a, qg2a = _sc_gather_a(p2, q2, dst, src)
    pg2b, qg2b = _sc_gather_b(p2, q2, dst, src)
    m2a = _tc_edge_mlp(pg2a.reshape(EH // 4, 128), qg2a.reshape(EH // 4, 128),
                       wd2bd, bd2t, wd38bd, False)
    m2b = _tc_edge_mlp(pg2b.reshape(EH // 4, 128), qg2b.reshape(EH // 4, 128),
                       wd2bd, bd2t, wd38bd, False)
    b = _sc_scatter(m2a.reshape(EH, 32), m2b.reshape(EH, 32), dst, zeros_tile)
    out = _tc_out(b.reshape(N, 8), ig, bd3.reshape(1, 4))
    return (out, mu, lv)

# --- scband reference (transcript-rebuilt; emitter-appended) ---
"""Pipeline reference for scband-edge-net-vae-2731599200743 (READ-ONLY COPY).

The authoritative reference and input builder live on the scoring server;
editing this copy changes nothing except your own understanding.
"""

import jax, jax.numpy as jnp
import numpy as np

N = 100000
E = 3200000
INPUT_DIM = 4
OUTPUT_DIM = 4
BIG_DIM = 32
HIDDEN_DIM = 2


def setup_inputs(seed: int = 0) -> dict:
    key = jax.random.key(seed)
    ks = jax.random.split(key, 20)
    s = 0.1
    inp = {
        'x': jax.random.normal(ks[0], (N, INPUT_DIM), dtype=jnp.float32),
        'edge_index': jax.random.randint(ks[1], (2, E), 0, N, dtype=jnp.int32),
        'eps': jax.random.normal(ks[2], (N, HIDDEN_DIM), dtype=jnp.float32),
        # encoder EdgeConv MLP: Linear(2*input_dim, big) -> ReLU -> Linear(big, big) -> ReLU
        'We1': s * jax.random.normal(ks[3], (2 * INPUT_DIM, BIG_DIM), dtype=jnp.float32),
        'be1': jnp.zeros((BIG_DIM,), jnp.float32),
        'We2': s * jax.random.normal(ks[4], (BIG_DIM, BIG_DIM), dtype=jnp.float32),
        'be2': jnp.zeros((BIG_DIM,), jnp.float32),
        'Wmu': s * jax.random.normal(ks[5], (BIG_DIM, HIDDEN_DIM), dtype=jnp.float32),
        'bmu': jnp.zeros((HIDDEN_DIM,), jnp.float32),
        'Wvar': s * jax.random.normal(ks[6], (BIG_DIM, HIDDEN_DIM), dtype=jnp.float32),
        'bvar': jnp.zeros((HIDDEN_DIM,), jnp.float32),
        # decoder EdgeConv MLP: Linear(2*hidden, big) -> ReLU -> Linear(big, big) -> ReLU -> Linear(big, out)
        'Wd1': s * jax.random.normal(ks[7], (2 * HIDDEN_DIM, BIG_DIM), dtype=jnp.float32),
        'bd1': jnp.zeros((BIG_DIM,), jnp.float32),
        'Wd2': s * jax.random.normal(ks[8], (BIG_DIM, BIG_DIM), dtype=jnp.float32),
        'bd2': jnp.zeros((BIG_DIM,), jnp.float32),
        'Wd3': s * jax.random.normal(ks[9], (BIG_DIM, OUTPUT_DIM), dtype=jnp.float32),
        'bd3': jnp.zeros((OUTPUT_DIM,), jnp.float32),
    }
    return inp


def _edge_mean_aggr(msg, dst, n):
    s = jax.ops.segment_sum(msg, dst, num_segments=n)
    cnt = jax.ops.segment_sum(jnp.ones((dst.shape[0],), msg.dtype), dst, num_segments=n)
    return s / jnp.maximum(cnt, 1.0)[:, None]


def reference(x, edge_index, eps, We1, be1, We2, be2, Wmu, bmu, Wvar, bvar,
              Wd1, bd1, Wd2, bd2, Wd3, bd3):
    n = x.shape[0]
    src = edge_index[0]
    dst = edge_index[1]
    # ---- encoder EdgeConv: message = nn([x_i, x_j - x_i]), i=dst, j=src; mean aggr at dst ----
    h = jnp.concatenate([x[dst], x[src] - x[dst]], axis=-1)
    h = jax.nn.relu(h @ We1 + be1)
    h = jax.nn.relu(h @ We2 + be2)
    h_enc = _edge_mean_aggr(h, dst, n)
    # ---- VAE head ----
    mu = h_enc @ Wmu + bmu
    log_var = h_enc @ Wvar + bvar
    z = mu + eps * jnp.exp(0.5 * log_var)
    # ---- decoder EdgeConv on latent z ----
    h2 = jnp.concatenate([z[dst], z[src] - z[dst]], axis=-1)
    h2 = jax.nn.relu(h2 @ Wd1 + bd1)
    h2 = jax.nn.relu(h2 @ Wd2 + bd2)
    h2 = h2 @ Wd3 + bd3
    out = _edge_mean_aggr(h2, dst, n)
    return (out, mu, log_var)

if __name__ == "__main__":
    import jax
    _d = setup_inputs()
    print(jax.jit(kernel)(*tuple(_d.values())))

</pallas_src>

<mosaic_0001>
#map = affine_map<(d0, d1) -> (0, 0)>
#map1 = affine_map<(d0, d1) -> (0)>
module attributes {stable_mosaic.version = 14 : i64} {
  func.func @_sc_gather(%arg0: i32, %arg1: i32, %arg2: memref<100000x32xf32, #tpu.memory_space<hbm>>, %arg3: memref<100000x32xf32, #tpu.memory_space<hbm>>, %arg4: memref<3200000xi32, #tpu.memory_space<hbm>>, %arg5: memref<3200000xi32, #tpu.memory_space<hbm>>, %arg6: memref<1600000x32xf32, #tpu.memory_space<hbm>>, %arg7: memref<1600000x32xf32, #tpu.memory_space<hbm>>, %arg8: memref<200xi32, #tpu.memory_space<vmem>>, %arg9: memref<200xi32, #tpu.memory_space<vmem>>, %arg10: memref<200xi32, #tpu.memory_space<vmem>>, %arg11: memref<200xi32, #tpu.memory_space<vmem>>, %arg12: memref<200x32xf32, #tpu.memory_space<vmem>>, %arg13: memref<200x32xf32, #tpu.memory_space<vmem>>, %arg14: memref<200x32xf32, #tpu.memory_space<vmem>>, %arg15: memref<200x32xf32, #tpu.memory_space<vmem>>, %arg16: memref<!tpu.dma_semaphore, #tpu.memory_space<semaphore_mem>>, %arg17: memref<!tpu.dma_semaphore, #tpu.memory_space<semaphore_mem>>, %arg18: memref<!tpu.dma_semaphore, #tpu.memory_space<semaphore_mem>>, %arg19: memref<!tpu.dma_semaphore, #tpu.memory_space<semaphore_mem>>, %arg20: memref<!tpu.dma_semaphore, #tpu.memory_space<semaphore_mem>>, %arg21: memref<!tpu.dma_semaphore, #tpu.memory_space<semaphore_mem>>) attributes {dimension_semantics = [#tpu.dimension_semantics<core_parallel>, #tpu.dimension_semantics<subcore_parallel>], iteration_bounds = array<i64: 2, 16>, scalar_prefetch = 0 : i64, scratch_operands = 14 : i64, tpu.core_type = #tpu.core_type<sc_vector_subcore>, window_params = [{transform_indices = #map}, {transform_indices = #map}, {transform_indices = #map1}, {transform_indices = #map1}, {transform_indices = #map}, {transform_indices = #map}]} {
    %mul3A = arith.constant 2 : i32
    %mul3A_0 = arith.muli %arg1, %mul3A : i32
    %add3A = arith.addi %mul3A_0, %arg0 : i32
    %mul3A_1 = arith.constant 50000 : i32
    %mul3A_2 = arith.muli %add3A, %mul3A_1 : i32
    %add3A_3 = arith.constant 1600000 : i32
    %add3A_4 = arith.addi %add3A_3, %mul3A_2 : i32
    %add3A_5 = arith.constant 0 : i32
    %add3A_6 = arith.addi %add3A_4, %add3A_5 : i32
    %dma_start3A = tpu.memref_slice %arg4[%add3A_6] : memref<3200000xi32, #tpu.memory_space<hbm>> -> memref<200xi32, #tpu.memory_space<hbm>>
    %dma_start3A_7 = tpu.memref_slice %arg4[%add3A_6] : memref<3200000xi32, #tpu.memory_space<hbm>> -> memref<200xi32, #tpu.memory_space<hbm>>
    tpu.enqueue_dma source(%dma_start3A_7 : memref<200xi32, #tpu.memory_space<hbm>>) target(%arg8 : memref<200xi32, #tpu.memory_space<vmem>>) target_semaphore(%arg16 : memref<!tpu.dma_semaphore, #tpu.memory_space<semaphore_mem>>)
    %mul3A_8 = arith.constant 50000 : i32
    %mul3A_9 = arith.muli %add3A, %mul3A_8 : i32
    %add3A_10 = arith.constant 1600000 : i32
    %add3A_11 = arith.addi %add3A_10, %mul3A_9 : i32
    %add3A_12 = arith.constant 0 : i32
    %add3A_13 = arith.addi %add3A_11, %add3A_12 : i32
    %dma_start3A_14 = tpu.memref_slice %arg5[%add3A_13] : memref<3200000xi32, #tpu.memory_space<hbm>> -> memref<200xi32, #tpu.memory_space<hbm>>
    %dma_start3A_15 = tpu.memref_slice %arg5[%add3A_13] : memref<3200000xi32, #tpu.memory_space<hbm>> -> memref<200xi32, #tpu.memory_space<hbm>>
    tpu.enqueue_dma source(%dma_start3A_15 : memref<200xi32, #tpu.memory_space<hbm>>) target(%arg10 : memref<200xi32, #tpu.memory_space<vmem>>) target_semaphore(%arg16 : memref<!tpu.dma_semaphore, #tpu.memory_space<semaphore_mem>>)
    %scan3A = arith.constant 0 : i32
    %scan3A_16 = arith.constant 0 : i32
    %scan3A_17 = arith.constant 125 : i32
    %scan3A_18 = arith.addi %scan3A_16, %scan3A_17 : i32
    %scan3A_19 = arith.constant 1 : i32
    scf.for %scan3A_74 = %scan3A_16 to %scan3A_18 step %scan3A_19  : i32 {
      %mul3A_75 = arith.constant 2 : i32
      %mul3A_76 = arith.muli %mul3A_75, %scan3A_74 : i32
      %add3A_77 = arith.constant 0 : i32
      %add3A_78 = arith.addi %mul3A_76, %add3A_77 : i32
      %ge3A = arith.constant 2 : i32
      %ge3A_79 = arith.cmpi sge, %add3A_78, %ge3A : i32
      %convert_element_type3A = arith.extui %ge3A_79 : i1 to i32
      %cond3A = arith.constant 0 : i32
      %cond3A_80 = arith.cmpi ne, %convert_element_type3A, %cond3A : i32
      scf.if %cond3A_80 {
        %sub3A = arith.constant 2 : i32
        %sub3A_161 = arith.subi %add3A_78, %sub3A : i32
        %mul3A_162 = arith.constant 50000 : i32
        %mul3A_163 = arith.muli %add3A, %mul3A_162 : i32
        %mul3A_164 = arith.constant 200 : i32
        %mul3A_165 = arith.muli %sub3A_161, %mul3A_164 : i32
        %add3A_166 = arith.addi %mul3A_163, %mul3A_165 : i32
        %dma_wait3A_167 = arith.constant 0 : i32
        %dma_wait3A_168 = tpu.memref_slice %arg6[%add3A_166, %dma_wait3A_167] : memref<1600000x32xf32, #tpu.memory_space<hbm>> -> memref<200x32xf32, #tpu.memory_space<hbm>>
        %dma_wait3A_169 = arith.constant 0 : i32
        %dma_wait3A_170 = tpu.memref_slice %arg6[%add3A_166, %dma_wait3A_169] : memref<1600000x32xf32, #tpu.memory_space<hbm>> -> memref<200x32xf32, #tpu.memory_space<hbm>>
        tpu.wait_dma2 semaphore(%arg20 : memref<!tpu.dma_semaphore, #tpu.memory_space<semaphore_mem>>) src(%arg12 : memref<200x32xf32, #tpu.memory_space<vmem>>) dst(%dma_wait3A_170 : memref<200x32xf32, #tpu.memory_space<hbm>>)
        %mul3A_171 = arith.constant 50000 : i32
        %mul3A_172 = arith.muli %add3A, %mul3A_171 : i32
        %mul3A_173 = arith.constant 200 : i32
        %mul3A_174 = arith.muli %sub3A_161, %mul3A_173 : i32
        %add3A_175 = arith.addi %mul3A_172, %mul3A_174 : i32
        %dma_wait3A_176 = arith.constant 0 : i32
        %dma_wait3A_177 = tpu.memref_slice %arg7[%add3A_175, %dma_wait3A_176] : memref<1600000x32xf32, #tpu.memory_space<hbm>> -> memref<200x32xf32, #tpu.memory_space<hbm>>
        %dma_wait3A_178 = arith.constant 0 : i32
        %dma_wait3A_179 = tpu.memref_slice %arg7[%add3A_175, %dma_wait3A_178] : memref<1600000x32xf32, #tpu.memory_space<hbm>> -> memref<200x32xf32, #tpu.memory_space<hbm>>
        tpu.wait_dma2 semaphore(%arg20 : memref<!tpu.dma_semaphore, #tpu.memory_space<semaphore_mem>>) src(%arg14 : memref<200x32xf32, #tpu.memory_space<vmem>>) dst(%dma_wait3A_179 : memref<200x32xf32, #tpu.memory_space<hbm>>)
      } else {
      }
      %ge3A_81 = arith.constant 1 : i32
      %ge3A_82 = arith.cmpi sge, %add3A_78, %ge3A_81 : i32
      %convert_element_type3A_83 = arith.extui %ge3A_82 : i1 to i32
      %cond3A_84 = arith.constant 0 : i32
      %cond3A_85 = arith.cmpi ne, %convert_element_type3A_83, %cond3A_84 : i32
      scf.if %cond3A_85 {
        %dma_wait3A_161 = arith.constant 0 : i32
        %dma_wait3A_162 = arith.constant 0 : i32
        %dma_wait3A_163 = tpu.memref_slice %arg2[%dma_wait3A_161, %dma_wait3A_162] : memref<100000x32xf32, #tpu.memory_space<hbm>> -> memref<100000x32xf32, #tpu.memory_space<hbm>>
        tpu.wait_indirect_dma semaphore(%arg19 : memref<!tpu.dma_semaphore, #tpu.memory_space<semaphore_mem>>) src(%dma_wait3A_163 : memref<100000x32xf32, #tpu.memory_space<hbm>>) dst(%arg13 : memref<200x32xf32, #tpu.memory_space<vmem>>)
        %dma_wait3A_164 = arith.constant 0 : i32
        %dma_wait3A_165 = arith.constant 0 : i32
        %dma_wait3A_166 = tpu.memref_slice %arg3[%dma_wait3A_164, %dma_wait3A_165] : memref<100000x32xf32, #tpu.memory_space<hbm>> -> memref<100000x32xf32, #tpu.memory_space<hbm>>
        tpu.wait_indirect_dma semaphore(%arg19 : memref<!tpu.dma_semaphore, #tpu.memory_space<semaphore_mem>>) src(%dma_wait3A_166 : memref<100000x32xf32, #tpu.memory_space<hbm>>) dst(%arg15 : memref<200x32xf32, #tpu.memory_space<vmem>>)
        %sub3A = arith.constant 1 : i32
        %sub3A_167 = arith.subi %add3A_78, %sub3A : i32
        %mul3A_168 = arith.constant 50000 : i32
        %mul3A_169 = arith.muli %add3A, %mul3A_168 : i32
        %mul3A_170 = arith.constant 200 : i32
        %mul3A_171 = arith.muli %sub3A_167, %mul3A_170 : i32
        %add3A_172 = arith.addi %mul3A_169, %mul3A_171 : i32
        %dma_start3A_173 = arith.constant 0 : i32
        %dma_start3A_174 = tpu.memref_slice %arg6[%add3A_172, %dma_start3A_173] : memref<1600000x32xf32, #tpu.memory_space<hbm>> -> memref<200x32xf32, #tpu.memory_space<hbm>>
        %dma_start3A_175 = arith.constant 0 : i32
        %dma_start3A_176 = tpu.memref_slice %arg6[%add3A_172, %dma_start3A_175] : memref<1600000x32xf32, #tpu.memory_space<hbm>> -> memref<200x32xf32, #tpu.memory_space<hbm>>
        tpu.enqueue_dma source(%arg13 : memref<200x32xf32, #tpu.memory_space<vmem>>) target(%dma_start3A_176 : memref<200x32xf32, #tpu.memory_space<hbm>>) target_semaphore(%arg21 : memref<!tpu.dma_semaphore, #tpu.memory_space<semaphore_mem>>)
        %mul3A_177 = arith.constant 50000 : i32
        %mul3A_178 = arith.muli %add3A, %mul3A_177 : i32
        %mul3A_179 = arith.constant 200 : i32
        %mul3A_180 = arith.muli %sub3A_167, %mul3A_179 : i32
        %add3A_181 = arith.addi %mul3A_178, %mul3A_180 : i32
        %dma_start3A_182 = arith.constant 0 : i32
        %dma_start3A_183 = tpu.memref_slice %arg7[%add3A_181, %dma_start3A_182] : memref<1600000x32xf32, #tpu.memory_space<hbm>> -> memref<200x32xf32, #tpu.memory_space<hbm>>
        %dma_start3A_184 = arith.constant 0 : i32
        %dma_start3A_185 = tpu.memref_slice %arg7[%add3A_181, %dma_start3A_184] : memref<1600000x32xf32, #tpu.memory_space<hbm>> -> memref<200x32xf32, #tpu.memory_space<hbm>>
        tpu.enqueue_dma source(%arg15 : memref<200x32xf32, #tpu.memory_space<vmem>>) target(%dma_start3A_185 : memref<200x32xf32, #tpu.memory_space<hbm>>) target_semaphore(%arg21 : memref<!tpu.dma_semaphore, #tpu.memory_space<semaphore_mem>>)
      } else {
      }
      %mul3A_86 = arith.constant 50000 : i32
      %mul3A_87 = arith.muli %add3A, %mul3A_86 : i32
      %add3A_88 = arith.constant 1600000 : i32
      %add3A_89 = arith.addi %add3A_88, %mul3A_87 : i32
      %mul3A_90 = arith.constant 200 : i32
      %mul3A_91 = arith.muli %add3A_78, %mul3A_90 : i32
      %add3A_92 = arith.addi %add3A_89, %mul3A_91 : i32
      %dma_wait3A_93 = tpu.memref_slice %arg4[%add3A_92] : memref<3200000xi32, #tpu.memory_space<hbm>> -> memref<200xi32, #tpu.memory_space<hbm>>
      %dma_wait3A_94 = tpu.memref_slice %arg4[%add3A_92] : memref<3200000xi32, #tpu.memory_space<hbm>> -> memref<200xi32, #tpu.memory_space<hbm>>
      tpu.wait_dma2 semaphore(%arg16 : memref<!tpu.dma_semaphore, #tpu.memory_space<semaphore_mem>>) src(%dma_wait3A_94 : memref<200xi32, #tpu.memory_space<hbm>>) dst(%arg8 : memref<200xi32, #tpu.memory_space<vmem>>)
      %mul3A_95 = arith.constant 50000 : i32
      %mul3A_96 = arith.muli %add3A, %mul3A_95 : i32
      %add3A_97 = arith.constant 1600000 : i32
      %add3A_98 = arith.addi %add3A_97, %mul3A_96 : i32
      %mul3A_99 = arith.constant 200 : i32
      %mul3A_100 = arith.muli %add3A_78, %mul3A_99 : i32
      %add3A_101 = arith.addi %add3A_98, %mul3A_100 : i32
      %dma_wait3A_102 = tpu.memref_slice %arg5[%add3A_101] : memref<3200000xi32, #tpu.memory_space<hbm>> -> memref<200xi32, #tpu.memory_space<hbm>>
      %dma_wait3A_103 = tpu.memref_slice %arg5[%add3A_101] : memref<3200000xi32, #tpu.memory_space<hbm>> -> memref<200xi32, #tpu.memory_space<hbm>>
      tpu.wait_dma2 semaphore(%arg16 : memref<!tpu.dma_semaphore, #tpu.memory_space<semaphore_mem>>) src(%dma_wait3A_103 : memref<200xi32, #tpu.memory_space<hbm>>) dst(%arg10 : memref<200xi32, #tpu.memory_space<vmem>>)
      %dma_start3A_104 = arith.constant 0 : i32
      %dma_start3A_105 = arith.constant 0 : i32
      %dma_start3A_106 = tpu.memref_slice %arg2[%dma_start3A_104, %dma_start3A_105] : memref<100000x32xf32, #tpu.memory_space<hbm>> -> memref<100000x32xf32, #tpu.memory_space<hbm>>
      tpu.enqueue_indirect_dma source(%dma_start3A_106 : memref<100000x32xf32, #tpu.memory_space<hbm>>) target(%arg12 : memref<200x32xf32, #tpu.memory_space<vmem>>) offsets(%arg8 : memref<200xi32, #tpu.memory_space<vmem>>) semaphore(%arg18 : memref<!tpu.dma_semaphore, #tpu.memory_space<semaphore_mem>>)
      %dma_start3A_107 = arith.constant 0 : i32
      %dma_start3A_108 = arith.constant 0 : i32
      %dma_start3A_109 = tpu.memref_slice %arg3[%dma_start3A_107, %dma_start3A_108] : memref<100000x32xf32, #tpu.memory_space<hbm>> -> memref<100000x32xf32, #tpu.memory_space<hbm>>
      tpu.enqueue_indirect_dma source(%dma_start3A_109 : memref<100000x32xf32, #tpu.memory_space<hbm>>) target(%arg14 : memref<200x32xf32, #tpu.memory_space<vmem>>) offsets(%arg10 : memref<200xi32, #tpu.memory_space<vmem>>) semaphore(%arg18 : memref<!tpu.dma_semaphore, #tpu.memory_space<semaphore_mem>>)
      %add3A_110 = arith.constant 1 : i32
      %add3A_111 = arith.addi %add3A_78, %add3A_110 : i32
      %lt3A = arith.constant 250 : i32
      %lt3A_112 = arith.cmpi slt, %add3A_111, %lt3A : i32
      %convert_element_type3A_113 = arith.extui %lt3A_112 : i1 to i32
      %cond3A_114 = arith.constant 0 : i32
      %cond3A_115 = arith.cmpi ne, %convert_element_type3A_113, %cond3A_114 : i32
      scf.if %cond3A_115 {
        %add3A_161 = arith.constant 1 : i32
        %add3A_162 = arith.addi %add3A_78, %add3A_161 : i32
        %mul3A_163 = arith.constant 50000 : i32
        %mul3A_164 = arith.muli %add3A, %mul3A_163 : i32
        %add3A_165 = arith.constant 1600000 : i32
        %add3A_166 = arith.addi %add3A_165, %mul3A_164 : i32
        %mul3A_167 = arith.constant 200 : i32
        %mul3A_168 = arith.muli %add3A_162, %mul3A_167 : i32
        %add3A_169 = arith.addi %add3A_166, %mul3A_168 : i32
        %dma_start3A_170 = tpu.memref_slice %arg4[%add3A_169] : memref<3200000xi32, #tpu.memory_space<hbm>> -> memref<200xi32, #tpu.memory_space<hbm>>
        %dma_start3A_171 = tpu.memref_slice %arg4[%add3A_169] : memref<3200000xi32, #tpu.memory_space<hbm>> -> memref<200xi32, #tpu.memory_space<hbm>>
        tpu.enqueue_dma source(%dma_start3A_171 : memref<200xi32, #tpu.memory_space<hbm>>) target(%arg9 : memref<200xi32, #tpu.memory_space<vmem>>) target_semaphore(%arg17 : memref<!tpu.dma_semaphore, #tpu.memory_space<semaphore_mem>>)
        %mul3A_172 = arith.constant 50000 : i32
        %mul3A_173 = arith.muli %add3A, %mul3A_172 : i32
        %add3A_174 = arith.constant 1600000 : i32
        %add3A_175 = arith.addi %add3A_174, %mul3A_173 : i32
        %mul3A_176 = arith.constant 200 : i32
        %mul3A_177 = arith.muli %add3A_162, %mul3A_176 : i32
        %add3A_178 = arith.addi %add3A_175, %mul3A_177 : i32
        %dma_start3A_179 = tpu.memref_slice %arg5[%add3A_178] : memref<3200000xi32, #tpu.memory_space<hbm>> -> memref<200xi32, #tpu.memory_space<hbm>>
        %dma_start3A_180 = tpu.memref_slice %arg5[%add3A_178] : memref<3200000xi32, #tpu.memory_space<hbm>> -> memref<200xi32, #tpu.memory_space<hbm>>
        tpu.enqueue_dma source(%dma_start3A_180 : memref<200xi32, #tpu.memory_space<hbm>>) target(%arg11 : memref<200xi32, #tpu.memory_space<vmem>>) target_semaphore(%arg17 : memref<!tpu.dma_semaphore, #tpu.memory_space<semaphore_mem>>)
      } else {
      }
      %mul3A_116 = arith.constant 2 : i32
      %mul3A_117 = arith.muli %mul3A_116, %scan3A_74 : i32
      %add3A_118 = arith.constant 1 : i32
      %add3A_119 = arith.addi %mul3A_117, %add3A_118 : i32
      %ge3A_120 = arith.constant 2 : i32
      %ge3A_121 = arith.cmpi sge, %add3A_119, %ge3A_120 : i32
      %convert_element_type3A_122 = arith.extui %ge3A_121 : i1 to i32
      %cond3A_123 = arith.constant 0 : i32
      %cond3A_124 = arith.cmpi ne, %convert_element_type3A_122, %cond3A_123 : i32
      scf.if %cond3A_124 {
        %sub3A = arith.constant 2 : i32
        %sub3A_161 = arith.subi %add3A_119, %sub3A : i32
        %mul3A_162 = arith.constant 50000 : i32
        %mul3A_163 = arith.muli %add3A, %mul3A_162 : i32
        %mul3A_164 = arith.constant 200 : i32
        %mul3A_165 = arith.muli %sub3A_161, %mul3A_164 : i32
        %add3A_166 = arith.addi %mul3A_163, %mul3A_165 : i32
        %dma_wait3A_167 = arith.constant 0 : i32
        %dma_wait3A_168 = tpu.memref_slice %arg6[%add3A_166, %dma_wait3A_167] : memref<1600000x32xf32, #tpu.memory_space<hbm>> -> memref<200x32xf32, #tpu.memory_space<hbm>>
        %dma_wait3A_169 = arith.constant 0 : i32
        %dma_wait3A_170 = tpu.memref_slice %arg6[%add3A_166, %dma_wait3A_169] : memref<1600000x32xf32, #tpu.memory_space<hbm>> -> memref<200x32xf32, #tpu.memory_space<hbm>>
        tpu.wait_dma2 semaphore(%arg21 : memref<!tpu.dma_semaphore, #tpu.memory_space<semaphore_mem>>) src(%arg13 : memref<200x32xf32, #tpu.memory_space<vmem>>) dst(%dma_wait3A_170 : memref<200x32xf32, #tpu.memory_space<hbm>>)
        %mul3A_171 = arith.constant 50000 : i32
        %mul3A_172 = arith.muli %add3A, %mul3A_171 : i32
        %mul3A_173 = arith.constant 200 : i32
        %mul3A_174 = arith.muli %sub3A_161, %mul3A_173 : i32
        %add3A_175 = arith.addi %mul3A_172, %mul3A_174 : i32
        %dma_wait3A_176 = arith.constant 0 : i32
        %dma_wait3A_177 = tpu.memref_slice %arg7[%add3A_175, %dma_wait3A_176] : memref<1600000x32xf32, #tpu.memory_space<hbm>> -> memref<200x32xf32, #tpu.memory_space<hbm>>
        %dma_wait3A_178 = arith.constant 0 : i32
        %dma_wait3A_179 = tpu.memref_slice %arg7[%add3A_175, %dma_wait3A_178] : memref<1600000x32xf32, #tpu.memory_space<hbm>> -> memref<200x32xf32, #tpu.memory_space<hbm>>
        tpu.wait_dma2 semaphore(%arg21 : memref<!tpu.dma_semaphore, #tpu.memory_space<semaphore_mem>>) src(%arg15 : memref<200x32xf32, #tpu.memory_space<vmem>>) dst(%dma_wait3A_179 : memref<200x32xf32, #tpu.memory_space<hbm>>)
      } else {
      }
      %ge3A_125 = arith.constant 1 : i32
      %ge3A_126 = arith.cmpi sge, %add3A_119, %ge3A_125 : i32
      %convert_element_type3A_127 = arith.extui %ge3A_126 : i1 to i32
      %cond3A_128 = arith.constant 0 : i32
      %cond3A_129 = arith.cmpi ne, %convert_element_type3A_127, %cond3A_128 : i32
      scf.if %cond3A_129 {
        %dma_wait3A_161 = arith.constant 0 : i32
        %dma_wait3A_162 = arith.constant 0 : i32
        %dma_wait3A_163 = tpu.memref_slice %arg2[%dma_wait3A_161, %dma_wait3A_162] : memref<100000x32xf32, #tpu.memory_space<hbm>> -> memref<100000x32xf32, #tpu.memory_space<hbm>>
        tpu.wait_indirect_dma semaphore(%arg18 : memref<!tpu.dma_semaphore, #tpu.memory_space<semaphore_mem>>) src(%dma_wait3A_163 : memref<100000x32xf32, #tpu.memory_space<hbm>>) dst(%arg12 : memref<200x32xf32, #tpu.memory_space<vmem>>)
        %dma_wait3A_164 = arith.constant 0 : i32
        %dma_wait3A_165 = arith.constant 0 : i32
        %dma_wait3A_166 = tpu.memref_slice %arg3[%dma_wait3A_164, %dma_wait3A_165] : memref<100000x32xf32, #tpu.memory_space<hbm>> -> memref<100000x32xf32, #tpu.memory_space<hbm>>
        tpu.wait_indirect_dma semaphore(%arg18 : memref<!tpu.dma_semaphore, #tpu.memory_space<semaphore_mem>>) src(%dma_wait3A_166 : memref<100000x32xf32, #tpu.memory_space<hbm>>) dst(%arg14 : memref<200x32xf32, #tpu.memory_space<vmem>>)
        %sub3A = arith.constant 1 : i32
        %sub3A_167 = arith.subi %add3A_119, %sub3A : i32
        %mul3A_168 = arith.constant 50000 : i32
        %mul3A_169 = arith.muli %add3A, %mul3A_168 : i32
        %mul3A_170 = arith.constant 200 : i32
        %mul3A_171 = arith.muli %sub3A_167, %mul3A_170 : i32
        %add3A_172 = arith.addi %mul3A_169, %mul3A_171 : i32
        %dma_start3A_173 = arith.constant 0 : i32
        %dma_start3A_174 = tpu.memref_slice %arg6[%add3A_172, %dma_start3A_173] : memref<1600000x32xf32, #tpu.memory_space<hbm>> -> memref<200x32xf32, #tpu.memory_space<hbm>>
        %dma_start3A_175 = arith.constant 0 : i32
        %dma_start3A_176 = tpu.memref_slice %arg6[%add3A_172, %dma_start3A_175] : memref<1600000x32xf32, #tpu.memory_space<hbm>> -> memref<200x32xf32, #tpu.memory_space<hbm>>
        tpu.enqueue_dma source(%arg12 : memref<200x32xf32, #tpu.memory_space<vmem>>) target(%dma_start3A_176 : memref<200x32xf32, #tpu.memory_space<hbm>>) target_semaphore(%arg20 : memref<!tpu.dma_semaphore, #tpu.memory_space<semaphore_mem>>)
        %mul3A_177 = arith.constant 50000 : i32
        %mul3A_178 = arith.muli %add3A, %mul3A_177 : i32
        %mul3A_179 = arith.constant 200 : i32
        %mul3A_180 = arith.muli %sub3A_167, %mul3A_179 : i32
        %add3A_181 = arith.addi %mul3A_178, %mul3A_180 : i32
        %dma_start3A_182 = arith.constant 0 : i32
        %dma_start3A_183 = tpu.memref_slice %arg7[%add3A_181, %dma_start3A_182] : memref<1600000x32xf32, #tpu.memory_space<hbm>> -> memref<200x32xf32, #tpu.memory_space<hbm>>
        %dma_start3A_184 = arith.constant 0 : i32
        %dma_start3A_185 = tpu.memref_slice %arg7[%add3A_181, %dma_start3A_184] : memref<1600000x32xf32, #tpu.memory_space<hbm>> -> memref<200x32xf32, #tpu.memory_space<hbm>>
        tpu.enqueue_dma source(%arg14 : memref<200x32xf32, #tpu.memory_space<vmem>>) target(%dma_start3A_185 : memref<200x32xf32, #tpu.memory_space<hbm>>) target_semaphore(%arg20 : memref<!tpu.dma_semaphore, #tpu.memory_space<semaphore_mem>>)
      } else {
      }
      %mul3A_130 = arith.constant 50000 : i32
      %mul3A_131 = arith.muli %add3A, %mul3A_130 : i32
      %add3A_132 = arith.constant 1600000 : i32
      %add3A_133 = arith.addi %add3A_132, %mul3A_131 : i32
      %mul3A_134 = arith.constant 200 : i32
      %mul3A_135 = arith.muli %add3A_119, %mul3A_134 : i32
      %add3A_136 = arith.addi %add3A_133, %mul3A_135 : i32
      %dma_wait3A_137 = tpu.memref_slice %arg4[%add3A_136] : memref<3200000xi32, #tpu.memory_space<hbm>> -> memref<200xi32, #tpu.memory_space<hbm>>
      %dma_wait3A_138 = tpu.memref_slice %arg4[%add3A_136] : memref<3200000xi32, #tpu.memory_space<hbm>> -> memref<200xi32, #tpu.memory_space<hbm>>
      tpu.wait_dma2 semaphore(%arg17 : memref<!tpu.dma_semaphore, #tpu.memory_space<semaphore_mem>>) src(%dma_wait3A_138 : memref<200xi32, #tpu.memory_space<hbm>>) dst(%arg9 : memref<200xi32, #tpu.memory_space<vmem>>)
      %mul3A_139 = arith.constant 50000 : i32
      %mul3A_140 = arith.muli %add3A, %mul3A_139 : i32
      %add3A_141 = arith.constant 1600000 : i32
      %add3A_142 = arith.addi %add3A_141, %mul3A_140 : i32
      %mul3A_143 = arith.constant 200 : i32
      %mul3A_144 = arith.muli %add3A_119, %mul3A_143 : i32
      %add3A_145 = arith.addi %add3A_142, %mul3A_144 : i32
      %dma_wait3A_146 = tpu.memref_slice %arg5[%add3A_145] : memref<3200000xi32, #tpu.memory_space<hbm>> -> memref<200xi32, #tpu.memory_space<hbm>>
      %dma_wait3A_147 = tpu.memref_slice %arg5[%add3A_145] : memref<3200000xi32, #tpu.memory_space<hbm>> -> memref<200xi32, #tpu.memory_space<hbm>>
      tpu.wait_dma2 semaphore(%arg17 : memref<!tpu.dma_semaphore, #tpu.memory_space<semaphore_mem>>) src(%dma_wait3A_147 : memref<200xi32, #tpu.memory_space<hbm>>) dst(%arg11 : memref<200xi32, #tpu.memory_space<vmem>>)
      %dma_start3A_148 = arith.constant 0 : i32
      %dma_start3A_149 = arith.constant 0 : i32
      %dma_start3A_150 = tpu.memref_slice %arg2[%dma_start3A_148, %dma_start3A_149] : memref<100000x32xf32, #tpu.memory_space<hbm>> -> memref<100000x32xf32, #tpu.memory_space<hbm>>
      tpu.enqueue_indirect_dma source(%dma_start3A_150 : memref<100000x32xf32, #tpu.memory_space<hbm>>) target(%arg13 : memref<200x32xf32, #tpu.memory_space<vmem>>) offsets(%arg9 : memref<200xi32, #tpu.memory_space<vmem>>) semaphore(%arg19 : memref<!tpu.dma_semaphore, #tpu.memory_space<semaphore_mem>>)
      %dma_start3A_151 = arith.constant 0 : i32
      %dma_start3A_152 = arith.constant 0 : i32
      %dma_start3A_153 = tpu.memref_slice %arg3[%dma_start3A_151, %dma_start3A_152] : memref<100000x32xf32, #tpu.memory_space<hbm>> -> memref<100000x32xf32, #tpu.memory_space<hbm>>
      tpu.enqueue_indirect_dma source(%dma_start3A_153 : memref<100000x32xf32, #tpu.memory_space<hbm>>) target(%arg15 : memref<200x32xf32, #tpu.memory_space<vmem>>) offsets(%arg11 : memref<200xi32, #tpu.memory_space<vmem>>) semaphore(%arg19 : memref<!tpu.dma_semaphore, #tpu.memory_space<semaphore_mem>>)
      %add3A_154 = arith.constant 1 : i32
      %add3A_155 = arith.addi %add3A_119, %add3A_154 : i32
      %lt3A_156 = arith.constant 250 : i32
      %lt3A_157 = arith.cmpi slt, %add3A_155, %lt3A_156 : i32
      %convert_element_type3A_158 = arith.extui %lt3A_157 : i1 to i32
      %cond3A_159 = arith.constant 0 : i32
      %cond3A_160 = arith.cmpi ne, %convert_element_type3A_158, %cond3A_159 : i32
      scf.if %cond3A_160 {
        %add3A_161 = arith.constant 1 : i32
        %add3A_162 = arith.addi %add3A_119, %add3A_161 : i32
        %mul3A_163 = arith.constant 50000 : i32
        %mul3A_164 = arith.muli %add3A, %mul3A_163 : i32
        %add3A_165 = arith.constant 1600000 : i32
        %add3A_166 = arith.addi %add3A_165, %mul3A_164 : i32
        %mul3A_167 = arith.constant 200 : i32
        %mul3A_168 = arith.muli %add3A_162, %mul3A_167 : i32
        %add3A_169 = arith.addi %add3A_166, %mul3A_168 : i32
        %dma_start3A_170 = tpu.memref_slice %arg4[%add3A_169] : memref<3200000xi32, #tpu.memory_space<hbm>> -> memref<200xi32, #tpu.memory_space<hbm>>
        %dma_start3A_171 = tpu.memref_slice %arg4[%add3A_169] : memref<3200000xi32, #tpu.memory_space<hbm>> -> memref<200xi32, #tpu.memory_space<hbm>>
        tpu.enqueue_dma source(%dma_start3A_171 : memref<200xi32, #tpu.memory_space<hbm>>) target(%arg8 : memref<200xi32, #tpu.memory_space<vmem>>) target_semaphore(%arg16 : memref<!tpu.dma_semaphore, #tpu.memory_space<semaphore_mem>>)
        %mul3A_172 = arith.constant 50000 : i32
        %mul3A_173 = arith.muli %add3A, %mul3A_172 : i32
        %add3A_174 = arith.constant 1600000 : i32
        %add3A_175 = arith.addi %add3A_174, %mul3A_173 : i32
        %mul3A_176 = arith.constant 200 : i32
        %mul3A_177 = arith.muli %add3A_162, %mul3A_176 : i32
        %add3A_178 = arith.addi %add3A_175, %mul3A_177 : i32
        %dma_start3A_179 = tpu.memref_slice %arg5[%add3A_178] : memref<3200000xi32, #tpu.memory_space<hbm>> -> memref<200xi32, #tpu.memory_space<hbm>>
        %dma_start3A_180 = tpu.memref_slice %arg5[%add3A_178] : memref<3200000xi32, #tpu.memory_space<hbm>> -> memref<200xi32, #tpu.memory_space<hbm>>
        tpu.enqueue_dma source(%dma_start3A_180 : memref<200xi32, #tpu.memory_space<hbm>>) target(%arg10 : memref<200xi32, #tpu.memory_space<vmem>>) target_semaphore(%arg16 : memref<!tpu.dma_semaphore, #tpu.memory_space<semaphore_mem>>)
      } else {
      }
    }
    %scan3A_20 = arith.constant 125 : i32
    %dma_wait3A = arith.constant 0 : i32
    %dma_wait3A_21 = arith.constant 0 : i32
    %dma_wait3A_22 = tpu.memref_slice %arg2[%dma_wait3A, %dma_wait3A_21] : memref<100000x32xf32, #tpu.memory_space<hbm>> -> memref<100000x32xf32, #tpu.memory_space<hbm>>
    tpu.wait_indirect_dma semaphore(%arg19 : memref<!tpu.dma_semaphore, #tpu.memory_space<semaphore_mem>>) src(%dma_wait3A_22 : memref<100000x32xf32, #tpu.memory_space<hbm>>) dst(%arg13 : memref<200x32xf32, #tpu.memory_space<vmem>>)
    %dma_wait3A_23 = arith.constant 0 : i32
    %dma_wait3A_24 = arith.constant 0 : i32
    %dma_wait3A_25 = tpu.memref_slice %arg3[%dma_wait3A_23, %dma_wait3A_24] : memref<100000x32xf32, #tpu.memory_space<hbm>> -> memref<100000x32xf32, #tpu.memory_space<hbm>>
    tpu.wait_indirect_dma semaphore(%arg19 : memref<!tpu.dma_semaphore, #tpu.memory_space<semaphore_mem>>) src(%dma_wait3A_25 : memref<100000x32xf32, #tpu.memory_space<hbm>>) dst(%arg15 : memref<200x32xf32, #tpu.memory_space<vmem>>)
    %mul3A_26 = arith.constant 50000 : i32
    %mul3A_27 = arith.muli %add3A, %mul3A_26 : i32
    %add3A_28 = arith.constant 49800 : i32
    %add3A_29 = arith.addi %mul3A_27, %add3A_28 : i32
    %dma_start3A_30 = arith.constant 0 : i32
    %dma_start3A_31 = tpu.memref_slice %arg6[%add3A_29, %dma_start3A_30] : memref<1600000x32xf32, #tpu.memory_space<hbm>> -> memref<200x32xf32, #tpu.memory_space<hbm>>
    %dma_start3A_32 = arith.constant 0 : i32
    %dma_start3A_33 = tpu.memref_slice %arg6[%add3A_29, %dma_start3A_32] : memref<1600000x32xf32, #tpu.memory_space<hbm>> -> memref<200x32xf32, #tpu.memory_space<hbm>>
    tpu.enqueue_dma source(%arg13 : memref<200x32xf32, #tpu.memory_space<vmem>>) target(%dma_start3A_33 : memref<200x32xf32, #tpu.memory_space<hbm>>) target_semaphore(%arg21 : memref<!tpu.dma_semaphore, #tpu.memory_space<semaphore_mem>>)
    %mul3A_34 = arith.constant 50000 : i32
    %mul3A_35 = arith.muli %add3A, %mul3A_34 : i32
    %add3A_36 = arith.constant 49800 : i32
    %add3A_37 = arith.addi %mul3A_35, %add3A_36 : i32
    %dma_start3A_38 = arith.constant 0 : i32
    %dma_start3A_39 = tpu.memref_slice %arg7[%add3A_37, %dma_start3A_38] : memref<1600000x32xf32, #tpu.memory_space<hbm>> -> memref<200x32xf32, #tpu.memory_space<hbm>>
    %dma_start3A_40 = arith.constant 0 : i32
    %dma_start3A_41 = tpu.memref_slice %arg7[%add3A_37, %dma_start3A_40] : memref<1600000x32xf32, #tpu.memory_space<hbm>> -> memref<200x32xf32, #tpu.memory_space<hbm>>
    tpu.enqueue_dma source(%arg15 : memref<200x32xf32, #tpu.memory_space<vmem>>) target(%dma_start3A_41 : memref<200x32xf32, #tpu.memory_space<hbm>>) target_semaphore(%arg21 : memref<!tpu.dma_semaphore, #tpu.memory_space<semaphore_mem>>)
    %mul3A_42 = arith.constant 50000 : i32
    %mul3A_43 = arith.muli %add3A, %mul3A_42 : i32
    %add3A_44 = arith.constant 49600 : i32
    %add3A_45 = arith.addi %mul3A_43, %add3A_44 : i32
    %dma_wait3A_46 = arith.constant 0 : i32
    %dma_wait3A_47 = tpu.memref_slice %arg6[%add3A_45, %dma_wait3A_46] : memref<1600000x32xf32, #tpu.memory_space<hbm>> -> memref<200x32xf32, #tpu.memory_space<hbm>>
    %dma_wait3A_48 = arith.constant 0 : i32
    %dma_wait3A_49 = tpu.memref_slice %arg6[%add3A_45, %dma_wait3A_48] : memref<1600000x32xf32, #tpu.memory_space<hbm>> -> memref<200x32xf32, #tpu.memory_space<hbm>>
    tpu.wait_dma2 semaphore(%arg20 : memref<!tpu.dma_semaphore, #tpu.memory_space<semaphore_mem>>) src(%arg12 : memref<200x32xf32, #tpu.memory_space<vmem>>) dst(%dma_wait3A_49 : memref<200x32xf32, #tpu.memory_space<hbm>>)
    %mul3A_50 = arith.constant 50000 : i32
    %mul3A_51 = arith.muli %add3A, %mul3A_50 : i32
    %add3A_52 = arith.constant 49600 : i32
    %add3A_53 = arith.addi %mul3A_51, %add3A_52 : i32
    %dma_wait3A_54 = arith.constant 0 : i32
    %dma_wait3A_55 = tpu.memref_slice %arg7[%add3A_53, %dma_wait3A_54] : memref<1600000x32xf32, #tpu.memory_space<hbm>> -> memref<200x32xf32, #tpu.memory_space<hbm>>
    %dma_wait3A_56 = arith.constant 0 : i32
    %dma_wait3A_57 = tpu.memref_slice %arg7[%add3A_53, %dma_wait3A_56] : memref<1600000x32xf32, #tpu.memory_space<hbm>> -> memref<200x32xf32, #tpu.memory_space<hbm>>
    tpu.wait_dma2 semaphore(%arg20 : memref<!tpu.dma_semaphore, #tpu.memory_space<semaphore_mem>>) src(%arg14 : memref<200x32xf32, #tpu.memory_space<vmem>>) dst(%dma_wait3A_57 : memref<200x32xf32, #tpu.memory_space<hbm>>)
    %mul3A_58 = arith.constant 50000 : i32
    %mul3A_59 = arith.muli %add3A, %mul3A_58 : i32
    %add3A_60 = arith.constant 49800 : i32
    %add3A_61 = arith.addi %mul3A_59, %add3A_60 : i32
    %dma_wait3A_62 = arith.constant 0 : i32
    %dma_wait3A_63 = tpu.memref_slice %arg6[%add3A_61, %dma_wait3A_62] : memref<1600000x32xf32, #tpu.memory_space<hbm>> -> memref<200x32xf32, #tpu.memory_space<hbm>>
    %dma_wait3A_64 = arith.constant 0 : i32
    %dma_wait3A_65 = tpu.memref_slice %arg6[%add3A_61, %dma_wait3A_64] : memref<1600000x32xf32, #tpu.memory_space<hbm>> -> memref<200x32xf32, #tpu.memory_space<hbm>>
    tpu.wait_dma2 semaphore(%arg21 : memref<!tpu.dma_semaphore, #tpu.memory_space<semaphore_mem>>) src(%arg13 : memref<200x32xf32, #tpu.memory_space<vmem>>) dst(%dma_wait3A_65 : memref<200x32xf32, #tpu.memory_space<hbm>>)
    %mul3A_66 = arith.constant 50000 : i32
    %mul3A_67 = arith.muli %add3A, %mul3A_66 : i32
    %add3A_68 = arith.constant 49800 : i32
    %add3A_69 = arith.addi %mul3A_67, %add3A_68 : i32
    %dma_wait3A_70 = arith.constant 0 : i32
    %dma_wait3A_71 = tpu.memref_slice %arg7[%add3A_69, %dma_wait3A_70] : memref<1600000x32xf32, #tpu.memory_space<hbm>> -> memref<200x32xf32, #tpu.memory_space<hbm>>
    %dma_wait3A_72 = arith.constant 0 : i32
    %dma_wait3A_73 = tpu.memref_slice %arg7[%add3A_69, %dma_wait3A_72] : memref<1600000x32xf32, #tpu.memory_space<hbm>> -> memref<200x32xf32, #tpu.memory_space<hbm>>
    tpu.wait_dma2 semaphore(%arg21 : memref<!tpu.dma_semaphore, #tpu.memory_space<semaphore_mem>>) src(%arg15 : memref<200x32xf32, #tpu.memory_space<vmem>>) dst(%dma_wait3A_73 : memref<200x32xf32, #tpu.memory_space<hbm>>)
    return
  }
}

#map = affine_map<(d0, d1) -> (0, 0)>
#map1 = affine_map<(d0, d1) -> (0)>
#map2 = affine_map<(d0, d1) -> (0, 0, 0)>
module attributes {stable_mosaic.version = 14 : i64} {
  func.func @_sc_scatter(%arg0: i32, %arg1: i32, %arg2: memref<1600000x32xf32, #tpu.memory_space<hbm>>, %arg3: memref<1600000x32xf32, #tpu.memory_space<hbm>>, %arg4: memref<3200000xi32, #tpu.memory_space<hbm>>, %arg5: memref<3126x8xf32, #tpu.memory_space<hbm>>, %arg6: memref<2x50000x8xf32, #tpu.memory_space<hbm>>, %arg7: memref<2000xi32, #tpu.memory_space<vmem>>, %arg8: memref<2000xi32, #tpu.memory_space<vmem>>, %arg9: memref<2000x8xf32, #tpu.memory_space<vmem>>, %arg10: memref<2000x8xf32, #tpu.memory_space<vmem>>, %arg11: memref<50016x8xf32, #tpu.memory_space<vmem_shared>>, %arg12: memref<!tpu.dma_semaphore, #tpu.memory_space<semaphore_mem>>, %arg13: memref<!tpu.dma_semaphore, #tpu.memory_space<semaphore_mem>>, %arg14: memref<!tpu.dma_semaphore, #tpu.memory_space<semaphore_mem>>, %arg15: memref<!tpu.dma_semaphore, #tpu.memory_space<semaphore_mem>>) attributes {dimension_semantics = [#tpu.dimension_semantics<core_parallel>, #tpu.dimension_semantics<subcore_parallel>], iteration_bounds = array<i64: 2, 16>, scalar_prefetch = 0 : i64, scratch_operands = 9 : i64, tpu.core_type = #tpu.core_type<sc_vector_subcore>, window_params = [{transform_indices = #map}, {transform_indices = #map}, {transform_indices = #map1}, {transform_indices = #map}, {transform_indices = #map2}]} {
    %mul3A = arith.constant 3126 : i32
    %mul3A_0 = arith.muli %arg1, %mul3A : i32
    "tpu.region"() ({
      %run_scoped3A = tpu.sem_alloc : memref<!tpu.dma_semaphore, #tpu.memory_space<semaphore_mem>>
      %dma_start3A = arith.constant 0 : i32
      %dma_start3A_15 = tpu.memref_slice %arg11[%mul3A_0, %dma_start3A] : memref<50016x8xf32, #tpu.memory_space<vmem_shared>> -> memref<3126x8xf32, #tpu.memory_space<vmem_shared>>
      tpu.enqueue_dma source(%arg5 : memref<3126x8xf32, #tpu.memory_space<hbm>>) target(%dma_start3A_15 : memref<3126x8xf32, #tpu.memory_space<vmem_shared>>) target_semaphore(%run_scoped3A : memref<!tpu.dma_semaphore, #tpu.memory_space<semaphore_mem>>)
      %dma_wait3A = arith.constant 0 : i32
      %dma_wait3A_16 = tpu.memref_slice %arg11[%mul3A_0, %dma_wait3A] : memref<50016x8xf32, #tpu.memory_space<vmem_shared>> -> memref<3126x8xf32, #tpu.memory_space<vmem_shared>>
      tpu.wait_dma2 semaphore(%run_scoped3A : memref<!tpu.dma_semaphore, #tpu.memory_space<semaphore_mem>>) src(%arg5 : memref<3126x8xf32, #tpu.memory_space<hbm>>) dst(%dma_wait3A_16 : memref<3126x8xf32, #tpu.memory_space<vmem_shared>>)
      tpu.yield
    }) : () -> ()
    %barrier3A = arith.constant 0 : index
    tpu.barrier barrier_id(%barrier3A)
    %mul3A_1 = arith.constant 50000 : i32
    %mul3A_2 = arith.muli %arg0, %mul3A_1 : i32
    %add3A = arith.constant 50000 : i32
    %add3A_3 = arith.addi %add3A, %arg1 : i32
    %lt3A = arith.constant 8 : i32
    %lt3A_4 = arith.cmpi slt, %arg1, %lt3A : i32
    %convert_element_type3A = arith.extui %lt3A_4 : i1 to i32
    %cond3A = arith.constant 0 : i32
    %cond3A_5 = arith.cmpi ne, %convert_element_type3A, %cond3A : i32
    scf.if %cond3A_5 {
      %mul3A_15 = arith.constant 200000 : i32
      %mul3A_16 = arith.muli %arg1, %mul3A_15 : i32
      %add3A_17 = arith.constant 0 : i32
      %add3A_18 = arith.addi %mul3A_16, %add3A_17 : i32
      %dma_start3A = tpu.memref_slice %arg4[%add3A_18] : memref<3200000xi32, #tpu.memory_space<hbm>> -> memref<2000xi32, #tpu.memory_space<hbm>>
      %dma_start3A_19 = tpu.memref_slice %arg4[%add3A_18] : memref<3200000xi32, #tpu.memory_space<hbm>> -> memref<2000xi32, #tpu.memory_space<hbm>>
      tpu.enqueue_dma source(%dma_start3A_19 : memref<2000xi32, #tpu.memory_space<hbm>>) target(%arg7 : memref<2000xi32, #tpu.memory_space<vmem>>) target_semaphore(%arg12 : memref<!tpu.dma_semaphore, #tpu.memory_space<semaphore_mem>>)
      %mul3A_20 = arith.constant 200000 : i32
      %mul3A_21 = arith.muli %arg1, %mul3A_20 : i32
      %add3A_22 = arith.constant 0 : i32
      %add3A_23 = arith.addi %mul3A_21, %add3A_22 : i32
      %dma_start3A_24 = arith.constant 0 : i32
      %dma_start3A_25 = tpu.memref_slice %arg2[%add3A_23, %dma_start3A_24] : memref<1600000x32xf32, #tpu.memory_space<hbm>> -> memref<2000x8xf32, #tpu.memory_space<hbm>>
      %dma_start3A_26 = arith.constant 0 : i32
      %dma_start3A_27 = tpu.memref_slice %arg2[%add3A_23, %dma_start3A_26] : memref<1600000x32xf32, #tpu.memory_space<hbm>> -> memref<2000x8xf32, #tpu.memory_space<hbm>>
      tpu.enqueue_dma source(%dma_start3A_27 : memref<2000x8xf32, #tpu.memory_space<hbm>>) target(%arg9 : memref<2000x8xf32, #tpu.memory_space<vmem>>) target_semaphore(%arg12 : memref<!tpu.dma_semaphore, #tpu.memory_space<semaphore_mem>>)
      %scan3A = arith.constant 0 : i32
      %scan3A_28 = arith.constant 0 : i32
      %scan3A_29 = arith.constant 50 : i32
      %scan3A_30 = arith.addi %scan3A_28, %scan3A_29 : i32
      %scan3A_31 = arith.constant 1 : i32
      scf.for %scan3A_38 = %scan3A_28 to %scan3A_30 step %scan3A_31  : i32 {
        %mul3A_39 = arith.constant 2 : i32
        %mul3A_40 = arith.muli %mul3A_39, %scan3A_38 : i32
        %add3A_41 = arith.constant 0 : i32
        %add3A_42 = arith.addi %mul3A_40, %add3A_41 : i32
        %mul3A_43 = arith.constant 200000 : i32
        %mul3A_44 = arith.muli %arg1, %mul3A_43 : i32
        %mul3A_45 = arith.constant 2000 : i32
        %mul3A_46 = arith.muli %add3A_42, %mul3A_45 : i32
        %add3A_47 = arith.addi %mul3A_44, %mul3A_46 : i32
        %dma_wait3A_48 = tpu.memref_slice %arg4[%add3A_47] : memref<3200000xi32, #tpu.memory_space<hbm>> -> memref<2000xi32, #tpu.memory_space<hbm>>
        %dma_wait3A_49 = tpu.memref_slice %arg4[%add3A_47] : memref<3200000xi32, #tpu.memory_space<hbm>> -> memref<2000xi32, #tpu.memory_space<hbm>>
        tpu.wait_dma2 semaphore(%arg12 : memref<!tpu.dma_semaphore, #tpu.memory_space<semaphore_mem>>) src(%dma_wait3A_49 : memref<2000xi32, #tpu.memory_space<hbm>>) dst(%arg7 : memref<2000xi32, #tpu.memory_space<vmem>>)
        %mul3A_50 = arith.constant 200000 : i32
        %mul3A_51 = arith.muli %arg1, %mul3A_50 : i32
        %mul3A_52 = arith.constant 2000 : i32
        %mul3A_53 = arith.muli %add3A_42, %mul3A_52 : i32
        %add3A_54 = arith.addi %mul3A_51, %mul3A_53 : i32
        %dma_wait3A_55 = arith.constant 0 : i32
        %dma_wait3A_56 = tpu.memref_slice %arg2[%add3A_54, %dma_wait3A_55] : memref<1600000x32xf32, #tpu.memory_space<hbm>> -> memref<2000x8xf32, #tpu.memory_space<hbm>>
        %dma_wait3A_57 = arith.constant 0 : i32
        %dma_wait3A_58 = tpu.memref_slice %arg2[%add3A_54, %dma_wait3A_57] : memref<1600000x32xf32, #tpu.memory_space<hbm>> -> memref<2000x8xf32, #tpu.memory_space<hbm>>
        tpu.wait_dma2 semaphore(%arg12 : memref<!tpu.dma_semaphore, #tpu.memory_space<semaphore_mem>>) src(%dma_wait3A_58 : memref<2000x8xf32, #tpu.memory_space<hbm>>) dst(%arg9 : memref<2000x8xf32, #tpu.memory_space<vmem>>)
        %scan3A_59 = arith.constant 0 : i32
        %scan3A_60 = arith.constant 0 : i32
        %scan3A_61 = arith.constant 125 : i32
        %scan3A_62 = arith.addi %scan3A_60, %scan3A_61 : i32
        %scan3A_63 = arith.constant 1 : i32
        scf.for %scan3A_111 = %scan3A_60 to %scan3A_62 step %scan3A_63  : i32 {
          %mul3A_112 = arith.constant 16 : i32
          %mul3A_113 = arith.muli %scan3A_111, %mul3A_112 : i32
          %get3A = arith.index_cast %mul3A_113 : i32 to index
          %get3A_114 = tpu.vector_load %arg7[%get3A] {strides = array<i32>} : memref<2000xi32, #tpu.memory_space<vmem>>, vector<16xi32>,
          %get3A_115 = vector.shape_cast %get3A_114 : vector<16xi32> to vector<16xi32>
          %sub3A = vector.broadcast %mul3A_2 : i32 to vector<16xi32>
          %sub3A_116 = arith.subi %get3A_115, %sub3A : vector<16xi32>
          %lt3A_117 = arith.constant 0 : i32
          %lt3A_118 = vector.broadcast %lt3A_117 : i32 to vector<16xi32>
          %lt3A_119 = arith.cmpi slt, %sub3A_116, %lt3A_118 : vector<16xi32>
          %ge3A_120 = arith.constant 50000 : i32
          %ge3A_121 = vector.broadcast %ge3A_120 : i32 to vector<16xi32>
          %ge3A_122 = arith.cmpi sge, %sub3A_116, %ge3A_121 : vector<16xi32>
          %or3A = arith.ori %lt3A_119, %ge3A_122 : vector<16xi1>
          %broadcast_in_dim3A = vector.broadcast %add3A_3 : i32 to vector<16xi32>
          %select_n3A = arith.select %or3A, %broadcast_in_dim3A, %sub3A_116 : vector<16xi1>, vector<16xi32>
          %mul3A_123 = arith.constant 16 : i32
          %mul3A_124 = arith.muli %scan3A_111, %mul3A_123 : i32
          %swap3A = arith.index_cast %mul3A_124 : i32 to index
          %swap3A_125 = tpu.vector_load %arg7[%swap3A] {strides = array<i32>} : memref<2000xi32, #tpu.memory_space<vmem>>, vector<16xi32>,
          %swap3A_126 = vector.shape_cast %swap3A_125 : vector<16xi32> to vector<16xi32>
          %swap3A_127 = vector.shape_cast %select_n3A : vector<16xi32> to vector<16xi32>
          tpu.vector_store %arg7[%swap3A], %swap3A_127 {strides = array<i32>} : memref<2000xi32, #tpu.memory_space<vmem>>, vector<16xi32>,
        }
        %scan3A_64 = arith.constant 125 : i32
        %dma_start3A_65 = arith.constant 0 : i32
        %dma_start3A_66 = arith.constant 0 : i32
        %dma_start3A_67 = tpu.memref_slice %arg11[%dma_start3A_65, %dma_start3A_66] : memref<50016x8xf32, #tpu.memory_space<vmem_shared>> -> memref<50016x8xf32, #tpu.memory_space<vmem_shared>>
        tpu.enqueue_indirect_dma source(%arg9 : memref<2000x8xf32, #tpu.memory_space<vmem>>) target(%dma_start3A_67 : memref<50016x8xf32, #tpu.memory_space<vmem_shared>>) offsets(%arg7 : memref<2000xi32, #tpu.memory_space<vmem>>) semaphore(%arg14 : memref<!tpu.dma_semaphore, #tpu.memory_space<semaphore_mem>>) {add = true}
        %add3A_68 = arith.constant 1 : i32
        %add3A_69 = arith.addi %add3A_42, %add3A_68 : i32
        %lt3A_70 = arith.constant 100 : i32
        %lt3A_71 = arith.cmpi slt, %add3A_69, %lt3A_70 : i32
        %convert_element_type3A_72 = arith.extui %lt3A_71 : i1 to i32
        %cond3A_73 = arith.constant 0 : i32
        %cond3A_74 = arith.cmpi ne, %convert_element_type3A_72, %cond3A_73 : i32
        scf.if %cond3A_74 {
          %ge3A_111 = arith.constant 1 : i32
          %ge3A_112 = arith.cmpi sge, %add3A_42, %ge3A_111 : i32
          %convert_element_type3A_113 = arith.extui %ge3A_112 : i1 to i32
          %cond3A_114 = arith.constant 0 : i32
          %cond3A_115 = arith.cmpi ne, %convert_element_type3A_113, %cond3A_114 : i32
          scf.if %cond3A_115 {
            %dma_wait3A_134 = arith.constant 0 : i32
            %dma_wait3A_135 = arith.constant 0 : i32
            %dma_wait3A_136 = tpu.memref_slice %arg11[%dma_wait3A_134, %dma_wait3A_135] : memref<50016x8xf32, #tpu.memory_space<vmem_shared>> -> memref<50016x8xf32, #tpu.memory_space<vmem_shared>>
            tpu.wait_indirect_dma semaphore(%arg15 : memref<!tpu.dma_semaphore, #tpu.memory_space<semaphore_mem>>) src(%arg10 : memref<2000x8xf32, #tpu.memory_space<vmem>>) dst(%dma_wait3A_136 : memref<50016x8xf32, #tpu.memory_space<vmem_shared>>)
          } else {
          }
          %add3A_116 = arith.constant 1 : i32
          %add3A_117 = arith.addi %add3A_42, %add3A_116 : i32
          %mul3A_118 = arith.constant 200000 : i32
          %mul3A_119 = arith.muli %arg1, %mul3A_118 : i32
          %mul3A_120 = arith.constant 2000 : i32
          %mul3A_121 = arith.muli %add3A_117, %mul3A_120 : i32
          %add3A_122 = arith.addi %mul3A_119, %mul3A_121 : i32
          %dma_start3A_123 = tpu.memref_slice %arg4[%add3A_122] : memref<3200000xi32, #tpu.memory_space<hbm>> -> memref<2000xi32, #tpu.memory_space<hbm>>
          %dma_start3A_124 = tpu.memref_slice %arg4[%add3A_122] : memref<3200000xi32, #tpu.memory_space<hbm>> -> memref<2000xi32, #tpu.memory_space<hbm>>
          tpu.enqueue_dma source(%dma_start3A_124 : memref<2000xi32, #tpu.memory_space<hbm>>) target(%arg8 : memref<2000xi32, #tpu.memory_space<vmem>>) target_semaphore(%arg13 : memref<!tpu.dma_semaphore, #tpu.memory_space<semaphore_mem>>)
          %mul3A_125 = arith.constant 200000 : i32
          %mul3A_126 = arith.muli %arg1, %mul3A_125 : i32
          %mul3A_127 = arith.constant 2000 : i32
          %mul3A_128 = arith.muli %add3A_117, %mul3A_127 : i32
          %add3A_129 = arith.addi %mul3A_126, %mul3A_128 : i32
          %dma_start3A_130 = arith.constant 0 : i32
          %dma_start3A_131 = tpu.memref_slice %arg2[%add3A_129, %dma_start3A_130] : memref<1600000x32xf32, #tpu.memory_space<hbm>> -> memref<2000x8xf32, #tpu.memory_space<hbm>>
          %dma_start3A_132 = arith.constant 0 : i32
          %dma_start3A_133 = tpu.memref_slice %arg2[%add3A_129, %dma_start3A_132] : memref<1600000x32xf32, #tpu.memory_space<hbm>> -> memref<2000x8xf32, #tpu.memory_space<hbm>>
          tpu.enqueue_dma source(%dma_start3A_133 : memref<2000x8xf32, #tpu.memory_space<hbm>>) target(%arg10 : memref<2000x8xf32, #tpu.memory_space<vmem>>) target_semaphore(%arg13 : memref<!tpu.dma_semaphore, #tpu.memory_space<semaphore_mem>>)
        } else {
        }
        %mul3A_75 = arith.constant 2 : i32
        %mul3A_76 = arith.muli %mul3A_75, %scan3A_38 : i32
        %add3A_77 = arith.constant 1 : i32
        %add3A_78 = arith.addi %mul3A_76, %add3A_77 : i32
        %mul3A_79 = arith.constant 200000 : i32
        %mul3A_80 = arith.muli %arg1, %mul3A_79 : i32
        %mul3A_81 = arith.constant 2000 : i32
        %mul3A_82 = arith.muli %add3A_78, %mul3A_81 : i32
        %add3A_83 = arith.addi %mul3A_80, %mul3A_82 : i32
        %dma_wait3A_84 = tpu.memref_slice %arg4[%add3A_83] : memref<3200000xi32, #tpu.memory_space<hbm>> -> memref<2000xi32, #tpu.memory_space<hbm>>
        %dma_wait3A_85 = tpu.memref_slice %arg4[%add3A_83] : memref<3200000xi32, #tpu.memory_space<hbm>> -> memref<2000xi32, #tpu.memory_space<hbm>>
        tpu.wait_dma2 semaphore(%arg13 : memref<!tpu.dma_semaphore, #tpu.memory_space<semaphore_mem>>) src(%dma_wait3A_85 : memref<2000xi32, #tpu.memory_space<hbm>>) dst(%arg8 : memref<2000xi32, #tpu.memory_space<vmem>>)
        %mul3A_86 = arith.constant 200000 : i32
        %mul3A_87 = arith.muli %arg1, %mul3A_86 : i32
        %mul3A_88 = arith.constant 2000 : i32
        %mul3A_89 = arith.muli %add3A_78, %mul3A_88 : i32
        %add3A_90 = arith.addi %mul3A_87, %mul3A_89 : i32
        %dma_wait3A_91 = arith.constant 0 : i32
        %dma_wait3A_92 = tpu.memref_slice %arg2[%add3A_90, %dma_wait3A_91] : memref<1600000x32xf32, #tpu.memory_space<hbm>> -> memref<2000x8xf32, #tpu.memory_space<hbm>>
        %dma_wait3A_93 = arith.constant 0 : i32
        %dma_wait3A_94 = tpu.memref_slice %arg2[%add3A_90, %dma_wait3A_93] : memref<1600000x32xf32, #tpu.memory_space<hbm>> -> memref<2000x8xf32, #tpu.memory_space<hbm>>
        tpu.wait_dma2 semaphore(%arg13 : memref<!tpu.dma_semaphore, #tpu.memory_space<semaphore_mem>>) src(%dma_wait3A_94 : memref<2000x8xf32, #tpu.memory_space<hbm>>) dst(%arg10 : memref<2000x8xf32, #tpu.memory_space<vmem>>)
        %scan3A_95 = arith.constant 0 : i32
        %scan3A_96 = arith.constant 0 : i32
        %scan3A_97 = arith.constant 125 : i32
        %scan3A_98 = arith.addi %scan3A_96, %scan3A_97 : i32
        %scan3A_99 = arith.constant 1 : i32
        scf.for %scan3A_111 = %scan3A_96 to %scan3A_98 step %scan3A_99  : i32 {
          %mul3A_112 = arith.constant 16 : i32
          %mul3A_113 = arith.muli %scan3A_111, %mul3A_112 : i32
          %get3A = arith.index_cast %mul3A_113 : i32 to index
          %get3A_114 = tpu.vector_load %arg8[%get3A] {strides = array<i32>} : memref<2000xi32, #tpu.memory_space<vmem>>, vector<16xi32>,
          %get3A_115 = vector.shape_cast %get3A_114 : vector<16xi32> to vector<16xi32>
          %sub3A = vector.broadcast %mul3A_2 : i32 to vector<16xi32>
          %sub3A_116 = arith.subi %get3A_115, %sub3A : vector<16xi32>
          %lt3A_117 = arith.constant 0 : i32
          %lt3A_118 = vector.broadcast %lt3A_117 : i32 to vector<16xi32>
          %lt3A_119 = arith.cmpi slt, %sub3A_116, %lt3A_118 : vector<16xi32>
          %ge3A_120 = arith.constant 50000 : i32
          %ge3A_121 = vector.broadcast %ge3A_120 : i32 to vector<16xi32>
          %ge3A_122 = arith.cmpi sge, %sub3A_116, %ge3A_121 : vector<16xi32>
          %or3A = arith.ori %lt3A_119, %ge3A_122 : vector<16xi1>
          %broadcast_in_dim3A = vector.broadcast %add3A_3 : i32 to vector<16xi32>
          %select_n3A = arith.select %or3A, %broadcast_in_dim3A, %sub3A_116 : vector<16xi1>, vector<16xi32>
          %mul3A_123 = arith.constant 16 : i32
          %mul3A_124 = arith.muli %scan3A_111, %mul3A_123 : i32
          %swap3A = arith.index_cast %mul3A_124 : i32 to index
          %swap3A_125 = tpu.vector_load %arg8[%swap3A] {strides = array<i32>} : memref<2000xi32, #tpu.memory_space<vmem>>, vector<16xi32>,
          %swap3A_126 = vector.shape_cast %swap3A_125 : vector<16xi32> to vector<16xi32>
          %swap3A_127 = vector.shape_cast %select_n3A : vector<16xi32> to vector<16xi32>
          tpu.vector_store %arg8[%swap3A], %swap3A_127 {strides = array<i32>} : memref<2000xi32, #tpu.memory_space<vmem>>, vector<16xi32>,
        }
        %scan3A_100 = arith.constant 125 : i32
        %dma_start3A_101 = arith.constant 0 : i32
        %dma_start3A_102 = arith.constant 0 : i32
        %dma_start3A_103 = tpu.memref_slice %arg11[%dma_start3A_101, %dma_start3A_102] : memref<50016x8xf32, #tpu.memory_space<vmem_shared>> -> memref<50016x8xf32, #tpu.memory_space<vmem_shared>>
        tpu.enqueue_indirect_dma source(%arg10 : memref<2000x8xf32, #tpu.memory_space<vmem>>) target(%dma_start3A_103 : memref<50016x8xf32, #tpu.memory_space<vmem_shared>>) offsets(%arg8 : memref<2000xi32, #tpu.memory_space<vmem>>) semaphore(%arg15 : memref<!tpu.dma_semaphore, #tpu.memory_space<semaphore_mem>>) {add = true}
        %add3A_104 = arith.constant 1 : i32
        %add3A_105 = arith.addi %add3A_78, %add3A_104 : i32
        %lt3A_106 = arith.constant 100 : i32
        %lt3A_107 = arith.cmpi slt, %add3A_105, %lt3A_106 : i32
        %convert_element_type3A_108 = arith.extui %lt3A_107 : i1 to i32
        %cond3A_109 = arith.constant 0 : i32
        %cond3A_110 = arith.cmpi ne, %convert_element_type3A_108, %cond3A_109 : i32
        scf.if %cond3A_110 {
          %ge3A_111 = arith.constant 1 : i32
          %ge3A_112 = arith.cmpi sge, %add3A_78, %ge3A_111 : i32
          %convert_element_type3A_113 = arith.extui %ge3A_112 : i1 to i32
          %cond3A_114 = arith.constant 0 : i32
          %cond3A_115 = arith.cmpi ne, %convert_element_type3A_113, %cond3A_114 : i32
          scf.if %cond3A_115 {
            %dma_wait3A_134 = arith.constant 0 : i32
            %dma_wait3A_135 = arith.constant 0 : i32
            %dma_wait3A_136 = tpu.memref_slice %arg11[%dma_wait3A_134, %dma_wait3A_135] : memref<50016x8xf32, #tpu.memory_space<vmem_shared>> -> memref<50016x8xf32, #tpu.memory_space<vmem_shared>>
            tpu.wait_indirect_dma semaphore(%arg14 : memref<!tpu.dma_semaphore, #tpu.memory_space<semaphore_mem>>) src(%arg9 : memref<2000x8xf32, #tpu.memory_space<vmem>>) dst(%dma_wait3A_136 : memref<50016x8xf32, #tpu.memory_space<vmem_shared>>)
          } else {
          }
          %add3A_116 = arith.constant 1 : i32
          %add3A_117 = arith.addi %add3A_78, %add3A_116 : i32
          %mul3A_118 = arith.constant 200000 : i32
          %mul3A_119 = arith.muli %arg1, %mul3A_118 : i32
          %mul3A_120 = arith.constant 2000 : i32
          %mul3A_121 = arith.muli %add3A_117, %mul3A_120 : i32
          %add3A_122 = arith.addi %mul3A_119, %mul3A_121 : i32
          %dma_start3A_123 = tpu.memref_slice %arg4[%add3A_122] : memref<3200000xi32, #tpu.memory_space<hbm>> -> memref<2000xi32, #tpu.memory_space<hbm>>
          %dma_start3A_124 = tpu.memref_slice %arg4[%add3A_122] : memref<3200000xi32, #tpu.memory_space<hbm>> -> memref<2000xi32, #tpu.memory_space<hbm>>
          tpu.enqueue_dma source(%dma_start3A_124 : memref<2000xi32, #tpu.memory_space<hbm>>) target(%arg7 : memref<2000xi32, #tpu.memory_space<vmem>>) target_semaphore(%arg12 : memref<!tpu.dma_semaphore, #tpu.memory_space<semaphore_mem>>)
          %mul3A_125 = arith.constant 200000 : i32
          %mul3A_126 = arith.muli %arg1, %mul3A_125 : i32
          %mul3A_127 = arith.constant 2000 : i32
          %mul3A_128 = arith.muli %add3A_117, %mul3A_127 : i32
          %add3A_129 = arith.addi %mul3A_126, %mul3A_128 : i32
          %dma_start3A_130 = arith.constant 0 : i32
          %dma_start3A_131 = tpu.memref_slice %arg2[%add3A_129, %dma_start3A_130] : memref<1600000x32xf32, #tpu.memory_space<hbm>> -> memref<2000x8xf32, #tpu.memory_space<hbm>>
          %dma_start3A_132 = arith.constant 0 : i32
          %dma_start3A_133 = tpu.memref_slice %arg2[%add3A_129, %dma_start3A_132] : memref<1600000x32xf32, #tpu.memory_space<hbm>> -> memref<2000x8xf32, #tpu.memory_space<hbm>>
          tpu.enqueue_dma source(%dma_start3A_133 : memref<2000x8xf32, #tpu.memory_space<hbm>>) target(%arg9 : memref<2000x8xf32, #tpu.memory_space<vmem>>) target_semaphore(%arg12 : memref<!tpu.dma_semaphore, #tpu.memory_space<semaphore_mem>>)
        } else {
        }
      }
      %scan3A_32 = arith.constant 50 : i32
      %dma_wait3A = arith.constant 0 : i32
      %dma_wait3A_33 = arith.constant 0 : i32
      %dma_wait3A_34 = tpu.memref_slice %arg11[%dma_wait3A, %dma_wait3A_33] : memref<50016x8xf32, #tpu.memory_space<vmem_shared>> -> memref<50016x8xf32, #tpu.memory_space<vmem_shared>>
      tpu.wait_indirect_dma semaphore(%arg14 : memref<!tpu.dma_semaphore, #tpu.memory_space<semaphore_mem>>) src(%arg9 : memref<2000x8xf32, #tpu.memory_space<vmem>>) dst(%dma_wait3A_34 : memref<50016x8xf32, #tpu.memory_space<vmem_shared>>)
      %dma_wait3A_35 = arith.constant 0 : i32
      %dma_wait3A_36 = arith.constant 0 : i32
      %dma_wait3A_37 = tpu.memref_slice %arg11[%dma_wait3A_35, %dma_wait3A_36] : memref<50016x8xf32, #tpu.memory_space<vmem_shared>> -> memref<50016x8xf32, #tpu.memory_space<vmem_shared>>
      tpu.wait_indirect_dma semaphore(%arg15 : memref<!tpu.dma_semaphore, #tpu.memory_space<semaphore_mem>>) src(%arg10 : memref<2000x8xf32, #tpu.memory_space<vmem>>) dst(%dma_wait3A_37 : memref<50016x8xf32, #tpu.memory_space<vmem_shared>>)
    } else {
    }
    %ge3A = arith.constant 8 : i32
    %ge3A_6 = arith.cmpi sge, %arg1, %ge3A : i32
    %convert_element_type3A_7 = arith.extui %ge3A_6 : i1 to i32
    %cond3A_8 = arith.constant 0 : i32
    %cond3A_9 = arith.cmpi ne, %convert_element_type3A_7, %cond3A_8 : i32
    scf.if %cond3A_9 {
      %sub3A = arith.constant 8 : i32
      %sub3A_15 = arith.subi %arg1, %sub3A : i32
      %mul3A_16 = arith.constant 200000 : i32
      %mul3A_17 = arith.muli %arg1, %mul3A_16 : i32
      %add3A_18 = arith.constant 0 : i32
      %add3A_19 = arith.addi %mul3A_17, %add3A_18 : i32
      %dma_start3A = tpu.memref_slice %arg4[%add3A_19] : memref<3200000xi32, #tpu.memory_space<hbm>> -> memref<2000xi32, #tpu.memory_space<hbm>>
      %dma_start3A_20 = tpu.memref_slice %arg4[%add3A_19] : memref<3200000xi32, #tpu.memory_space<hbm>> -> memref<2000xi32, #tpu.memory_space<hbm>>
      tpu.enqueue_dma source(%dma_start3A_20 : memref<2000xi32, #tpu.memory_space<hbm>>) target(%arg7 : memref<2000xi32, #tpu.memory_space<vmem>>) target_semaphore(%arg12 : memref<!tpu.dma_semaphore, #tpu.memory_space<semaphore_mem>>)
      %mul3A_21 = arith.constant 200000 : i32
      %mul3A_22 = arith.muli %sub3A_15, %mul3A_21 : i32
      %add3A_23 = arith.constant 0 : i32
      %add3A_24 = arith.addi %mul3A_22, %add3A_23 : i32
      %dma_start3A_25 = arith.constant 0 : i32
      %dma_start3A_26 = tpu.memref_slice %arg3[%add3A_24, %dma_start3A_25] : memref<1600000x32xf32, #tpu.memory_space<hbm>> -> memref<2000x8xf32, #tpu.memory_space<hbm>>
      %dma_start3A_27 = arith.constant 0 : i32
      %dma_start3A_28 = tpu.memref_slice %arg3[%add3A_24, %dma_start3A_27] : memref<1600000x32xf32, #tpu.memory_space<hbm>> -> memref<2000x8xf32, #tpu.memory_space<hbm>>
      tpu.enqueue_dma source(%dma_start3A_28 : memref<2000x8xf32, #tpu.memory_space<hbm>>) target(%arg9 : memref<2000x8xf32, #tpu.memory_space<vmem>>) target_semaphore(%arg12 : memref<!tpu.dma_semaphore, #tpu.memory_space<semaphore_mem>>)
      %scan3A = arith.constant 0 : i32
      %scan3A_29 = arith.constant 0 : i32
      %scan3A_30 = arith.constant 50 : i32
      %scan3A_31 = arith.addi %scan3A_29, %scan3A_30 : i32
      %scan3A_32 = arith.constant 1 : i32
      scf.for %scan3A_39 = %scan3A_29 to %scan3A_31 step %scan3A_32  : i32 {
        %mul3A_40 = arith.constant 2 : i32
        %mul3A_41 = arith.muli %mul3A_40, %scan3A_39 : i32
        %add3A_42 = arith.constant 0 : i32
        %add3A_43 = arith.addi %mul3A_41, %add3A_42 : i32
        %mul3A_44 = arith.constant 200000 : i32
        %mul3A_45 = arith.muli %arg1, %mul3A_44 : i32
        %mul3A_46 = arith.constant 2000 : i32
        %mul3A_47 = arith.muli %add3A_43, %mul3A_46 : i32
        %add3A_48 = arith.addi %mul3A_45, %mul3A_47 : i32
        %dma_wait3A_49 = tpu.memref_slice %arg4[%add3A_48] : memref<3200000xi32, #tpu.memory_space<hbm>> -> memref<2000xi32, #tpu.memory_space<hbm>>
        %dma_wait3A_50 = tpu.memref_slice %arg4[%add3A_48] : memref<3200000xi32, #tpu.memory_space<hbm>> -> memref<2000xi32, #tpu.memory_space<hbm>>
        tpu.wait_dma2 semaphore(%arg12 : memref<!tpu.dma_semaphore, #tpu.memory_space<semaphore_mem>>) src(%dma_wait3A_50 : memref<2000xi32, #tpu.memory_space<hbm>>) dst(%arg7 : memref<2000xi32, #tpu.memory_space<vmem>>)
        %mul3A_51 = arith.constant 200000 : i32
        %mul3A_52 = arith.muli %sub3A_15, %mul3A_51 : i32
        %mul3A_53 = arith.constant 2000 : i32
        %mul3A_54 = arith.muli %add3A_43, %mul3A_53 : i32
        %add3A_55 = arith.addi %mul3A_52, %mul3A_54 : i32
        %dma_wait3A_56 = arith.constant 0 : i32
        %dma_wait3A_57 = tpu.memref_slice %arg3[%add3A_55, %dma_wait3A_56] : memref<1600000x32xf32, #tpu.memory_space<hbm>> -> memref<2000x8xf32, #tpu.memory_space<hbm>>
        %dma_wait3A_58 = arith.constant 0 : i32
        %dma_wait3A_59 = tpu.memref_slice %arg3[%add3A_55, %dma_wait3A_58] : memref<1600000x32xf32, #tpu.memory_space<hbm>> -> memref<2000x8xf32, #tpu.memory_space<hbm>>
        tpu.wait_dma2 semaphore(%arg12 : memref<!tpu.dma_semaphore, #tpu.memory_space<semaphore_mem>>) src(%dma_wait3A_59 : memref<2000x8xf32, #tpu.memory_space<hbm>>) dst(%arg9 : memref<2000x8xf32, #tpu.memory_space<vmem>>)
        %scan3A_60 = arith.constant 0 : i32
        %scan3A_61 = arith.constant 0 : i32
        %scan3A_62 = arith.constant 125 : i32
        %scan3A_63 = arith.addi %scan3A_61, %scan3A_62 : i32
        %scan3A_64 = arith.constant 1 : i32
        scf.for %scan3A_112 = %scan3A_61 to %scan3A_63 step %scan3A_64  : i32 {
          %mul3A_113 = arith.constant 16 : i32
          %mul3A_114 = arith.muli %scan3A_112, %mul3A_113 : i32
          %get3A = arith.index_cast %mul3A_114 : i32 to index
          %get3A_115 = tpu.vector_load %arg7[%get3A] {strides = array<i32>} : memref<2000xi32, #tpu.memory_space<vmem>>, vector<16xi32>,
          %get3A_116 = vector.shape_cast %get3A_115 : vector<16xi32> to vector<16xi32>
          %sub3A_117 = vector.broadcast %mul3A_2 : i32 to vector<16xi32>
          %sub3A_118 = arith.subi %get3A_116, %sub3A_117 : vector<16xi32>
          %lt3A_119 = arith.constant 0 : i32
          %lt3A_120 = vector.broadcast %lt3A_119 : i32 to vector<16xi32>
          %lt3A_121 = arith.cmpi slt, %sub3A_118, %lt3A_120 : vector<16xi32>
          %ge3A_122 = arith.constant 50000 : i32
          %ge3A_123 = vector.broadcast %ge3A_122 : i32 to vector<16xi32>
          %ge3A_124 = arith.cmpi sge, %sub3A_118, %ge3A_123 : vector<16xi32>
          %or3A = arith.ori %lt3A_121, %ge3A_124 : vector<16xi1>
          %broadcast_in_dim3A = vector.broadcast %add3A_3 : i32 to vector<16xi32>
          %select_n3A = arith.select %or3A, %broadcast_in_dim3A, %sub3A_118 : vector<16xi1>, vector<16xi32>
          %mul3A_125 = arith.constant 16 : i32
          %mul3A_126 = arith.muli %scan3A_112, %mul3A_125 : i32
          %swap3A = arith.index_cast %mul3A_126 : i32 to index
          %swap3A_127 = tpu.vector_load %arg7[%swap3A] {strides = array<i32>} : memref<2000xi32, #tpu.memory_space<vmem>>, vector<16xi32>,
          %swap3A_128 = vector.shape_cast %swap3A_127 : vector<16xi32> to vector<16xi32>
          %swap3A_129 = vector.shape_cast %select_n3A : vector<16xi32> to vector<16xi32>
          tpu.vector_store %arg7[%swap3A], %swap3A_129 {strides = array<i32>} : memref<2000xi32, #tpu.memory_space<vmem>>, vector<16xi32>,
        }
        %scan3A_65 = arith.constant 125 : i32
        %dma_start3A_66 = arith.constant 0 : i32
        %dma_start3A_67 = arith.constant 0 : i32
        %dma_start3A_68 = tpu.memref_slice %arg11[%dma_start3A_66, %dma_start3A_67] : memref<50016x8xf32, #tpu.memory_space<vmem_shared>> -> memref<50016x8xf32, #tpu.memory_space<vmem_shared>>
        tpu.enqueue_indirect_dma source(%arg9 : memref<2000x8xf32, #tpu.memory_space<vmem>>) target(%dma_start3A_68 : memref<50016x8xf32, #tpu.memory_space<vmem_shared>>) offsets(%arg7 : memref<2000xi32, #tpu.memory_space<vmem>>) semaphore(%arg14 : memref<!tpu.dma_semaphore, #tpu.memory_space<semaphore_mem>>) {add = true}
        %add3A_69 = arith.constant 1 : i32
        %add3A_70 = arith.addi %add3A_43, %add3A_69 : i32
        %lt3A_71 = arith.constant 100 : i32
        %lt3A_72 = arith.cmpi slt, %add3A_70, %lt3A_71 : i32
        %convert_element_type3A_73 = arith.extui %lt3A_72 : i1 to i32
        %cond3A_74 = arith.constant 0 : i32
        %cond3A_75 = arith.cmpi ne, %convert_element_type3A_73, %cond3A_74 : i32
        scf.if %cond3A_75 {
          %ge3A_112 = arith.constant 1 : i32
          %ge3A_113 = arith.cmpi sge, %add3A_43, %ge3A_112 : i32
          %convert_element_type3A_114 = arith.extui %ge3A_113 : i1 to i32
          %cond3A_115 = arith.constant 0 : i32
          %cond3A_116 = arith.cmpi ne, %convert_element_type3A_114, %cond3A_115 : i32
          scf.if %cond3A_116 {
            %dma_wait3A_135 = arith.constant 0 : i32
            %dma_wait3A_136 = arith.constant 0 : i32
            %dma_wait3A_137 = tpu.memref_slice %arg11[%dma_wait3A_135, %dma_wait3A_136] : memref<50016x8xf32, #tpu.memory_space<vmem_shared>> -> memref<50016x8xf32, #tpu.memory_space<vmem_shared>>
            tpu.wait_indirect_dma semaphore(%arg15 : memref<!tpu.dma_semaphore, #tpu.memory_space<semaphore_mem>>) src(%arg10 : memref<2000x8xf32, #tpu.memory_space<vmem>>) dst(%dma_wait3A_137 : memref<50016x8xf32, #tpu.memory_space<vmem_shared>>)
          } else {
          }
          %add3A_117 = arith.constant 1 : i32
          %add3A_118 = arith.addi %add3A_43, %add3A_117 : i32
          %mul3A_119 = arith.constant 200000 : i32
          %mul3A_120 = arith.muli %arg1, %mul3A_119 : i32
          %mul3A_121 = arith.constant 2000 : i32
          %mul3A_122 = arith.muli %add3A_118, %mul3A_121 : i32
          %add3A_123 = arith.addi %mul3A_120, %mul3A_122 : i32
          %dma_start3A_124 = tpu.memref_slice %arg4[%add3A_123] : memref<3200000xi32, #tpu.memory_space<hbm>> -> memref<2000xi32, #tpu.memory_space<hbm>>
          %dma_start3A_125 = tpu.memref_slice %arg4[%add3A_123] : memref<3200000xi32, #tpu.memory_space<hbm>> -> memref<2000xi32, #tpu.memory_space<hbm>>
          tpu.enqueue_dma source(%dma_start3A_125 : memref<2000xi32, #tpu.memory_space<hbm>>) target(%arg8 : memref<2000xi32, #tpu.memory_space<vmem>>) target_semaphore(%arg13 : memref<!tpu.dma_semaphore, #tpu.memory_space<semaphore_mem>>)
          %mul3A_126 = arith.constant 200000 : i32
          %mul3A_127 = arith.muli %sub3A_15, %mul3A_126 : i32
          %mul3A_128 = arith.constant 2000 : i32
          %mul3A_129 = arith.muli %add3A_118, %mul3A_128 : i32
          %add3A_130 = arith.addi %mul3A_127, %mul3A_129 : i32
          %dma_start3A_131 = arith.constant 0 : i32
          %dma_start3A_132 = tpu.memref_slice %arg3[%add3A_130, %dma_start3A_131] : memref<1600000x32xf32, #tpu.memory_space<hbm>> -> memref<2000x8xf32, #tpu.memory_space<hbm>>
          %dma_start3A_133 = arith.constant 0 : i32
          %dma_start3A_134 = tpu.memref_slice %arg3[%add3A_130, %dma_start3A_133] : memref<1600000x32xf32, #tpu.memory_space<hbm>> -> memref<2000x8xf32, #tpu.memory_space<hbm>>
          tpu.enqueue_dma source(%dma_start3A_134 : memref<2000x8xf32, #tpu.memory_space<hbm>>) target(%arg10 : memref<2000x8xf32, #tpu.memory_space<vmem>>) target_semaphore(%arg13 : memref<!tpu.dma_semaphore, #tpu.memory_space<semaphore_mem>>)
        } else {
        }
        %mul3A_76 = arith.constant 2 : i32
        %mul3A_77 = arith.muli %mul3A_76, %scan3A_39 : i32
        %add3A_78 = arith.constant 1 : i32
        %add3A_79 = arith.addi %mul3A_77, %add3A_78 : i32
        %mul3A_80 = arith.constant 200000 : i32
        %mul3A_81 = arith.muli %arg1, %mul3A_80 : i32
        %mul3A_82 = arith.constant 2000 : i32
        %mul3A_83 = arith.muli %add3A_79, %mul3A_82 : i32
        %add3A_84 = arith.addi %mul3A_81, %mul3A_83 : i32
        %dma_wait3A_85 = tpu.memref_slice %arg4[%add3A_84] : memref<3200000xi32, #tpu.memory_space<hbm>> -> memref<2000xi32, #tpu.memory_space<hbm>>
        %dma_wait3A_86 = tpu.memref_slice %arg4[%add3A_84] : memref<3200000xi32, #tpu.memory_space<hbm>> -> memref<2000xi32, #tpu.memory_space<hbm>>
        tpu.wait_dma2 semaphore(%arg13 : memref<!tpu.dma_semaphore, #tpu.memory_space<semaphore_mem>>) src(%dma_wait3A_86 : memref<2000xi32, #tpu.memory_space<hbm>>) dst(%arg8 : memref<2000xi32, #tpu.memory_space<vmem>>)
        %mul3A_87 = arith.constant 200000 : i32
        %mul3A_88 = arith.muli %sub3A_15, %mul3A_87 : i32
        %mul3A_89 = arith.constant 2000 : i32
        %mul3A_90 = arith.muli %add3A_79, %mul3A_89 : i32
        %add3A_91 = arith.addi %mul3A_88, %mul3A_90 : i32
        %dma_wait3A_92 = arith.constant 0 : i32
        %dma_wait3A_93 = tpu.memref_slice %arg3[%add3A_91, %dma_wait3A_92] : memref<1600000x32xf32, #tpu.memory_space<hbm>> -> memref<2000x8xf32, #tpu.memory_space<hbm>>
        %dma_wait3A_94 = arith.constant 0 : i32
        %dma_wait3A_95 = tpu.memref_slice %arg3[%add3A_91, %dma_wait3A_94] : memref<1600000x32xf32, #tpu.memory_space<hbm>> -> memref<2000x8xf32, #tpu.memory_space<hbm>>
        tpu.wait_dma2 semaphore(%arg13 : memref<!tpu.dma_semaphore, #tpu.memory_space<semaphore_mem>>) src(%dma_wait3A_95 : memref<2000x8xf32, #tpu.memory_space<hbm>>) dst(%arg10 : memref<2000x8xf32, #tpu.memory_space<vmem>>)
        %scan3A_96 = arith.constant 0 : i32
        %scan3A_97 = arith.constant 0 : i32
        %scan3A_98 = arith.constant 125 : i32
        %scan3A_99 = arith.addi %scan3A_97, %scan3A_98 : i32
        %scan3A_100 = arith.constant 1 : i32
        scf.for %scan3A_112 = %scan3A_97 to %scan3A_99 step %scan3A_100  : i32 {
          %mul3A_113 = arith.constant 16 : i32
          %mul3A_114 = arith.muli %scan3A_112, %mul3A_113 : i32
          %get3A = arith.index_cast %mul3A_114 : i32 to index
          %get3A_115 = tpu.vector_load %arg8[%get3A] {strides = array<i32>} : memref<2000xi32, #tpu.memory_space<vmem>>, vector<16xi32>,
          %get3A_116 = vector.shape_cast %get3A_115 : vector<16xi32> to vector<16xi32>
          %sub3A_117 = vector.broadcast %mul3A_2 : i32 to vector<16xi32>
          %sub3A_118 = arith.subi %get3A_116, %sub3A_117 : vector<16xi32>
          %lt3A_119 = arith.constant 0 : i32
          %lt3A_120 = vector.broadcast %lt3A_119 : i32 to vector<16xi32>
          %lt3A_121 = arith.cmpi slt, %sub3A_118, %lt3A_120 : vector<16xi32>
          %ge3A_122 = arith.constant 50000 : i32
          %ge3A_123 = vector.broadcast %ge3A_122 : i32 to vector<16xi32>
          %ge3A_124 = arith.cmpi sge, %sub3A_118, %ge3A_123 : vector<16xi32>
          %or3A = arith.ori %lt3A_121, %ge3A_124 : vector<16xi1>
          %broadcast_in_dim3A = vector.broadcast %add3A_3 : i32 to vector<16xi32>
          %select_n3A = arith.select %or3A, %broadcast_in_dim3A, %sub3A_118 : vector<16xi1>, vector<16xi32>
          %mul3A_125 = arith.constant 16 : i32
          %mul3A_126 = arith.muli %scan3A_112, %mul3A_125 : i32
          %swap3A = arith.index_cast %mul3A_126 : i32 to index
          %swap3A_127 = tpu.vector_load %arg8[%swap3A] {strides = array<i32>} : memref<2000xi32, #tpu.memory_space<vmem>>, vector<16xi32>,
          %swap3A_128 = vector.shape_cast %swap3A_127 : vector<16xi32> to vector<16xi32>
          %swap3A_129 = vector.shape_cast %select_n3A : vector<16xi32> to vector<16xi32>
          tpu.vector_store %arg8[%swap3A], %swap3A_129 {strides = array<i32>} : memref<2000xi32, #tpu.memory_space<vmem>>, vector<16xi32>,
        }
        %scan3A_101 = arith.constant 125 : i32
        %dma_start3A_102 = arith.constant 0 : i32
        %dma_start3A_103 = arith.constant 0 : i32
        %dma_start3A_104 = tpu.memref_slice %arg11[%dma_start3A_102, %dma_start3A_103] : memref<50016x8xf32, #tpu.memory_space<vmem_shared>> -> memref<50016x8xf32, #tpu.memory_space<vmem_shared>>
        tpu.enqueue_indirect_dma source(%arg10 : memref<2000x8xf32, #tpu.memory_space<vmem>>) target(%dma_start3A_104 : memref<50016x8xf32, #tpu.memory_space<vmem_shared>>) offsets(%arg8 : memref<2000xi32, #tpu.memory_space<vmem>>) semaphore(%arg15 : memref<!tpu.dma_semaphore, #tpu.memory_space<semaphore_mem>>) {add = true}
        %add3A_105 = arith.constant 1 : i32
        %add3A_106 = arith.addi %add3A_79, %add3A_105 : i32
        %lt3A_107 = arith.constant 100 : i32
        %lt3A_108 = arith.cmpi slt, %add3A_106, %lt3A_107 : i32
        %convert_element_type3A_109 = arith.extui %lt3A_108 : i1 to i32
        %cond3A_110 = arith.constant 0 : i32
        %cond3A_111 = arith.cmpi ne, %convert_element_type3A_109, %cond3A_110 : i32
        scf.if %cond3A_111 {
          %ge3A_112 = arith.constant 1 : i32
          %ge3A_113 = arith.cmpi sge, %add3A_79, %ge3A_112 : i32
          %convert_element_type3A_114 = arith.extui %ge3A_113 : i1 to i32
          %cond3A_115 = arith.constant 0 : i32
          %cond3A_116 = arith.cmpi ne, %convert_element_type3A_114, %cond3A_115 : i32
          scf.if %cond3A_116 {
            %dma_wait3A_135 = arith.constant 0 : i32
            %dma_wait3A_136 = arith.constant 0 : i32
            %dma_wait3A_137 = tpu.memref_slice %arg11[%dma_wait3A_135, %dma_wait3A_136] : memref<50016x8xf32, #tpu.memory_space<vmem_shared>> -> memref<50016x8xf32, #tpu.memory_space<vmem_shared>>
            tpu.wait_indirect_dma semaphore(%arg14 : memref<!tpu.dma_semaphore, #tpu.memory_space<semaphore_mem>>) src(%arg9 : memref<2000x8xf32, #tpu.memory_space<vmem>>) dst(%dma_wait3A_137 : memref<50016x8xf32, #tpu.memory_space<vmem_shared>>)
          } else {
          }
          %add3A_117 = arith.constant 1 : i32
          %add3A_118 = arith.addi %add3A_79, %add3A_117 : i32
          %mul3A_119 = arith.constant 200000 : i32
          %mul3A_120 = arith.muli %arg1, %mul3A_119 : i32
          %mul3A_121 = arith.constant 2000 : i32
          %mul3A_122 = arith.muli %add3A_118, %mul3A_121 : i32
          %add3A_123 = arith.addi %mul3A_120, %mul3A_122 : i32
          %dma_start3A_124 = tpu.memref_slice %arg4[%add3A_123] : memref<3200000xi32, #tpu.memory_space<hbm>> -> memref<2000xi32, #tpu.memory_space<hbm>>
          %dma_start3A_125 = tpu.memref_slice %arg4[%add3A_123] : memref<3200000xi32, #tpu.memory_space<hbm>> -> memref<2000xi32, #tpu.memory_space<hbm>>
          tpu.enqueue_dma source(%dma_start3A_125 : memref<2000xi32, #tpu.memory_space<hbm>>) target(%arg7 : memref<2000xi32, #tpu.memory_space<vmem>>) target_semaphore(%arg12 : memref<!tpu.dma_semaphore, #tpu.memory_space<semaphore_mem>>)
          %mul3A_126 = arith.constant 200000 : i32
          %mul3A_127 = arith.muli %sub3A_15, %mul3A_126 : i32
          %mul3A_128 = arith.constant 2000 : i32
          %mul3A_129 = arith.muli %add3A_118, %mul3A_128 : i32
          %add3A_130 = arith.addi %mul3A_127, %mul3A_129 : i32
          %dma_start3A_131 = arith.constant 0 : i32
          %dma_start3A_132 = tpu.memref_slice %arg3[%add3A_130, %dma_start3A_131] : memref<1600000x32xf32, #tpu.memory_space<hbm>> -> memref<2000x8xf32, #tpu.memory_space<hbm>>
          %dma_start3A_133 = arith.constant 0 : i32
          %dma_start3A_134 = tpu.memref_slice %arg3[%add3A_130, %dma_start3A_133] : memref<1600000x32xf32, #tpu.memory_space<hbm>> -> memref<2000x8xf32, #tpu.memory_space<hbm>>
          tpu.enqueue_dma source(%dma_start3A_134 : memref<2000x8xf32, #tpu.memory_space<hbm>>) target(%arg9 : memref<2000x8xf32, #tpu.memory_space<vmem>>) target_semaphore(%arg12 : memref<!tpu.dma_semaphore, #tpu.memory_space<semaphore_mem>>)
        } else {
        }
      }
      %scan3A_33 = arith.constant 50 : i32
      %dma_wait3A = arith.constant 0 : i32
      %dma_wait3A_34 = arith.constant 0 : i32
      %dma_wait3A_35 = tpu.memref_slice %arg11[%dma_wait3A, %dma_wait3A_34] : memref<50016x8xf32, #tpu.memory_space<vmem_shared>> -> memref<50016x8xf32, #tpu.memory_space<vmem_shared>>
      tpu.wait_indirect_dma semaphore(%arg14 : memref<!tpu.dma_semaphore, #tpu.memory_space<semaphore_mem>>) src(%arg9 : memref<2000x8xf32, #tpu.memory_space<vmem>>) dst(%dma_wait3A_35 : memref<50016x8xf32, #tpu.memory_space<vmem_shared>>)
      %dma_wait3A_36 = arith.constant 0 : i32
      %dma_wait3A_37 = arith.constant 0 : i32
      %dma_wait3A_38 = tpu.memref_slice %arg11[%dma_wait3A_36, %dma_wait3A_37] : memref<50016x8xf32, #tpu.memory_space<vmem_shared>> -> memref<50016x8xf32, #tpu.memory_space<vmem_shared>>
      tpu.wait_indirect_dma semaphore(%arg15 : memref<!tpu.dma_semaphore, #tpu.memory_space<semaphore_mem>>) src(%arg10 : memref<2000x8xf32, #tpu.memory_space<vmem>>) dst(%dma_wait3A_38 : memref<50016x8xf32, #tpu.memory_space<vmem_shared>>)
    } else {
    }
    %barrier3A_10 = arith.constant 0 : index
    tpu.barrier barrier_id(%barrier3A_10)
    %mul3A_11 = arith.constant 3125 : i32
    %mul3A_12 = arith.muli %arg1, %mul3A_11 : i32
    %mul3A_13 = arith.constant 3125 : i32
    %mul3A_14 = arith.muli %arg1, %mul3A_13 : i32
    "tpu.region"() ({
      %run_scoped3A = tpu.sem_alloc : memref<!tpu.dma_semaphore, #tpu.memory_space<semaphore_mem>>
      %dma_start3A = arith.constant 0 : i32
      %dma_start3A_15 = tpu.memref_slice %arg6[%arg0, %mul3A_14, %dma_start3A] : memref<2x50000x8xf32, #tpu.memory_space<hbm>> -> memref<1x3125x8xf32, #tpu.memory_space<hbm>>
      %dma_start3A_16 = tpu.memref_squeeze %dma_start3A_15 : memref<1x3125x8xf32, #tpu.memory_space<hbm>> -> memref<3125x8xf32, #tpu.memory_space<hbm>>
      %dma_start3A_17 = arith.constant 0 : i32
      %dma_start3A_18 = tpu.memref_slice %arg11[%mul3A_12, %dma_start3A_17] : memref<50016x8xf32, #tpu.memory_space<vmem_shared>> -> memref<3125x8xf32, #tpu.memory_space<vmem_shared>>
      tpu.enqueue_dma source(%dma_start3A_18 : memref<3125x8xf32, #tpu.memory_space<vmem_shared>>) target(%dma_start3A_16 : memref<3125x8xf32, #tpu.memory_space<hbm>>) target_semaphore(%run_scoped3A : memref<!tpu.dma_semaphore, #tpu.memory_space<semaphore_mem>>)
      %dma_wait3A = arith.constant 0 : i32
      %dma_wait3A_19 = tpu.memref_slice %arg6[%arg0, %mul3A_14, %dma_wait3A] : memref<2x50000x8xf32, #tpu.memory_space<hbm>> -> memref<1x3125x8xf32, #tpu.memory_space<hbm>>
      %dma_wait3A_20 = tpu.memref_squeeze %dma_wait3A_19 : memref<1x3125x8xf32, #tpu.memory_space<hbm>> -> memref<3125x8xf32, #tpu.memory_space<hbm>>
      %dma_wait3A_21 = arith.constant 0 : i32
      %dma_wait3A_22 = tpu.memref_slice %arg11[%mul3A_12, %dma_wait3A_21] : memref<50016x8xf32, #tpu.memory_space<vmem_shared>> -> memref<3125x8xf32, #tpu.memory_space<vmem_shared>>
      tpu.wait_dma2 semaphore(%run_scoped3A : memref<!tpu.dma_semaphore, #tpu.memory_space<semaphore_mem>>) src(%dma_wait3A_22 : memref<3125x8xf32, #tpu.memory_space<vmem_shared>>) dst(%dma_wait3A_20 : memref<3125x8xf32, #tpu.memory_space<hbm>>)
      tpu.yield
    }) : () -> ()
    return
  }
}

#map = affine_map<(d0, d1) -> (0, 0)>
#map1 = affine_map<(d0, d1) -> (0)>
module attributes {stable_mosaic.version = 14 : i64} {
  func.func @_sc_gather(%arg0: i32, %arg1: i32, %arg2: memref<100000x32xf32, #tpu.memory_space<hbm>>, %arg3: memref<100000x32xf32, #tpu.memory_space<hbm>>, %arg4: memref<3200000xi32, #tpu.memory_space<hbm>>, %arg5: memref<3200000xi32, #tpu.memory_space<hbm>>, %arg6: memref<1600000x32xf32, #tpu.memory_space<hbm>>, %arg7: memref<1600000x32xf32, #tpu.memory_space<hbm>>, %arg8: memref<200xi32, #tpu.memory_space<vmem>>, %arg9: memref<200xi32, #tpu.memory_space<vmem>>, %arg10: memref<200xi32, #tpu.memory_space<vmem>>, %arg11: memref<200xi32, #tpu.memory_space<vmem>>, %arg12: memref<200x32xf32, #tpu.memory_space<vmem>>, %arg13: memref<200x32xf32, #tpu.memory_space<vmem>>, %arg14: memref<200x32xf32, #tpu.memory_space<vmem>>, %arg15: memref<200x32xf32, #tpu.memory_space<vmem>>, %arg16: memref<!tpu.dma_semaphore, #tpu.memory_space<semaphore_mem>>, %arg17: memref<!tpu.dma_semaphore, #tpu.memory_space<semaphore_mem>>, %arg18: memref<!tpu.dma_semaphore, #tpu.memory_space<semaphore_mem>>, %arg19: memref<!tpu.dma_semaphore, #tpu.memory_space<semaphore_mem>>, %arg20: memref<!tpu.dma_semaphore, #tpu.memory_space<semaphore_mem>>, %arg21: memref<!tpu.dma_semaphore, #tpu.memory_space<semaphore_mem>>) attributes {dimension_semantics = [#tpu.dimension_semantics<core_parallel>, #tpu.dimension_semantics<subcore_parallel>], iteration_bounds = array<i64: 2, 16>, scalar_prefetch = 0 : i64, scratch_operands = 14 : i64, tpu.core_type = #tpu.core_type<sc_vector_subcore>, window_params = [{transform_indices = #map}, {transform_indices = #map}, {transform_indices = #map1}, {transform_indices = #map1}, {transform_indices = #map}, {transform_indices = #map}]} {
    %mul3A = arith.constant 2 : i32
    %mul3A_0 = arith.muli %arg1, %mul3A : i32
    %add3A = arith.addi %mul3A_0, %arg0 : i32
    %mul3A_1 = arith.constant 50000 : i32
    %mul3A_2 = arith.muli %add3A, %mul3A_1 : i32
    %add3A_3 = arith.constant 0 : i32
    %add3A_4 = arith.addi %add3A_3, %mul3A_2 : i32
    %add3A_5 = arith.constant 0 : i32
    %add3A_6 = arith.addi %add3A_4, %add3A_5 : i32
    %dma_start3A = tpu.memref_slice %arg4[%add3A_6] : memref<3200000xi32, #tpu.memory_space<hbm>> -> memref<200xi32, #tpu.memory_space<hbm>>
    %dma_start3A_7 = tpu.memref_slice %arg4[%add3A_6] : memref<3200000xi32, #tpu.memory_space<hbm>> -> memref<200xi32, #tpu.memory_space<hbm>>
    tpu.enqueue_dma source(%dma_start3A_7 : memref<200xi32, #tpu.memory_space<hbm>>) target(%arg8 : memref<200xi32, #tpu.memory_space<vmem>>) target_semaphore(%arg16 : memref<!tpu.dma_semaphore, #tpu.memory_space<semaphore_mem>>)
    %mul3A_8 = arith.constant 50000 : i32
    %mul3A_9 = arith.muli %add3A, %mul3A_8 : i32
    %add3A_10 = arith.constant 0 : i32
    %add3A_11 = arith.addi %add3A_10, %mul3A_9 : i32
    %add3A_12 = arith.constant 0 : i32
    %add3A_13 = arith.addi %add3A_11, %add3A_12 : i32
    %dma_start3A_14 = tpu.memref_slice %arg5[%add3A_13] : memref<3200000xi32, #tpu.memory_space<hbm>> -> memref<200xi32, #tpu.memory_space<hbm>>
    %dma_start3A_15 = tpu.memref_slice %arg5[%add3A_13] : memref<3200000xi32, #tpu.memory_space<hbm>> -> memref<200xi32, #tpu.memory_space<hbm>>
    tpu.enqueue_dma source(%dma_start3A_15 : memref<200xi32, #tpu.memory_space<hbm>>) target(%arg10 : memref<200xi32, #tpu.memory_space<vmem>>) target_semaphore(%arg16 : memref<!tpu.dma_semaphore, #tpu.memory_space<semaphore_mem>>)
    %scan3A = arith.constant 0 : i32
    %scan3A_16 = arith.constant 0 : i32
    %scan3A_17 = arith.constant 125 : i32
    %scan3A_18 = arith.addi %scan3A_16, %scan3A_17 : i32
    %scan3A_19 = arith.constant 1 : i32
    scf.for %scan3A_74 = %scan3A_16 to %scan3A_18 step %scan3A_19  : i32 {
      %mul3A_75 = arith.constant 2 : i32
      %mul3A_76 = arith.muli %mul3A_75, %scan3A_74 : i32
      %add3A_77 = arith.constant 0 : i32
      %add3A_78 = arith.addi %mul3A_76, %add3A_77 : i32
      %ge3A = arith.constant 2 : i32
      %ge3A_79 = arith.cmpi sge, %add3A_78, %ge3A : i32
      %convert_element_type3A = arith.extui %ge3A_79 : i1 to i32
      %cond3A = arith.constant 0 : i32
      %cond3A_80 = arith.cmpi ne, %convert_element_type3A, %cond3A : i32
      scf.if %cond3A_80 {
        %sub3A = arith.constant 2 : i32
        %sub3A_161 = arith.subi %add3A_78, %sub3A : i32
        %mul3A_162 = arith.constant 50000 : i32
        %mul3A_163 = arith.muli %add3A, %mul3A_162 : i32
        %mul3A_164 = arith.constant 200 : i32
        %mul3A_165 = arith.muli %sub3A_161, %mul3A_164 : i32
        %add3A_166 = arith.addi %mul3A_163, %mul3A_165 : i32
        %dma_wait3A_167 = arith.constant 0 : i32
        %dma_wait3A_168 = tpu.memref_slice %arg6[%add3A_166, %dma_wait3A_167] : memref<1600000x32xf32, #tpu.memory_space<hbm>> -> memref<200x32xf32, #tpu.memory_space<hbm>>
        %dma_wait3A_169 = arith.constant 0 : i32
        %dma_wait3A_170 = tpu.memref_slice %arg6[%add3A_166, %dma_wait3A_169] : memref<1600000x32xf32, #tpu.memory_space<hbm>> -> memref<200x32xf32, #tpu.memory_space<hbm>>
        tpu.wait_dma2 semaphore(%arg20 : memref<!tpu.dma_semaphore, #tpu.memory_space<semaphore_mem>>) src(%arg12 : memref<200x32xf32, #tpu.memory_space<vmem>>) dst(%dma_wait3A_170 : memref<200x32xf32, #tpu.memory_space<hbm>>)
        %mul3A_171 = arith.constant 50000 : i32
        %mul3A_172 = arith.muli %add3A, %mul3A_171 : i32
        %mul3A_173 = arith.constant 200 : i32
        %mul3A_174 = arith.muli %sub3A_161, %mul3A_173 : i32
        %add3A_175 = arith.addi %mul3A_172, %mul3A_174 : i32
        %dma_wait3A_176 = arith.constant 0 : i32
        %dma_wait3A_177 = tpu.memref_slice %arg7[%add3A_175, %dma_wait3A_176] : memref<1600000x32xf32, #tpu.memory_space<hbm>> -> memref<200x32xf32, #tpu.memory_space<hbm>>
        %dma_wait3A_178 = arith.constant 0 : i32
        %dma_wait3A_179 = tpu.memref_slice %arg7[%add3A_175, %dma_wait3A_178] : memref<1600000x32xf32, #tpu.memory_space<hbm>> -> memref<200x32xf32, #tpu.memory_space<hbm>>
        tpu.wait_dma2 semaphore(%arg20 : memref<!tpu.dma_semaphore, #tpu.memory_space<semaphore_mem>>) src(%arg14 : memref<200x32xf32, #tpu.memory_space<vmem>>) dst(%dma_wait3A_179 : memref<200x32xf32, #tpu.memory_space<hbm>>)
      } else {
      }
      %ge3A_81 = arith.constant 1 : i32
      %ge3A_82 = arith.cmpi sge, %add3A_78, %ge3A_81 : i32
      %convert_element_type3A_83 = arith.extui %ge3A_82 : i1 to i32
      %cond3A_84 = arith.constant 0 : i32
      %cond3A_85 = arith.cmpi ne, %convert_element_type3A_83, %cond3A_84 : i32
      scf.if %cond3A_85 {
        %dma_wait3A_161 = arith.constant 0 : i32
        %dma_wait3A_162 = arith.constant 0 : i32
        %dma_wait3A_163 = tpu.memref_slice %arg2[%dma_wait3A_161, %dma_wait3A_162] : memref<100000x32xf32, #tpu.memory_space<hbm>> -> memref<100000x32xf32, #tpu.memory_space<hbm>>
        tpu.wait_indirect_dma semaphore(%arg19 : memref<!tpu.dma_semaphore, #tpu.memory_space<semaphore_mem>>) src(%dma_wait3A_163 : memref<100000x32xf32, #tpu.memory_space<hbm>>) dst(%arg13 : memref<200x32xf32, #tpu.memory_space<vmem>>)
        %dma_wait3A_164 = arith.constant 0 : i32
        %dma_wait3A_165 = arith.constant 0 : i32
        %dma_wait3A_166 = tpu.memref_slice %arg3[%dma_wait3A_164, %dma_wait3A_165] : memref<100000x32xf32, #tpu.memory_space<hbm>> -> memref<100000x32xf32, #tpu.memory_space<hbm>>
        tpu.wait_indirect_dma semaphore(%arg19 : memref<!tpu.dma_semaphore, #tpu.memory_space<semaphore_mem>>) src(%dma_wait3A_166 : memref<100000x32xf32, #tpu.memory_space<hbm>>) dst(%arg15 : memref<200x32xf32, #tpu.memory_space<vmem>>)
        %sub3A = arith.constant 1 : i32
        %sub3A_167 = arith.subi %add3A_78, %sub3A : i32
        %mul3A_168 = arith.constant 50000 : i32
        %mul3A_169 = arith.muli %add3A, %mul3A_168 : i32
        %mul3A_170 = arith.constant 200 : i32
        %mul3A_171 = arith.muli %sub3A_167, %mul3A_170 : i32
        %add3A_172 = arith.addi %mul3A_169, %mul3A_171 : i32
        %dma_start3A_173 = arith.constant 0 : i32
        %dma_start3A_174 = tpu.memref_slice %arg6[%add3A_172, %dma_start3A_173] : memref<1600000x32xf32, #tpu.memory_space<hbm>> -> memref<200x32xf32, #tpu.memory_space<hbm>>
        %dma_start3A_175 = arith.constant 0 : i32
        %dma_start3A_176 = tpu.memref_slice %arg6[%add3A_172, %dma_start3A_175] : memref<1600000x32xf32, #tpu.memory_space<hbm>> -> memref<200x32xf32, #tpu.memory_space<hbm>>
        tpu.enqueue_dma source(%arg13 : memref<200x32xf32, #tpu.memory_space<vmem>>) target(%dma_start3A_176 : memref<200x32xf32, #tpu.memory_space<hbm>>) target_semaphore(%arg21 : memref<!tpu.dma_semaphore, #tpu.memory_space<semaphore_mem>>)
        %mul3A_177 = arith.constant 50000 : i32
        %mul3A_178 = arith.muli %add3A, %mul3A_177 : i32
        %mul3A_179 = arith.constant 200 : i32
        %mul3A_180 = arith.muli %sub3A_167, %mul3A_179 : i32
        %add3A_181 = arith.addi %mul3A_178, %mul3A_180 : i32
        %dma_start3A_182 = arith.constant 0 : i32
        %dma_start3A_183 = tpu.memref_slice %arg7[%add3A_181, %dma_start3A_182] : memref<1600000x32xf32, #tpu.memory_space<hbm>> -> memref<200x32xf32, #tpu.memory_space<hbm>>
        %dma_start3A_184 = arith.constant 0 : i32
        %dma_start3A_185 = tpu.memref_slice %arg7[%add3A_181, %dma_start3A_184] : memref<1600000x32xf32, #tpu.memory_space<hbm>> -> memref<200x32xf32, #tpu.memory_space<hbm>>
        tpu.enqueue_dma source(%arg15 : memref<200x32xf32, #tpu.memory_space<vmem>>) target(%dma_start3A_185 : memref<200x32xf32, #tpu.memory_space<hbm>>) target_semaphore(%arg21 : memref<!tpu.dma_semaphore, #tpu.memory_space<semaphore_mem>>)
      } else {
      }
      %mul3A_86 = arith.constant 50000 : i32
      %mul3A_87 = arith.muli %add3A, %mul3A_86 : i32
      %add3A_88 = arith.constant 0 : i32
      %add3A_89 = arith.addi %add3A_88, %mul3A_87 : i32
      %mul3A_90 = arith.constant 200 : i32
      %mul3A_91 = arith.muli %add3A_78, %mul3A_90 : i32
      %add3A_92 = arith.addi %add3A_89, %mul3A_91 : i32
      %dma_wait3A_93 = tpu.memref_slice %arg4[%add3A_92] : memref<3200000xi32, #tpu.memory_space<hbm>> -> memref<200xi32, #tpu.memory_space<hbm>>
      %dma_wait3A_94 = tpu.memref_slice %arg4[%add3A_92] : memref<3200000xi32, #tpu.memory_space<hbm>> -> memref<200xi32, #tpu.memory_space<hbm>>
      tpu.wait_dma2 semaphore(%arg16 : memref<!tpu.dma_semaphore, #tpu.memory_space<semaphore_mem>>) src(%dma_wait3A_94 : memref<200xi32, #tpu.memory_space<hbm>>) dst(%arg8 : memref<200xi32, #tpu.memory_space<vmem>>)
      %mul3A_95 = arith.constant 50000 : i32
      %mul3A_96 = arith.muli %add3A, %mul3A_95 : i32
      %add3A_97 = arith.constant 0 : i32
      %add3A_98 = arith.addi %add3A_97, %mul3A_96 : i32
      %mul3A_99 = arith.constant 200 : i32
      %mul3A_100 = arith.muli %add3A_78, %mul3A_99 : i32
      %add3A_101 = arith.addi %add3A_98, %mul3A_100 : i32
      %dma_wait3A_102 = tpu.memref_slice %arg5[%add3A_101] : memref<3200000xi32, #tpu.memory_space<hbm>> -> memref<200xi32, #tpu.memory_space<hbm>>
      %dma_wait3A_103 = tpu.memref_slice %arg5[%add3A_101] : memref<3200000xi32, #tpu.memory_space<hbm>> -> memref<200xi32, #tpu.memory_space<hbm>>
      tpu.wait_dma2 semaphore(%arg16 : memref<!tpu.dma_semaphore, #tpu.memory_space<semaphore_mem>>) src(%dma_wait3A_103 : memref<200xi32, #tpu.memory_space<hbm>>) dst(%arg10 : memref<200xi32, #tpu.memory_space<vmem>>)
      %dma_start3A_104 = arith.constant 0 : i32
      %dma_start3A_105 = arith.constant 0 : i32
      %dma_start3A_106 = tpu.memref_slice %arg2[%dma_start3A_104, %dma_start3A_105] : memref<100000x32xf32, #tpu.memory_space<hbm>> -> memref<100000x32xf32, #tpu.memory_space<hbm>>
      tpu.enqueue_indirect_dma source(%dma_start3A_106 : memref<100000x32xf32, #tpu.memory_space<hbm>>) target(%arg12 : memref<200x32xf32, #tpu.memory_space<vmem>>) offsets(%arg8 : memref<200xi32, #tpu.memory_space<vmem>>) semaphore(%arg18 : memref<!tpu.dma_semaphore, #tpu.memory_space<semaphore_mem>>)
      %dma_start3A_107 = arith.constant 0 : i32
      %dma_start3A_108 = arith.constant 0 : i32
      %dma_start3A_109 = tpu.memref_slice %arg3[%dma_start3A_107, %dma_start3A_108] : memref<100000x32xf32, #tpu.memory_space<hbm>> -> memref<100000x32xf32, #tpu.memory_space<hbm>>
      tpu.enqueue_indirect_dma source(%dma_start3A_109 : memref<100000x32xf32, #tpu.memory_space<hbm>>) target(%arg14 : memref<200x32xf32, #tpu.memory_space<vmem>>) offsets(%arg10 : memref<200xi32, #tpu.memory_space<vmem>>) semaphore(%arg18 : memref<!tpu.dma_semaphore, #tpu.memory_space<semaphore_mem>>)
      %add3A_110 = arith.constant 1 : i32
      %add3A_111 = arith.addi %add3A_78, %add3A_110 : i32
      %lt3A = arith.constant 250 : i32
      %lt3A_112 = arith.cmpi slt, %add3A_111, %lt3A : i32
      %convert_element_type3A_113 = arith.extui %lt3A_112 : i1 to i32
      %cond3A_114 = arith.constant 0 : i32
      %cond3A_115 = arith.cmpi ne, %convert_element_type3A_113, %cond3A_114 : i32
      scf.if %cond3A_115 {
        %add3A_161 = arith.constant 1 : i32
        %add3A_162 = arith.addi %add3A_78, %add3A_161 : i32
        %mul3A_163 = arith.constant 50000 : i32
        %mul3A_164 = arith.muli %add3A, %mul3A_163 : i32
        %add3A_165 = arith.constant 0 : i32
        %add3A_166 = arith.addi %add3A_165, %mul3A_164 : i32
        %mul3A_167 = arith.constant 200 : i32
        %mul3A_168 = arith.muli %add3A_162, %mul3A_167 : i32
        %add3A_169 = arith.addi %add3A_166, %mul3A_168 : i32
        %dma_start3A_170 = tpu.memref_slice %arg4[%add3A_169] : memref<3200000xi32, #tpu.memory_space<hbm>> -> memref<200xi32, #tpu.memory_space<hbm>>
        %dma_start3A_171 = tpu.memref_slice %arg4[%add3A_169] : memref<3200000xi32, #tpu.memory_space<hbm>> -> memref<200xi32, #tpu.memory_space<hbm>>
        tpu.enqueue_dma source(%dma_start3A_171 : memref<200xi32, #tpu.memory_space<hbm>>) target(%arg9 : memref<200xi32, #tpu.memory_space<vmem>>) target_semaphore(%arg17 : memref<!tpu.dma_semaphore, #tpu.memory_space<semaphore_mem>>)
        %mul3A_172 = arith.constant 50000 : i32
        %mul3A_173 = arith.muli %add3A, %mul3A_172 : i32
        %add3A_174 = arith.constant 0 : i32
        %add3A_175 = arith.addi %add3A_174, %mul3A_173 : i32
        %mul3A_176 = arith.constant 200 : i32
        %mul3A_177 = arith.muli %add3A_162, %mul3A_176 : i32
        %add3A_178 = arith.addi %add3A_175, %mul3A_177 : i32
        %dma_start3A_179 = tpu.memref_slice %arg5[%add3A_178] : memref<3200000xi32, #tpu.memory_space<hbm>> -> memref<200xi32, #tpu.memory_space<hbm>>
        %dma_start3A_180 = tpu.memref_slice %arg5[%add3A_178] : memref<3200000xi32, #tpu.memory_space<hbm>> -> memref<200xi32, #tpu.memory_space<hbm>>
        tpu.enqueue_dma source(%dma_start3A_180 : memref<200xi32, #tpu.memory_space<hbm>>) target(%arg11 : memref<200xi32, #tpu.memory_space<vmem>>) target_semaphore(%arg17 : memref<!tpu.dma_semaphore, #tpu.memory_space<semaphore_mem>>)
      } else {
      }
      %mul3A_116 = arith.constant 2 : i32
      %mul3A_117 = arith.muli %mul3A_116, %scan3A_74 : i32
      %add3A_118 = arith.constant 1 : i32
      %add3A_119 = arith.addi %mul3A_117, %add3A_118 : i32
      %ge3A_120 = arith.constant 2 : i32
      %ge3A_121 = arith.cmpi sge, %add3A_119, %ge3A_120 : i32
      %convert_element_type3A_122 = arith.extui %ge3A_121 : i1 to i32
      %cond3A_123 = arith.constant 0 : i32
      %cond3A_124 = arith.cmpi ne, %convert_element_type3A_122, %cond3A_123 : i32
      scf.if %cond3A_124 {
        %sub3A = arith.constant 2 : i32
        %sub3A_161 = arith.subi %add3A_119, %sub3A : i32
        %mul3A_162 = arith.constant 50000 : i32
        %mul3A_163 = arith.muli %add3A, %mul3A_162 : i32
        %mul3A_164 = arith.constant 200 : i32
        %mul3A_165 = arith.muli %sub3A_161, %mul3A_164 : i32
        %add3A_166 = arith.addi %mul3A_163, %mul3A_165 : i32
        %dma_wait3A_167 = arith.constant 0 : i32
        %dma_wait3A_168 = tpu.memref_slice %arg6[%add3A_166, %dma_wait3A_167] : memref<1600000x32xf32, #tpu.memory_space<hbm>> -> memref<200x32xf32, #tpu.memory_space<hbm>>
        %dma_wait3A_169 = arith.constant 0 : i32
        %dma_wait3A_170 = tpu.memref_slice %arg6[%add3A_166, %dma_wait3A_169] : memref<1600000x32xf32, #tpu.memory_space<hbm>> -> memref<200x32xf32, #tpu.memory_space<hbm>>
        tpu.wait_dma2 semaphore(%arg21 : memref<!tpu.dma_semaphore, #tpu.memory_space<semaphore_mem>>) src(%arg13 : memref<200x32xf32, #tpu.memory_space<vmem>>) dst(%dma_wait3A_170 : memref<200x32xf32, #tpu.memory_space<hbm>>)
        %mul3A_171 = arith.constant 50000 : i32
        %mul3A_172 = arith.muli %add3A, %mul3A_171 : i32
        %mul3A_173 = arith.constant 200 : i32
        %mul3A_174 = arith.muli %sub3A_161, %mul3A_173 : i32
        %add3A_175 = arith.addi %mul3A_172, %mul3A_174 : i32
        %dma_wait3A_176 = arith.constant 0 : i32
        %dma_wait3A_177 = tpu.memref_slice %arg7[%add3A_175, %dma_wait3A_176] : memref<1600000x32xf32, #tpu.memory_space<hbm>> -> memref<200x32xf32, #tpu.memory_space<hbm>>
        %dma_wait3A_178 = arith.constant 0 : i32
        %dma_wait3A_179 = tpu.memref_slice %arg7[%add3A_175, %dma_wait3A_178] : memref<1600000x32xf32, #tpu.memory_space<hbm>> -> memref<200x32xf32, #tpu.memory_space<hbm>>
        tpu.wait_dma2 semaphore(%arg21 : memref<!tpu.dma_semaphore, #tpu.memory_space<semaphore_mem>>) src(%arg15 : memref<200x32xf32, #tpu.memory_space<vmem>>) dst(%dma_wait3A_179 : memref<200x32xf32, #tpu.memory_space<hbm>>)
      } else {
      }
      %ge3A_125 = arith.constant 1 : i32
      %ge3A_126 = arith.cmpi sge, %add3A_119, %ge3A_125 : i32
      %convert_element_type3A_127 = arith.extui %ge3A_126 : i1 to i32
      %cond3A_128 = arith.constant 0 : i32
      %cond3A_129 = arith.cmpi ne, %convert_element_type3A_127, %cond3A_128 : i32
      scf.if %cond3A_129 {
        %dma_wait3A_161 = arith.constant 0 : i32
        %dma_wait3A_162 = arith.constant 0 : i32
        %dma_wait3A_163 = tpu.memref_slice %arg2[%dma_wait3A_161, %dma_wait3A_162] : memref<100000x32xf32, #tpu.memory_space<hbm>> -> memref<100000x32xf32, #tpu.memory_space<hbm>>
        tpu.wait_indirect_dma semaphore(%arg18 : memref<!tpu.dma_semaphore, #tpu.memory_space<semaphore_mem>>) src(%dma_wait3A_163 : memref<100000x32xf32, #tpu.memory_space<hbm>>) dst(%arg12 : memref<200x32xf32, #tpu.memory_space<vmem>>)
        %dma_wait3A_164 = arith.constant 0 : i32
        %dma_wait3A_165 = arith.constant 0 : i32
        %dma_wait3A_166 = tpu.memref_slice %arg3[%dma_wait3A_164, %dma_wait3A_165] : memref<100000x32xf32, #tpu.memory_space<hbm>> -> memref<100000x32xf32, #tpu.memory_space<hbm>>
        tpu.wait_indirect_dma semaphore(%arg18 : memref<!tpu.dma_semaphore, #tpu.memory_space<semaphore_mem>>) src(%dma_wait3A_166 : memref<100000x32xf32, #tpu.memory_space<hbm>>) dst(%arg14 : memref<200x32xf32, #tpu.memory_space<vmem>>)
        %sub3A = arith.constant 1 : i32
        %sub3A_167 = arith.subi %add3A_119, %sub3A : i32
        %mul3A_168 = arith.constant 50000 : i32
        %mul3A_169 = arith.muli %add3A, %mul3A_168 : i32
        %mul3A_170 = arith.constant 200 : i32
        %mul3A_171 = arith.muli %sub3A_167, %mul3A_170 : i32
        %add3A_172 = arith.addi %mul3A_169, %mul3A_171 : i32
        %dma_start3A_173 = arith.constant 0 : i32
        %dma_start3A_174 = tpu.memref_slice %arg6[%add3A_172, %dma_start3A_173] : memref<1600000x32xf32, #tpu.memory_space<hbm>> -> memref<200x32xf32, #tpu.memory_space<hbm>>
        %dma_start3A_175 = arith.constant 0 : i32
        %dma_start3A_176 = tpu.memref_slice %arg6[%add3A_172, %dma_start3A_175] : memref<1600000x32xf32, #tpu.memory_space<hbm>> -> memref<200x32xf32, #tpu.memory_space<hbm>>
        tpu.enqueue_dma source(%arg12 : memref<200x32xf32, #tpu.memory_space<vmem>>) target(%dma_start3A_176 : memref<200x32xf32, #tpu.memory_space<hbm>>) target_semaphore(%arg20 : memref<!tpu.dma_semaphore, #tpu.memory_space<semaphore_mem>>)
        %mul3A_177 = arith.constant 50000 : i32
        %mul3A_178 = arith.muli %add3A, %mul3A_177 : i32
        %mul3A_179 = arith.constant 200 : i32
        %mul3A_180 = arith.muli %sub3A_167, %mul3A_179 : i32
        %add3A_181 = arith.addi %mul3A_178, %mul3A_180 : i32
        %dma_start3A_182 = arith.constant 0 : i32
        %dma_start3A_183 = tpu.memref_slice %arg7[%add3A_181, %dma_start3A_182] : memref<1600000x32xf32, #tpu.memory_space<hbm>> -> memref<200x32xf32, #tpu.memory_space<hbm>>
        %dma_start3A_184 = arith.constant 0 : i32
        %dma_start3A_185 = tpu.memref_slice %arg7[%add3A_181, %dma_start3A_184] : memref<1600000x32xf32, #tpu.memory_space<hbm>> -> memref<200x32xf32, #tpu.memory_space<hbm>>
        tpu.enqueue_dma source(%arg14 : memref<200x32xf32, #tpu.memory_space<vmem>>) target(%dma_start3A_185 : memref<200x32xf32, #tpu.memory_space<hbm>>) target_semaphore(%arg20 : memref<!tpu.dma_semaphore, #tpu.memory_space<semaphore_mem>>)
      } else {
      }
      %mul3A_130 = arith.constant 50000 : i32
      %mul3A_131 = arith.muli %add3A, %mul3A_130 : i32
      %add3A_132 = arith.constant 0 : i32
      %add3A_133 = arith.addi %add3A_132, %mul3A_131 : i32
      %mul3A_134 = arith.constant 200 : i32
      %mul3A_135 = arith.muli %add3A_119, %mul3A_134 : i32
      %add3A_136 = arith.addi %add3A_133, %mul3A_135 : i32
      %dma_wait3A_137 = tpu.memref_slice %arg4[%add3A_136] : memref<3200000xi32, #tpu.memory_space<hbm>> -> memref<200xi32, #tpu.memory_space<hbm>>
      %dma_wait3A_138 = tpu.memref_slice %arg4[%add3A_136] : memref<3200000xi32, #tpu.memory_space<hbm>> -> memref<200xi32, #tpu.memory_space<hbm>>
      tpu.wait_dma2 semaphore(%arg17 : memref<!tpu.dma_semaphore, #tpu.memory_space<semaphore_mem>>) src(%dma_wait3A_138 : memref<200xi32, #tpu.memory_space<hbm>>) dst(%arg9 : memref<200xi32, #tpu.memory_space<vmem>>)
      %mul3A_139 = arith.constant 50000 : i32
      %mul3A_140 = arith.muli %add3A, %mul3A_139 : i32
      %add3A_141 = arith.constant 0 : i32
      %add3A_142 = arith.addi %add3A_141, %mul3A_140 : i32
      %mul3A_143 = arith.constant 200 : i32
      %mul3A_144 = arith.muli %add3A_119, %mul3A_143 : i32
      %add3A_145 = arith.addi %add3A_142, %mul3A_144 : i32
      %dma_wait3A_146 = tpu.memref_slice %arg5[%add3A_145] : memref<3200000xi32, #tpu.memory_space<hbm>> -> memref<200xi32, #tpu.memory_space<hbm>>
      %dma_wait3A_147 = tpu.memref_slice %arg5[%add3A_145] : memref<3200000xi32, #tpu.memory_space<hbm>> -> memref<200xi32, #tpu.memory_space<hbm>>
      tpu.wait_dma2 semaphore(%arg17 : memref<!tpu.dma_semaphore, #tpu.memory_space<semaphore_mem>>) src(%dma_wait3A_147 : memref<200xi32, #tpu.memory_space<hbm>>) dst(%arg11 : memref<200xi32, #tpu.memory_space<vmem>>)
      %dma_start3A_148 = arith.constant 0 : i32
      %dma_start3A_149 = arith.constant 0 : i32
      %dma_start3A_150 = tpu.memref_slice %arg2[%dma_start3A_148, %dma_start3A_149] : memref<100000x32xf32, #tpu.memory_space<hbm>> -> memref<100000x32xf32, #tpu.memory_space<hbm>>
      tpu.enqueue_indirect_dma source(%dma_start3A_150 : memref<100000x32xf32, #tpu.memory_space<hbm>>) target(%arg13 : memref<200x32xf32, #tpu.memory_space<vmem>>) offsets(%arg9 : memref<200xi32, #tpu.memory_space<vmem>>) semaphore(%arg19 : memref<!tpu.dma_semaphore, #tpu.memory_space<semaphore_mem>>)
      %dma_start3A_151 = arith.constant 0 : i32
      %dma_start3A_152 = arith.constant 0 : i32
      %dma_start3A_153 = tpu.memref_slice %arg3[%dma_start3A_151, %dma_start3A_152] : memref<100000x32xf32, #tpu.memory_space<hbm>> -> memref<100000x32xf32, #tpu.memory_space<hbm>>
      tpu.enqueue_indirect_dma source(%dma_start3A_153 : memref<100000x32xf32, #tpu.memory_space<hbm>>) target(%arg15 : memref<200x32xf32, #tpu.memory_space<vmem>>) offsets(%arg11 : memref<200xi32, #tpu.memory_space<vmem>>) semaphore(%arg19 : memref<!tpu.dma_semaphore, #tpu.memory_space<semaphore_mem>>)
      %add3A_154 = arith.constant 1 : i32
      %add3A_155 = arith.addi %add3A_119, %add3A_154 : i32
      %lt3A_156 = arith.constant 250 : i32
      %lt3A_157 = arith.cmpi slt, %add3A_155, %lt3A_156 : i32
      %convert_element_type3A_158 = arith.extui %lt3A_157 : i1 to i32
      %cond3A_159 = arith.constant 0 : i32
      %cond3A_160 = arith.cmpi ne, %convert_element_type3A_158, %cond3A_159 : i32
      scf.if %cond3A_160 {
        %add3A_161 = arith.constant 1 : i32
        %add3A_162 = arith.addi %add3A_119, %add3A_161 : i32
        %mul3A_163 = arith.constant 50000 : i32
        %mul3A_164 = arith.muli %add3A, %mul3A_163 : i32
        %add3A_165 = arith.constant 0 : i32
        %add3A_166 = arith.addi %add3A_165, %mul3A_164 : i32
        %mul3A_167 = arith.constant 200 : i32
        %mul3A_168 = arith.muli %add3A_162, %mul3A_167 : i32
        %add3A_169 = arith.addi %add3A_166, %mul3A_168 : i32
        %dma_start3A_170 = tpu.memref_slice %arg4[%add3A_169] : memref<3200000xi32, #tpu.memory_space<hbm>> -> memref<200xi32, #tpu.memory_space<hbm>>
        %dma_start3A_171 = tpu.memref_slice %arg4[%add3A_169] : memref<3200000xi32, #tpu.memory_space<hbm>> -> memref<200xi32, #tpu.memory_space<hbm>>
        tpu.enqueue_dma source(%dma_start3A_171 : memref<200xi32, #tpu.memory_space<hbm>>) target(%arg8 : memref<200xi32, #tpu.memory_space<vmem>>) target_semaphore(%arg16 : memref<!tpu.dma_semaphore, #tpu.memory_space<semaphore_mem>>)
        %mul3A_172 = arith.constant 50000 : i32
        %mul3A_173 = arith.muli %add3A, %mul3A_172 : i32
        %add3A_174 = arith.constant 0 : i32
        %add3A_175 = arith.addi %add3A_174, %mul3A_173 : i32
        %mul3A_176 = arith.constant 200 : i32
        %mul3A_177 = arith.muli %add3A_162, %mul3A_176 : i32
        %add3A_178 = arith.addi %add3A_175, %mul3A_177 : i32
        %dma_start3A_179 = tpu.memref_slice %arg5[%add3A_178] : memref<3200000xi32, #tpu.memory_space<hbm>> -> memref<200xi32, #tpu.memory_space<hbm>>
        %dma_start3A_180 = tpu.memref_slice %arg5[%add3A_178] : memref<3200000xi32, #tpu.memory_space<hbm>> -> memref<200xi32, #tpu.memory_space<hbm>>
        tpu.enqueue_dma source(%dma_start3A_180 : memref<200xi32, #tpu.memory_space<hbm>>) target(%arg10 : memref<200xi32, #tpu.memory_space<vmem>>) target_semaphore(%arg16 : memref<!tpu.dma_semaphore, #tpu.memory_space<semaphore_mem>>)
      } else {
      }
    }
    %scan3A_20 = arith.constant 125 : i32
    %dma_wait3A = arith.constant 0 : i32
    %dma_wait3A_21 = arith.constant 0 : i32
    %dma_wait3A_22 = tpu.memref_slice %arg2[%dma_wait3A, %dma_wait3A_21] : memref<100000x32xf32, #tpu.memory_space<hbm>> -> memref<100000x32xf32, #tpu.memory_space<hbm>>
    tpu.wait_indirect_dma semaphore(%arg19 : memref<!tpu.dma_semaphore, #tpu.memory_space<semaphore_mem>>) src(%dma_wait3A_22 : memref<100000x32xf32, #tpu.memory_space<hbm>>) dst(%arg13 : memref<200x32xf32, #tpu.memory_space<vmem>>)
    %dma_wait3A_23 = arith.constant 0 : i32
    %dma_wait3A_24 = arith.constant 0 : i32
    %dma_wait3A_25 = tpu.memref_slice %arg3[%dma_wait3A_23, %dma_wait3A_24] : memref<100000x32xf32, #tpu.memory_space<hbm>> -> memref<100000x32xf32, #tpu.memory_space<hbm>>
    tpu.wait_indirect_dma semaphore(%arg19 : memref<!tpu.dma_semaphore, #tpu.memory_space<semaphore_mem>>) src(%dma_wait3A_25 : memref<100000x32xf32, #tpu.memory_space<hbm>>) dst(%arg15 : memref<200x32xf32, #tpu.memory_space<vmem>>)
    %mul3A_26 = arith.constant 50000 : i32
    %mul3A_27 = arith.muli %add3A, %mul3A_26 : i32
    %add3A_28 = arith.constant 49800 : i32
    %add3A_29 = arith.addi %mul3A_27, %add3A_28 : i32
    %dma_start3A_30 = arith.constant 0 : i32
    %dma_start3A_31 = tpu.memref_slice %arg6[%add3A_29, %dma_start3A_30] : memref<1600000x32xf32, #tpu.memory_space<hbm>> -> memref<200x32xf32, #tpu.memory_space<hbm>>
    %dma_start3A_32 = arith.constant 0 : i32
    %dma_start3A_33 = tpu.memref_slice %arg6[%add3A_29, %dma_start3A_32] : memref<1600000x32xf32, #tpu.memory_space<hbm>> -> memref<200x32xf32, #tpu.memory_space<hbm>>
    tpu.enqueue_dma source(%arg13 : memref<200x32xf32, #tpu.memory_space<vmem>>) target(%dma_start3A_33 : memref<200x32xf32, #tpu.memory_space<hbm>>) target_semaphore(%arg21 : memref<!tpu.dma_semaphore, #tpu.memory_space<semaphore_mem>>)
    %mul3A_34 = arith.constant 50000 : i32
    %mul3A_35 = arith.muli %add3A, %mul3A_34 : i32
    %add3A_36 = arith.constant 49800 : i32
    %add3A_37 = arith.addi %mul3A_35, %add3A_36 : i32
    %dma_start3A_38 = arith.constant 0 : i32
    %dma_start3A_39 = tpu.memref_slice %arg7[%add3A_37, %dma_start3A_38] : memref<1600000x32xf32, #tpu.memory_space<hbm>> -> memref<200x32xf32, #tpu.memory_space<hbm>>
    %dma_start3A_40 = arith.constant 0 : i32
    %dma_start3A_41 = tpu.memref_slice %arg7[%add3A_37, %dma_start3A_40] : memref<1600000x32xf32, #tpu.memory_space<hbm>> -> memref<200x32xf32, #tpu.memory_space<hbm>>
    tpu.enqueue_dma source(%arg15 : memref<200x32xf32, #tpu.memory_space<vmem>>) target(%dma_start3A_41 : memref<200x32xf32, #tpu.memory_space<hbm>>) target_semaphore(%arg21 : memref<!tpu.dma_semaphore, #tpu.memory_space<semaphore_mem>>)
    %mul3A_42 = arith.constant 50000 : i32
    %mul3A_43 = arith.muli %add3A, %mul3A_42 : i32
    %add3A_44 = arith.constant 49600 : i32
    %add3A_45 = arith.addi %mul3A_43, %add3A_44 : i32
    %dma_wait3A_46 = arith.constant 0 : i32
    %dma_wait3A_47 = tpu.memref_slice %arg6[%add3A_45, %dma_wait3A_46] : memref<1600000x32xf32, #tpu.memory_space<hbm>> -> memref<200x32xf32, #tpu.memory_space<hbm>>
    %dma_wait3A_48 = arith.constant 0 : i32
    %dma_wait3A_49 = tpu.memref_slice %arg6[%add3A_45, %dma_wait3A_48] : memref<1600000x32xf32, #tpu.memory_space<hbm>> -> memref<200x32xf32, #tpu.memory_space<hbm>>
    tpu.wait_dma2 semaphore(%arg20 : memref<!tpu.dma_semaphore, #tpu.memory_space<semaphore_mem>>) src(%arg12 : memref<200x32xf32, #tpu.memory_space<vmem>>) dst(%dma_wait3A_49 : memref<200x32xf32, #tpu.memory_space<hbm>>)
    %mul3A_50 = arith.constant 50000 : i32
    %mul3A_51 = arith.muli %add3A, %mul3A_50 : i32
    %add3A_52 = arith.constant 49600 : i32
    %add3A_53 = arith.addi %mul3A_51, %add3A_52 : i32
    %dma_wait3A_54 = arith.constant 0 : i32
    %dma_wait3A_55 = tpu.memref_slice %arg7[%add3A_53, %dma_wait3A_54] : memref<1600000x32xf32, #tpu.memory_space<hbm>> -> memref<200x32xf32, #tpu.memory_space<hbm>>
    %dma_wait3A_56 = arith.constant 0 : i32
    %dma_wait3A_57 = tpu.memref_slice %arg7[%add3A_53, %dma_wait3A_56] : memref<1600000x32xf32, #tpu.memory_space<hbm>> -> memref<200x32xf32, #tpu.memory_space<hbm>>
    tpu.wait_dma2 semaphore(%arg20 : memref<!tpu.dma_semaphore, #tpu.memory_space<semaphore_mem>>) src(%arg14 : memref<200x32xf32, #tpu.memory_space<vmem>>) dst(%dma_wait3A_57 : memref<200x32xf32, #tpu.memory_space<hbm>>)
    %mul3A_58 = arith.constant 50000 : i32
    %mul3A_59 = arith.muli %add3A, %mul3A_58 : i32
    %add3A_60 = arith.constant 49800 : i32
    %add3A_61 = arith.addi %mul3A_59, %add3A_60 : i32
    %dma_wait3A_62 = arith.constant 0 : i32
    %dma_wait3A_63 = tpu.memref_slice %arg6[%add3A_61, %dma_wait3A_62] : memref<1600000x32xf32, #tpu.memory_space<hbm>> -> memref<200x32xf32, #tpu.memory_space<hbm>>
    %dma_wait3A_64 = arith.constant 0 : i32
    %dma_wait3A_65 = tpu.memref_slice %arg6[%add3A_61, %dma_wait3A_64] : memref<1600000x32xf32, #tpu.memory_space<hbm>> -> memref<200x32xf32, #tpu.memory_space<hbm>>
    tpu.wait_dma2 semaphore(%arg21 : memref<!tpu.dma_semaphore, #tpu.memory_space<semaphore_mem>>) src(%arg13 : memref<200x32xf32, #tpu.memory_space<vmem>>) dst(%dma_wait3A_65 : memref<200x32xf32, #tpu.memory_space<hbm>>)
    %mul3A_66 = arith.constant 50000 : i32
    %mul3A_67 = arith.muli %add3A, %mul3A_66 : i32
    %add3A_68 = arith.constant 49800 : i32
    %add3A_69 = arith.addi %mul3A_67, %add3A_68 : i32
    %dma_wait3A_70 = arith.constant 0 : i32
    %dma_wait3A_71 = tpu.memref_slice %arg7[%add3A_69, %dma_wait3A_70] : memref<1600000x32xf32, #tpu.memory_space<hbm>> -> memref<200x32xf32, #tpu.memory_space<hbm>>
    %dma_wait3A_72 = arith.constant 0 : i32
    %dma_wait3A_73 = tpu.memref_slice %arg7[%add3A_69, %dma_wait3A_72] : memref<1600000x32xf32, #tpu.memory_space<hbm>> -> memref<200x32xf32, #tpu.memory_space<hbm>>
    tpu.wait_dma2 semaphore(%arg21 : memref<!tpu.dma_semaphore, #tpu.memory_space<semaphore_mem>>) src(%arg15 : memref<200x32xf32, #tpu.memory_space<vmem>>) dst(%dma_wait3A_73 : memref<200x32xf32, #tpu.memory_space<hbm>>)
    return
  }
}

#map = affine_map<(d0, d1) -> (0, 0)>
#map1 = affine_map<(d0, d1) -> (0)>
module attributes {stable_mosaic.version = 14 : i64} {
  func.func @_sc_gather(%arg0: i32, %arg1: i32, %arg2: memref<100000x32xf32, #tpu.memory_space<hbm>>, %arg3: memref<100000x32xf32, #tpu.memory_space<hbm>>, %arg4: memref<3200000xi32, #tpu.memory_space<hbm>>, %arg5: memref<3200000xi32, #tpu.memory_space<hbm>>, %arg6: memref<1600000x32xf32, #tpu.memory_space<hbm>>, %arg7: memref<1600000x32xf32, #tpu.memory_space<hbm>>, %arg8: memref<200xi32, #tpu.memory_space<vmem>>, %arg9: memref<200xi32, #tpu.memory_space<vmem>>, %arg10: memref<200xi32, #tpu.memory_space<vmem>>, %arg11: memref<200xi32, #tpu.memory_space<vmem>>, %arg12: memref<200x32xf32, #tpu.memory_space<vmem>>, %arg13: memref<200x32xf32, #tpu.memory_space<vmem>>, %arg14: memref<200x32xf32, #tpu.memory_space<vmem>>, %arg15: memref<200x32xf32, #tpu.memory_space<vmem>>, %arg16: memref<!tpu.dma_semaphore, #tpu.memory_space<semaphore_mem>>, %arg17: memref<!tpu.dma_semaphore, #tpu.memory_space<semaphore_mem>>, %arg18: memref<!tpu.dma_semaphore, #tpu.memory_space<semaphore_mem>>, %arg19: memref<!tpu.dma_semaphore, #tpu.memory_space<semaphore_mem>>, %arg20: memref<!tpu.dma_semaphore, #tpu.memory_space<semaphore_mem>>, %arg21: memref<!tpu.dma_semaphore, #tpu.memory_space<semaphore_mem>>) attributes {dimension_semantics = [#tpu.dimension_semantics<core_parallel>, #tpu.dimension_semantics<subcore_parallel>], iteration_bounds = array<i64: 2, 16>, scalar_prefetch = 0 : i64, scratch_operands = 14 : i64, tpu.core_type = #tpu.core_type<sc_vector_subcore>, window_params = [{transform_indices = #map}, {transform_indices = #map}, {transform_indices = #map1}, {transform_indices = #map1}, {transform_indices = #map}, {transform_indices = #map}]} {
    %mul3A = arith.constant 2 : i32
    %mul3A_0 = arith.muli %arg1, %mul3A : i32
    %add3A = arith.addi %mul3A_0, %arg0 : i32
    %mul3A_1 = arith.constant 50000 : i32
    %mul3A_2 = arith.muli %add3A, %mul3A_1 : i32
    %add3A_3 = arith.constant 1600000 : i32
    %add3A_4 = arith.addi %add3A_3, %mul3A_2 : i32
    %add3A_5 = arith.constant 0 : i32
    %add3A_6 = arith.addi %add3A_4, %add3A_5 : i32
    %dma_start3A = tpu.memref_slice %arg4[%add3A_6] : memref<3200000xi32, #tpu.memory_space<hbm>> -> memref<200xi32, #tpu.memory_space<hbm>>
    %dma_start3A_7 = tpu.memref_slice %arg4[%add3A_6] : memref<3200000xi32, #tpu.memory_space<hbm>> -> memref<200xi32, #tpu.memory_space<hbm>>
    tpu.enqueue_dma source(%dma_start3A_7 : memref<200xi32, #tpu.memory_space<hbm>>) target(%arg8 : memref<200xi32, #tpu.memory_space<vmem>>) target_semaphore(%arg16 : memref<!tpu.dma_semaphore, #tpu.memory_space<semaphore_mem>>)
    %mul3A_8 = arith.constant 50000 : i32
    %mul3A_9 = arith.muli %add3A, %mul3A_8 : i32
    %add3A_10 = arith.constant 1600000 : i32
    %add3A_11 = arith.addi %add3A_10, %mul3A_9 : i32
    %add3A_12 = arith.constant 0 : i32
    %add3A_13 = arith.addi %add3A_11, %add3A_12 : i32
    %dma_start3A_14 = tpu.memref_slice %arg5[%add3A_13] : memref<3200000xi32, #tpu.memory_space<hbm>> -> memref<200xi32, #tpu.memory_space<hbm>>
    %dma_start3A_15 = tpu.memref_slice %arg5[%add3A_13] : memref<3200000xi32, #tpu.memory_space<hbm>> -> memref<200xi32, #tpu.memory_space<hbm>>
    tpu.enqueue_dma source(%dma_start3A_15 : memref<200xi32, #tpu.memory_space<hbm>>) target(%arg10 : memref<200xi32, #tpu.memory_space<vmem>>) target_semaphore(%arg16 : memref<!tpu.dma_semaphore, #tpu.memory_space<semaphore_mem>>)
    %scan3A = arith.constant 0 : i32
    %scan3A_16 = arith.constant 0 : i32
    %scan3A_17 = arith.constant 125 : i32
    %scan3A_18 = arith.addi %scan3A_16, %scan3A_17 : i32
    %scan3A_19 = arith.constant 1 : i32
    scf.for %scan3A_74 = %scan3A_16 to %scan3A_18 step %scan3A_19  : i32 {
      %mul3A_75 = arith.constant 2 : i32
      %mul3A_76 = arith.muli %mul3A_75, %scan3A_74 : i32
      %add3A_77 = arith.constant 0 : i32
      %add3A_78 = arith.addi %mul3A_76, %add3A_77 : i32
      %ge3A = arith.constant 2 : i32
      %ge3A_79 = arith.cmpi sge, %add3A_78, %ge3A : i32
      %convert_element_type3A = arith.extui %ge3A_79 : i1 to i32
      %cond3A = arith.constant 0 : i32
      %cond3A_80 = arith.cmpi ne, %convert_element_type3A, %cond3A : i32
      scf.if %cond3A_80 {
        %sub3A = arith.constant 2 : i32
        %sub3A_161 = arith.subi %add3A_78, %sub3A : i32
        %mul3A_162 = arith.constant 50000 : i32
        %mul3A_163 = arith.muli %add3A, %mul3A_162 : i32
        %mul3A_164 = arith.constant 200 : i32
        %mul3A_165 = arith.muli %sub3A_161, %mul3A_164 : i32
        %add3A_166 = arith.addi %mul3A_163, %mul3A_165 : i32
        %dma_wait3A_167 = arith.constant 0 : i32
        %dma_wait3A_168 = tpu.memref_slice %arg6[%add3A_166, %dma_wait3A_167] : memref<1600000x32xf32, #tpu.memory_space<hbm>> -> memref<200x32xf32, #tpu.memory_space<hbm>>
        %dma_wait3A_169 = arith.constant 0 : i32
        %dma_wait3A_170 = tpu.memref_slice %arg6[%add3A_166, %dma_wait3A_169] : memref<1600000x32xf32, #tpu.memory_space<hbm>> -> memref<200x32xf32, #tpu.memory_space<hbm>>
        tpu.wait_dma2 semaphore(%arg20 : memref<!tpu.dma_semaphore, #tpu.memory_space<semaphore_mem>>) src(%arg12 : memref<200x32xf32, #tpu.memory_space<vmem>>) dst(%dma_wait3A_170 : memref<200x32xf32, #tpu.memory_space<hbm>>)
        %mul3A_171 = arith.constant 50000 : i32
        %mul3A_172 = arith.muli %add3A, %mul3A_171 : i32
        %mul3A_173 = arith.constant 200 : i32
        %mul3A_174 = arith.muli %sub3A_161, %mul3A_173 : i32
        %add3A_175 = arith.addi %mul3A_172, %mul3A_174 : i32
        %dma_wait3A_176 = arith.constant 0 : i32
        %dma_wait3A_177 = tpu.memref_slice %arg7[%add3A_175, %dma_wait3A_176] : memref<1600000x32xf32, #tpu.memory_space<hbm>> -> memref<200x32xf32, #tpu.memory_space<hbm>>
        %dma_wait3A_178 = arith.constant 0 : i32
        %dma_wait3A_179 = tpu.memref_slice %arg7[%add3A_175, %dma_wait3A_178] : memref<1600000x32xf32, #tpu.memory_space<hbm>> -> memref<200x32xf32, #tpu.memory_space<hbm>>
        tpu.wait_dma2 semaphore(%arg20 : memref<!tpu.dma_semaphore, #tpu.memory_space<semaphore_mem>>) src(%arg14 : memref<200x32xf32, #tpu.memory_space<vmem>>) dst(%dma_wait3A_179 : memref<200x32xf32, #tpu.memory_space<hbm>>)
      } else {
      }
      %ge3A_81 = arith.constant 1 : i32
      %ge3A_82 = arith.cmpi sge, %add3A_78, %ge3A_81 : i32
      %convert_element_type3A_83 = arith.extui %ge3A_82 : i1 to i32
      %cond3A_84 = arith.constant 0 : i32
      %cond3A_85 = arith.cmpi ne, %convert_element_type3A_83, %cond3A_84 : i32
      scf.if %cond3A_85 {
        %dma_wait3A_161 = arith.constant 0 : i32
        %dma_wait3A_162 = arith.constant 0 : i32
        %dma_wait3A_163 = tpu.memref_slice %arg2[%dma_wait3A_161, %dma_wait3A_162] : memref<100000x32xf32, #tpu.memory_space<hbm>> -> memref<100000x32xf32, #tpu.memory_space<hbm>>
        tpu.wait_indirect_dma semaphore(%arg19 : memref<!tpu.dma_semaphore, #tpu.memory_space<semaphore_mem>>) src(%dma_wait3A_163 : memref<100000x32xf32, #tpu.memory_space<hbm>>) dst(%arg13 : memref<200x32xf32, #tpu.memory_space<vmem>>)
        %dma_wait3A_164 = arith.constant 0 : i32
        %dma_wait3A_165 = arith.constant 0 : i32
        %dma_wait3A_166 = tpu.memref_slice %arg3[%dma_wait3A_164, %dma_wait3A_165] : memref<100000x32xf32, #tpu.memory_space<hbm>> -> memref<100000x32xf32, #tpu.memory_space<hbm>>
        tpu.wait_indirect_dma semaphore(%arg19 : memref<!tpu.dma_semaphore, #tpu.memory_space<semaphore_mem>>) src(%dma_wait3A_166 : memref<100000x32xf32, #tpu.memory_space<hbm>>) dst(%arg15 : memref<200x32xf32, #tpu.memory_space<vmem>>)
        %sub3A = arith.constant 1 : i32
        %sub3A_167 = arith.subi %add3A_78, %sub3A : i32
        %mul3A_168 = arith.constant 50000 : i32
        %mul3A_169 = arith.muli %add3A, %mul3A_168 : i32
        %mul3A_170 = arith.constant 200 : i32
        %mul3A_171 = arith.muli %sub3A_167, %mul3A_170 : i32
        %add3A_172 = arith.addi %mul3A_169, %mul3A_171 : i32
        %dma_start3A_173 = arith.constant 0 : i32
        %dma_start3A_174 = tpu.memref_slice %arg6[%add3A_172, %dma_start3A_173] : memref<1600000x32xf32, #tpu.memory_space<hbm>> -> memref<200x32xf32, #tpu.memory_space<hbm>>
        %dma_start3A_175 = arith.constant 0 : i32
        %dma_start3A_176 = tpu.memref_slice %arg6[%add3A_172, %dma_start3A_175] : memref<1600000x32xf32, #tpu.memory_space<hbm>> -> memref<200x32xf32, #tpu.memory_space<hbm>>
        tpu.enqueue_dma source(%arg13 : memref<200x32xf32, #tpu.memory_space<vmem>>) target(%dma_start3A_176 : memref<200x32xf32, #tpu.memory_space<hbm>>) target_semaphore(%arg21 : memref<!tpu.dma_semaphore, #tpu.memory_space<semaphore_mem>>)
        %mul3A_177 = arith.constant 50000 : i32
        %mul3A_178 = arith.muli %add3A, %mul3A_177 : i32
        %mul3A_179 = arith.constant 200 : i32
        %mul3A_180 = arith.muli %sub3A_167, %mul3A_179 : i32
        %add3A_181 = arith.addi %mul3A_178, %mul3A_180 : i32
        %dma_start3A_182 = arith.constant 0 : i32
        %dma_start3A_183 = tpu.memref_slice %arg7[%add3A_181, %dma_start3A_182] : memref<1600000x32xf32, #tpu.memory_space<hbm>> -> memref<200x32xf32, #tpu.memory_space<hbm>>
        %dma_start3A_184 = arith.constant 0 : i32
        %dma_start3A_185 = tpu.memref_slice %arg7[%add3A_181, %dma_start3A_184] : memref<1600000x32xf32, #tpu.memory_space<hbm>> -> memref<200x32xf32, #tpu.memory_space<hbm>>
        tpu.enqueue_dma source(%arg15 : memref<200x32xf32, #tpu.memory_space<vmem>>) target(%dma_start3A_185 : memref<200x32xf32, #tpu.memory_space<hbm>>) target_semaphore(%arg21 : memref<!tpu.dma_semaphore, #tpu.memory_space<semaphore_mem>>)
      } else {
      }
      %mul3A_86 = arith.constant 50000 : i32
      %mul3A_87 = arith.muli %add3A, %mul3A_86 : i32
      %add3A_88 = arith.constant 1600000 : i32
      %add3A_89 = arith.addi %add3A_88, %mul3A_87 : i32
      %mul3A_90 = arith.constant 200 : i32
      %mul3A_91 = arith.muli %add3A_78, %mul3A_90 : i32
      %add3A_92 = arith.addi %add3A_89, %mul3A_91 : i32
      %dma_wait3A_93 = tpu.memref_slice %arg4[%add3A_92] : memref<3200000xi32, #tpu.memory_space<hbm>> -> memref<200xi32, #tpu.memory_space<hbm>>
      %dma_wait3A_94 = tpu.memref_slice %arg4[%add3A_92] : memref<3200000xi32, #tpu.memory_space<hbm>> -> memref<200xi32, #tpu.memory_space<hbm>>
      tpu.wait_dma2 semaphore(%arg16 : memref<!tpu.dma_semaphore, #tpu.memory_space<semaphore_mem>>) src(%dma_wait3A_94 : memref<200xi32, #tpu.memory_space<hbm>>) dst(%arg8 : memref<200xi32, #tpu.memory_space<vmem>>)
      %mul3A_95 = arith.constant 50000 : i32
      %mul3A_96 = arith.muli %add3A, %mul3A_95 : i32
      %add3A_97 = arith.constant 1600000 : i32
      %add3A_98 = arith.addi %add3A_97, %mul3A_96 : i32
      %mul3A_99 = arith.constant 200 : i32
      %mul3A_100 = arith.muli %add3A_78, %mul3A_99 : i32
      %add3A_101 = arith.addi %add3A_98, %mul3A_100 : i32
      %dma_wait3A_102 = tpu.memref_slice %arg5[%add3A_101] : memref<3200000xi32, #tpu.memory_space<hbm>> -> memref<200xi32, #tpu.memory_space<hbm>>
      %dma_wait3A_103 = tpu.memref_slice %arg5[%add3A_101] : memref<3200000xi32, #tpu.memory_space<hbm>> -> memref<200xi32, #tpu.memory_space<hbm>>
      tpu.wait_dma2 semaphore(%arg16 : memref<!tpu.dma_semaphore, #tpu.memory_space<semaphore_mem>>) src(%dma_wait3A_103 : memref<200xi32, #tpu.memory_space<hbm>>) dst(%arg10 : memref<200xi32, #tpu.memory_space<vmem>>)
      %dma_start3A_104 = arith.constant 0 : i32
      %dma_start3A_105 = arith.constant 0 : i32
      %dma_start3A_106 = tpu.memref_slice %arg2[%dma_start3A_104, %dma_start3A_105] : memref<100000x32xf32, #tpu.memory_space<hbm>> -> memref<100000x32xf32, #tpu.memory_space<hbm>>
      tpu.enqueue_indirect_dma source(%dma_start3A_106 : memref<100000x32xf32, #tpu.memory_space<hbm>>) target(%arg12 : memref<200x32xf32, #tpu.memory_space<vmem>>) offsets(%arg8 : memref<200xi32, #tpu.memory_space<vmem>>) semaphore(%arg18 : memref<!tpu.dma_semaphore, #tpu.memory_space<semaphore_mem>>)
      %dma_start3A_107 = arith.constant 0 : i32
      %dma_start3A_108 = arith.constant 0 : i32
      %dma_start3A_109 = tpu.memref_slice %arg3[%dma_start3A_107, %dma_start3A_108] : memref<100000x32xf32, #tpu.memory_space<hbm>> -> memref<100000x32xf32, #tpu.memory_space<hbm>>
      tpu.enqueue_indirect_dma source(%dma_start3A_109 : memref<100000x32xf32, #tpu.memory_space<hbm>>) target(%arg14 : memref<200x32xf32, #tpu.memory_space<vmem>>) offsets(%arg10 : memref<200xi32, #tpu.memory_space<vmem>>) semaphore(%arg18 : memref<!tpu.dma_semaphore, #tpu.memory_space<semaphore_mem>>)
      %add3A_110 = arith.constant 1 : i32
      %add3A_111 = arith.addi %add3A_78, %add3A_110 : i32
      %lt3A = arith.constant 250 : i32
      %lt3A_112 = arith.cmpi slt, %add3A_111, %lt3A : i32
      %convert_element_type3A_113 = arith.extui %lt3A_112 : i1 to i32
      %cond3A_114 = arith.constant 0 : i32
      %cond3A_115 = arith.cmpi ne, %convert_element_type3A_113, %cond3A_114 : i32
      scf.if %cond3A_115 {
        %add3A_161 = arith.constant 1 : i32
        %add3A_162 = arith.addi %add3A_78, %add3A_161 : i32
        %mul3A_163 = arith.constant 50000 : i32
        %mul3A_164 = arith.muli %add3A, %mul3A_163 : i32
        %add3A_165 = arith.constant 1600000 : i32
        %add3A_166 = arith.addi %add3A_165, %mul3A_164 : i32
        %mul3A_167 = arith.constant 200 : i32
        %mul3A_168 = arith.muli %add3A_162, %mul3A_167 : i32
        %add3A_169 = arith.addi %add3A_166, %mul3A_168 : i32
        %dma_start3A_170 = tpu.memref_slice %arg4[%add3A_169] : memref<3200000xi32, #tpu.memory_space<hbm>> -> memref<200xi32, #tpu.memory_space<hbm>>
        %dma_start3A_171 = tpu.memref_slice %arg4[%add3A_169] : memref<3200000xi32, #tpu.memory_space<hbm>> -> memref<200xi32, #tpu.memory_space<hbm>>
        tpu.enqueue_dma source(%dma_start3A_171 : memref<200xi32, #tpu.memory_space<hbm>>) target(%arg9 : memref<200xi32, #tpu.memory_space<vmem>>) target_semaphore(%arg17 : memref<!tpu.dma_semaphore, #tpu.memory_space<semaphore_mem>>)
        %mul3A_172 = arith.constant 50000 : i32
        %mul3A_173 = arith.muli %add3A, %mul3A_172 : i32
        %add3A_174 = arith.constant 1600000 : i32
        %add3A_175 = arith.addi %add3A_174, %mul3A_173 : i32
        %mul3A_176 = arith.constant 200 : i32
        %mul3A_177 = arith.muli %add3A_162, %mul3A_176 : i32
        %add3A_178 = arith.addi %add3A_175, %mul3A_177 : i32
        %dma_start3A_179 = tpu.memref_slice %arg5[%add3A_178] : memref<3200000xi32, #tpu.memory_space<hbm>> -> memref<200xi32, #tpu.memory_space<hbm>>
        %dma_start3A_180 = tpu.memref_slice %arg5[%add3A_178] : memref<3200000xi32, #tpu.memory_space<hbm>> -> memref<200xi32, #tpu.memory_space<hbm>>
        tpu.enqueue_dma source(%dma_start3A_180 : memref<200xi32, #tpu.memory_space<hbm>>) target(%arg11 : memref<200xi32, #tpu.memory_space<vmem>>) target_semaphore(%arg17 : memref<!tpu.dma_semaphore, #tpu.memory_space<semaphore_mem>>)
      } else {
      }
      %mul3A_116 = arith.constant 2 : i32
      %mul3A_117 = arith.muli %mul3A_116, %scan3A_74 : i32
      %add3A_118 = arith.constant 1 : i32
      %add3A_119 = arith.addi %mul3A_117, %add3A_118 : i32
      %ge3A_120 = arith.constant 2 : i32
      %ge3A_121 = arith.cmpi sge, %add3A_119, %ge3A_120 : i32
      %convert_element_type3A_122 = arith.extui %ge3A_121 : i1 to i32
      %cond3A_123 = arith.constant 0 : i32
      %cond3A_124 = arith.cmpi ne, %convert_element_type3A_122, %cond3A_123 : i32
      scf.if %cond3A_124 {
        %sub3A = arith.constant 2 : i32
        %sub3A_161 = arith.subi %add3A_119, %sub3A : i32
        %mul3A_162 = arith.constant 50000 : i32
        %mul3A_163 = arith.muli %add3A, %mul3A_162 : i32
        %mul3A_164 = arith.constant 200 : i32
        %mul3A_165 = arith.muli %sub3A_161, %mul3A_164 : i32
        %add3A_166 = arith.addi %mul3A_163, %mul3A_165 : i32
        %dma_wait3A_167 = arith.constant 0 : i32
        %dma_wait3A_168 = tpu.memref_slice %arg6[%add3A_166, %dma_wait3A_167] : memref<1600000x32xf32, #tpu.memory_space<hbm>> -> memref<200x32xf32, #tpu.memory_space<hbm>>
        %dma_wait3A_169 = arith.constant 0 : i32
        %dma_wait3A_170 = tpu.memref_slice %arg6[%add3A_166, %dma_wait3A_169] : memref<1600000x32xf32, #tpu.memory_space<hbm>> -> memref<200x32xf32, #tpu.memory_space<hbm>>
        tpu.wait_dma2 semaphore(%arg21 : memref<!tpu.dma_semaphore, #tpu.memory_space<semaphore_mem>>) src(%arg13 : memref<200x32xf32, #tpu.memory_space<vmem>>) dst(%dma_wait3A_170 : memref<200x32xf32, #tpu.memory_space<hbm>>)
        %mul3A_171 = arith.constant 50000 : i32
        %mul3A_172 = arith.muli %add3A, %mul3A_171 : i32
        %mul3A_173 = arith.constant 200 : i32
        %mul3A_174 = arith.muli %sub3A_161, %mul3A_173 : i32
        %add3A_175 = arith.addi %mul3A_172, %mul3A_174 : i32
        %dma_wait3A_176 = arith.constant 0 : i32
        %dma_wait3A_177 = tpu.memref_slice %arg7[%add3A_175, %dma_wait3A_176] : memref<1600000x32xf32, #tpu.memory_space<hbm>> -> memref<200x32xf32, #tpu.memory_space<hbm>>
        %dma_wait3A_178 = arith.constant 0 : i32
        %dma_wait3A_179 = tpu.memref_slice %arg7[%add3A_175, %dma_wait3A_178] : memref<1600000x32xf32, #tpu.memory_space<hbm>> -> memref<200x32xf32, #tpu.memory_space<hbm>>
        tpu.wait_dma2 semaphore(%arg21 : memref<!tpu.dma_semaphore, #tpu.memory_space<semaphore_mem>>) src(%arg15 : memref<200x32xf32, #tpu.memory_space<vmem>>) dst(%dma_wait3A_179 : memref<200x32xf32, #tpu.memory_space<hbm>>)
      } else {
      }
      %ge3A_125 = arith.constant 1 : i32
      %ge3A_126 = arith.cmpi sge, %add3A_119, %ge3A_125 : i32
      %convert_element_type3A_127 = arith.extui %ge3A_126 : i1 to i32
      %cond3A_128 = arith.constant 0 : i32
      %cond3A_129 = arith.cmpi ne, %convert_element_type3A_127, %cond3A_128 : i32
      scf.if %cond3A_129 {
        %dma_wait3A_161 = arith.constant 0 : i32
        %dma_wait3A_162 = arith.constant 0 : i32
        %dma_wait3A_163 = tpu.memref_slice %arg2[%dma_wait3A_161, %dma_wait3A_162] : memref<100000x32xf32, #tpu.memory_space<hbm>> -> memref<100000x32xf32, #tpu.memory_space<hbm>>
        tpu.wait_indirect_dma semaphore(%arg18 : memref<!tpu.dma_semaphore, #tpu.memory_space<semaphore_mem>>) src(%dma_wait3A_163 : memref<100000x32xf32, #tpu.memory_space<hbm>>) dst(%arg12 : memref<200x32xf32, #tpu.memory_space<vmem>>)
        %dma_wait3A_164 = arith.constant 0 : i32
        %dma_wait3A_165 = arith.constant 0 : i32
        %dma_wait3A_166 = tpu.memref_slice %arg3[%dma_wait3A_164, %dma_wait3A_165] : memref<100000x32xf32, #tpu.memory_space<hbm>> -> memref<100000x32xf32, #tpu.memory_space<hbm>>
        tpu.wait_indirect_dma semaphore(%arg18 : memref<!tpu.dma_semaphore, #tpu.memory_space<semaphore_mem>>) src(%dma_wait3A_166 : memref<100000x32xf32, #tpu.memory_space<hbm>>) dst(%arg14 : memref<200x32xf32, #tpu.memory_space<vmem>>)
        %sub3A = arith.constant 1 : i32
        %sub3A_167 = arith.subi %add3A_119, %sub3A : i32
        %mul3A_168 = arith.constant 50000 : i32
        %mul3A_169 = arith.muli %add3A, %mul3A_168 : i32
        %mul3A_170 = arith.constant 200 : i32
        %mul3A_171 = arith.muli %sub3A_167, %mul3A_170 : i32
        %add3A_172 = arith.addi %mul3A_169, %mul3A_171 : i32
        %dma_start3A_173 = arith.constant 0 : i32
        %dma_start3A_174 = tpu.memref_slice %arg6[%add3A_172, %dma_start3A_173] : memref<1600000x32xf32, #tpu.memory_space<hbm>> -> memref<200x32xf32, #tpu.memory_space<hbm>>
        %dma_start3A_175 = arith.constant 0 : i32
        %dma_start3A_176 = tpu.memref_slice %arg6[%add3A_172, %dma_start3A_175] : memref<1600000x32xf32, #tpu.memory_space<hbm>> -> memref<200x32xf32, #tpu.memory_space<hbm>>
        tpu.enqueue_dma source(%arg12 : memref<200x32xf32, #tpu.memory_space<vmem>>) target(%dma_start3A_176 : memref<200x32xf32, #tpu.memory_space<hbm>>) target_semaphore(%arg20 : memref<!tpu.dma_semaphore, #tpu.memory_space<semaphore_mem>>)
        %mul3A_177 = arith.constant 50000 : i32
        %mul3A_178 = arith.muli %add3A, %mul3A_177 : i32
        %mul3A_179 = arith.constant 200 : i32
        %mul3A_180 = arith.muli %sub3A_167, %mul3A_179 : i32
        %add3A_181 = arith.addi %mul3A_178, %mul3A_180 : i32
        %dma_start3A_182 = arith.constant 0 : i32
        %dma_start3A_183 = tpu.memref_slice %arg7[%add3A_181, %dma_start3A_182] : memref<1600000x32xf32, #tpu.memory_space<hbm>> -> memref<200x32xf32, #tpu.memory_space<hbm>>
        %dma_start3A_184 = arith.constant 0 : i32
        %dma_start3A_185 = tpu.memref_slice %arg7[%add3A_181, %dma_start3A_184] : memref<1600000x32xf32, #tpu.memory_space<hbm>> -> memref<200x32xf32, #tpu.memory_space<hbm>>
        tpu.enqueue_dma source(%arg14 : memref<200x32xf32, #tpu.memory_space<vmem>>) target(%dma_start3A_185 : memref<200x32xf32, #tpu.memory_space<hbm>>) target_semaphore(%arg20 : memref<!tpu.dma_semaphore, #tpu.memory_space<semaphore_mem>>)
      } else {
      }
      %mul3A_130 = arith.constant 50000 : i32
      %mul3A_131 = arith.muli %add3A, %mul3A_130 : i32
      %add3A_132 = arith.constant 1600000 : i32
      %add3A_133 = arith.addi %add3A_132, %mul3A_131 : i32
      %mul3A_134 = arith.constant 200 : i32
      %mul3A_135 = arith.muli %add3A_119, %mul3A_134 : i32
      %add3A_136 = arith.addi %add3A_133, %mul3A_135 : i32
      %dma_wait3A_137 = tpu.memref_slice %arg4[%add3A_136] : memref<3200000xi32, #tpu.memory_space<hbm>> -> memref<200xi32, #tpu.memory_space<hbm>>
      %dma_wait3A_138 = tpu.memref_slice %arg4[%add3A_136] : memref<3200000xi32, #tpu.memory_space<hbm>> -> memref<200xi32, #tpu.memory_space<hbm>>
      tpu.wait_dma2 semaphore(%arg17 : memref<!tpu.dma_semaphore, #tpu.memory_space<semaphore_mem>>) src(%dma_wait3A_138 : memref<200xi32, #tpu.memory_space<hbm>>) dst(%arg9 : memref<200xi32, #tpu.memory_space<vmem>>)
      %mul3A_139 = arith.constant 50000 : i32
      %mul3A_140 = arith.muli %add3A, %mul3A_139 : i32
      %add3A_141 = arith.constant 1600000 : i32
      %add3A_142 = arith.addi %add3A_141, %mul3A_140 : i32
      %mul3A_143 = arith.constant 200 : i32
      %mul3A_144 = arith.muli %add3A_119, %mul3A_143 : i32
      %add3A_145 = arith.addi %add3A_142, %mul3A_144 : i32
      %dma_wait3A_146 = tpu.memref_slice %arg5[%add3A_145] : memref<3200000xi32, #tpu.memory_space<hbm>> -> memref<200xi32, #tpu.memory_space<hbm>>
      %dma_wait3A_147 = tpu.memref_slice %arg5[%add3A_145] : memref<3200000xi32, #tpu.memory_space<hbm>> -> memref<200xi32, #tpu.memory_space<hbm>>
      tpu.wait_dma2 semaphore(%arg17 : memref<!tpu.dma_semaphore, #tpu.memory_space<semaphore_mem>>) src(%dma_wait3A_147 : memref<200xi32, #tpu.memory_space<hbm>>) dst(%arg11 : memref<200xi32, #tpu.memory_space<vmem>>)
      %dma_start3A_148 = arith.constant 0 : i32
      %dma_start3A_149 = arith.constant 0 : i32
      %dma_start3A_150 = tpu.memref_slice %arg2[%dma_start3A_148, %dma_start3A_149] : memref<100000x32xf32, #tpu.memory_space<hbm>> -> memref<100000x32xf32, #tpu.memory_space<hbm>>
      tpu.enqueue_indirect_dma source(%dma_start3A_150 : memref<100000x32xf32, #tpu.memory_space<hbm>>) target(%arg13 : memref<200x32xf32, #tpu.memory_space<vmem>>) offsets(%arg9 : memref<200xi32, #tpu.memory_space<vmem>>) semaphore(%arg19 : memref<!tpu.dma_semaphore, #tpu.memory_space<semaphore_mem>>)
      %dma_start3A_151 = arith.constant 0 : i32
      %dma_start3A_152 = arith.constant 0 : i32
      %dma_start3A_153 = tpu.memref_slice %arg3[%dma_start3A_151, %dma_start3A_152] : memref<100000x32xf32, #tpu.memory_space<hbm>> -> memref<100000x32xf32, #tpu.memory_space<hbm>>
      tpu.enqueue_indirect_dma source(%dma_start3A_153 : memref<100000x32xf32, #tpu.memory_space<hbm>>) target(%arg15 : memref<200x32xf32, #tpu.memory_space<vmem>>) offsets(%arg11 : memref<200xi32, #tpu.memory_space<vmem>>) semaphore(%arg19 : memref<!tpu.dma_semaphore, #tpu.memory_space<semaphore_mem>>)
      %add3A_154 = arith.constant 1 : i32
      %add3A_155 = arith.addi %add3A_119, %add3A_154 : i32
      %lt3A_156 = arith.constant 250 : i32
      %lt3A_157 = arith.cmpi slt, %add3A_155, %lt3A_156 : i32
      %convert_element_type3A_158 = arith.extui %lt3A_157 : i1 to i32
      %cond3A_159 = arith.constant 0 : i32
      %cond3A_160 = arith.cmpi ne, %convert_element_type3A_158, %cond3A_159 : i32
      scf.if %cond3A_160 {
        %add3A_161 = arith.constant 1 : i32
        %add3A_162 = arith.addi %add3A_119, %add3A_161 : i32
        %mul3A_163 = arith.constant 50000 : i32
        %mul3A_164 = arith.muli %add3A, %mul3A_163 : i32
        %add3A_165 = arith.constant 1600000 : i32
        %add3A_166 = arith.addi %add3A_165, %mul3A_164 : i32
        %mul3A_167 = arith.constant 200 : i32
        %mul3A_168 = arith.muli %add3A_162, %mul3A_167 : i32
        %add3A_169 = arith.addi %add3A_166, %mul3A_168 : i32
        %dma_start3A_170 = tpu.memref_slice %arg4[%add3A_169] : memref<3200000xi32, #tpu.memory_space<hbm>> -> memref<200xi32, #tpu.memory_space<hbm>>
        %dma_start3A_171 = tpu.memref_slice %arg4[%add3A_169] : memref<3200000xi32, #tpu.memory_space<hbm>> -> memref<200xi32, #tpu.memory_space<hbm>>
        tpu.enqueue_dma source(%dma_start3A_171 : memref<200xi32, #tpu.memory_space<hbm>>) target(%arg8 : memref<200xi32, #tpu.memory_space<vmem>>) target_semaphore(%arg16 : memref<!tpu.dma_semaphore, #tpu.memory_space<semaphore_mem>>)
        %mul3A_172 = arith.constant 50000 : i32
        %mul3A_173 = arith.muli %add3A, %mul3A_172 : i32
        %add3A_174 = arith.constant 1600000 : i32
        %add3A_175 = arith.addi %add3A_174, %mul3A_173 : i32
        %mul3A_176 = arith.constant 200 : i32
        %mul3A_177 = arith.muli %add3A_162, %mul3A_176 : i32
        %add3A_178 = arith.addi %add3A_175, %mul3A_177 : i32
        %dma_start3A_179 = tpu.memref_slice %arg5[%add3A_178] : memref<3200000xi32, #tpu.memory_space<hbm>> -> memref<200xi32, #tpu.memory_space<hbm>>
        %dma_start3A_180 = tpu.memref_slice %arg5[%add3A_178] : memref<3200000xi32, #tpu.memory_space<hbm>> -> memref<200xi32, #tpu.memory_space<hbm>>
        tpu.enqueue_dma source(%dma_start3A_180 : memref<200xi32, #tpu.memory_space<hbm>>) target(%arg10 : memref<200xi32, #tpu.memory_space<vmem>>) target_semaphore(%arg16 : memref<!tpu.dma_semaphore, #tpu.memory_space<semaphore_mem>>)
      } else {
      }
    }
    %scan3A_20 = arith.constant 125 : i32
    %dma_wait3A = arith.constant 0 : i32
    %dma_wait3A_21 = arith.constant 0 : i32
    %dma_wait3A_22 = tpu.memref_slice %arg2[%dma_wait3A, %dma_wait3A_21] : memref<100000x32xf32, #tpu.memory_space<hbm>> -> memref<100000x32xf32, #tpu.memory_space<hbm>>
    tpu.wait_indirect_dma semaphore(%arg19 : memref<!tpu.dma_semaphore, #tpu.memory_space<semaphore_mem>>) src(%dma_wait3A_22 : memref<100000x32xf32, #tpu.memory_space<hbm>>) dst(%arg13 : memref<200x32xf32, #tpu.memory_space<vmem>>)
    %dma_wait3A_23 = arith.constant 0 : i32
    %dma_wait3A_24 = arith.constant 0 : i32
    %dma_wait3A_25 = tpu.memref_slice %arg3[%dma_wait3A_23, %dma_wait3A_24] : memref<100000x32xf32, #tpu.memory_space<hbm>> -> memref<100000x32xf32, #tpu.memory_space<hbm>>
    tpu.wait_indirect_dma semaphore(%arg19 : memref<!tpu.dma_semaphore, #tpu.memory_space<semaphore_mem>>) src(%dma_wait3A_25 : memref<100000x32xf32, #tpu.memory_space<hbm>>) dst(%arg15 : memref<200x32xf32, #tpu.memory_space<vmem>>)
    %mul3A_26 = arith.constant 50000 : i32
    %mul3A_27 = arith.muli %add3A, %mul3A_26 : i32
    %add3A_28 = arith.constant 49800 : i32
    %add3A_29 = arith.addi %mul3A_27, %add3A_28 : i32
    %dma_start3A_30 = arith.constant 0 : i32
    %dma_start3A_31 = tpu.memref_slice %arg6[%add3A_29, %dma_start3A_30] : memref<1600000x32xf32, #tpu.memory_space<hbm>> -> memref<200x32xf32, #tpu.memory_space<hbm>>
    %dma_start3A_32 = arith.constant 0 : i32
    %dma_start3A_33 = tpu.memref_slice %arg6[%add3A_29, %dma_start3A_32] : memref<1600000x32xf32, #tpu.memory_space<hbm>> -> memref<200x32xf32, #tpu.memory_space<hbm>>
    tpu.enqueue_dma source(%arg13 : memref<200x32xf32, #tpu.memory_space<vmem>>) target(%dma_start3A_33 : memref<200x32xf32, #tpu.memory_space<hbm>>) target_semaphore(%arg21 : memref<!tpu.dma_semaphore, #tpu.memory_space<semaphore_mem>>)
    %mul3A_34 = arith.constant 50000 : i32
    %mul3A_35 = arith.muli %add3A, %mul3A_34 : i32
    %add3A_36 = arith.constant 49800 : i32
    %add3A_37 = arith.addi %mul3A_35, %add3A_36 : i32
    %dma_start3A_38 = arith.constant 0 : i32
    %dma_start3A_39 = tpu.memref_slice %arg7[%add3A_37, %dma_start3A_38] : memref<1600000x32xf32, #tpu.memory_space<hbm>> -> memref<200x32xf32, #tpu.memory_space<hbm>>
    %dma_start3A_40 = arith.constant 0 : i32
    %dma_start3A_41 = tpu.memref_slice %arg7[%add3A_37, %dma_start3A_40] : memref<1600000x32xf32, #tpu.memory_space<hbm>> -> memref<200x32xf32, #tpu.memory_space<hbm>>
    tpu.enqueue_dma source(%arg15 : memref<200x32xf32, #tpu.memory_space<vmem>>) target(%dma_start3A_41 : memref<200x32xf32, #tpu.memory_space<hbm>>) target_semaphore(%arg21 : memref<!tpu.dma_semaphore, #tpu.memory_space<semaphore_mem>>)
    %mul3A_42 = arith.constant 50000 : i32
    %mul3A_43 = arith.muli %add3A, %mul3A_42 : i32
    %add3A_44 = arith.constant 49600 : i32
    %add3A_45 = arith.addi %mul3A_43, %add3A_44 : i32
    %dma_wait3A_46 = arith.constant 0 : i32
    %dma_wait3A_47 = tpu.memref_slice %arg6[%add3A_45, %dma_wait3A_46] : memref<1600000x32xf32, #tpu.memory_space<hbm>> -> memref<200x32xf32, #tpu.memory_space<hbm>>
    %dma_wait3A_48 = arith.constant 0 : i32
    %dma_wait3A_49 = tpu.memref_slice %arg6[%add3A_45, %dma_wait3A_48] : memref<1600000x32xf32, #tpu.memory_space<hbm>> -> memref<200x32xf32, #tpu.memory_space<hbm>>
    tpu.wait_dma2 semaphore(%arg20 : memref<!tpu.dma_semaphore, #tpu.memory_space<semaphore_mem>>) src(%arg12 : memref<200x32xf32, #tpu.memory_space<vmem>>) dst(%dma_wait3A_49 : memref<200x32xf32, #tpu.memory_space<hbm>>)
    %mul3A_50 = arith.constant 50000 : i32
    %mul3A_51 = arith.muli %add3A, %mul3A_50 : i32
    %add3A_52 = arith.constant 49600 : i32
    %add3A_53 = arith.addi %mul3A_51, %add3A_52 : i32
    %dma_wait3A_54 = arith.constant 0 : i32
    %dma_wait3A_55 = tpu.memref_slice %arg7[%add3A_53, %dma_wait3A_54] : memref<1600000x32xf32, #tpu.memory_space<hbm>> -> memref<200x32xf32, #tpu.memory_space<hbm>>
    %dma_wait3A_56 = arith.constant 0 : i32
    %dma_wait3A_57 = tpu.memref_slice %arg7[%add3A_53, %dma_wait3A_56] : memref<1600000x32xf32, #tpu.memory_space<hbm>> -> memref<200x32xf32, #tpu.memory_space<hbm>>
    tpu.wait_dma2 semaphore(%arg20 : memref<!tpu.dma_semaphore, #tpu.memory_space<semaphore_mem>>) src(%arg14 : memref<200x32xf32, #tpu.memory_space<vmem>>) dst(%dma_wait3A_57 : memref<200x32xf32, #tpu.memory_space<hbm>>)
    %mul3A_58 = arith.constant 50000 : i32
    %mul3A_59 = arith.muli %add3A, %mul3A_58 : i32
    %add3A_60 = arith.constant 49800 : i32
    %add3A_61 = arith.addi %mul3A_59, %add3A_60 : i32
    %dma_wait3A_62 = arith.constant 0 : i32
    %dma_wait3A_63 = tpu.memref_slice %arg6[%add3A_61, %dma_wait3A_62] : memref<1600000x32xf32, #tpu.memory_space<hbm>> -> memref<200x32xf32, #tpu.memory_space<hbm>>
    %dma_wait3A_64 = arith.constant 0 : i32
    %dma_wait3A_65 = tpu.memref_slice %arg6[%add3A_61, %dma_wait3A_64] : memref<1600000x32xf32, #tpu.memory_space<hbm>> -> memref<200x32xf32, #tpu.memory_space<hbm>>
    tpu.wait_dma2 semaphore(%arg21 : memref<!tpu.dma_semaphore, #tpu.memory_space<semaphore_mem>>) src(%arg13 : memref<200x32xf32, #tpu.memory_space<vmem>>) dst(%dma_wait3A_65 : memref<200x32xf32, #tpu.memory_space<hbm>>)
    %mul3A_66 = arith.constant 50000 : i32
    %mul3A_67 = arith.muli %add3A, %mul3A_66 : i32
    %add3A_68 = arith.constant 49800 : i32
    %add3A_69 = arith.addi %mul3A_67, %add3A_68 : i32
    %dma_wait3A_70 = arith.constant 0 : i32
    %dma_wait3A_71 = tpu.memref_slice %arg7[%add3A_69, %dma_wait3A_70] : memref<1600000x32xf32, #tpu.memory_space<hbm>> -> memref<200x32xf32, #tpu.memory_space<hbm>>
    %dma_wait3A_72 = arith.constant 0 : i32
    %dma_wait3A_73 = tpu.memref_slice %arg7[%add3A_69, %dma_wait3A_72] : memref<1600000x32xf32, #tpu.memory_space<hbm>> -> memref<200x32xf32, #tpu.memory_space<hbm>>
    tpu.wait_dma2 semaphore(%arg21 : memref<!tpu.dma_semaphore, #tpu.memory_space<semaphore_mem>>) src(%arg15 : memref<200x32xf32, #tpu.memory_space<vmem>>) dst(%dma_wait3A_73 : memref<200x32xf32, #tpu.memory_space<hbm>>)
    return
  }
}

#map = affine_map<(d0, d1) -> (0, 0)>
#map1 = affine_map<(d0, d1) -> (0)>
module attributes {stable_mosaic.version = 14 : i64} {
  func.func @_sc_gather(%arg0: i32, %arg1: i32, %arg2: memref<100000x32xf32, #tpu.memory_space<hbm>>, %arg3: memref<100000x32xf32, #tpu.memory_space<hbm>>, %arg4: memref<3200000xi32, #tpu.memory_space<hbm>>, %arg5: memref<3200000xi32, #tpu.memory_space<hbm>>, %arg6: memref<1600000x32xf32, #tpu.memory_space<hbm>>, %arg7: memref<1600000x32xf32, #tpu.memory_space<hbm>>, %arg8: memref<200xi32, #tpu.memory_space<vmem>>, %arg9: memref<200xi32, #tpu.memory_space<vmem>>, %arg10: memref<200xi32, #tpu.memory_space<vmem>>, %arg11: memref<200xi32, #tpu.memory_space<vmem>>, %arg12: memref<200x32xf32, #tpu.memory_space<vmem>>, %arg13: memref<200x32xf32, #tpu.memory_space<vmem>>, %arg14: memref<200x32xf32, #tpu.memory_space<vmem>>, %arg15: memref<200x32xf32, #tpu.memory_space<vmem>>, %arg16: memref<!tpu.dma_semaphore, #tpu.memory_space<semaphore_mem>>, %arg17: memref<!tpu.dma_semaphore, #tpu.memory_space<semaphore_mem>>, %arg18: memref<!tpu.dma_semaphore, #tpu.memory_space<semaphore_mem>>, %arg19: memref<!tpu.dma_semaphore, #tpu.memory_space<semaphore_mem>>, %arg20: memref<!tpu.dma_semaphore, #tpu.memory_space<semaphore_mem>>, %arg21: memref<!tpu.dma_semaphore, #tpu.memory_space<semaphore_mem>>) attributes {dimension_semantics = [#tpu.dimension_semantics<core_parallel>, #tpu.dimension_semantics<subcore_parallel>], iteration_bounds = array<i64: 2, 16>, scalar_prefetch = 0 : i64, scratch_operands = 14 : i64, tpu.core_type = #tpu.core_type<sc_vector_subcore>, window_params = [{transform_indices = #map}, {transform_indices = #map}, {transform_indices = #map1}, {transform_indices = #map1}, {transform_indices = #map}, {transform_indices = #map}]} {
    %mul3A = arith.constant 2 : i32
    %mul3A_0 = arith.muli %arg1, %mul3A : i32
    %add3A = arith.addi %mul3A_0, %arg0 : i32
    %mul3A_1 = arith.constant 50000 : i32
    %mul3A_2 = arith.muli %add3A, %mul3A_1 : i32
    %add3A_3 = arith.constant 0 : i32
    %add3A_4 = arith.addi %add3A_3, %mul3A_2 : i32
    %add3A_5 = arith.constant 0 : i32
    %add3A_6 = arith.addi %add3A_4, %add3A_5 : i32
    %dma_start3A = tpu.memref_slice %arg4[%add3A_6] : memref<3200000xi32, #tpu.memory_space<hbm>> -> memref<200xi32, #tpu.memory_space<hbm>>
    %dma_start3A_7 = tpu.memref_slice %arg4[%add3A_6] : memref<3200000xi32, #tpu.memory_space<hbm>> -> memref<200xi32, #tpu.memory_space<hbm>>
    tpu.enqueue_dma source(%dma_start3A_7 : memref<200xi32, #tpu.memory_space<hbm>>) target(%arg8 : memref<200xi32, #tpu.memory_space<vmem>>) target_semaphore(%arg16 : memref<!tpu.dma_semaphore, #tpu.memory_space<semaphore_mem>>)
    %mul3A_8 = arith.constant 50000 : i32
    %mul3A_9 = arith.muli %add3A, %mul3A_8 : i32
    %add3A_10 = arith.constant 0 : i32
    %add3A_11 = arith.addi %add3A_10, %mul3A_9 : i32
    %add3A_12 = arith.constant 0 : i32
    %add3A_13 = arith.addi %add3A_11, %add3A_12 : i32
    %dma_start3A_14 = tpu.memref_slice %arg5[%add3A_13] : memref<3200000xi32, #tpu.memory_space<hbm>> -> memref<200xi32, #tpu.memory_space<hbm>>
    %dma_start3A_15 = tpu.memref_slice %arg5[%add3A_13] : memref<3200000xi32, #tpu.memory_space<hbm>> -> memref<200xi32, #tpu.memory_space<hbm>>
    tpu.enqueue_dma source(%dma_start3A_15 : memref<200xi32, #tpu.memory_space<hbm>>) target(%arg10 : memref<200xi32, #tpu.memory_space<vmem>>) target_semaphore(%arg16 : memref<!tpu.dma_semaphore, #tpu.memory_space<semaphore_mem>>)
    %scan3A = arith.constant 0 : i32
    %scan3A_16 = arith.constant 0 : i32
    %scan3A_17 = arith.constant 125 : i32
    %scan3A_18 = arith.addi %scan3A_16, %scan3A_17 : i32
    %scan3A_19 = arith.constant 1 : i32
    scf.for %scan3A_74 = %scan3A_16 to %scan3A_18 step %scan3A_19  : i32 {
      %mul3A_75 = arith.constant 2 : i32
      %mul3A_76 = arith.muli %mul3A_75, %scan3A_74 : i32
      %add3A_77 = arith.constant 0 : i32
      %add3A_78 = arith.addi %mul3A_76, %add3A_77 : i32
      %ge3A = arith.constant 2 : i32
      %ge3A_79 = arith.cmpi sge, %add3A_78, %ge3A : i32
      %convert_element_type3A = arith.extui %ge3A_79 : i1 to i32
      %cond3A = arith.constant 0 : i32
      %cond3A_80 = arith.cmpi ne, %convert_element_type3A, %cond3A : i32
      scf.if %cond3A_80 {
        %sub3A = arith.constant 2 : i32
        %sub3A_161 = arith.subi %add3A_78, %sub3A : i32
        %mul3A_162 = arith.constant 50000 : i32
        %mul3A_163 = arith.muli %add3A, %mul3A_162 : i32
        %mul3A_164 = arith.constant 200 : i32
        %mul3A_165 = arith.muli %sub3A_161, %mul3A_164 : i32
        %add3A_166 = arith.addi %mul3A_163, %mul3A_165 : i32
        %dma_wait3A_167 = arith.constant 0 : i32
        %dma_wait3A_168 = tpu.memref_slice %arg6[%add3A_166, %dma_wait3A_167] : memref<1600000x32xf32, #tpu.memory_space<hbm>> -> memref<200x32xf32, #tpu.memory_space<hbm>>
        %dma_wait3A_169 = arith.constant 0 : i32
        %dma_wait3A_170 = tpu.memref_slice %arg6[%add3A_166, %dma_wait3A_169] : memref<1600000x32xf32, #tpu.memory_space<hbm>> -> memref<200x32xf32, #tpu.memory_space<hbm>>
        tpu.wait_dma2 semaphore(%arg20 : memref<!tpu.dma_semaphore, #tpu.memory_space<semaphore_mem>>) src(%arg12 : memref<200x32xf32, #tpu.memory_space<vmem>>) dst(%dma_wait3A_170 : memref<200x32xf32, #tpu.memory_space<hbm>>)
        %mul3A_171 = arith.constant 50000 : i32
        %mul3A_172 = arith.muli %add3A, %mul3A_171 : i32
        %mul3A_173 = arith.constant 200 : i32
        %mul3A_174 = arith.muli %sub3A_161, %mul3A_173 : i32
        %add3A_175 = arith.addi %mul3A_172, %mul3A_174 : i32
        %dma_wait3A_176 = arith.constant 0 : i32
        %dma_wait3A_177 = tpu.memref_slice %arg7[%add3A_175, %dma_wait3A_176] : memref<1600000x32xf32, #tpu.memory_space<hbm>> -> memref<200x32xf32, #tpu.memory_space<hbm>>
        %dma_wait3A_178 = arith.constant 0 : i32
        %dma_wait3A_179 = tpu.memref_slice %arg7[%add3A_175, %dma_wait3A_178] : memref<1600000x32xf32, #tpu.memory_space<hbm>> -> memref<200x32xf32, #tpu.memory_space<hbm>>
        tpu.wait_dma2 semaphore(%arg20 : memref<!tpu.dma_semaphore, #tpu.memory_space<semaphore_mem>>) src(%arg14 : memref<200x32xf32, #tpu.memory_space<vmem>>) dst(%dma_wait3A_179 : memref<200x32xf32, #tpu.memory_space<hbm>>)
      } else {
      }
      %ge3A_81 = arith.constant 1 : i32
      %ge3A_82 = arith.cmpi sge, %add3A_78, %ge3A_81 : i32
      %convert_element_type3A_83 = arith.extui %ge3A_82 : i1 to i32
      %cond3A_84 = arith.constant 0 : i32
      %cond3A_85 = arith.cmpi ne, %convert_element_type3A_83, %cond3A_84 : i32
      scf.if %cond3A_85 {
        %dma_wait3A_161 = arith.constant 0 : i32
        %dma_wait3A_162 = arith.constant 0 : i32
        %dma_wait3A_163 = tpu.memref_slice %arg2[%dma_wait3A_161, %dma_wait3A_162] : memref<100000x32xf32, #tpu.memory_space<hbm>> -> memref<100000x32xf32, #tpu.memory_space<hbm>>
        tpu.wait_indirect_dma semaphore(%arg19 : memref<!tpu.dma_semaphore, #tpu.memory_space<semaphore_mem>>) src(%dma_wait3A_163 : memref<100000x32xf32, #tpu.memory_space<hbm>>) dst(%arg13 : memref<200x32xf32, #tpu.memory_space<vmem>>)
        %dma_wait3A_164 = arith.constant 0 : i32
        %dma_wait3A_165 = arith.constant 0 : i32
        %dma_wait3A_166 = tpu.memref_slice %arg3[%dma_wait3A_164, %dma_wait3A_165] : memref<100000x32xf32, #tpu.memory_space<hbm>> -> memref<100000x32xf32, #tpu.memory_space<hbm>>
        tpu.wait_indirect_dma semaphore(%arg19 : memref<!tpu.dma_semaphore, #tpu.memory_space<semaphore_mem>>) src(%dma_wait3A_166 : memref<100000x32xf32, #tpu.memory_space<hbm>>) dst(%arg15 : memref<200x32xf32, #tpu.memory_space<vmem>>)
        %sub3A = arith.constant 1 : i32
        %sub3A_167 = arith.subi %add3A_78, %sub3A : i32
        %mul3A_168 = arith.constant 50000 : i32
        %mul3A_169 = arith.muli %add3A, %mul3A_168 : i32
        %mul3A_170 = arith.constant 200 : i32
        %mul3A_171 = arith.muli %sub3A_167, %mul3A_170 : i32
        %add3A_172 = arith.addi %mul3A_169, %mul3A_171 : i32
        %dma_start3A_173 = arith.constant 0 : i32
        %dma_start3A_174 = tpu.memref_slice %arg6[%add3A_172, %dma_start3A_173] : memref<1600000x32xf32, #tpu.memory_space<hbm>> -> memref<200x32xf32, #tpu.memory_space<hbm>>
        %dma_start3A_175 = arith.constant 0 : i32
        %dma_start3A_176 = tpu.memref_slice %arg6[%add3A_172, %dma_start3A_175] : memref<1600000x32xf32, #tpu.memory_space<hbm>> -> memref<200x32xf32, #tpu.memory_space<hbm>>
        tpu.enqueue_dma source(%arg13 : memref<200x32xf32, #tpu.memory_space<vmem>>) target(%dma_start3A_176 : memref<200x32xf32, #tpu.memory_space<hbm>>) target_semaphore(%arg21 : memref<!tpu.dma_semaphore, #tpu.memory_space<semaphore_mem>>)
        %mul3A_177 = arith.constant 50000 : i32
        %mul3A_178 = arith.muli %add3A, %mul3A_177 : i32
        %mul3A_179 = arith.constant 200 : i32
        %mul3A_180 = arith.muli %sub3A_167, %mul3A_179 : i32
        %add3A_181 = arith.addi %mul3A_178, %mul3A_180 : i32
        %dma_start3A_182 = arith.constant 0 : i32
        %dma_start3A_183 = tpu.memref_slice %arg7[%add3A_181, %dma_start3A_182] : memref<1600000x32xf32, #tpu.memory_space<hbm>> -> memref<200x32xf32, #tpu.memory_space<hbm>>
        %dma_start3A_184 = arith.constant 0 : i32
        %dma_start3A_185 = tpu.memref_slice %arg7[%add3A_181, %dma_start3A_184] : memref<1600000x32xf32, #tpu.memory_space<hbm>> -> memref<200x32xf32, #tpu.memory_space<hbm>>
        tpu.enqueue_dma source(%arg15 : memref<200x32xf32, #tpu.memory_space<vmem>>) target(%dma_start3A_185 : memref<200x32xf32, #tpu.memory_space<hbm>>) target_semaphore(%arg21 : memref<!tpu.dma_semaphore, #tpu.memory_space<semaphore_mem>>)
      } else {
      }
      %mul3A_86 = arith.constant 50000 : i32
      %mul3A_87 = arith.muli %add3A, %mul3A_86 : i32
      %add3A_88 = arith.constant 0 : i32
      %add3A_89 = arith.addi %add3A_88, %mul3A_87 : i32
      %mul3A_90 = arith.constant 200 : i32
      %mul3A_91 = arith.muli %add3A_78, %mul3A_90 : i32
      %add3A_92 = arith.addi %add3A_89, %mul3A_91 : i32
      %dma_wait3A_93 = tpu.memref_slice %arg4[%add3A_92] : memref<3200000xi32, #tpu.memory_space<hbm>> -> memref<200xi32, #tpu.memory_space<hbm>>
      %dma_wait3A_94 = tpu.memref_slice %arg4[%add3A_92] : memref<3200000xi32, #tpu.memory_space<hbm>> -> memref<200xi32, #tpu.memory_space<hbm>>
      tpu.wait_dma2 semaphore(%arg16 : memref<!tpu.dma_semaphore, #tpu.memory_space<semaphore_mem>>) src(%dma_wait3A_94 : memref<200xi32, #tpu.memory_space<hbm>>) dst(%arg8 : memref<200xi32, #tpu.memory_space<vmem>>)
      %mul3A_95 = arith.constant 50000 : i32
      %mul3A_96 = arith.muli %add3A, %mul3A_95 : i32
      %add3A_97 = arith.constant 0 : i32
      %add3A_98 = arith.addi %add3A_97, %mul3A_96 : i32
      %mul3A_99 = arith.constant 200 : i32
      %mul3A_100 = arith.muli %add3A_78, %mul3A_99 : i32
      %add3A_101 = arith.addi %add3A_98, %mul3A_100 : i32
      %dma_wait3A_102 = tpu.memref_slice %arg5[%add3A_101] : memref<3200000xi32, #tpu.memory_space<hbm>> -> memref<200xi32, #tpu.memory_space<hbm>>
      %dma_wait3A_103 = tpu.memref_slice %arg5[%add3A_101] : memref<3200000xi32, #tpu.memory_space<hbm>> -> memref<200xi32, #tpu.memory_space<hbm>>
      tpu.wait_dma2 semaphore(%arg16 : memref<!tpu.dma_semaphore, #tpu.memory_space<semaphore_mem>>) src(%dma_wait3A_103 : memref<200xi32, #tpu.memory_space<hbm>>) dst(%arg10 : memref<200xi32, #tpu.memory_space<vmem>>)
      %dma_start3A_104 = arith.constant 0 : i32
      %dma_start3A_105 = arith.constant 0 : i32
      %dma_start3A_106 = tpu.memref_slice %arg2[%dma_start3A_104, %dma_start3A_105] : memref<100000x32xf32, #tpu.memory_space<hbm>> -> memref<100000x32xf32, #tpu.memory_space<hbm>>
      tpu.enqueue_indirect_dma source(%dma_start3A_106 : memref<100000x32xf32, #tpu.memory_space<hbm>>) target(%arg12 : memref<200x32xf32, #tpu.memory_space<vmem>>) offsets(%arg8 : memref<200xi32, #tpu.memory_space<vmem>>) semaphore(%arg18 : memref<!tpu.dma_semaphore, #tpu.memory_space<semaphore_mem>>)
      %dma_start3A_107 = arith.constant 0 : i32
      %dma_start3A_108 = arith.constant 0 : i32
      %dma_start3A_109 = tpu.memref_slice %arg3[%dma_start3A_107, %dma_start3A_108] : memref<100000x32xf32, #tpu.memory_space<hbm>> -> memref<100000x32xf32, #tpu.memory_space<hbm>>
      tpu.enqueue_indirect_dma source(%dma_start3A_109 : memref<100000x32xf32, #tpu.memory_space<hbm>>) target(%arg14 : memref<200x32xf32, #tpu.memory_space<vmem>>) offsets(%arg10 : memref<200xi32, #tpu.memory_space<vmem>>) semaphore(%arg18 : memref<!tpu.dma_semaphore, #tpu.memory_space<semaphore_mem>>)
      %add3A_110 = arith.constant 1 : i32
      %add3A_111 = arith.addi %add3A_78, %add3A_110 : i32
      %lt3A = arith.constant 250 : i32
      %lt3A_112 = arith.cmpi slt, %add3A_111, %lt3A : i32
      %convert_element_type3A_113 = arith.extui %lt3A_112 : i1 to i32
      %cond3A_114 = arith.constant 0 : i32
      %cond3A_115 = arith.cmpi ne, %convert_element_type3A_113, %cond3A_114 : i32
      scf.if %cond3A_115 {
        %add3A_161 = arith.constant 1 : i32
        %add3A_162 = arith.addi %add3A_78, %add3A_161 : i32
        %mul3A_163 = arith.constant 50000 : i32
        %mul3A_164 = arith.muli %add3A, %mul3A_163 : i32
        %add3A_165 = arith.constant 0 : i32
        %add3A_166 = arith.addi %add3A_165, %mul3A_164 : i32
        %mul3A_167 = arith.constant 200 : i32
        %mul3A_168 = arith.muli %add3A_162, %mul3A_167 : i32
        %add3A_169 = arith.addi %add3A_166, %mul3A_168 : i32
        %dma_start3A_170 = tpu.memref_slice %arg4[%add3A_169] : memref<3200000xi32, #tpu.memory_space<hbm>> -> memref<200xi32, #tpu.memory_space<hbm>>
        %dma_start3A_171 = tpu.memref_slice %arg4[%add3A_169] : memref<3200000xi32, #tpu.memory_space<hbm>> -> memref<200xi32, #tpu.memory_space<hbm>>
        tpu.enqueue_dma source(%dma_start3A_171 : memref<200xi32, #tpu.memory_space<hbm>>) target(%arg9 : memref<200xi32, #tpu.memory_space<vmem>>) target_semaphore(%arg17 : memref<!tpu.dma_semaphore, #tpu.memory_space<semaphore_mem>>)
        %mul3A_172 = arith.constant 50000 : i32
        %mul3A_173 = arith.muli %add3A, %mul3A_172 : i32
        %add3A_174 = arith.constant 0 : i32
        %add3A_175 = arith.addi %add3A_174, %mul3A_173 : i32
        %mul3A_176 = arith.constant 200 : i32
        %mul3A_177 = arith.muli %add3A_162, %mul3A_176 : i32
        %add3A_178 = arith.addi %add3A_175, %mul3A_177 : i32
        %dma_start3A_179 = tpu.memref_slice %arg5[%add3A_178] : memref<3200000xi32, #tpu.memory_space<hbm>> -> memref<200xi32, #tpu.memory_space<hbm>>
        %dma_start3A_180 = tpu.memref_slice %arg5[%add3A_178] : memref<3200000xi32, #tpu.memory_space<hbm>> -> memref<200xi32, #tpu.memory_space<hbm>>
        tpu.enqueue_dma source(%dma_start3A_180 : memref<200xi32, #tpu.memory_space<hbm>>) target(%arg11 : memref<200xi32, #tpu.memory_space<vmem>>) target_semaphore(%arg17 : memref<!tpu.dma_semaphore, #tpu.memory_space<semaphore_mem>>)
      } else {
      }
      %mul3A_116 = arith.constant 2 : i32
      %mul3A_117 = arith.muli %mul3A_116, %scan3A_74 : i32
      %add3A_118 = arith.constant 1 : i32
      %add3A_119 = arith.addi %mul3A_117, %add3A_118 : i32
      %ge3A_120 = arith.constant 2 : i32
      %ge3A_121 = arith.cmpi sge, %add3A_119, %ge3A_120 : i32
      %convert_element_type3A_122 = arith.extui %ge3A_121 : i1 to i32
      %cond3A_123 = arith.constant 0 : i32
      %cond3A_124 = arith.cmpi ne, %convert_element_type3A_122, %cond3A_123 : i32
      scf.if %cond3A_124 {
        %sub3A = arith.constant 2 : i32
        %sub3A_161 = arith.subi %add3A_119, %sub3A : i32
        %mul3A_162 = arith.constant 50000 : i32
        %mul3A_163 = arith.muli %add3A, %mul3A_162 : i32
        %mul3A_164 = arith.constant 200 : i32
        %mul3A_165 = arith.muli %sub3A_161, %mul3A_164 : i32
        %add3A_166 = arith.addi %mul3A_163, %mul3A_165 : i32
        %dma_wait3A_167 = arith.constant 0 : i32
        %dma_wait3A_168 = tpu.memref_slice %arg6[%add3A_166, %dma_wait3A_167] : memref<1600000x32xf32, #tpu.memory_space<hbm>> -> memref<200x32xf32, #tpu.memory_space<hbm>>
        %dma_wait3A_169 = arith.constant 0 : i32
        %dma_wait3A_170 = tpu.memref_slice %arg6[%add3A_166, %dma_wait3A_169] : memref<1600000x32xf32, #tpu.memory_space<hbm>> -> memref<200x32xf32, #tpu.memory_space<hbm>>
        tpu.wait_dma2 semaphore(%arg21 : memref<!tpu.dma_semaphore, #tpu.memory_space<semaphore_mem>>) src(%arg13 : memref<200x32xf32, #tpu.memory_space<vmem>>) dst(%dma_wait3A_170 : memref<200x32xf32, #tpu.memory_space<hbm>>)
        %mul3A_171 = arith.constant 50000 : i32
        %mul3A_172 = arith.muli %add3A, %mul3A_171 : i32
        %mul3A_173 = arith.constant 200 : i32
        %mul3A_174 = arith.muli %sub3A_161, %mul3A_173 : i32
        %add3A_175 = arith.addi %mul3A_172, %mul3A_174 : i32
        %dma_wait3A_176 = arith.constant 0 : i32
        %dma_wait3A_177 = tpu.memref_slice %arg7[%add3A_175, %dma_wait3A_176] : memref<1600000x32xf32, #tpu.memory_space<hbm>> -> memref<200x32xf32, #tpu.memory_space<hbm>>
        %dma_wait3A_178 = arith.constant 0 : i32
        %dma_wait3A_179 = tpu.memref_slice %arg7[%add3A_175, %dma_wait3A_178] : memref<1600000x32xf32, #tpu.memory_space<hbm>> -> memref<200x32xf32, #tpu.memory_space<hbm>>
        tpu.wait_dma2 semaphore(%arg21 : memref<!tpu.dma_semaphore, #tpu.memory_space<semaphore_mem>>) src(%arg15 : memref<200x32xf32, #tpu.memory_space<vmem>>) dst(%dma_wait3A_179 : memref<200x32xf32, #tpu.memory_space<hbm>>)
      } else {
      }
      %ge3A_125 = arith.constant 1 : i32
      %ge3A_126 = arith.cmpi sge, %add3A_119, %ge3A_125 : i32
      %convert_element_type3A_127 = arith.extui %ge3A_126 : i1 to i32
      %cond3A_128 = arith.constant 0 : i32
      %cond3A_129 = arith.cmpi ne, %convert_element_type3A_127, %cond3A_128 : i32
      scf.if %cond3A_129 {
        %dma_wait3A_161 = arith.constant 0 : i32
        %dma_wait3A_162 = arith.constant 0 : i32
        %dma_wait3A_163 = tpu.memref_slice %arg2[%dma_wait3A_161, %dma_wait3A_162] : memref<100000x32xf32, #tpu.memory_space<hbm>> -> memref<100000x32xf32, #tpu.memory_space<hbm>>
        tpu.wait_indirect_dma semaphore(%arg18 : memref<!tpu.dma_semaphore, #tpu.memory_space<semaphore_mem>>) src(%dma_wait3A_163 : memref<100000x32xf32, #tpu.memory_space<hbm>>) dst(%arg12 : memref<200x32xf32, #tpu.memory_space<vmem>>)
        %dma_wait3A_164 = arith.constant 0 : i32
        %dma_wait3A_165 = arith.constant 0 : i32
        %dma_wait3A_166 = tpu.memref_slice %arg3[%dma_wait3A_164, %dma_wait3A_165] : memref<100000x32xf32, #tpu.memory_space<hbm>> -> memref<100000x32xf32, #tpu.memory_space<hbm>>
        tpu.wait_indirect_dma semaphore(%arg18 : memref<!tpu.dma_semaphore, #tpu.memory_space<semaphore_mem>>) src(%dma_wait3A_166 : memref<100000x32xf32, #tpu.memory_space<hbm>>) dst(%arg14 : memref<200x32xf32, #tpu.memory_space<vmem>>)
        %sub3A = arith.constant 1 : i32
        %sub3A_167 = arith.subi %add3A_119, %sub3A : i32
        %mul3A_168 = arith.constant 50000 : i32
        %mul3A_169 = arith.muli %add3A, %mul3A_168 : i32
        %mul3A_170 = arith.constant 200 : i32
        %mul3A_171 = arith.muli %sub3A_167, %mul3A_170 : i32
        %add3A_172 = arith.addi %mul3A_169, %mul3A_171 : i32
        %dma_start3A_173 = arith.constant 0 : i32
        %dma_start3A_174 = tpu.memref_slice %arg6[%add3A_172, %dma_start3A_173] : memref<1600000x32xf32, #tpu.memory_space<hbm>> -> memref<200x32xf32, #tpu.memory_space<hbm>>
        %dma_start3A_175 = arith.constant 0 : i32
        %dma_start3A_176 = tpu.memref_slice %arg6[%add3A_172, %dma_start3A_175] : memref<1600000x32xf32, #tpu.memory_space<hbm>> -> memref<200x32xf32, #tpu.memory_space<hbm>>
        tpu.enqueue_dma source(%arg12 : memref<200x32xf32, #tpu.memory_space<vmem>>) target(%dma_start3A_176 : memref<200x32xf32, #tpu.memory_space<hbm>>) target_semaphore(%arg20 : memref<!tpu.dma_semaphore, #tpu.memory_space<semaphore_mem>>)
        %mul3A_177 = arith.constant 50000 : i32
        %mul3A_178 = arith.muli %add3A, %mul3A_177 : i32
        %mul3A_179 = arith.constant 200 : i32
        %mul3A_180 = arith.muli %sub3A_167, %mul3A_179 : i32
        %add3A_181 = arith.addi %mul3A_178, %mul3A_180 : i32
        %dma_start3A_182 = arith.constant 0 : i32
        %dma_start3A_183 = tpu.memref_slice %arg7[%add3A_181, %dma_start3A_182] : memref<1600000x32xf32, #tpu.memory_space<hbm>> -> memref<200x32xf32, #tpu.memory_space<hbm>>
        %dma_start3A_184 = arith.constant 0 : i32
        %dma_start3A_185 = tpu.memref_slice %arg7[%add3A_181, %dma_start3A_184] : memref<1600000x32xf32, #tpu.memory_space<hbm>> -> memref<200x32xf32, #tpu.memory_space<hbm>>
        tpu.enqueue_dma source(%arg14 : memref<200x32xf32, #tpu.memory_space<vmem>>) target(%dma_start3A_185 : memref<200x32xf32, #tpu.memory_space<hbm>>) target_semaphore(%arg20 : memref<!tpu.dma_semaphore, #tpu.memory_space<semaphore_mem>>)
      } else {
      }
      %mul3A_130 = arith.constant 50000 : i32
      %mul3A_131 = arith.muli %add3A, %mul3A_130 : i32
      %add3A_132 = arith.constant 0 : i32
      %add3A_133 = arith.addi %add3A_132, %mul3A_131 : i32
      %mul3A_134 = arith.constant 200 : i32
      %mul3A_135 = arith.muli %add3A_119, %mul3A_134 : i32
      %add3A_136 = arith.addi %add3A_133, %mul3A_135 : i32
      %dma_wait3A_137 = tpu.memref_slice %arg4[%add3A_136] : memref<3200000xi32, #tpu.memory_space<hbm>> -> memref<200xi32, #tpu.memory_space<hbm>>
      %dma_wait3A_138 = tpu.memref_slice %arg4[%add3A_136] : memref<3200000xi32, #tpu.memory_space<hbm>> -> memref<200xi32, #tpu.memory_space<hbm>>
      tpu.wait_dma2 semaphore(%arg17 : memref<!tpu.dma_semaphore, #tpu.memory_space<semaphore_mem>>) src(%dma_wait3A_138 : memref<200xi32, #tpu.memory_space<hbm>>) dst(%arg9 : memref<200xi32, #tpu.memory_space<vmem>>)
      %mul3A_139 = arith.constant 50000 : i32
      %mul3A_140 = arith.muli %add3A, %mul3A_139 : i32
      %add3A_141 = arith.constant 0 : i32
      %add3A_142 = arith.addi %add3A_141, %mul3A_140 : i32
      %mul3A_143 = arith.constant 200 : i32
      %mul3A_144 = arith.muli %add3A_119, %mul3A_143 : i32
      %add3A_145 = arith.addi %add3A_142, %mul3A_144 : i32
      %dma_wait3A_146 = tpu.memref_slice %arg5[%add3A_145] : memref<3200000xi32, #tpu.memory_space<hbm>> -> memref<200xi32, #tpu.memory_space<hbm>>
      %dma_wait3A_147 = tpu.memref_slice %arg5[%add3A_145] : memref<3200000xi32, #tpu.memory_space<hbm>> -> memref<200xi32, #tpu.memory_space<hbm>>
      tpu.wait_dma2 semaphore(%arg17 : memref<!tpu.dma_semaphore, #tpu.memory_space<semaphore_mem>>) src(%dma_wait3A_147 : memref<200xi32, #tpu.memory_space<hbm>>) dst(%arg11 : memref<200xi32, #tpu.memory_space<vmem>>)
      %dma_start3A_148 = arith.constant 0 : i32
      %dma_start3A_149 = arith.constant 0 : i32
      %dma_start3A_150 = tpu.memref_slice %arg2[%dma_start3A_148, %dma_start3A_149] : memref<100000x32xf32, #tpu.memory_space<hbm>> -> memref<100000x32xf32, #tpu.memory_space<hbm>>
      tpu.enqueue_indirect_dma source(%dma_start3A_150 : memref<100000x32xf32, #tpu.memory_space<hbm>>) target(%arg13 : memref<200x32xf32, #tpu.memory_space<vmem>>) offsets(%arg9 : memref<200xi32, #tpu.memory_space<vmem>>) semaphore(%arg19 : memref<!tpu.dma_semaphore, #tpu.memory_space<semaphore_mem>>)
      %dma_start3A_151 = arith.constant 0 : i32
      %dma_start3A_152 = arith.constant 0 : i32
      %dma_start3A_153 = tpu.memref_slice %arg3[%dma_start3A_151, %dma_start3A_152] : memref<100000x32xf32, #tpu.memory_space<hbm>> -> memref<100000x32xf32, #tpu.memory_space<hbm>>
      tpu.enqueue_indirect_dma source(%dma_start3A_153 : memref<100000x32xf32, #tpu.memory_space<hbm>>) target(%arg15 : memref<200x32xf32, #tpu.memory_space<vmem>>) offsets(%arg11 : memref<200xi32, #tpu.memory_space<vmem>>) semaphore(%arg19 : memref<!tpu.dma_semaphore, #tpu.memory_space<semaphore_mem>>)
      %add3A_154 = arith.constant 1 : i32
      %add3A_155 = arith.addi %add3A_119, %add3A_154 : i32
      %lt3A_156 = arith.constant 250 : i32
      %lt3A_157 = arith.cmpi slt, %add3A_155, %lt3A_156 : i32
      %convert_element_type3A_158 = arith.extui %lt3A_157 : i1 to i32
      %cond3A_159 = arith.constant 0 : i32
      %cond3A_160 = arith.cmpi ne, %convert_element_type3A_158, %cond3A_159 : i32
      scf.if %cond3A_160 {
        %add3A_161 = arith.constant 1 : i32
        %add3A_162 = arith.addi %add3A_119, %add3A_161 : i32
        %mul3A_163 = arith.constant 50000 : i32
        %mul3A_164 = arith.muli %add3A, %mul3A_163 : i32
        %add3A_165 = arith.constant 0 : i32
        %add3A_166 = arith.addi %add3A_165, %mul3A_164 : i32
        %mul3A_167 = arith.constant 200 : i32
        %mul3A_168 = arith.muli %add3A_162, %mul3A_167 : i32
        %add3A_169 = arith.addi %add3A_166, %mul3A_168 : i32
        %dma_start3A_170 = tpu.memref_slice %arg4[%add3A_169] : memref<3200000xi32, #tpu.memory_space<hbm>> -> memref<200xi32, #tpu.memory_space<hbm>>
        %dma_start3A_171 = tpu.memref_slice %arg4[%add3A_169] : memref<3200000xi32, #tpu.memory_space<hbm>> -> memref<200xi32, #tpu.memory_space<hbm>>
        tpu.enqueue_dma source(%dma_start3A_171 : memref<200xi32, #tpu.memory_space<hbm>>) target(%arg8 : memref<200xi32, #tpu.memory_space<vmem>>) target_semaphore(%arg16 : memref<!tpu.dma_semaphore, #tpu.memory_space<semaphore_mem>>)
        %mul3A_172 = arith.constant 50000 : i32
        %mul3A_173 = arith.muli %add3A, %mul3A_172 : i32
        %add3A_174 = arith.constant 0 : i32
        %add3A_175 = arith.addi %add3A_174, %mul3A_173 : i32
        %mul3A_176 = arith.constant 200 : i32
        %mul3A_177 = arith.muli %add3A_162, %mul3A_176 : i32
        %add3A_178 = arith.addi %add3A_175, %mul3A_177 : i32
        %dma_start3A_179 = tpu.memref_slice %arg5[%add3A_178] : memref<3200000xi32, #tpu.memory_space<hbm>> -> memref<200xi32, #tpu.memory_space<hbm>>
        %dma_start3A_180 = tpu.memref_slice %arg5[%add3A_178] : memref<3200000xi32, #tpu.memory_space<hbm>> -> memref<200xi32, #tpu.memory_space<hbm>>
        tpu.enqueue_dma source(%dma_start3A_180 : memref<200xi32, #tpu.memory_space<hbm>>) target(%arg10 : memref<200xi32, #tpu.memory_space<vmem>>) target_semaphore(%arg16 : memref<!tpu.dma_semaphore, #tpu.memory_space<semaphore_mem>>)
      } else {
      }
    }
    %scan3A_20 = arith.constant 125 : i32
    %dma_wait3A = arith.constant 0 : i32
    %dma_wait3A_21 = arith.constant 0 : i32
    %dma_wait3A_22 = tpu.memref_slice %arg2[%dma_wait3A, %dma_wait3A_21] : memref<100000x32xf32, #tpu.memory_space<hbm>> -> memref<100000x32xf32, #tpu.memory_space<hbm>>
    tpu.wait_indirect_dma semaphore(%arg19 : memref<!tpu.dma_semaphore, #tpu.memory_space<semaphore_mem>>) src(%dma_wait3A_22 : memref<100000x32xf32, #tpu.memory_space<hbm>>) dst(%arg13 : memref<200x32xf32, #tpu.memory_space<vmem>>)
    %dma_wait3A_23 = arith.constant 0 : i32
    %dma_wait3A_24 = arith.constant 0 : i32
    %dma_wait3A_25 = tpu.memref_slice %arg3[%dma_wait3A_23, %dma_wait3A_24] : memref<100000x32xf32, #tpu.memory_space<hbm>> -> memref<100000x32xf32, #tpu.memory_space<hbm>>
    tpu.wait_indirect_dma semaphore(%arg19 : memref<!tpu.dma_semaphore, #tpu.memory_space<semaphore_mem>>) src(%dma_wait3A_25 : memref<100000x32xf32, #tpu.memory_space<hbm>>) dst(%arg15 : memref<200x32xf32, #tpu.memory_space<vmem>>)
    %mul3A_26 = arith.constant 50000 : i32
    %mul3A_27 = arith.muli %add3A, %mul3A_26 : i32
    %add3A_28 = arith.constant 49800 : i32
    %add3A_29 = arith.addi %mul3A_27, %add3A_28 : i32
    %dma_start3A_30 = arith.constant 0 : i32
    %dma_start3A_31 = tpu.memref_slice %arg6[%add3A_29, %dma_start3A_30] : memref<1600000x32xf32, #tpu.memory_space<hbm>> -> memref<200x32xf32, #tpu.memory_space<hbm>>
    %dma_start3A_32 = arith.constant 0 : i32
    %dma_start3A_33 = tpu.memref_slice %arg6[%add3A_29, %dma_start3A_32] : memref<1600000x32xf32, #tpu.memory_space<hbm>> -> memref<200x32xf32, #tpu.memory_space<hbm>>
    tpu.enqueue_dma source(%arg13 : memref<200x32xf32, #tpu.memory_space<vmem>>) target(%dma_start3A_33 : memref<200x32xf32, #tpu.memory_space<hbm>>) target_semaphore(%arg21 : memref<!tpu.dma_semaphore, #tpu.memory_space<semaphore_mem>>)
    %mul3A_34 = arith.constant 50000 : i32
    %mul3A_35 = arith.muli %add3A, %mul3A_34 : i32
    %add3A_36 = arith.constant 49800 : i32
    %add3A_37 = arith.addi %mul3A_35, %add3A_36 : i32
    %dma_start3A_38 = arith.constant 0 : i32
    %dma_start3A_39 = tpu.memref_slice %arg7[%add3A_37, %dma_start3A_38] : memref<1600000x32xf32, #tpu.memory_space<hbm>> -> memref<200x32xf32, #tpu.memory_space<hbm>>
    %dma_start3A_40 = arith.constant 0 : i32
    %dma_start3A_41 = tpu.memref_slice %arg7[%add3A_37, %dma_start3A_40] : memref<1600000x32xf32, #tpu.memory_space<hbm>> -> memref<200x32xf32, #tpu.memory_space<hbm>>
    tpu.enqueue_dma source(%arg15 : memref<200x32xf32, #tpu.memory_space<vmem>>) target(%dma_start3A_41 : memref<200x32xf32, #tpu.memory_space<hbm>>) target_semaphore(%arg21 : memref<!tpu.dma_semaphore, #tpu.memory_space<semaphore_mem>>)
    %mul3A_42 = arith.constant 50000 : i32
    %mul3A_43 = arith.muli %add3A, %mul3A_42 : i32
    %add3A_44 = arith.constant 49600 : i32
    %add3A_45 = arith.addi %mul3A_43, %add3A_44 : i32
    %dma_wait3A_46 = arith.constant 0 : i32
    %dma_wait3A_47 = tpu.memref_slice %arg6[%add3A_45, %dma_wait3A_46] : memref<1600000x32xf32, #tpu.memory_space<hbm>> -> memref<200x32xf32, #tpu.memory_space<hbm>>
    %dma_wait3A_48 = arith.constant 0 : i32
    %dma_wait3A_49 = tpu.memref_slice %arg6[%add3A_45, %dma_wait3A_48] : memref<1600000x32xf32, #tpu.memory_space<hbm>> -> memref<200x32xf32, #tpu.memory_space<hbm>>
    tpu.wait_dma2 semaphore(%arg20 : memref<!tpu.dma_semaphore, #tpu.memory_space<semaphore_mem>>) src(%arg12 : memref<200x32xf32, #tpu.memory_space<vmem>>) dst(%dma_wait3A_49 : memref<200x32xf32, #tpu.memory_space<hbm>>)
    %mul3A_50 = arith.constant 50000 : i32
    %mul3A_51 = arith.muli %add3A, %mul3A_50 : i32
    %add3A_52 = arith.constant 49600 : i32
    %add3A_53 = arith.addi %mul3A_51, %add3A_52 : i32
    %dma_wait3A_54 = arith.constant 0 : i32
    %dma_wait3A_55 = tpu.memref_slice %arg7[%add3A_53, %dma_wait3A_54] : memref<1600000x32xf32, #tpu.memory_space<hbm>> -> memref<200x32xf32, #tpu.memory_space<hbm>>
    %dma_wait3A_56 = arith.constant 0 : i32
    %dma_wait3A_57 = tpu.memref_slice %arg7[%add3A_53, %dma_wait3A_56] : memref<1600000x32xf32, #tpu.memory_space<hbm>> -> memref<200x32xf32, #tpu.memory_space<hbm>>
    tpu.wait_dma2 semaphore(%arg20 : memref<!tpu.dma_semaphore, #tpu.memory_space<semaphore_mem>>) src(%arg14 : memref<200x32xf32, #tpu.memory_space<vmem>>) dst(%dma_wait3A_57 : memref<200x32xf32, #tpu.memory_space<hbm>>)
    %mul3A_58 = arith.constant 50000 : i32
    %mul3A_59 = arith.muli %add3A, %mul3A_58 : i32
    %add3A_60 = arith.constant 49800 : i32
    %add3A_61 = arith.addi %mul3A_59, %add3A_60 : i32
    %dma_wait3A_62 = arith.constant 0 : i32
    %dma_wait3A_63 = tpu.memref_slice %arg6[%add3A_61, %dma_wait3A_62] : memref<1600000x32xf32, #tpu.memory_space<hbm>> -> memref<200x32xf32, #tpu.memory_space<hbm>>
    %dma_wait3A_64 = arith.constant 0 : i32
    %dma_wait3A_65 = tpu.memref_slice %arg6[%add3A_61, %dma_wait3A_64] : memref<1600000x32xf32, #tpu.memory_space<hbm>> -> memref<200x32xf32, #tpu.memory_space<hbm>>
    tpu.wait_dma2 semaphore(%arg21 : memref<!tpu.dma_semaphore, #tpu.memory_space<semaphore_mem>>) src(%arg13 : memref<200x32xf32, #tpu.memory_space<vmem>>) dst(%dma_wait3A_65 : memref<200x32xf32, #tpu.memory_space<hbm>>)
    %mul3A_66 = arith.constant 50000 : i32
    %mul3A_67 = arith.muli %add3A, %mul3A_66 : i32
    %add3A_68 = arith.constant 49800 : i32
    %add3A_69 = arith.addi %mul3A_67, %add3A_68 : i32
    %dma_wait3A_70 = arith.constant 0 : i32
    %dma_wait3A_71 = tpu.memref_slice %arg7[%add3A_69, %dma_wait3A_70] : memref<1600000x32xf32, #tpu.memory_space<hbm>> -> memref<200x32xf32, #tpu.memory_space<hbm>>
    %dma_wait3A_72 = arith.constant 0 : i32
    %dma_wait3A_73 = tpu.memref_slice %arg7[%add3A_69, %dma_wait3A_72] : memref<1600000x32xf32, #tpu.memory_space<hbm>> -> memref<200x32xf32, #tpu.memory_space<hbm>>
    tpu.wait_dma2 semaphore(%arg21 : memref<!tpu.dma_semaphore, #tpu.memory_space<semaphore_mem>>) src(%arg15 : memref<200x32xf32, #tpu.memory_space<vmem>>) dst(%dma_wait3A_73 : memref<200x32xf32, #tpu.memory_space<hbm>>)
    return
  }
}

#map = affine_map<(d0, d1) -> (0, 0)>
#map1 = affine_map<(d0, d1) -> (0)>
#map2 = affine_map<(d0, d1) -> (0, 0, 0)>
module attributes {stable_mosaic.version = 14 : i64} {
  func.func @_sc_scatter(%arg0: i32, %arg1: i32, %arg2: memref<1600000x32xf32, #tpu.memory_space<hbm>>, %arg3: memref<1600000x32xf32, #tpu.memory_space<hbm>>, %arg4: memref<3200000xi32, #tpu.memory_space<hbm>>, %arg5: memref<3126x8xf32, #tpu.memory_space<hbm>>, %arg6: memref<2x50000x8xf32, #tpu.memory_space<hbm>>, %arg7: memref<2000xi32, #tpu.memory_space<vmem>>, %arg8: memref<2000xi32, #tpu.memory_space<vmem>>, %arg9: memref<2000x8xf32, #tpu.memory_space<vmem>>, %arg10: memref<2000x8xf32, #tpu.memory_space<vmem>>, %arg11: memref<50016x8xf32, #tpu.memory_space<vmem_shared>>, %arg12: memref<!tpu.dma_semaphore, #tpu.memory_space<semaphore_mem>>, %arg13: memref<!tpu.dma_semaphore, #tpu.memory_space<semaphore_mem>>, %arg14: memref<!tpu.dma_semaphore, #tpu.memory_space<semaphore_mem>>, %arg15: memref<!tpu.dma_semaphore, #tpu.memory_space<semaphore_mem>>) attributes {dimension_semantics = [#tpu.dimension_semantics<core_parallel>, #tpu.dimension_semantics<subcore_parallel>], iteration_bounds = array<i64: 2, 16>, scalar_prefetch = 0 : i64, scratch_operands = 9 : i64, tpu.core_type = #tpu.core_type<sc_vector_subcore>, window_params = [{transform_indices = #map}, {transform_indices = #map}, {transform_indices = #map1}, {transform_indices = #map}, {transform_indices = #map2}]} {
    %mul3A = arith.constant 3126 : i32
    %mul3A_0 = arith.muli %arg1, %mul3A : i32
    "tpu.region"() ({
      %run_scoped3A = tpu.sem_alloc : memref<!tpu.dma_semaphore, #tpu.memory_space<semaphore_mem>>
      %dma_start3A = arith.constant 0 : i32
      %dma_start3A_15 = tpu.memref_slice %arg11[%mul3A_0, %dma_start3A] : memref<50016x8xf32, #tpu.memory_space<vmem_shared>> -> memref<3126x8xf32, #tpu.memory_space<vmem_shared>>
      tpu.enqueue_dma source(%arg5 : memref<3126x8xf32, #tpu.memory_space<hbm>>) target(%dma_start3A_15 : memref<3126x8xf32, #tpu.memory_space<vmem_shared>>) target_semaphore(%run_scoped3A : memref<!tpu.dma_semaphore, #tpu.memory_space<semaphore_mem>>)
      %dma_wait3A = arith.constant 0 : i32
      %dma_wait3A_16 = tpu.memref_slice %arg11[%mul3A_0, %dma_wait3A] : memref<50016x8xf32, #tpu.memory_space<vmem_shared>> -> memref<3126x8xf32, #tpu.memory_space<vmem_shared>>
      tpu.wait_dma2 semaphore(%run_scoped3A : memref<!tpu.dma_semaphore, #tpu.memory_space<semaphore_mem>>) src(%arg5 : memref<3126x8xf32, #tpu.memory_space<hbm>>) dst(%dma_wait3A_16 : memref<3126x8xf32, #tpu.memory_space<vmem_shared>>)
      tpu.yield
    }) : () -> ()
    %barrier3A = arith.constant 0 : index
    tpu.barrier barrier_id(%barrier3A)
    %mul3A_1 = arith.constant 50000 : i32
    %mul3A_2 = arith.muli %arg0, %mul3A_1 : i32
    %add3A = arith.constant 50000 : i32
    %add3A_3 = arith.addi %add3A, %arg1 : i32
    %lt3A = arith.constant 8 : i32
    %lt3A_4 = arith.cmpi slt, %arg1, %lt3A : i32
    %convert_element_type3A = arith.extui %lt3A_4 : i1 to i32
    %cond3A = arith.constant 0 : i32
    %cond3A_5 = arith.cmpi ne, %convert_element_type3A, %cond3A : i32
    scf.if %cond3A_5 {
      %mul3A_15 = arith.constant 200000 : i32
      %mul3A_16 = arith.muli %arg1, %mul3A_15 : i32
      %add3A_17 = arith.constant 0 : i32
      %add3A_18 = arith.addi %mul3A_16, %add3A_17 : i32
      %dma_start3A = tpu.memref_slice %arg4[%add3A_18] : memref<3200000xi32, #tpu.memory_space<hbm>> -> memref<2000xi32, #tpu.memory_space<hbm>>
      %dma_start3A_19 = tpu.memref_slice %arg4[%add3A_18] : memref<3200000xi32, #tpu.memory_space<hbm>> -> memref<2000xi32, #tpu.memory_space<hbm>>
      tpu.enqueue_dma source(%dma_start3A_19 : memref<2000xi32, #tpu.memory_space<hbm>>) target(%arg7 : memref<2000xi32, #tpu.memory_space<vmem>>) target_semaphore(%arg12 : memref<!tpu.dma_semaphore, #tpu.memory_space<semaphore_mem>>)
      %mul3A_20 = arith.constant 200000 : i32
      %mul3A_21 = arith.muli %arg1, %mul3A_20 : i32
      %add3A_22 = arith.constant 0 : i32
      %add3A_23 = arith.addi %mul3A_21, %add3A_22 : i32
      %dma_start3A_24 = arith.constant 0 : i32
      %dma_start3A_25 = tpu.memref_slice %arg2[%add3A_23, %dma_start3A_24] : memref<1600000x32xf32, #tpu.memory_space<hbm>> -> memref<2000x8xf32, #tpu.memory_space<hbm>>
      %dma_start3A_26 = arith.constant 0 : i32
      %dma_start3A_27 = tpu.memref_slice %arg2[%add3A_23, %dma_start3A_26] : memref<1600000x32xf32, #tpu.memory_space<hbm>> -> memref<2000x8xf32, #tpu.memory_space<hbm>>
      tpu.enqueue_dma source(%dma_start3A_27 : memref<2000x8xf32, #tpu.memory_space<hbm>>) target(%arg9 : memref<2000x8xf32, #tpu.memory_space<vmem>>) target_semaphore(%arg12 : memref<!tpu.dma_semaphore, #tpu.memory_space<semaphore_mem>>)
      %scan3A = arith.constant 0 : i32
      %scan3A_28 = arith.constant 0 : i32
      %scan3A_29 = arith.constant 50 : i32
      %scan3A_30 = arith.addi %scan3A_28, %scan3A_29 : i32
      %scan3A_31 = arith.constant 1 : i32
      scf.for %scan3A_38 = %scan3A_28 to %scan3A_30 step %scan3A_31  : i32 {
        %mul3A_39 = arith.constant 2 : i32
        %mul3A_40 = arith.muli %mul3A_39, %scan3A_38 : i32
        %add3A_41 = arith.constant 0 : i32
        %add3A_42 = arith.addi %mul3A_40, %add3A_41 : i32
        %mul3A_43 = arith.constant 200000 : i32
        %mul3A_44 = arith.muli %arg1, %mul3A_43 : i32
        %mul3A_45 = arith.constant 2000 : i32
        %mul3A_46 = arith.muli %add3A_42, %mul3A_45 : i32
        %add3A_47 = arith.addi %mul3A_44, %mul3A_46 : i32
        %dma_wait3A_48 = tpu.memref_slice %arg4[%add3A_47] : memref<3200000xi32, #tpu.memory_space<hbm>> -> memref<2000xi32, #tpu.memory_space<hbm>>
        %dma_wait3A_49 = tpu.memref_slice %arg4[%add3A_47] : memref<3200000xi32, #tpu.memory_space<hbm>> -> memref<2000xi32, #tpu.memory_space<hbm>>
        tpu.wait_dma2 semaphore(%arg12 : memref<!tpu.dma_semaphore, #tpu.memory_space<semaphore_mem>>) src(%dma_wait3A_49 : memref<2000xi32, #tpu.memory_space<hbm>>) dst(%arg7 : memref<2000xi32, #tpu.memory_space<vmem>>)
        %mul3A_50 = arith.constant 200000 : i32
        %mul3A_51 = arith.muli %arg1, %mul3A_50 : i32
        %mul3A_52 = arith.constant 2000 : i32
        %mul3A_53 = arith.muli %add3A_42, %mul3A_52 : i32
        %add3A_54 = arith.addi %mul3A_51, %mul3A_53 : i32
        %dma_wait3A_55 = arith.constant 0 : i32
        %dma_wait3A_56 = tpu.memref_slice %arg2[%add3A_54, %dma_wait3A_55] : memref<1600000x32xf32, #tpu.memory_space<hbm>> -> memref<2000x8xf32, #tpu.memory_space<hbm>>
        %dma_wait3A_57 = arith.constant 0 : i32
        %dma_wait3A_58 = tpu.memref_slice %arg2[%add3A_54, %dma_wait3A_57] : memref<1600000x32xf32, #tpu.memory_space<hbm>> -> memref<2000x8xf32, #tpu.memory_space<hbm>>
        tpu.wait_dma2 semaphore(%arg12 : memref<!tpu.dma_semaphore, #tpu.memory_space<semaphore_mem>>) src(%dma_wait3A_58 : memref<2000x8xf32, #tpu.memory_space<hbm>>) dst(%arg9 : memref<2000x8xf32, #tpu.memory_space<vmem>>)
        %scan3A_59 = arith.constant 0 : i32
        %scan3A_60 = arith.constant 0 : i32
        %scan3A_61 = arith.constant 125 : i32
        %scan3A_62 = arith.addi %scan3A_60, %scan3A_61 : i32
        %scan3A_63 = arith.constant 1 : i32
        scf.for %scan3A_111 = %scan3A_60 to %scan3A_62 step %scan3A_63  : i32 {
          %mul3A_112 = arith.constant 16 : i32
          %mul3A_113 = arith.muli %scan3A_111, %mul3A_112 : i32
          %get3A = arith.index_cast %mul3A_113 : i32 to index
          %get3A_114 = tpu.vector_load %arg7[%get3A] {strides = array<i32>} : memref<2000xi32, #tpu.memory_space<vmem>>, vector<16xi32>,
          %get3A_115 = vector.shape_cast %get3A_114 : vector<16xi32> to vector<16xi32>
          %sub3A = vector.broadcast %mul3A_2 : i32 to vector<16xi32>
          %sub3A_116 = arith.subi %get3A_115, %sub3A : vector<16xi32>
          %lt3A_117 = arith.constant 0 : i32
          %lt3A_118 = vector.broadcast %lt3A_117 : i32 to vector<16xi32>
          %lt3A_119 = arith.cmpi slt, %sub3A_116, %lt3A_118 : vector<16xi32>
          %ge3A_120 = arith.constant 50000 : i32
          %ge3A_121 = vector.broadcast %ge3A_120 : i32 to vector<16xi32>
          %ge3A_122 = arith.cmpi sge, %sub3A_116, %ge3A_121 : vector<16xi32>
          %or3A = arith.ori %lt3A_119, %ge3A_122 : vector<16xi1>
          %broadcast_in_dim3A = vector.broadcast %add3A_3 : i32 to vector<16xi32>
          %select_n3A = arith.select %or3A, %broadcast_in_dim3A, %sub3A_116 : vector<16xi1>, vector<16xi32>
          %mul3A_123 = arith.constant 16 : i32
          %mul3A_124 = arith.muli %scan3A_111, %mul3A_123 : i32
          %swap3A = arith.index_cast %mul3A_124 : i32 to index
          %swap3A_125 = tpu.vector_load %arg7[%swap3A] {strides = array<i32>} : memref<2000xi32, #tpu.memory_space<vmem>>, vector<16xi32>,
          %swap3A_126 = vector.shape_cast %swap3A_125 : vector<16xi32> to vector<16xi32>
          %swap3A_127 = vector.shape_cast %select_n3A : vector<16xi32> to vector<16xi32>
          tpu.vector_store %arg7[%swap3A], %swap3A_127 {strides = array<i32>} : memref<2000xi32, #tpu.memory_space<vmem>>, vector<16xi32>,
        }
        %scan3A_64 = arith.constant 125 : i32
        %dma_start3A_65 = arith.constant 0 : i32
        %dma_start3A_66 = arith.constant 0 : i32
        %dma_start3A_67 = tpu.memref_slice %arg11[%dma_start3A_65, %dma_start3A_66] : memref<50016x8xf32, #tpu.memory_space<vmem_shared>> -> memref<50016x8xf32, #tpu.memory_space<vmem_shared>>
        tpu.enqueue_indirect_dma source(%arg9 : memref<2000x8xf32, #tpu.memory_space<vmem>>) target(%dma_start3A_67 : memref<50016x8xf32, #tpu.memory_space<vmem_shared>>) offsets(%arg7 : memref<2000xi32, #tpu.memory_space<vmem>>) semaphore(%arg14 : memref<!tpu.dma_semaphore, #tpu.memory_space<semaphore_mem>>) {add = true}
        %add3A_68 = arith.constant 1 : i32
        %add3A_69 = arith.addi %add3A_42, %add3A_68 : i32
        %lt3A_70 = arith.constant 100 : i32
        %lt3A_71 = arith.cmpi slt, %add3A_69, %lt3A_70 : i32
        %convert_element_type3A_72 = arith.extui %lt3A_71 : i1 to i32
        %cond3A_73 = arith.constant 0 : i32
        %cond3A_74 = arith.cmpi ne, %convert_element_type3A_72, %cond3A_73 : i32
        scf.if %cond3A_74 {
          %ge3A_111 = arith.constant 1 : i32
          %ge3A_112 = arith.cmpi sge, %add3A_42, %ge3A_111 : i32
          %convert_element_type3A_113 = arith.extui %ge3A_112 : i1 to i32
          %cond3A_114 = arith.constant 0 : i32
          %cond3A_115 = arith.cmpi ne, %convert_element_type3A_113, %cond3A_114 : i32
          scf.if %cond3A_115 {
            %dma_wait3A_134 = arith.constant 0 : i32
            %dma_wait3A_135 = arith.constant 0 : i32
            %dma_wait3A_136 = tpu.memref_slice %arg11[%dma_wait3A_134, %dma_wait3A_135] : memref<50016x8xf32, #tpu.memory_space<vmem_shared>> -> memref<50016x8xf32, #tpu.memory_space<vmem_shared>>
            tpu.wait_indirect_dma semaphore(%arg15 : memref<!tpu.dma_semaphore, #tpu.memory_space<semaphore_mem>>) src(%arg10 : memref<2000x8xf32, #tpu.memory_space<vmem>>) dst(%dma_wait3A_136 : memref<50016x8xf32, #tpu.memory_space<vmem_shared>>)
          } else {
          }
          %add3A_116 = arith.constant 1 : i32
          %add3A_117 = arith.addi %add3A_42, %add3A_116 : i32
          %mul3A_118 = arith.constant 200000 : i32
          %mul3A_119 = arith.muli %arg1, %mul3A_118 : i32
          %mul3A_120 = arith.constant 2000 : i32
          %mul3A_121 = arith.muli %add3A_117, %mul3A_120 : i32
          %add3A_122 = arith.addi %mul3A_119, %mul3A_121 : i32
          %dma_start3A_123 = tpu.memref_slice %arg4[%add3A_122] : memref<3200000xi32, #tpu.memory_space<hbm>> -> memref<2000xi32, #tpu.memory_space<hbm>>
          %dma_start3A_124 = tpu.memref_slice %arg4[%add3A_122] : memref<3200000xi32, #tpu.memory_space<hbm>> -> memref<2000xi32, #tpu.memory_space<hbm>>
          tpu.enqueue_dma source(%dma_start3A_124 : memref<2000xi32, #tpu.memory_space<hbm>>) target(%arg8 : memref<2000xi32, #tpu.memory_space<vmem>>) target_semaphore(%arg13 : memref<!tpu.dma_semaphore, #tpu.memory_space<semaphore_mem>>)
          %mul3A_125 = arith.constant 200000 : i32
          %mul3A_126 = arith.muli %arg1, %mul3A_125 : i32
          %mul3A_127 = arith.constant 2000 : i32
          %mul3A_128 = arith.muli %add3A_117, %mul3A_127 : i32
          %add3A_129 = arith.addi %mul3A_126, %mul3A_128 : i32
          %dma_start3A_130 = arith.constant 0 : i32
          %dma_start3A_131 = tpu.memref_slice %arg2[%add3A_129, %dma_start3A_130] : memref<1600000x32xf32, #tpu.memory_space<hbm>> -> memref<2000x8xf32, #tpu.memory_space<hbm>>
          %dma_start3A_132 = arith.constant 0 : i32
          %dma_start3A_133 = tpu.memref_slice %arg2[%add3A_129, %dma_start3A_132] : memref<1600000x32xf32, #tpu.memory_space<hbm>> -> memref<2000x8xf32, #tpu.memory_space<hbm>>
          tpu.enqueue_dma source(%dma_start3A_133 : memref<2000x8xf32, #tpu.memory_space<hbm>>) target(%arg10 : memref<2000x8xf32, #tpu.memory_space<vmem>>) target_semaphore(%arg13 : memref<!tpu.dma_semaphore, #tpu.memory_space<semaphore_mem>>)
        } else {
        }
        %mul3A_75 = arith.constant 2 : i32
        %mul3A_76 = arith.muli %mul3A_75, %scan3A_38 : i32
        %add3A_77 = arith.constant 1 : i32
        %add3A_78 = arith.addi %mul3A_76, %add3A_77 : i32
        %mul3A_79 = arith.constant 200000 : i32
        %mul3A_80 = arith.muli %arg1, %mul3A_79 : i32
        %mul3A_81 = arith.constant 2000 : i32
        %mul3A_82 = arith.muli %add3A_78, %mul3A_81 : i32
        %add3A_83 = arith.addi %mul3A_80, %mul3A_82 : i32
        %dma_wait3A_84 = tpu.memref_slice %arg4[%add3A_83] : memref<3200000xi32, #tpu.memory_space<hbm>> -> memref<2000xi32, #tpu.memory_space<hbm>>
        %dma_wait3A_85 = tpu.memref_slice %arg4[%add3A_83] : memref<3200000xi32, #tpu.memory_space<hbm>> -> memref<2000xi32, #tpu.memory_space<hbm>>
        tpu.wait_dma2 semaphore(%arg13 : memref<!tpu.dma_semaphore, #tpu.memory_space<semaphore_mem>>) src(%dma_wait3A_85 : memref<2000xi32, #tpu.memory_space<hbm>>) dst(%arg8 : memref<2000xi32, #tpu.memory_space<vmem>>)
        %mul3A_86 = arith.constant 200000 : i32
        %mul3A_87 = arith.muli %arg1, %mul3A_86 : i32
        %mul3A_88 = arith.constant 2000 : i32
        %mul3A_89 = arith.muli %add3A_78, %mul3A_88 : i32
        %add3A_90 = arith.addi %mul3A_87, %mul3A_89 : i32
        %dma_wait3A_91 = arith.constant 0 : i32
        %dma_wait3A_92 = tpu.memref_slice %arg2[%add3A_90, %dma_wait3A_91] : memref<1600000x32xf32, #tpu.memory_space<hbm>> -> memref<2000x8xf32, #tpu.memory_space<hbm>>
        %dma_wait3A_93 = arith.constant 0 : i32
        %dma_wait3A_94 = tpu.memref_slice %arg2[%add3A_90, %dma_wait3A_93] : memref<1600000x32xf32, #tpu.memory_space<hbm>> -> memref<2000x8xf32, #tpu.memory_space<hbm>>
        tpu.wait_dma2 semaphore(%arg13 : memref<!tpu.dma_semaphore, #tpu.memory_space<semaphore_mem>>) src(%dma_wait3A_94 : memref<2000x8xf32, #tpu.memory_space<hbm>>) dst(%arg10 : memref<2000x8xf32, #tpu.memory_space<vmem>>)
        %scan3A_95 = arith.constant 0 : i32
        %scan3A_96 = arith.constant 0 : i32
        %scan3A_97 = arith.constant 125 : i32
        %scan3A_98 = arith.addi %scan3A_96, %scan3A_97 : i32
        %scan3A_99 = arith.constant 1 : i32
        scf.for %scan3A_111 = %scan3A_96 to %scan3A_98 step %scan3A_99  : i32 {
          %mul3A_112 = arith.constant 16 : i32
          %mul3A_113 = arith.muli %scan3A_111, %mul3A_112 : i32
          %get3A = arith.index_cast %mul3A_113 : i32 to index
          %get3A_114 = tpu.vector_load %arg8[%get3A] {strides = array<i32>} : memref<2000xi32, #tpu.memory_space<vmem>>, vector<16xi32>,
          %get3A_115 = vector.shape_cast %get3A_114 : vector<16xi32> to vector<16xi32>
          %sub3A = vector.broadcast %mul3A_2 : i32 to vector<16xi32>
          %sub3A_116 = arith.subi %get3A_115, %sub3A : vector<16xi32>
          %lt3A_117 = arith.constant 0 : i32
          %lt3A_118 = vector.broadcast %lt3A_117 : i32 to vector<16xi32>
          %lt3A_119 = arith.cmpi slt, %sub3A_116, %lt3A_118 : vector<16xi32>
          %ge3A_120 = arith.constant 50000 : i32
          %ge3A_121 = vector.broadcast %ge3A_120 : i32 to vector<16xi32>
          %ge3A_122 = arith.cmpi sge, %sub3A_116, %ge3A_121 : vector<16xi32>
          %or3A = arith.ori %lt3A_119, %ge3A_122 : vector<16xi1>
          %broadcast_in_dim3A = vector.broadcast %add3A_3 : i32 to vector<16xi32>
          %select_n3A = arith.select %or3A, %broadcast_in_dim3A, %sub3A_116 : vector<16xi1>, vector<16xi32>
          %mul3A_123 = arith.constant 16 : i32
          %mul3A_124 = arith.muli %scan3A_111, %mul3A_123 : i32
          %swap3A = arith.index_cast %mul3A_124 : i32 to index
          %swap3A_125 = tpu.vector_load %arg8[%swap3A] {strides = array<i32>} : memref<2000xi32, #tpu.memory_space<vmem>>, vector<16xi32>,
          %swap3A_126 = vector.shape_cast %swap3A_125 : vector<16xi32> to vector<16xi32>
          %swap3A_127 = vector.shape_cast %select_n3A : vector<16xi32> to vector<16xi32>
          tpu.vector_store %arg8[%swap3A], %swap3A_127 {strides = array<i32>} : memref<2000xi32, #tpu.memory_space<vmem>>, vector<16xi32>,
        }
        %scan3A_100 = arith.constant 125 : i32
        %dma_start3A_101 = arith.constant 0 : i32
        %dma_start3A_102 = arith.constant 0 : i32
        %dma_start3A_103 = tpu.memref_slice %arg11[%dma_start3A_101, %dma_start3A_102] : memref<50016x8xf32, #tpu.memory_space<vmem_shared>> -> memref<50016x8xf32, #tpu.memory_space<vmem_shared>>
        tpu.enqueue_indirect_dma source(%arg10 : memref<2000x8xf32, #tpu.memory_space<vmem>>) target(%dma_start3A_103 : memref<50016x8xf32, #tpu.memory_space<vmem_shared>>) offsets(%arg8 : memref<2000xi32, #tpu.memory_space<vmem>>) semaphore(%arg15 : memref<!tpu.dma_semaphore, #tpu.memory_space<semaphore_mem>>) {add = true}
        %add3A_104 = arith.constant 1 : i32
        %add3A_105 = arith.addi %add3A_78, %add3A_104 : i32
        %lt3A_106 = arith.constant 100 : i32
        %lt3A_107 = arith.cmpi slt, %add3A_105, %lt3A_106 : i32
        %convert_element_type3A_108 = arith.extui %lt3A_107 : i1 to i32
        %cond3A_109 = arith.constant 0 : i32
        %cond3A_110 = arith.cmpi ne, %convert_element_type3A_108, %cond3A_109 : i32
        scf.if %cond3A_110 {
          %ge3A_111 = arith.constant 1 : i32
          %ge3A_112 = arith.cmpi sge, %add3A_78, %ge3A_111 : i32
          %convert_element_type3A_113 = arith.extui %ge3A_112 : i1 to i32
          %cond3A_114 = arith.constant 0 : i32
          %cond3A_115 = arith.cmpi ne, %convert_element_type3A_113, %cond3A_114 : i32
          scf.if %cond3A_115 {
            %dma_wait3A_134 = arith.constant 0 : i32
            %dma_wait3A_135 = arith.constant 0 : i32
            %dma_wait3A_136 = tpu.memref_slice %arg11[%dma_wait3A_134, %dma_wait3A_135] : memref<50016x8xf32, #tpu.memory_space<vmem_shared>> -> memref<50016x8xf32, #tpu.memory_space<vmem_shared>>
            tpu.wait_indirect_dma semaphore(%arg14 : memref<!tpu.dma_semaphore, #tpu.memory_space<semaphore_mem>>) src(%arg9 : memref<2000x8xf32, #tpu.memory_space<vmem>>) dst(%dma_wait3A_136 : memref<50016x8xf32, #tpu.memory_space<vmem_shared>>)
          } else {
          }
          %add3A_116 = arith.constant 1 : i32
          %add3A_117 = arith.addi %add3A_78, %add3A_116 : i32
          %mul3A_118 = arith.constant 200000 : i32
          %mul3A_119 = arith.muli %arg1, %mul3A_118 : i32
          %mul3A_120 = arith.constant 2000 : i32
          %mul3A_121 = arith.muli %add3A_117, %mul3A_120 : i32
          %add3A_122 = arith.addi %mul3A_119, %mul3A_121 : i32
          %dma_start3A_123 = tpu.memref_slice %arg4[%add3A_122] : memref<3200000xi32, #tpu.memory_space<hbm>> -> memref<2000xi32, #tpu.memory_space<hbm>>
          %dma_start3A_124 = tpu.memref_slice %arg4[%add3A_122] : memref<3200000xi32, #tpu.memory_space<hbm>> -> memref<2000xi32, #tpu.memory_space<hbm>>
          tpu.enqueue_dma source(%dma_start3A_124 : memref<2000xi32, #tpu.memory_space<hbm>>) target(%arg7 : memref<2000xi32, #tpu.memory_space<vmem>>) target_semaphore(%arg12 : memref<!tpu.dma_semaphore, #tpu.memory_space<semaphore_mem>>)
          %mul3A_125 = arith.constant 200000 : i32
          %mul3A_126 = arith.muli %arg1, %mul3A_125 : i32
          %mul3A_127 = arith.constant 2000 : i32
          %mul3A_128 = arith.muli %add3A_117, %mul3A_127 : i32
          %add3A_129 = arith.addi %mul3A_126, %mul3A_128 : i32
          %dma_start3A_130 = arith.constant 0 : i32
          %dma_start3A_131 = tpu.memref_slice %arg2[%add3A_129, %dma_start3A_130] : memref<1600000x32xf32, #tpu.memory_space<hbm>> -> memref<2000x8xf32, #tpu.memory_space<hbm>>
          %dma_start3A_132 = arith.constant 0 : i32
          %dma_start3A_133 = tpu.memref_slice %arg2[%add3A_129, %dma_start3A_132] : memref<1600000x32xf32, #tpu.memory_space<hbm>> -> memref<2000x8xf32, #tpu.memory_space<hbm>>
          tpu.enqueue_dma source(%dma_start3A_133 : memref<2000x8xf32, #tpu.memory_space<hbm>>) target(%arg9 : memref<2000x8xf32, #tpu.memory_space<vmem>>) target_semaphore(%arg12 : memref<!tpu.dma_semaphore, #tpu.memory_space<semaphore_mem>>)
        } else {
        }
      }
      %scan3A_32 = arith.constant 50 : i32
      %dma_wait3A = arith.constant 0 : i32
      %dma_wait3A_33 = arith.constant 0 : i32
      %dma_wait3A_34 = tpu.memref_slice %arg11[%dma_wait3A, %dma_wait3A_33] : memref<50016x8xf32, #tpu.memory_space<vmem_shared>> -> memref<50016x8xf32, #tpu.memory_space<vmem_shared>>
      tpu.wait_indirect_dma semaphore(%arg14 : memref<!tpu.dma_semaphore, #tpu.memory_space<semaphore_mem>>) src(%arg9 : memref<2000x8xf32, #tpu.memory_space<vmem>>) dst(%dma_wait3A_34 : memref<50016x8xf32, #tpu.memory_space<vmem_shared>>)
      %dma_wait3A_35 = arith.constant 0 : i32
      %dma_wait3A_36 = arith.constant 0 : i32
      %dma_wait3A_37 = tpu.memref_slice %arg11[%dma_wait3A_35, %dma_wait3A_36] : memref<50016x8xf32, #tpu.memory_space<vmem_shared>> -> memref<50016x8xf32, #tpu.memory_space<vmem_shared>>
      tpu.wait_indirect_dma semaphore(%arg15 : memref<!tpu.dma_semaphore, #tpu.memory_space<semaphore_mem>>) src(%arg10 : memref<2000x8xf32, #tpu.memory_space<vmem>>) dst(%dma_wait3A_37 : memref<50016x8xf32, #tpu.memory_space<vmem_shared>>)
    } else {
    }
    %ge3A = arith.constant 8 : i32
    %ge3A_6 = arith.cmpi sge, %arg1, %ge3A : i32
    %convert_element_type3A_7 = arith.extui %ge3A_6 : i1 to i32
    %cond3A_8 = arith.constant 0 : i32
    %cond3A_9 = arith.cmpi ne, %convert_element_type3A_7, %cond3A_8 : i32
    scf.if %cond3A_9 {
      %sub3A = arith.constant 8 : i32
      %sub3A_15 = arith.subi %arg1, %sub3A : i32
      %mul3A_16 = arith.constant 200000 : i32
      %mul3A_17 = arith.muli %arg1, %mul3A_16 : i32
      %add3A_18 = arith.constant 0 : i32
      %add3A_19 = arith.addi %mul3A_17, %add3A_18 : i32
      %dma_start3A = tpu.memref_slice %arg4[%add3A_19] : memref<3200000xi32, #tpu.memory_space<hbm>> -> memref<2000xi32, #tpu.memory_space<hbm>>
      %dma_start3A_20 = tpu.memref_slice %arg4[%add3A_19] : memref<3200000xi32, #tpu.memory_space<hbm>> -> memref<2000xi32, #tpu.memory_space<hbm>>
      tpu.enqueue_dma source(%dma_start3A_20 : memref<2000xi32, #tpu.memory_space<hbm>>) target(%arg7 : memref<2000xi32, #tpu.memory_space<vmem>>) target_semaphore(%arg12 : memref<!tpu.dma_semaphore, #tpu.memory_space<semaphore_mem>>)
      %mul3A_21 = arith.constant 200000 : i32
      %mul3A_22 = arith.muli %sub3A_15, %mul3A_21 : i32
      %add3A_23 = arith.constant 0 : i32
      %add3A_24 = arith.addi %mul3A_22, %add3A_23 : i32
      %dma_start3A_25 = arith.constant 0 : i32
      %dma_start3A_26 = tpu.memref_slice %arg3[%add3A_24, %dma_start3A_25] : memref<1600000x32xf32, #tpu.memory_space<hbm>> -> memref<2000x8xf32, #tpu.memory_space<hbm>>
      %dma_start3A_27 = arith.constant 0 : i32
      %dma_start3A_28 = tpu.memref_slice %arg3[%add3A_24, %dma_start3A_27] : memref<1600000x32xf32, #tpu.memory_space<hbm>> -> memref<2000x8xf32, #tpu.memory_space<hbm>>
      tpu.enqueue_dma source(%dma_start3A_28 : memref<2000x8xf32, #tpu.memory_space<hbm>>) target(%arg9 : memref<2000x8xf32, #tpu.memory_space<vmem>>) target_semaphore(%arg12 : memref<!tpu.dma_semaphore, #tpu.memory_space<semaphore_mem>>)
      %scan3A = arith.constant 0 : i32
      %scan3A_29 = arith.constant 0 : i32
      %scan3A_30 = arith.constant 50 : i32
      %scan3A_31 = arith.addi %scan3A_29, %scan3A_30 : i32
      %scan3A_32 = arith.constant 1 : i32
      scf.for %scan3A_39 = %scan3A_29 to %scan3A_31 step %scan3A_32  : i32 {
        %mul3A_40 = arith.constant 2 : i32
        %mul3A_41 = arith.muli %mul3A_40, %scan3A_39 : i32
        %add3A_42 = arith.constant 0 : i32
        %add3A_43 = arith.addi %mul3A_41, %add3A_42 : i32
        %mul3A_44 = arith.constant 200000 : i32
        %mul3A_45 = arith.muli %arg1, %mul3A_44 : i32
        %mul3A_46 = arith.constant 2000 : i32
        %mul3A_47 = arith.muli %add3A_43, %mul3A_46 : i32
        %add3A_48 = arith.addi %mul3A_45, %mul3A_47 : i32
        %dma_wait3A_49 = tpu.memref_slice %arg4[%add3A_48] : memref<3200000xi32, #tpu.memory_space<hbm>> -> memref<2000xi32, #tpu.memory_space<hbm>>
        %dma_wait3A_50 = tpu.memref_slice %arg4[%add3A_48] : memref<3200000xi32, #tpu.memory_space<hbm>> -> memref<2000xi32, #tpu.memory_space<hbm>>
        tpu.wait_dma2 semaphore(%arg12 : memref<!tpu.dma_semaphore, #tpu.memory_space<semaphore_mem>>) src(%dma_wait3A_50 : memref<2000xi32, #tpu.memory_space<hbm>>) dst(%arg7 : memref<2000xi32, #tpu.memory_space<vmem>>)
        %mul3A_51 = arith.constant 200000 : i32
        %mul3A_52 = arith.muli %sub3A_15, %mul3A_51 : i32
        %mul3A_53 = arith.constant 2000 : i32
        %mul3A_54 = arith.muli %add3A_43, %mul3A_53 : i32
        %add3A_55 = arith.addi %mul3A_52, %mul3A_54 : i32
        %dma_wait3A_56 = arith.constant 0 : i32
        %dma_wait3A_57 = tpu.memref_slice %arg3[%add3A_55, %dma_wait3A_56] : memref<1600000x32xf32, #tpu.memory_space<hbm>> -> memref<2000x8xf32, #tpu.memory_space<hbm>>
        %dma_wait3A_58 = arith.constant 0 : i32
        %dma_wait3A_59 = tpu.memref_slice %arg3[%add3A_55, %dma_wait3A_58] : memref<1600000x32xf32, #tpu.memory_space<hbm>> -> memref<2000x8xf32, #tpu.memory_space<hbm>>
        tpu.wait_dma2 semaphore(%arg12 : memref<!tpu.dma_semaphore, #tpu.memory_space<semaphore_mem>>) src(%dma_wait3A_59 : memref<2000x8xf32, #tpu.memory_space<hbm>>) dst(%arg9 : memref<2000x8xf32, #tpu.memory_space<vmem>>)
        %scan3A_60 = arith.constant 0 : i32
        %scan3A_61 = arith.constant 0 : i32
        %scan3A_62 = arith.constant 125 : i32
        %scan3A_63 = arith.addi %scan3A_61, %scan3A_62 : i32
        %scan3A_64 = arith.constant 1 : i32
        scf.for %scan3A_112 = %scan3A_61 to %scan3A_63 step %scan3A_64  : i32 {
          %mul3A_113 = arith.constant 16 : i32
          %mul3A_114 = arith.muli %scan3A_112, %mul3A_113 : i32
          %get3A = arith.index_cast %mul3A_114 : i32 to index
          %get3A_115 = tpu.vector_load %arg7[%get3A] {strides = array<i32>} : memref<2000xi32, #tpu.memory_space<vmem>>, vector<16xi32>,
          %get3A_116 = vector.shape_cast %get3A_115 : vector<16xi32> to vector<16xi32>
          %sub3A_117 = vector.broadcast %mul3A_2 : i32 to vector<16xi32>
          %sub3A_118 = arith.subi %get3A_116, %sub3A_117 : vector<16xi32>
          %lt3A_119 = arith.constant 0 : i32
          %lt3A_120 = vector.broadcast %lt3A_119 : i32 to vector<16xi32>
          %lt3A_121 = arith.cmpi slt, %sub3A_118, %lt3A_120 : vector<16xi32>
          %ge3A_122 = arith.constant 50000 : i32
          %ge3A_123 = vector.broadcast %ge3A_122 : i32 to vector<16xi32>
          %ge3A_124 = arith.cmpi sge, %sub3A_118, %ge3A_123 : vector<16xi32>
          %or3A = arith.ori %lt3A_121, %ge3A_124 : vector<16xi1>
          %broadcast_in_dim3A = vector.broadcast %add3A_3 : i32 to vector<16xi32>
          %select_n3A = arith.select %or3A, %broadcast_in_dim3A, %sub3A_118 : vector<16xi1>, vector<16xi32>
          %mul3A_125 = arith.constant 16 : i32
          %mul3A_126 = arith.muli %scan3A_112, %mul3A_125 : i32
          %swap3A = arith.index_cast %mul3A_126 : i32 to index
          %swap3A_127 = tpu.vector_load %arg7[%swap3A] {strides = array<i32>} : memref<2000xi32, #tpu.memory_space<vmem>>, vector<16xi32>,
          %swap3A_128 = vector.shape_cast %swap3A_127 : vector<16xi32> to vector<16xi32>
          %swap3A_129 = vector.shape_cast %select_n3A : vector<16xi32> to vector<16xi32>
          tpu.vector_store %arg7[%swap3A], %swap3A_129 {strides = array<i32>} : memref<2000xi32, #tpu.memory_space<vmem>>, vector<16xi32>,
        }
        %scan3A_65 = arith.constant 125 : i32
        %dma_start3A_66 = arith.constant 0 : i32
        %dma_start3A_67 = arith.constant 0 : i32
        %dma_start3A_68 = tpu.memref_slice %arg11[%dma_start3A_66, %dma_start3A_67] : memref<50016x8xf32, #tpu.memory_space<vmem_shared>> -> memref<50016x8xf32, #tpu.memory_space<vmem_shared>>
        tpu.enqueue_indirect_dma source(%arg9 : memref<2000x8xf32, #tpu.memory_space<vmem>>) target(%dma_start3A_68 : memref<50016x8xf32, #tpu.memory_space<vmem_shared>>) offsets(%arg7 : memref<2000xi32, #tpu.memory_space<vmem>>) semaphore(%arg14 : memref<!tpu.dma_semaphore, #tpu.memory_space<semaphore_mem>>) {add = true}
        %add3A_69 = arith.constant 1 : i32
        %add3A_70 = arith.addi %add3A_43, %add3A_69 : i32
        %lt3A_71 = arith.constant 100 : i32
        %lt3A_72 = arith.cmpi slt, %add3A_70, %lt3A_71 : i32
        %convert_element_type3A_73 = arith.extui %lt3A_72 : i1 to i32
        %cond3A_74 = arith.constant 0 : i32
        %cond3A_75 = arith.cmpi ne, %convert_element_type3A_73, %cond3A_74 : i32
        scf.if %cond3A_75 {
          %ge3A_112 = arith.constant 1 : i32
          %ge3A_113 = arith.cmpi sge, %add3A_43, %ge3A_112 : i32
          %convert_element_type3A_114 = arith.extui %ge3A_113 : i1 to i32
          %cond3A_115 = arith.constant 0 : i32
          %cond3A_116 = arith.cmpi ne, %convert_element_type3A_114, %cond3A_115 : i32
          scf.if %cond3A_116 {
            %dma_wait3A_135 = arith.constant 0 : i32
            %dma_wait3A_136 = arith.constant 0 : i32
            %dma_wait3A_137 = tpu.memref_slice %arg11[%dma_wait3A_135, %dma_wait3A_136] : memref<50016x8xf32, #tpu.memory_space<vmem_shared>> -> memref<50016x8xf32, #tpu.memory_space<vmem_shared>>
            tpu.wait_indirect_dma semaphore(%arg15 : memref<!tpu.dma_semaphore, #tpu.memory_space<semaphore_mem>>) src(%arg10 : memref<2000x8xf32, #tpu.memory_space<vmem>>) dst(%dma_wait3A_137 : memref<50016x8xf32, #tpu.memory_space<vmem_shared>>)
          } else {
          }
          %add3A_117 = arith.constant 1 : i32
          %add3A_118 = arith.addi %add3A_43, %add3A_117 : i32
          %mul3A_119 = arith.constant 200000 : i32
          %mul3A_120 = arith.muli %arg1, %mul3A_119 : i32
          %mul3A_121 = arith.constant 2000 : i32
          %mul3A_122 = arith.muli %add3A_118, %mul3A_121 : i32
          %add3A_123 = arith.addi %mul3A_120, %mul3A_122 : i32
          %dma_start3A_124 = tpu.memref_slice %arg4[%add3A_123] : memref<3200000xi32, #tpu.memory_space<hbm>> -> memref<2000xi32, #tpu.memory_space<hbm>>
          %dma_start3A_125 = tpu.memref_slice %arg4[%add3A_123] : memref<3200000xi32, #tpu.memory_space<hbm>> -> memref<2000xi32, #tpu.memory_space<hbm>>
          tpu.enqueue_dma source(%dma_start3A_125 : memref<2000xi32, #tpu.memory_space<hbm>>) target(%arg8 : memref<2000xi32, #tpu.memory_space<vmem>>) target_semaphore(%arg13 : memref<!tpu.dma_semaphore, #tpu.memory_space<semaphore_mem>>)
          %mul3A_126 = arith.constant 200000 : i32
          %mul3A_127 = arith.muli %sub3A_15, %mul3A_126 : i32
          %mul3A_128 = arith.constant 2000 : i32
          %mul3A_129 = arith.muli %add3A_118, %mul3A_128 : i32
          %add3A_130 = arith.addi %mul3A_127, %mul3A_129 : i32
          %dma_start3A_131 = arith.constant 0 : i32
          %dma_start3A_132 = tpu.memref_slice %arg3[%add3A_130, %dma_start3A_131] : memref<1600000x32xf32, #tpu.memory_space<hbm>> -> memref<2000x8xf32, #tpu.memory_space<hbm>>
          %dma_start3A_133 = arith.constant 0 : i32
          %dma_start3A_134 = tpu.memref_slice %arg3[%add3A_130, %dma_start3A_133] : memref<1600000x32xf32, #tpu.memory_space<hbm>> -> memref<2000x8xf32, #tpu.memory_space<hbm>>
          tpu.enqueue_dma source(%dma_start3A_134 : memref<2000x8xf32, #tpu.memory_space<hbm>>) target(%arg10 : memref<2000x8xf32, #tpu.memory_space<vmem>>) target_semaphore(%arg13 : memref<!tpu.dma_semaphore, #tpu.memory_space<semaphore_mem>>)
        } else {
        }
        %mul3A_76 = arith.constant 2 : i32
        %mul3A_77 = arith.muli %mul3A_76, %scan3A_39 : i32
        %add3A_78 = arith.constant 1 : i32
        %add3A_79 = arith.addi %mul3A_77, %add3A_78 : i32
        %mul3A_80 = arith.constant 200000 : i32
        %mul3A_81 = arith.muli %arg1, %mul3A_80 : i32
        %mul3A_82 = arith.constant 2000 : i32
        %mul3A_83 = arith.muli %add3A_79, %mul3A_82 : i32
        %add3A_84 = arith.addi %mul3A_81, %mul3A_83 : i32
        %dma_wait3A_85 = tpu.memref_slice %arg4[%add3A_84] : memref<3200000xi32, #tpu.memory_space<hbm>> -> memref<2000xi32, #tpu.memory_space<hbm>>
        %dma_wait3A_86 = tpu.memref_slice %arg4[%add3A_84] : memref<3200000xi32, #tpu.memory_space<hbm>> -> memref<2000xi32, #tpu.memory_space<hbm>>
        tpu.wait_dma2 semaphore(%arg13 : memref<!tpu.dma_semaphore, #tpu.memory_space<semaphore_mem>>) src(%dma_wait3A_86 : memref<2000xi32, #tpu.memory_space<hbm>>) dst(%arg8 : memref<2000xi32, #tpu.memory_space<vmem>>)
        %mul3A_87 = arith.constant 200000 : i32
        %mul3A_88 = arith.muli %sub3A_15, %mul3A_87 : i32
        %mul3A_89 = arith.constant 2000 : i32
        %mul3A_90 = arith.muli %add3A_79, %mul3A_89 : i32
        %add3A_91 = arith.addi %mul3A_88, %mul3A_90 : i32
        %dma_wait3A_92 = arith.constant 0 : i32
        %dma_wait3A_93 = tpu.memref_slice %arg3[%add3A_91, %dma_wait3A_92] : memref<1600000x32xf32, #tpu.memory_space<hbm>> -> memref<2000x8xf32, #tpu.memory_space<hbm>>
        %dma_wait3A_94 = arith.constant 0 : i32
        %dma_wait3A_95 = tpu.memref_slice %arg3[%add3A_91, %dma_wait3A_94] : memref<1600000x32xf32, #tpu.memory_space<hbm>> -> memref<2000x8xf32, #tpu.memory_space<hbm>>
        tpu.wait_dma2 semaphore(%arg13 : memref<!tpu.dma_semaphore, #tpu.memory_space<semaphore_mem>>) src(%dma_wait3A_95 : memref<2000x8xf32, #tpu.memory_space<hbm>>) dst(%arg10 : memref<2000x8xf32, #tpu.memory_space<vmem>>)
        %scan3A_96 = arith.constant 0 : i32
        %scan3A_97 = arith.constant 0 : i32
        %scan3A_98 = arith.constant 125 : i32
        %scan3A_99 = arith.addi %scan3A_97, %scan3A_98 : i32
        %scan3A_100 = arith.constant 1 : i32
        scf.for %scan3A_112 = %scan3A_97 to %scan3A_99 step %scan3A_100  : i32 {
          %mul3A_113 = arith.constant 16 : i32
          %mul3A_114 = arith.muli %scan3A_112, %mul3A_113 : i32
          %get3A = arith.index_cast %mul3A_114 : i32 to index
          %get3A_115 = tpu.vector_load %arg8[%get3A] {strides = array<i32>} : memref<2000xi32, #tpu.memory_space<vmem>>, vector<16xi32>,
          %get3A_116 = vector.shape_cast %get3A_115 : vector<16xi32> to vector<16xi32>
          %sub3A_117 = vector.broadcast %mul3A_2 : i32 to vector<16xi32>
          %sub3A_118 = arith.subi %get3A_116, %sub3A_117 : vector<16xi32>
          %lt3A_119 = arith.constant 0 : i32
          %lt3A_120 = vector.broadcast %lt3A_119 : i32 to vector<16xi32>
          %lt3A_121 = arith.cmpi slt, %sub3A_118, %lt3A_120 : vector<16xi32>
          %ge3A_122 = arith.constant 50000 : i32
          %ge3A_123 = vector.broadcast %ge3A_122 : i32 to vector<16xi32>
          %ge3A_124 = arith.cmpi sge, %sub3A_118, %ge3A_123 : vector<16xi32>
          %or3A = arith.ori %lt3A_121, %ge3A_124 : vector<16xi1>
          %broadcast_in_dim3A = vector.broadcast %add3A_3 : i32 to vector<16xi32>
          %select_n3A = arith.select %or3A, %broadcast_in_dim3A, %sub3A_118 : vector<16xi1>, vector<16xi32>
          %mul3A_125 = arith.constant 16 : i32
          %mul3A_126 = arith.muli %scan3A_112, %mul3A_125 : i32
          %swap3A = arith.index_cast %mul3A_126 : i32 to index
          %swap3A_127 = tpu.vector_load %arg8[%swap3A] {strides = array<i32>} : memref<2000xi32, #tpu.memory_space<vmem>>, vector<16xi32>,
          %swap3A_128 = vector.shape_cast %swap3A_127 : vector<16xi32> to vector<16xi32>
          %swap3A_129 = vector.shape_cast %select_n3A : vector<16xi32> to vector<16xi32>
          tpu.vector_store %arg8[%swap3A], %swap3A_129 {strides = array<i32>} : memref<2000xi32, #tpu.memory_space<vmem>>, vector<16xi32>,
        }
        %scan3A_101 = arith.constant 125 : i32
        %dma_start3A_102 = arith.constant 0 : i32
        %dma_start3A_103 = arith.constant 0 : i32
        %dma_start3A_104 = tpu.memref_slice %arg11[%dma_start3A_102, %dma_start3A_103] : memref<50016x8xf32, #tpu.memory_space<vmem_shared>> -> memref<50016x8xf32, #tpu.memory_space<vmem_shared>>
        tpu.enqueue_indirect_dma source(%arg10 : memref<2000x8xf32, #tpu.memory_space<vmem>>) target(%dma_start3A_104 : memref<50016x8xf32, #tpu.memory_space<vmem_shared>>) offsets(%arg8 : memref<2000xi32, #tpu.memory_space<vmem>>) semaphore(%arg15 : memref<!tpu.dma_semaphore, #tpu.memory_space<semaphore_mem>>) {add = true}
        %add3A_105 = arith.constant 1 : i32
        %add3A_106 = arith.addi %add3A_79, %add3A_105 : i32
        %lt3A_107 = arith.constant 100 : i32
        %lt3A_108 = arith.cmpi slt, %add3A_106, %lt3A_107 : i32
        %convert_element_type3A_109 = arith.extui %lt3A_108 : i1 to i32
        %cond3A_110 = arith.constant 0 : i32
        %cond3A_111 = arith.cmpi ne, %convert_element_type3A_109, %cond3A_110 : i32
        scf.if %cond3A_111 {
          %ge3A_112 = arith.constant 1 : i32
          %ge3A_113 = arith.cmpi sge, %add3A_79, %ge3A_112 : i32
          %convert_element_type3A_114 = arith.extui %ge3A_113 : i1 to i32
          %cond3A_115 = arith.constant 0 : i32
          %cond3A_116 = arith.cmpi ne, %convert_element_type3A_114, %cond3A_115 : i32
          scf.if %cond3A_116 {
            %dma_wait3A_135 = arith.constant 0 : i32
            %dma_wait3A_136 = arith.constant 0 : i32
            %dma_wait3A_137 = tpu.memref_slice %arg11[%dma_wait3A_135, %dma_wait3A_136] : memref<50016x8xf32, #tpu.memory_space<vmem_shared>> -> memref<50016x8xf32, #tpu.memory_space<vmem_shared>>
            tpu.wait_indirect_dma semaphore(%arg14 : memref<!tpu.dma_semaphore, #tpu.memory_space<semaphore_mem>>) src(%arg9 : memref<2000x8xf32, #tpu.memory_space<vmem>>) dst(%dma_wait3A_137 : memref<50016x8xf32, #tpu.memory_space<vmem_shared>>)
          } else {
          }
          %add3A_117 = arith.constant 1 : i32
          %add3A_118 = arith.addi %add3A_79, %add3A_117 : i32
          %mul3A_119 = arith.constant 200000 : i32
          %mul3A_120 = arith.muli %arg1, %mul3A_119 : i32
          %mul3A_121 = arith.constant 2000 : i32
          %mul3A_122 = arith.muli %add3A_118, %mul3A_121 : i32
          %add3A_123 = arith.addi %mul3A_120, %mul3A_122 : i32
          %dma_start3A_124 = tpu.memref_slice %arg4[%add3A_123] : memref<3200000xi32, #tpu.memory_space<hbm>> -> memref<2000xi32, #tpu.memory_space<hbm>>
          %dma_start3A_125 = tpu.memref_slice %arg4[%add3A_123] : memref<3200000xi32, #tpu.memory_space<hbm>> -> memref<2000xi32, #tpu.memory_space<hbm>>
          tpu.enqueue_dma source(%dma_start3A_125 : memref<2000xi32, #tpu.memory_space<hbm>>) target(%arg7 : memref<2000xi32, #tpu.memory_space<vmem>>) target_semaphore(%arg12 : memref<!tpu.dma_semaphore, #tpu.memory_space<semaphore_mem>>)
          %mul3A_126 = arith.constant 200000 : i32
          %mul3A_127 = arith.muli %sub3A_15, %mul3A_126 : i32
          %mul3A_128 = arith.constant 2000 : i32
          %mul3A_129 = arith.muli %add3A_118, %mul3A_128 : i32
          %add3A_130 = arith.addi %mul3A_127, %mul3A_129 : i32
          %dma_start3A_131 = arith.constant 0 : i32
          %dma_start3A_132 = tpu.memref_slice %arg3[%add3A_130, %dma_start3A_131] : memref<1600000x32xf32, #tpu.memory_space<hbm>> -> memref<2000x8xf32, #tpu.memory_space<hbm>>
          %dma_start3A_133 = arith.constant 0 : i32
          %dma_start3A_134 = tpu.memref_slice %arg3[%add3A_130, %dma_start3A_133] : memref<1600000x32xf32, #tpu.memory_space<hbm>> -> memref<2000x8xf32, #tpu.memory_space<hbm>>
          tpu.enqueue_dma source(%dma_start3A_134 : memref<2000x8xf32, #tpu.memory_space<hbm>>) target(%arg9 : memref<2000x8xf32, #tpu.memory_space<vmem>>) target_semaphore(%arg12 : memref<!tpu.dma_semaphore, #tpu.memory_space<semaphore_mem>>)
        } else {
        }
      }
      %scan3A_33 = arith.constant 50 : i32
      %dma_wait3A = arith.constant 0 : i32
      %dma_wait3A_34 = arith.constant 0 : i32
      %dma_wait3A_35 = tpu.memref_slice %arg11[%dma_wait3A, %dma_wait3A_34] : memref<50016x8xf32, #tpu.memory_space<vmem_shared>> -> memref<50016x8xf32, #tpu.memory_space<vmem_shared>>
      tpu.wait_indirect_dma semaphore(%arg14 : memref<!tpu.dma_semaphore, #tpu.memory_space<semaphore_mem>>) src(%arg9 : memref<2000x8xf32, #tpu.memory_space<vmem>>) dst(%dma_wait3A_35 : memref<50016x8xf32, #tpu.memory_space<vmem_shared>>)
      %dma_wait3A_36 = arith.constant 0 : i32
      %dma_wait3A_37 = arith.constant 0 : i32
      %dma_wait3A_38 = tpu.memref_slice %arg11[%dma_wait3A_36, %dma_wait3A_37] : memref<50016x8xf32, #tpu.memory_space<vmem_shared>> -> memref<50016x8xf32, #tpu.memory_space<vmem_shared>>
      tpu.wait_indirect_dma semaphore(%arg15 : memref<!tpu.dma_semaphore, #tpu.memory_space<semaphore_mem>>) src(%arg10 : memref<2000x8xf32, #tpu.memory_space<vmem>>) dst(%dma_wait3A_38 : memref<50016x8xf32, #tpu.memory_space<vmem_shared>>)
    } else {
    }
    %barrier3A_10 = arith.constant 0 : index
    tpu.barrier barrier_id(%barrier3A_10)
    %mul3A_11 = arith.constant 3125 : i32
    %mul3A_12 = arith.muli %arg1, %mul3A_11 : i32
    %mul3A_13 = arith.constant 3125 : i32
    %mul3A_14 = arith.muli %arg1, %mul3A_13 : i32
    "tpu.region"() ({
      %run_scoped3A = tpu.sem_alloc : memref<!tpu.dma_semaphore, #tpu.memory_space<semaphore_mem>>
      %dma_start3A = arith.constant 0 : i32
      %dma_start3A_15 = tpu.memref_slice %arg6[%arg0, %mul3A_14, %dma_start3A] : memref<2x50000x8xf32, #tpu.memory_space<hbm>> -> memref<1x3125x8xf32, #tpu.memory_space<hbm>>
      %dma_start3A_16 = tpu.memref_squeeze %dma_start3A_15 : memref<1x3125x8xf32, #tpu.memory_space<hbm>> -> memref<3125x8xf32, #tpu.memory_space<hbm>>
      %dma_start3A_17 = arith.constant 0 : i32
      %dma_start3A_18 = tpu.memref_slice %arg11[%mul3A_12, %dma_start3A_17] : memref<50016x8xf32, #tpu.memory_space<vmem_shared>> -> memref<3125x8xf32, #tpu.memory_space<vmem_shared>>
      tpu.enqueue_dma source(%dma_start3A_18 : memref<3125x8xf32, #tpu.memory_space<vmem_shared>>) target(%dma_start3A_16 : memref<3125x8xf32, #tpu.memory_space<hbm>>) target_semaphore(%run_scoped3A : memref<!tpu.dma_semaphore, #tpu.memory_space<semaphore_mem>>)
      %dma_wait3A = arith.constant 0 : i32
      %dma_wait3A_19 = tpu.memref_slice %arg6[%arg0, %mul3A_14, %dma_wait3A] : memref<2x50000x8xf32, #tpu.memory_space<hbm>> -> memref<1x3125x8xf32, #tpu.memory_space<hbm>>
      %dma_wait3A_20 = tpu.memref_squeeze %dma_wait3A_19 : memref<1x3125x8xf32, #tpu.memory_space<hbm>> -> memref<3125x8xf32, #tpu.memory_space<hbm>>
      %dma_wait3A_21 = arith.constant 0 : i32
      %dma_wait3A_22 = tpu.memref_slice %arg11[%mul3A_12, %dma_wait3A_21] : memref<50016x8xf32, #tpu.memory_space<vmem_shared>> -> memref<3125x8xf32, #tpu.memory_space<vmem_shared>>
      tpu.wait_dma2 semaphore(%run_scoped3A : memref<!tpu.dma_semaphore, #tpu.memory_space<semaphore_mem>>) src(%dma_wait3A_22 : memref<3125x8xf32, #tpu.memory_space<vmem_shared>>) dst(%dma_wait3A_20 : memref<3125x8xf32, #tpu.memory_space<hbm>>)
      tpu.yield
    }) : () -> ()
    return
  }
}

module attributes {stable_mosaic.version = 14 : i64} {
  func.func @_pre_body(%arg0: i32, %arg1: memref<4000x4xf32, #tpu.memory_space<vmem>>, %arg2: memref<4x32xf32, #tpu.memory_space<vmem>>, %arg3: memref<4x32xf32, #tpu.memory_space<vmem>>, %arg4: memref<1x32xf32, #tpu.memory_space<vmem>>, %arg5: memref<4000x32xf32, #tpu.memory_space<vmem>>, %arg6: memref<4000x32xf32, #tpu.memory_space<vmem>>) attributes {dimension_semantics = [#tpu.dimension_semantics<arbitrary>], iteration_bounds = array<i64: 25>, scalar_prefetch = 0 : i64, scratch_operands = 0 : i64, tpu.core_type = #tpu.core_type<tc>, window_params = [{transform_indices = @transform_0, window_bounds = array<i64: 4000, 4>}, {pipeline_mode = #tpu.pipeline_mode<synchronous>, transform_indices = @transform_1, window_bounds = array<i64: 4, 32>}, {pipeline_mode = #tpu.pipeline_mode<synchronous>, transform_indices = @transform_2, window_bounds = array<i64: 4, 32>}, {pipeline_mode = #tpu.pipeline_mode<synchronous>, transform_indices = @transform_3, window_bounds = array<i64: 1, 32>}, {transform_indices = @transform_4, window_bounds = array<i64: 4000, 32>}, {transform_indices = @transform_5, window_bounds = array<i64: 4000, 32>}]} {
    %get3A = arith.constant 0 : index
    %get3A_0 = arith.constant 0 : index
    %get3A_1 = vector.load %arg1[%get3A, %get3A_0] : memref<4000x4xf32, #tpu.memory_space<vmem>>, vector<4000x4xf32>
    %get3A_2 = arith.constant 0 : index
    %get3A_3 = arith.constant 0 : index
    %get3A_4 = vector.load %arg3[%get3A_2, %get3A_3] : memref<4x32xf32, #tpu.memory_space<vmem>>, vector<4x32xf32>
    %dot_general3A = arith.constant dense<0.000000e+00> : vector<4000x32xf32>
    %dot_general3A_5 = tpu.matmul %get3A_1, %get3A_4, %dot_general3A {dimension_numbers = #tpu.dot_dimension_numbers<[1], [0], [0], [1], [0, 0, 1, 1], [], []>, transpose_lhs_hint = false} : vector<4000x4xf32>, vector<4x32xf32>, vector<4000x32xf32> -> vector<4000x32xf32>
    %get3A_6 = arith.constant 0 : index
    %get3A_7 = arith.constant 0 : index
    %get3A_8 = vector.load %arg2[%get3A_6, %get3A_7] : memref<4x32xf32, #tpu.memory_space<vmem>>, vector<4x32xf32>
    %sub3A = arith.subf %get3A_8, %get3A_4 : vector<4x32xf32>
    %dot_general3A_9 = arith.constant dense<0.000000e+00> : vector<4000x32xf32>
    %dot_general3A_10 = tpu.matmul %get3A_1, %sub3A, %dot_general3A_9 {dimension_numbers = #tpu.dot_dimension_numbers<[1], [0], [0], [1], [0, 0, 1, 1], [], []>, transpose_lhs_hint = false} : vector<4000x4xf32>, vector<4x32xf32>, vector<4000x32xf32> -> vector<4000x32xf32>
    %get3A_11 = arith.constant 0 : index
    %get3A_12 = arith.constant 0 : index
    %get3A_13 = vector.load %arg4[%get3A_11, %get3A_12] : memref<1x32xf32, #tpu.memory_space<vmem>>, vector<1x32xf32>
    %add3A = vector.broadcast %get3A_13 : vector<1x32xf32> to vector<4000x32xf32>
    %add3A_14 = arith.addf %dot_general3A_10, %add3A : vector<4000x32xf32>
    %swap3A = arith.constant 0 : index
    %swap3A_15 = arith.constant 0 : index
    %swap3A_16 = vector.load %arg5[%swap3A, %swap3A_15] : memref<4000x32xf32, #tpu.memory_space<vmem>>, vector<4000x32xf32>
    tpu.vector_store %arg5[%swap3A, %swap3A_15], %add3A_14 {strides = array<i32>} : memref<4000x32xf32, #tpu.memory_space<vmem>>, vector<4000x32xf32>,
    %swap3A_17 = arith.constant 0 : index
    %swap3A_18 = arith.constant 0 : index
    %swap3A_19 = vector.load %arg6[%swap3A_17, %swap3A_18] : memref<4000x32xf32, #tpu.memory_space<vmem>>, vector<4000x32xf32>
    tpu.vector_store %arg6[%swap3A_17, %swap3A_18], %dot_general3A_5 {strides = array<i32>} : memref<4000x32xf32, #tpu.memory_space<vmem>>, vector<4000x32xf32>,
    return
  }
  func.func @transform_0(%arg0: i32) -> (i32, i32) {
    %c0_i32 = arith.constant 0 : i32
    %c0_i32_0 = arith.constant 0 : i32
    return %arg0, %c0_i32 : i32, i32
  }
  func.func @transform_1(%arg0: i32) -> (i32, i32) {
    %c0_i32 = arith.constant 0 : i32
    %c0_i32_0 = arith.constant 0 : i32
    %c0_i32_1 = arith.constant 0 : i32
    return %c0_i32, %c0_i32_0 : i32, i32
  }
  func.func @transform_2(%arg0: i32) -> (i32, i32) {
    %c0_i32 = arith.constant 0 : i32
    %c0_i32_0 = arith.constant 0 : i32
    %c0_i32_1 = arith.constant 0 : i32
    return %c0_i32, %c0_i32_0 : i32, i32
  }
  func.func @transform_3(%arg0: i32) -> (i32, i32) {
    %c0_i32 = arith.constant 0 : i32
    %c0_i32_0 = arith.constant 0 : i32
    %c0_i32_1 = arith.constant 0 : i32
    return %c0_i32, %c0_i32_0 : i32, i32
  }
  func.func @transform_4(%arg0: i32) -> (i32, i32) {
    %c0_i32 = arith.constant 0 : i32
    %c0_i32_0 = arith.constant 0 : i32
    return %arg0, %c0_i32 : i32, i32
  }
  func.func @transform_5(%arg0: i32) -> (i32, i32) {
    %c0_i32 = arith.constant 0 : i32
    %c0_i32_0 = arith.constant 0 : i32
    return %arg0, %c0_i32 : i32, i32
  }
}

module attributes {stable_mosaic.version = 14 : i64} {
  func.func @_edge_body(%arg0: i32, %arg1: memref<4000x128xf32, #tpu.memory_space<vmem>>, %arg2: memref<4000x128xf32, #tpu.memory_space<vmem>>, %arg3: memref<128x128xf32, #tpu.memory_space<vmem>>, %arg4: memref<1x128xf32, #tpu.memory_space<vmem>>, %arg5: memref<128x128xf32, #tpu.memory_space<vmem>>, %arg6: memref<4000x128xf32, #tpu.memory_space<vmem>>) attributes {dimension_semantics = [#tpu.dimension_semantics<arbitrary>], iteration_bounds = array<i64: 100>, scalar_prefetch = 0 : i64, scratch_operands = 0 : i64, tpu.core_type = #tpu.core_type<tc>, window_params = [{transform_indices = @transform_0, window_bounds = array<i64: 4000, 128>}, {transform_indices = @transform_1, window_bounds = array<i64: 4000, 128>}, {pipeline_mode = #tpu.pipeline_mode<synchronous>, transform_indices = @transform_2, window_bounds = array<i64: 128, 128>}, {pipeline_mode = #tpu.pipeline_mode<synchronous>, transform_indices = @transform_3, window_bounds = array<i64: 1, 128>}, {pipeline_mode = #tpu.pipeline_mode<synchronous>, transform_indices = @transform_4, window_bounds = array<i64: 128, 128>}, {transform_indices = @transform_5, window_bounds = array<i64: 4000, 128>}]} {
    %get3A = arith.constant 0 : index
    %get3A_0 = arith.constant 0 : index
    %get3A_1 = vector.load %arg1[%get3A, %get3A_0] : memref<4000x128xf32, #tpu.memory_space<vmem>>, vector<4000x128xf32>
    %get3A_2 = arith.constant 0 : index
    %get3A_3 = arith.constant 0 : index
    %get3A_4 = vector.load %arg2[%get3A_2, %get3A_3] : memref<4000x128xf32, #tpu.memory_space<vmem>>, vector<4000x128xf32>
    %add3A = arith.addf %get3A_1, %get3A_4 : vector<4000x128xf32>
    %max3A = arith.constant 0.000000e+00 : f32
    %max3A_5 = vector.broadcast %max3A : f32 to vector<4000x128xf32>
    %max3A_6 = arith.maximumf %add3A, %max3A_5 : vector<4000x128xf32>
    %get3A_7 = arith.constant 0 : index
    %get3A_8 = arith.constant 0 : index
    %get3A_9 = vector.load %arg3[%get3A_7, %get3A_8] : memref<128x128xf32, #tpu.memory_space<vmem>>, vector<128x128xf32>
    %dot_general3A = arith.constant dense<0.000000e+00> : vector<4000x128xf32>
    %dot_general3A_10 = tpu.matmul %max3A_6, %get3A_9, %dot_general3A {dimension_numbers = #tpu.dot_dimension_numbers<[1], [0], [0], [1], [0, 0, 1, 1], [], []>, transpose_lhs_hint = false} : vector<4000x128xf32>, vector<128x128xf32>, vector<4000x128xf32> -> vector<4000x128xf32>
    %get3A_11 = arith.constant 0 : index
    %get3A_12 = arith.constant 0 : index
    %get3A_13 = vector.load %arg4[%get3A_11, %get3A_12] : memref<1x128xf32, #tpu.memory_space<vmem>>, vector<1x128xf32>
    %add3A_14 = vector.broadcast %get3A_13 : vector<1x128xf32> to vector<4000x128xf32>
    %add3A_15 = arith.addf %dot_general3A_10, %add3A_14 : vector<4000x128xf32>
    %max3A_16 = arith.constant 0.000000e+00 : f32
    %max3A_17 = vector.broadcast %max3A_16 : f32 to vector<4000x128xf32>
    %max3A_18 = arith.maximumf %add3A_15, %max3A_17 : vector<4000x128xf32>
    %get3A_19 = arith.constant 0 : index
    %get3A_20 = arith.constant 0 : index
    %get3A_21 = vector.load %arg5[%get3A_19, %get3A_20] : memref<128x128xf32, #tpu.memory_space<vmem>>, vector<128x128xf32>
    %dot_general3A_22 = arith.constant dense<0.000000e+00> : vector<4000x128xf32>
    %dot_general3A_23 = tpu.matmul %max3A_18, %get3A_21, %dot_general3A_22 {dimension_numbers = #tpu.dot_dimension_numbers<[1], [0], [0], [1], [0, 0, 1, 1], [], []>, transpose_lhs_hint = false} : vector<4000x128xf32>, vector<128x128xf32>, vector<4000x128xf32> -> vector<4000x128xf32>
    %iota3A = tpu.iota {dimensions = array<i32: 1>} : vector<4000x128xi32>
    %jit3A = arith.constant 32 : i32
    %eq3A = arith.constant 0 : i32
    %eq3A_24 = arith.cmpi eq, %jit3A, %eq3A : i32
    %jit3A_25 = arith.constant 1 : i32
    %select_n3A = arith.select %eq3A_24, %jit3A_25, %jit3A : i32
    %rem3A = vector.broadcast %select_n3A : i32 to vector<4000x128xi32>
    %rem3A_26 = arith.remsi %iota3A, %rem3A : vector<4000x128xi32>
    %ne3A = arith.constant 0 : i32
    %ne3A_27 = vector.broadcast %ne3A : i32 to vector<4000x128xi32>
    %ne3A_28 = arith.cmpi ne, %rem3A_26, %ne3A_27 : vector<4000x128xi32>
    %lt3A = arith.constant 0 : i32
    %lt3A_29 = vector.broadcast %lt3A : i32 to vector<4000x128xi32>
    %lt3A_30 = arith.cmpi slt, %rem3A_26, %lt3A_29 : vector<4000x128xi32>
    %lt3A_31 = arith.constant 0 : i32
    %lt3A_32 = arith.cmpi slt, %select_n3A, %lt3A_31 : i32
    %ne3A_33 = vector.broadcast %lt3A_32 : i1 to vector<4000x128xi1>
    %ne3A_34 = vector.broadcast %ne3A_33 : vector<4000x128xi1> to vector<4000x128xi1>
    %ne3A_35 = arith.xori %lt3A_30, %ne3A_34 : vector<4000x128xi1>
    %and3A = arith.andi %ne3A_35, %ne3A_28 : vector<4000x128xi1>
    %add3A_36 = vector.broadcast %select_n3A : i32 to vector<4000x128xi32>
    %add3A_37 = arith.addi %rem3A_26, %add3A_36 : vector<4000x128xi32>
    %select_n3A_38 = arith.select %and3A, %add3A_37, %rem3A_26 : vector<4000x128xi1>, vector<4000x128xi32>
    %eq3A_39 = arith.constant 4 : i32
    %eq3A_40 = vector.broadcast %eq3A_39 : i32 to vector<4000x128xi32>
    %eq3A_41 = arith.cmpi eq, %select_n3A_38, %eq3A_40 : vector<4000x128xi32>
    %jit3A_42 = arith.constant 1.000000e+00 : f32
    %jit3A_43 = arith.constant 0.000000e+00 : f32
    %broadcast_in_dim3A = vector.broadcast %jit3A_42 : f32 to vector<4000x128xf32>
    %broadcast_in_dim3A_44 = vector.broadcast %jit3A_43 : f32 to vector<4000x128xf32>
    %select_n3A_45 = arith.select %eq3A_41, %broadcast_in_dim3A, %broadcast_in_dim3A_44 : vector<4000x128xi1>, vector<4000x128xf32>
    %add3A_46 = arith.addf %dot_general3A_23, %select_n3A_45 : vector<4000x128xf32>
    %swap3A = arith.constant 0 : index
    %swap3A_47 = arith.constant 0 : index
    %swap3A_48 = vector.load %arg6[%swap3A, %swap3A_47] : memref<4000x128xf32, #tpu.memory_space<vmem>>, vector<4000x128xf32>
    tpu.vector_store %arg6[%swap3A, %swap3A_47], %add3A_46 {strides = array<i32>} : memref<4000x128xf32, #tpu.memory_space<vmem>>, vector<4000x128xf32>,
    return
  }
  func.func @transform_0(%arg0: i32) -> (i32, i32) {
    %c0_i32 = arith.constant 0 : i32
    %c0_i32_0 = arith.constant 0 : i32
    return %arg0, %c0_i32 : i32, i32
  }
  func.func @transform_1(%arg0: i32) -> (i32, i32) {
    %c0_i32 = arith.constant 0 : i32
    %c0_i32_0 = arith.constant 0 : i32
    return %arg0, %c0_i32 : i32, i32
  }
  func.func @transform_2(%arg0: i32) -> (i32, i32) {
    %c0_i32 = arith.constant 0 : i32
    %c0_i32_0 = arith.constant 0 : i32
    %c0_i32_1 = arith.constant 0 : i32
    return %c0_i32, %c0_i32_0 : i32, i32
  }
  func.func @transform_3(%arg0: i32) -> (i32, i32) {
    %c0_i32 = arith.constant 0 : i32
    %c0_i32_0 = arith.constant 0 : i32
    %c0_i32_1 = arith.constant 0 : i32
    return %c0_i32, %c0_i32_0 : i32, i32
  }
  func.func @transform_4(%arg0: i32) -> (i32, i32) {
    %c0_i32 = arith.constant 0 : i32
    %c0_i32_0 = arith.constant 0 : i32
    %c0_i32_1 = arith.constant 0 : i32
    return %c0_i32, %c0_i32_0 : i32, i32
  }
  func.func @transform_5(%arg0: i32) -> (i32, i32) {
    %c0_i32 = arith.constant 0 : i32
    %c0_i32_0 = arith.constant 0 : i32
    return %arg0, %c0_i32 : i32, i32
  }
}

module attributes {stable_mosaic.version = 14 : i64} {
  func.func @_head_body(%arg0: i32, %arg1: memref<2000x8xf32, #tpu.memory_space<vmem>>, %arg2: memref<2000x2xf32, #tpu.memory_space<vmem>>, %arg3: memref<1x2xf32, #tpu.memory_space<vmem>>, %arg4: memref<1x2xf32, #tpu.memory_space<vmem>>, %arg5: memref<2x32xf32, #tpu.memory_space<vmem>>, %arg6: memref<2x32xf32, #tpu.memory_space<vmem>>, %arg7: memref<1x32xf32, #tpu.memory_space<vmem>>, %arg8: memref<2000x2xf32, #tpu.memory_space<vmem>>, %arg9: memref<2000x2xf32, #tpu.memory_space<vmem>>, %arg10: memref<2000x32xf32, #tpu.memory_space<vmem>>, %arg11: memref<2000x32xf32, #tpu.memory_space<vmem>>, %arg12: memref<2000x2xf32, #tpu.memory_space<vmem>>) attributes {dimension_semantics = [#tpu.dimension_semantics<arbitrary>], iteration_bounds = array<i64: 50>, scalar_prefetch = 0 : i64, scratch_operands = 0 : i64, tpu.core_type = #tpu.core_type<tc>, window_params = [{transform_indices = @transform_0, window_bounds = array<i64: 2000, 8>}, {transform_indices = @transform_1, window_bounds = array<i64: 2000, 2>}, {pipeline_mode = #tpu.pipeline_mode<synchronous>, transform_indices = @transform_2, window_bounds = array<i64: 1, 2>}, {pipeline_mode = #tpu.pipeline_mode<synchronous>, transform_indices = @transform_3, window_bounds = array<i64: 1, 2>}, {pipeline_mode = #tpu.pipeline_mode<synchronous>, transform_indices = @transform_4, window_bounds = array<i64: 2, 32>}, {pipeline_mode = #tpu.pipeline_mode<synchronous>, transform_indices = @transform_5, window_bounds = array<i64: 2, 32>}, {pipeline_mode = #tpu.pipeline_mode<synchronous>, transform_indices = @transform_6, window_bounds = array<i64: 1, 32>}, {transform_indices = @transform_7, window_bounds = array<i64: 2000, 2>}, {transform_indices = @transform_8, window_bounds = array<i64: 2000, 2>}, {transform_indices = @transform_9, window_bounds = array<i64: 2000, 32>}, {transform_indices = @transform_10, window_bounds = array<i64: 2000, 32>}, {transform_indices = @transform_11, window_bounds = array<i64: 2000, 2>}]} {
    %get3A = arith.constant 0 : index
    %get3A_0 = arith.constant 0 : index
    %get3A_1 = vector.load %arg1[%get3A, %get3A_0] : memref<2000x8xf32, #tpu.memory_space<vmem>>, vector<2000x8xf32>
    %slice3A = vector.extract_strided_slice %get3A_1 {offsets = [0, 4], sizes = [2000, 1], strides = [1, 1]} : vector<2000x8xf32> to vector<2000x1xf32>
    %max3A = arith.constant 1.000000e+00 : f32
    %max3A_2 = vector.broadcast %max3A : f32 to vector<2000x1xf32>
    %max3A_3 = arith.maximumf %slice3A, %max3A_2 : vector<2000x1xf32>
    %div3A = arith.constant 1.000000e+00 : f32
    %div3A_4 = vector.broadcast %div3A : f32 to vector<2000x1xf32>
    %div3A_5 = arith.divf %div3A_4, %max3A_3 : vector<2000x1xf32>
    %slice3A_6 = vector.extract_strided_slice %get3A_1 {offsets = [0, 0], sizes = [2000, 2], strides = [1, 1]} : vector<2000x8xf32> to vector<2000x2xf32>
    %mul3A = vector.broadcast %div3A_5 : vector<2000x1xf32> to vector<2000x2xf32>
    %mul3A_7 = arith.mulf %slice3A_6, %mul3A : vector<2000x2xf32>
    %get3A_8 = arith.constant 0 : index
    %get3A_9 = arith.constant 0 : index
    %get3A_10 = vector.load %arg3[%get3A_8, %get3A_9] : memref<1x2xf32, #tpu.memory_space<vmem>>, vector<1x2xf32>
    %add3A = vector.broadcast %get3A_10 : vector<1x2xf32> to vector<2000x2xf32>
    %add3A_11 = arith.addf %mul3A_7, %add3A : vector<2000x2xf32>
    %slice3A_12 = vector.extract_strided_slice %get3A_1 {offsets = [0, 2], sizes = [2000, 2], strides = [1, 1]} : vector<2000x8xf32> to vector<2000x2xf32>
    %mul3A_13 = vector.broadcast %div3A_5 : vector<2000x1xf32> to vector<2000x2xf32>
    %mul3A_14 = arith.mulf %slice3A_12, %mul3A_13 : vector<2000x2xf32>
    %get3A_15 = arith.constant 0 : index
    %get3A_16 = arith.constant 0 : index
    %get3A_17 = vector.load %arg4[%get3A_15, %get3A_16] : memref<1x2xf32, #tpu.memory_space<vmem>>, vector<1x2xf32>
    %add3A_18 = vector.broadcast %get3A_17 : vector<1x2xf32> to vector<2000x2xf32>
    %add3A_19 = arith.addf %mul3A_14, %add3A_18 : vector<2000x2xf32>
    %get3A_20 = arith.constant 0 : index
    %get3A_21 = arith.constant 0 : index
    %get3A_22 = vector.load %arg2[%get3A_20, %get3A_21] : memref<2000x2xf32, #tpu.memory_space<vmem>>, vector<2000x2xf32>
    %mul3A_23 = arith.constant 5.000000e-01 : f32
    %mul3A_24 = vector.broadcast %mul3A_23 : f32 to vector<2000x2xf32>
    %mul3A_25 = arith.mulf %mul3A_24, %add3A_19 : vector<2000x2xf32>
    %exp3A = math.exp %mul3A_25 : vector<2000x2xf32>
    %mul3A_26 = arith.mulf %get3A_22, %exp3A : vector<2000x2xf32>
    %add3A_27 = arith.addf %add3A_11, %mul3A_26 : vector<2000x2xf32>
    %get3A_28 = arith.constant 0 : index
    %get3A_29 = arith.constant 0 : index
    %get3A_30 = vector.load %arg6[%get3A_28, %get3A_29] : memref<2x32xf32, #tpu.memory_space<vmem>>, vector<2x32xf32>
    %get3A_31 = arith.constant 0 : index
    %get3A_32 = arith.constant 0 : index
    %get3A_33 = vector.load %arg5[%get3A_31, %get3A_32] : memref<2x32xf32, #tpu.memory_space<vmem>>, vector<2x32xf32>
    %sub3A = arith.subf %get3A_33, %get3A_30 : vector<2x32xf32>
    %dot_general3A = arith.constant dense<0.000000e+00> : vector<2000x32xf32>
    %dot_general3A_34 = tpu.matmul %add3A_27, %sub3A, %dot_general3A {dimension_numbers = #tpu.dot_dimension_numbers<[1], [0], [0], [1], [0, 0, 1, 1], [], []>, transpose_lhs_hint = false} : vector<2000x2xf32>, vector<2x32xf32>, vector<2000x32xf32> -> vector<2000x32xf32>
    %get3A_35 = arith.constant 0 : index
    %get3A_36 = arith.constant 0 : index
    %get3A_37 = vector.load %arg7[%get3A_35, %get3A_36] : memref<1x32xf32, #tpu.memory_space<vmem>>, vector<1x32xf32>
    %add3A_38 = vector.broadcast %get3A_37 : vector<1x32xf32> to vector<2000x32xf32>
    %add3A_39 = arith.addf %dot_general3A_34, %add3A_38 : vector<2000x32xf32>
    %dot_general3A_40 = arith.constant dense<0.000000e+00> : vector<2000x32xf32>
    %dot_general3A_41 = tpu.matmul %add3A_27, %get3A_30, %dot_general3A_40 {dimension_numbers = #tpu.dot_dimension_numbers<[1], [0], [0], [1], [0, 0, 1, 1], [], []>, transpose_lhs_hint = false} : vector<2000x2xf32>, vector<2x32xf32>, vector<2000x32xf32> -> vector<2000x32xf32>
    %swap3A = arith.constant 0 : index
    %swap3A_42 = arith.constant 0 : index
    %swap3A_43 = vector.load %arg8[%swap3A, %swap3A_42] : memref<2000x2xf32, #tpu.memory_space<vmem>>, vector<2000x2xf32>
    tpu.vector_store %arg8[%swap3A, %swap3A_42], %add3A_11 {strides = array<i32>} : memref<2000x2xf32, #tpu.memory_space<vmem>>, vector<2000x2xf32>,
    %swap3A_44 = arith.constant 0 : index
    %swap3A_45 = arith.constant 0 : index
    %swap3A_46 = vector.load %arg9[%swap3A_44, %swap3A_45] : memref<2000x2xf32, #tpu.memory_space<vmem>>, vector<2000x2xf32>
    tpu.vector_store %arg9[%swap3A_44, %swap3A_45], %add3A_19 {strides = array<i32>} : memref<2000x2xf32, #tpu.memory_space<vmem>>, vector<2000x2xf32>,
    %swap3A_47 = arith.constant 0 : index
    %swap3A_48 = arith.constant 0 : index
    %swap3A_49 = vector.load %arg10[%swap3A_47, %swap3A_48] : memref<2000x32xf32, #tpu.memory_space<vmem>>, vector<2000x32xf32>
    tpu.vector_store %arg10[%swap3A_47, %swap3A_48], %add3A_39 {strides = array<i32>} : memref<2000x32xf32, #tpu.memory_space<vmem>>, vector<2000x32xf32>,
    %swap3A_50 = arith.constant 0 : index
    %swap3A_51 = arith.constant 0 : index
    %swap3A_52 = vector.load %arg11[%swap3A_50, %swap3A_51] : memref<2000x32xf32, #tpu.memory_space<vmem>>, vector<2000x32xf32>
    tpu.vector_store %arg11[%swap3A_50, %swap3A_51], %dot_general3A_41 {strides = array<i32>} : memref<2000x32xf32, #tpu.memory_space<vmem>>, vector<2000x32xf32>,
    %mul3A_53 = arith.mulf %slice3A, %div3A_5 : vector<2000x1xf32>
    %concatenate3A = tpu.concatenate %div3A_5, %mul3A_53 in 1 : vector<2000x1xf32>, vector<2000x1xf32> -> vector<2000x2xf32>
    %swap3A_54 = arith.constant 0 : index
    %swap3A_55 = arith.constant 0 : index
    %swap3A_56 = vector.load %arg12[%swap3A_54, %swap3A_55] : memref<2000x2xf32, #tpu.memory_space<vmem>>, vector<2000x2xf32>
    tpu.vector_store %arg12[%swap3A_54, %swap3A_55], %concatenate3A {strides = array<i32>} : memref<2000x2xf32, #tpu.memory_space<vmem>>, vector<2000x2xf32>,
    return
  }
  func.func @transform_0(%arg0: i32) -> (i32, i32) {
    %c0_i32 = arith.constant 0 : i32
    %c0_i32_0 = arith.constant 0 : i32
    return %arg0, %c0_i32 : i32, i32
  }
  func.func @transform_1(%arg0: i32) -> (i32, i32) {
    %c0_i32 = arith.constant 0 : i32
    %c0_i32_0 = arith.constant 0 : i32
    return %arg0, %c0_i32 : i32, i32
  }
  func.func @transform_2(%arg0: i32) -> (i32, i32) {
    %c0_i32 = arith.constant 0 : i32
    %c0_i32_0 = arith.constant 0 : i32
    %c0_i32_1 = arith.constant 0 : i32
    return %c0_i32, %c0_i32_0 : i32, i32
  }
  func.func @transform_3(%arg0: i32) -> (i32, i32) {
    %c0_i32 = arith.constant 0 : i32
    %c0_i32_0 = arith.constant 0 : i32
    %c0_i32_1 = arith.constant 0 : i32
    return %c0_i32, %c0_i32_0 : i32, i32
  }
  func.func @transform_4(%arg0: i32) -> (i32, i32) {
    %c0_i32 = arith.constant 0 : i32
    %c0_i32_0 = arith.constant 0 : i32
    %c0_i32_1 = arith.constant 0 : i32
    return %c0_i32, %c0_i32_0 : i32, i32
  }
  func.func @transform_5(%arg0: i32) -> (i32, i32) {
    %c0_i32 = arith.constant 0 : i32
    %c0_i32_0 = arith.constant 0 : i32
    %c0_i32_1 = arith.constant 0 : i32
    return %c0_i32, %c0_i32_0 : i32, i32
  }
  func.func @transform_6(%arg0: i32) -> (i32, i32) {
    %c0_i32 = arith.constant 0 : i32
    %c0_i32_0 = arith.constant 0 : i32
    %c0_i32_1 = arith.constant 0 : i32
    return %c0_i32, %c0_i32_0 : i32, i32
  }
  func.func @transform_7(%arg0: i32) -> (i32, i32) {
    %c0_i32 = arith.constant 0 : i32
    %c0_i32_0 = arith.constant 0 : i32
    return %arg0, %c0_i32 : i32, i32
  }
  func.func @transform_8(%arg0: i32) -> (i32, i32) {
    %c0_i32 = arith.constant 0 : i32
    %c0_i32_0 = arith.constant 0 : i32
    return %arg0, %c0_i32 : i32, i32
  }
  func.func @transform_9(%arg0: i32) -> (i32, i32) {
    %c0_i32 = arith.constant 0 : i32
    %c0_i32_0 = arith.constant 0 : i32
    return %arg0, %c0_i32 : i32, i32
  }
  func.func @transform_10(%arg0: i32) -> (i32, i32) {
    %c0_i32 = arith.constant 0 : i32
    %c0_i32_0 = arith.constant 0 : i32
    return %arg0, %c0_i32 : i32, i32
  }
  func.func @transform_11(%arg0: i32) -> (i32, i32) {
    %c0_i32 = arith.constant 0 : i32
    %c0_i32_0 = arith.constant 0 : i32
    return %arg0, %c0_i32 : i32, i32
  }
}

module attributes {stable_mosaic.version = 14 : i64} {
  func.func @_edge_body(%arg0: i32, %arg1: memref<4000x128xf32, #tpu.memory_space<vmem>>, %arg2: memref<4000x128xf32, #tpu.memory_space<vmem>>, %arg3: memref<128x128xf32, #tpu.memory_space<vmem>>, %arg4: memref<1x128xf32, #tpu.memory_space<vmem>>, %arg5: memref<128x128xf32, #tpu.memory_space<vmem>>, %arg6: memref<4000x128xf32, #tpu.memory_space<vmem>>) attributes {dimension_semantics = [#tpu.dimension_semantics<arbitrary>], iteration_bounds = array<i64: 100>, scalar_prefetch = 0 : i64, scratch_operands = 0 : i64, tpu.core_type = #tpu.core_type<tc>, window_params = [{transform_indices = @transform_0, window_bounds = array<i64: 4000, 128>}, {transform_indices = @transform_1, window_bounds = array<i64: 4000, 128>}, {pipeline_mode = #tpu.pipeline_mode<synchronous>, transform_indices = @transform_2, window_bounds = array<i64: 128, 128>}, {pipeline_mode = #tpu.pipeline_mode<synchronous>, transform_indices = @transform_3, window_bounds = array<i64: 1, 128>}, {pipeline_mode = #tpu.pipeline_mode<synchronous>, transform_indices = @transform_4, window_bounds = array<i64: 128, 128>}, {transform_indices = @transform_5, window_bounds = array<i64: 4000, 128>}]} {
    %get3A = arith.constant 0 : index
    %get3A_0 = arith.constant 0 : index
    %get3A_1 = vector.load %arg1[%get3A, %get3A_0] : memref<4000x128xf32, #tpu.memory_space<vmem>>, vector<4000x128xf32>
    %get3A_2 = arith.constant 0 : index
    %get3A_3 = arith.constant 0 : index
    %get3A_4 = vector.load %arg2[%get3A_2, %get3A_3] : memref<4000x128xf32, #tpu.memory_space<vmem>>, vector<4000x128xf32>
    %add3A = arith.addf %get3A_1, %get3A_4 : vector<4000x128xf32>
    %max3A = arith.constant 0.000000e+00 : f32
    %max3A_5 = vector.broadcast %max3A : f32 to vector<4000x128xf32>
    %max3A_6 = arith.maximumf %add3A, %max3A_5 : vector<4000x128xf32>
    %get3A_7 = arith.constant 0 : index
    %get3A_8 = arith.constant 0 : index
    %get3A_9 = vector.load %arg3[%get3A_7, %get3A_8] : memref<128x128xf32, #tpu.memory_space<vmem>>, vector<128x128xf32>
    %dot_general3A = arith.constant dense<0.000000e+00> : vector<4000x128xf32>
    %dot_general3A_10 = tpu.matmul %max3A_6, %get3A_9, %dot_general3A {dimension_numbers = #tpu.dot_dimension_numbers<[1], [0], [0], [1], [0, 0, 1, 1], [], []>, transpose_lhs_hint = false} : vector<4000x128xf32>, vector<128x128xf32>, vector<4000x128xf32> -> vector<4000x128xf32>
    %get3A_11 = arith.constant 0 : index
    %get3A_12 = arith.constant 0 : index
    %get3A_13 = vector.load %arg4[%get3A_11, %get3A_12] : memref<1x128xf32, #tpu.memory_space<vmem>>, vector<1x128xf32>
    %add3A_14 = vector.broadcast %get3A_13 : vector<1x128xf32> to vector<4000x128xf32>
    %add3A_15 = arith.addf %dot_general3A_10, %add3A_14 : vector<4000x128xf32>
    %max3A_16 = arith.constant 0.000000e+00 : f32
    %max3A_17 = vector.broadcast %max3A_16 : f32 to vector<4000x128xf32>
    %max3A_18 = arith.maximumf %add3A_15, %max3A_17 : vector<4000x128xf32>
    %get3A_19 = arith.constant 0 : index
    %get3A_20 = arith.constant 0 : index
    %get3A_21 = vector.load %arg5[%get3A_19, %get3A_20] : memref<128x128xf32, #tpu.memory_space<vmem>>, vector<128x128xf32>
    %dot_general3A_22 = arith.constant dense<0.000000e+00> : vector<4000x128xf32>
    %dot_general3A_23 = tpu.matmul %max3A_18, %get3A_21, %dot_general3A_22 {dimension_numbers = #tpu.dot_dimension_numbers<[1], [0], [0], [1], [0, 0, 1, 1], [], []>, transpose_lhs_hint = false} : vector<4000x128xf32>, vector<128x128xf32>, vector<4000x128xf32> -> vector<4000x128xf32>
    %swap3A = arith.constant 0 : index
    %swap3A_24 = arith.constant 0 : index
    %swap3A_25 = vector.load %arg6[%swap3A, %swap3A_24] : memref<4000x128xf32, #tpu.memory_space<vmem>>, vector<4000x128xf32>
    tpu.vector_store %arg6[%swap3A, %swap3A_24], %dot_general3A_23 {strides = array<i32>} : memref<4000x128xf32, #tpu.memory_space<vmem>>, vector<4000x128xf32>,
    return
  }
  func.func @transform_0(%arg0: i32) -> (i32, i32) {
    %c0_i32 = arith.constant 0 : i32
    %c0_i32_0 = arith.constant 0 : i32
    return %arg0, %c0_i32 : i32, i32
  }
  func.func @transform_1(%arg0: i32) -> (i32, i32) {
    %c0_i32 = arith.constant 0 : i32
    %c0_i32_0 = arith.constant 0 : i32
    return %arg0, %c0_i32 : i32, i32
  }
  func.func @transform_2(%arg0: i32) -> (i32, i32) {
    %c0_i32 = arith.constant 0 : i32
    %c0_i32_0 = arith.constant 0 : i32
    %c0_i32_1 = arith.constant 0 : i32
    return %c0_i32, %c0_i32_0 : i32, i32
  }
  func.func @transform_3(%arg0: i32) -> (i32, i32) {
    %c0_i32 = arith.constant 0 : i32
    %c0_i32_0 = arith.constant 0 : i32
    %c0_i32_1 = arith.constant 0 : i32
    return %c0_i32, %c0_i32_0 : i32, i32
  }
  func.func @transform_4(%arg0: i32) -> (i32, i32) {
    %c0_i32 = arith.constant 0 : i32
    %c0_i32_0 = arith.constant 0 : i32
    %c0_i32_1 = arith.constant 0 : i32
    return %c0_i32, %c0_i32_0 : i32, i32
  }
  func.func @transform_5(%arg0: i32) -> (i32, i32) {
    %c0_i32 = arith.constant 0 : i32
    %c0_i32_0 = arith.constant 0 : i32
    return %arg0, %c0_i32 : i32, i32
  }
}

module attributes {stable_mosaic.version = 14 : i64} {
  func.func @_out_body(%arg0: i32, %arg1: memref<4000x8xf32, #tpu.memory_space<vmem>>, %arg2: memref<4000x2xf32, #tpu.memory_space<vmem>>, %arg3: memref<1x4xf32, #tpu.memory_space<vmem>>, %arg4: memref<4000x4xf32, #tpu.memory_space<vmem>>) attributes {dimension_semantics = [#tpu.dimension_semantics<arbitrary>], iteration_bounds = array<i64: 25>, scalar_prefetch = 0 : i64, scratch_operands = 0 : i64, tpu.core_type = #tpu.core_type<tc>, window_params = [{transform_indices = @transform_0, window_bounds = array<i64: 4000, 8>}, {transform_indices = @transform_1, window_bounds = array<i64: 4000, 2>}, {pipeline_mode = #tpu.pipeline_mode<synchronous>, transform_indices = @transform_2, window_bounds = array<i64: 1, 4>}, {transform_indices = @transform_3, window_bounds = array<i64: 4000, 4>}]} {
    %get3A = arith.constant 0 : index
    %get3A_0 = arith.constant 0 : index
    %get3A_1 = vector.load %arg1[%get3A, %get3A_0] : memref<4000x8xf32, #tpu.memory_space<vmem>>, vector<4000x8xf32>
    %get3A_2 = arith.constant 0 : index
    %get3A_3 = arith.constant 0 : index
    %get3A_4 = vector.load %arg2[%get3A_2, %get3A_3] : memref<4000x2xf32, #tpu.memory_space<vmem>>, vector<4000x2xf32>
    %slice3A = vector.extract_strided_slice %get3A_1 {offsets = [0, 0], sizes = [4000, 4], strides = [1, 1]} : vector<4000x8xf32> to vector<4000x4xf32>
    %slice3A_5 = vector.extract_strided_slice %get3A_4 {offsets = [0, 0], sizes = [4000, 1], strides = [1, 1]} : vector<4000x2xf32> to vector<4000x1xf32>
    %mul3A = vector.broadcast %slice3A_5 : vector<4000x1xf32> to vector<4000x4xf32>
    %mul3A_6 = arith.mulf %slice3A, %mul3A : vector<4000x4xf32>
    %slice3A_7 = vector.extract_strided_slice %get3A_4 {offsets = [0, 1], sizes = [4000, 1], strides = [1, 1]} : vector<4000x2xf32> to vector<4000x1xf32>
    %get3A_8 = arith.constant 0 : index
    %get3A_9 = arith.constant 0 : index
    %get3A_10 = vector.load %arg3[%get3A_8, %get3A_9] : memref<1x4xf32, #tpu.memory_space<vmem>>, vector<1x4xf32>
    %mul3A_11 = vector.broadcast %slice3A_7 : vector<4000x1xf32> to vector<4000x4xf32>
    %mul3A_12 = vector.broadcast %get3A_10 : vector<1x4xf32> to vector<4000x4xf32>
    %mul3A_13 = arith.mulf %mul3A_11, %mul3A_12 : vector<4000x4xf32>
    %add3A = arith.addf %mul3A_6, %mul3A_13 : vector<4000x4xf32>
    %swap3A = arith.constant 0 : index
    %swap3A_14 = arith.constant 0 : index
    %swap3A_15 = vector.load %arg4[%swap3A, %swap3A_14] : memref<4000x4xf32, #tpu.memory_space<vmem>>, vector<4000x4xf32>
    tpu.vector_store %arg4[%swap3A, %swap3A_14], %add3A {strides = array<i32>} : memref<4000x4xf32, #tpu.memory_space<vmem>>, vector<4000x4xf32>,
    return
  }
  func.func @transform_0(%arg0: i32) -> (i32, i32) {
    %c0_i32 = arith.constant 0 : i32
    %c0_i32_0 = arith.constant 0 : i32
    return %arg0, %c0_i32 : i32, i32
  }
  func.func @transform_1(%arg0: i32) -> (i32, i32) {
    %c0_i32 = arith.constant 0 : i32
    %c0_i32_0 = arith.constant 0 : i32
    return %arg0, %c0_i32 : i32, i32
  }
  func.func @transform_2(%arg0: i32) -> (i32, i32) {
    %c0_i32 = arith.constant 0 : i32
    %c0_i32_0 = arith.constant 0 : i32
    %c0_i32_1 = arith.constant 0 : i32
    return %c0_i32, %c0_i32_0 : i32, i32
  }
  func.func @transform_3(%arg0: i32) -> (i32, i32) {
    %c0_i32 = arith.constant 0 : i32
    %c0_i32_0 = arith.constant 0 : i32
    return %arg0, %c0_i32 : i32, i32
  }
}

</mosaic_0001>

<sc_bundles>
// kernel: kernel.15.cloned.1.call-start
scs
__scs_entry_jumppad:
0x0: {  	(pc) =	sbr.rel $0x88, $3  }
0x1: {  	(tag) =	ssettag $0x0;
	lr =	simm.s32 $0x1  }
0x2: {  	[smem:$0x3F90] =	sst lr;
	_ =	strace $0xD0000000  }
0x3: {  	_ = 	snop  }
0x4: {  	_ = 	snop  }
0x5: {  	_ = 	snop  }
0x6: {  	_ = 	snop  }
0x7: {  	_ = 	snop  }
__scs_overlays_trampoline_lowered:
0x8: {  	[smem:$0x3F9F] =	sst s0  }
0x9: {  	[smem:$0x3FA0] =	sst s1  }
0xa: {  	[smem:$0x3FA1] =	sst s2  }
0xb: {  	[smem:$0x3FA2] =	sst s3  }
0xc: {  	[smem:$0x3FA3] =	sst s4  }
0xd: {  	[smem:$0x3FA4] =	sst s5  }
0xe: {  	[smem:$0x3FA5] =	sst s6  }
0xf: {  	[smem:$0x3FA6] =	sst s7  }
0x10: {  	[smem:$0x3FA7] =	sst s8  }
0x11: {  	[smem:$0x3FA8] =	sst s9;
	s0 =	simm.s32 @!p0 $0x0  }
0x12: {  	s1 =	sld [smem:$0x3F8E];
	s0 =	simm.s32 @p0 $0x1  }
0x13: {  	[smem:$0x3FA9] =	sst s0;
	s0 =	simm.s32 @!p1 $0x0  }
0x14: {  	s2 =	sld [smem:$0x3F8D];
	s0 =	simm.s32 @p1 $0x1  }
0x15: {  	[smem:$0x3FAA] =	sst s0;
	s0 =	simm.s32 @!p2 $0x0  }
0x16: {  	s3 =	sld [smem:$0x3FDB];
	s0 =	simm.s32 @p2 $0x1  }
0x17: {  	s4 =	simm.s32 $0x1BF5;
	[smem:$0x3FAC] =	sst s0  }
0x18: {  	s0 =	sld [smem:$0x3F8F];
	_ =	swait.ge [sflag:s4], $0x0  }
0x19: {  	s7 =	sld [smem:$0x3F90]  }
0x1a: {  	s8 =	sadd.s32 $0xFFFFE003, lr  }
0x1b: {  	s9 =	sadd.s32 $0xFFFFFEF7, lr;
	s5 =	simm.s32 $0xFFFFFFFF;
	p2 =	slt.u32 s8, $0xFFFFF086  }
0x1c: {  	p1 =	slt.u32 s9, $0xF7A;
	s5 =	simm.s32 @!p2 $0x0  }
0x1d: {  	s5 =	simm.s32 @p1 $0x1;
	p0 =	seq.s32 s7, s2  }
0x1e: {  	s7 =	smul.u32 @!p0 $0xF7A, s2;
	p2 =	seq.s32 @!p0 s5, $0x0  }
0x1f: {  	s9 =	smul.u32 $0xF7A, s1;
	s8 =	simm.s32 @!p0 $0x1BF5;
	p2 =	por !p2, p0  }
0x20: {  	[sflag:s8] =	ssyncset.s32 @!p0 $0xFFFFF086;
	s6 =	sadd.s32 @!p0 s3, s7;
	s7 =	simm.s32 @!p0 $0x108  }
0x21: {  	s3 =	sadd.s32 s3, s9;
	s6 =	sadd.s32 @!p0 $0x88, s6;
	s7 =	simm.s32 @p2 $0x1082  }
0x22: {  	[simem:s7], [sflag:s8] =	dma.local @!p0 [hbm:s6], $0xF7A  }
0x23: {  	s9 =	sor.u32 $0xD0000000, s2;
	s6 =	simm.s32 $0x108;
	_ =	swait.ge @!p0 [sflag:s8], $0x0  }
0x24: {  	s3 =	sadd.s32 $0x88, s3;
	s6 =	simm.s32 @!p1 $0x1082;
	[sflag:s4] =	ssyncset.s32 $0xFFFFF086  }
0x25: {  	[simem:s6], [sflag:s4] =	dma.local [hbm:s3], $0xF7A  }
0x26: {  	[smem:$0x3F90] =	sst s1;
	(tag) =	ssettag s2;
	_ =	strace s9  }
0x27: {  	s1 =	sld [smem:$0x3FA0]  }
0x28: {  	s2 =	sld [smem:$0x3FA1]  }
0x29: {  	s4 =	sld [smem:$0x3FA3]  }
0x2a: {  	p0 =	seq.s32 s5, $0x0;
	s5 =	sld [smem:$0x3FA4]  }
0x2b: {  	s6 =	sld [smem:$0x3FA5]  }
0x2c: {  	s7 =	sld [smem:$0x3FA6]  }
0x2d: {  	s3 =	simm.s32 $0x108;
	s8 =	sld [smem:$0x3FA7]  }
0x2e: {  	s3 =	simm.s32 @!p0 $0x1082;
	s9 =	sld [smem:$0x3FA8]  }
0x2f: {  	lr =	sadd.s32 s0, s3;
	s0 =	sld [smem:$0x3F9F]  }
0x30: {  	s3 =	sld [smem:$0x3FA2]  }
0x31: {  	[smem:$0x3FAB] =	sst s10  }
0x32: {  	s10 =	sld [smem:$0x3FA9];
	_ =	sdelay $0x3  }
0x33: {  	p0 =	seq.s32 s10, $0x1;
	s10 =	sld [smem:$0x3FAB];
	_ =	sdelay $0x3  }
0x34: {  	[smem:$0x3FAB] =	sst s10  }
0x35: {  	s10 =	sld [smem:$0x3FAA];
	_ =	sdelay $0x3  }
0x36: {  	p1 =	seq.s32 s10, $0x1;
	s10 =	sld [smem:$0x3FAB];
	_ =	sdelay $0x3  }
0x37: {  	[smem:$0x3FAB] =	sst s10  }
0x38: {  	s10 =	sld [smem:$0x3FAC]  }
0x39: {  	_ = 	snop;
	(pc) =	sbr.ind lr, $3  }
0x3a: {  	_ = 	snop  }
0x3b: {  	_ = 	snop  }
0x3c: {  	p2 =	seq.s32 s10, $0x1;
	s10 =	sld [smem:$0x3FAB]  }
0x3d: {  	_ =	shalt  }
0x3e: {  	_ =	shalt  }
0x3f: {  	_ =	shalt  }
0x40: {  	_ =	shalt  }
0x41: {  	_ =	shalt  }
0x42: {  	_ =	shalt  }
0x43: {  	_ =	shalt  }
0x44: {  	_ =	shalt  }
0x45: {  	_ =	shalt  }
0x46: {  	_ =	shalt  }
0x47: {  	_ =	shalt  }
0x48: {  	_ =	shalt  }
0x49: {  	_ =	shalt  }
0x4a: {  	_ =	shalt  }
0x4b: {  	_ =	shalt  }
0x4c: {  	_ =	shalt  }
0x4d: {  	_ =	shalt  }
0x4e: {  	_ =	shalt  }
0x4f: {  	_ =	shalt  }
0x50: {  	_ =	shalt  }
0x51: {  	_ =	shalt  }
0x52: {  	_ =	shalt  }
0x53: {  	_ =	shalt  }
0x54: {  	_ =	shalt  }
0x55: {  	_ =	shalt  }
0x56: {  	_ =	shalt  }
0x57: {  	_ =	shalt  }
0x58: {  	_ =	shalt  }
0x59: {  	_ =	shalt  }
0x5a: {  	_ =	shalt  }
0x5b: {  	_ =	shalt  }
0x5c: {  	_ =	shalt  }
0x5d: {  	_ =	shalt  }
0x5e: {  	_ =	shalt  }
0x5f: {  	_ =	shalt  }
0x60: {  	_ =	shalt  }
0x61: {  	_ =	shalt  }
0x62: {  	_ =	shalt  }
0x63: {  	_ =	shalt  }
0x64: {  	_ =	shalt  }
0x65: {  	_ =	shalt  }
0x66: {  	_ =	shalt  }
0x67: {  	_ =	shalt  }
0x68: {  	_ =	shalt  }
0x69: {  	_ =	shalt  }
0x6a: {  	_ =	shalt  }
0x6b: {  	_ =	shalt  }
0x6c: {  	_ =	shalt  }
0x6d: {  	_ =	shalt  }
0x6e: {  	_ =	shalt  }
0x6f: {  	_ =	shalt  }
0x70: {  	_ =	shalt  }
0x71: {  	_ =	shalt  }
0x72: {  	_ =	shalt  }
0x73: {  	_ =	shalt  }
0x74: {  	_ =	shalt  }
0x75: {  	_ =	shalt  }
0x76: {  	_ =	shalt  }
0x77: {  	_ =	shalt  }
0x78: {  	_ =	shalt  }
0x79: {  	_ =	shalt  }
0x7a: {  	_ =	shalt  }
0x7b: {  	_ =	shalt  }
0x7c: {  	_ =	shalt  }
0x7d: {  	_ =	shalt  }
0x7e: {  	_ =	shalt  }
0x7f: {  	_ =	shalt  }
0x80: {  	_ =	shalt  }
0x81: {  	_ =	shalt  }
0x82: {  	_ =	shalt  }
0x83: {  	_ =	shalt  }
0x84: {  	_ =	shalt  }
0x85: {  	_ =	shalt  }
0x86: {  	_ =	shalt  }
0x87: {  	_ =	shalt  }
.Lfunc_end0:
.L_simem_size_0:
called_computation_lowered:
.L_overlay_start_0:
0x88: {  	s2 =	sld [smem:$0x3FD9]  }
0x89: {  	s3 =	sld [smem:$0x3FFE];
	_ =	sdelay $0x1  }
0x8a: {  	s1 =	srdreg.scid  }
0x8b: {  	s0 =	sand.u32 $0x1, s1  }
0x8c: {  	s17 =	sshll.u32 s0, $0xA;
	s2 =	sadd.s32 s3, s2  }
0x8d: {  	s2 =	sadd.s32 s2, s17  }
0x8e: {  	[smem:$0x3FB7] =	sst s2  }
0x8f: {  	_ = 	snop  }
0x90: {  	(tm) =	ssettm $0x1  }
0x91: {  	s18 =	sld [smem:$0x3FFB];
	_ =	sdelay $0x3  }
0x92: {  	_ =	strace s18  }
0x93: {  	s2 =	sld [smem:$0x3FFC];
	_ =	sdelay $0x3  }
0x94: {  	_ =	strace s2  }
0x95: {  	s2 =	sld [smem:$0x3FFD];
	_ =	sdelay $0x3  }
0x96: {  	_ =	strace s2  }
0x97: {  	_ =	strace $0x8FFFFFFF  }
0x98: {  	s19 =	sld [smem:$0x3FDB];
	_ =	sdelay $0x1  }
0x99: {  	s20 =	simm.s32 $_scs_section_size  }
0x9a: {  	s4 =	simm.s32 $_size__tile_overlayer_lowered;
	s5 =	simm.s32 $_tile_overlayer_lowered  }
0x9b: {  	s6 =	simm.s32 $0x1BFF;
	s21 =	sshll.u32 s5, $0x1;
	s3 =	sadd.s32 s20, s19  }
0x9c: {  	s22 =	simm.s32 $0x0;
	s4 =	sshll.u32 s4, $0x1;
	s5 =	sadd.s32 s21, s3  }
0x9d: {  	[timem:s22], [sflag:s6] =	dma.local [hbm:s5], s4  }
0x9e: {  	_ =	swait.ge [sflag:s6], s4  }
0x9f: {  	s4 =	ssub.s32 $0x0, s4;
	[sflag:s6] =	ssyncset.done $0x0  }
0xa0: {  	[sflag:s6] =	ssyncadd.s32 s4;
	_ =	sdelay $0x1  }
0xa1: {  	s23 =	simm.s32 $0x1B8B  }
0xa2: {  	_ =	swait.ge [sflag:s23], $0x1  }
0xa3: {  	[sflag:s23] =	ssyncset.done $0x0  }
0xa4: {  	[sflag:s23] =	ssyncadd.s32 $0xFFFFFFFF  }
0xa5: {  	s4 =	sld [smem:$0x0]  }
0xa6: {  	s5 =	sand.u32 $0xFFFFFFFE, s1  }
0xa7: {  	p0 =	sne.s32 s1, s5  }
0xa8: {  	s5 =	sshll.u32 @p0 s5, $0xE  }
0xa9: {  	s5 =	sadd.s32 @p0 $0x11B8D, s5;
	s6 =	sshll.u32 @p0 s4, $0x11  }
0xaa: {  	s5 =	sor.u32 @p0 s6, s5  }
0xab: {  	[sflag:s5] =	ssyncadd.remote.s32 @p0 $0x1;
	_ =	sdelay $0x1  }
0xac: {  	s5 =	simm.s32 @p0 $0x1B8D  }
0xad: {  	_ =	swait.eq @p0 [sflag:s5], $0x1  }
0xae: {  	[sflag:s5] =	ssyncadd.s32 @p0 $0xFFFFFFFF  }
0xaf: {  	s6 =	sshll.u32 @!p0 s1, $0xE  }
0xb0: {  	s6 =	sor.u32 @!p0 $0x4000, s6;
	s5 =	simm.s32 @!p0 $0x1B8D  }
0xb1: {  	s4 =	sshll.u32 @!p0 s4, $0x11;
	s6 =	sadd.s32 @!p0 $0x11B8D, s6;
	_ =	swait.eq @!p0 [sflag:s5], $0x1  }
0xb2: {  	s4 =	sor.u32 @!p0 s4, s6;
	[sflag:s5] =	ssyncadd.s32 @!p0 $0xFFFFFFFF  }
0xb3: {  	s25 =	simm.s32 $0x1B8E;
	s24 =	sld [smem:$0x3FFE];
	[sflag:s4] =	ssyncadd.remote.s32 @!p0 $0x1  }
0xb4: {  	s26 =	simm.s32 $execute0_lowered;
	[smem:$0x3FD2] =	sst s25  }
0xb5: {  	s5 =	sshll.u32 s26, $0x1;
	_ =	strace $0x80000049;
	[dreg:$0x1] =	wrdreg $0xFFFFFFFF  }
0xb6: {  	s28 =	simm.s32 $_size_execute0_lowered;
	s3 =	sadd.s32 s3, s5;
	[dreg:$0x0] =	wrdreg $0x0  }
0xb7: {  	s5 =	sshll.u32 s28, $0x1;
	[dreg:$0x2] =	wrdreg s3  }
0xb8: {  	[dreg:$0x3] =	wrdreg s5  }
0xb9: {  	[dreg:$0x4] =	wrdreg $0xC0  }
0xba: {  	_ =	task [dreg:s22], $0x5FFFF  }
0xbb: {  	[dreg:$0x1] =	wrdreg $0xFFFFFFFF  }
0xbc: {  	[dreg:$0x0] =	wrdreg $0x60  }
0xbd: {  	[dreg:$0x2] =	wrdreg s24  }
0xbe: {  	[dreg:$0x3] =	wrdreg $0x9  }
0xbf: {  	_ =	task.clear_ibuf [dreg:s22], $0x4FFFF;
	_ =	strace $0x90000049  }
0xc0: {  	s29 =	simm.s32 $0x9;
	_ =	strace $0x8000004B  }
0xc1: {  	_ =	swait.ge [sflag:s29], $0x1  }
0xc2: {  	[sflag:s29] =	ssyncadd.s32 $0xFFFFFFFF  }
0xc3: {  	_ =	strace $0x9000004B  }
0xc4: {  	_ =	sfence  }
0xc5: {  	s30 =	sld [smem:$0x0];
	_ =	sdelay $0x2  }
0xc6: {  	s31 =	sshll.u32 s1, $0xD;
	s1 =	sshrl.u32 s1, $0x2  }
0xc7: {  	s4 =	sand.u32 $0x4000, s31;
	s1 =	sadd.s32 s1, s30  }
0xc8: {  	s0 =	sor.u32 s4, s0;
	s1 =	sshll.u32 s1, $0x11  }
0xc9: {  	s0 =	sor.u32 s1, s0  }
0xca: {  	s0 =	sadd.s32 $0x8F2B, s0  }
0xcb: {  	[sflag:s0] =	ssyncadd.remote.s32 $0x1  }
0xcc: {  	_ =	sfence.sel $0xFFFF  }
0xcd: {  	[dreg:$0x0] =	wrdreg $0xFFFFFFFF;
	(pc) =	sbr.abs _section_cstart, $3  }
0xce: {  	[dreg:$0x1] =	wrdreg $0xFFFFFFFF  }
0xcf: {  	_ =	task.clear_ibuf [dreg:s22], $0x2FFFF;
	_ =	strace $0x9FFFFFFF  }
0xd0: {  	(tm) =	ssettm $0x7FFFFFFF  }
0xd1: {  	_ =	shalt  }
tec
execute0_lowered:
.L_overlay_start_1:
0x0: {  	(tag) =	ssettag $0x1  }
0x1: {  	s0 =	rddreg [dreg:$0x0]  }
0x2: {  	s1 =	simm.s32 $0x0;
	s2 =	srdreg.scid;
	s12 =	stileid.u32  }
0x3: {  	s18 =	simm.s32 $0x190;
	s19 =	simm.s32 $0x1;
	s20 =	simm.s32 $0xC8  }
0x4: {  	s21 =	simm.s32 $0x320;
	s28 =	simm.s32 $0x4E20;
	s29 =	simm.s32 $0x4  }
0x5: {  	s30 =	simm.s32 $0x5;
	s31 =	simm.s32 $0x6;
	[smem:$0x7FF] =	sst s1  }
0x6: {  	s3 =	sadd.s32 $0xC8E00, s0;
	s4 =	sadd.s32 $0x12AA00, s0;
	s2 =	sand.u32 $0x1, s2  }
0x7: {  	s7 =	sshll.u32 s12, $0x1;
	s5 =	sadd.s32 $0x67200, s0;
	s15 =	smul.u32 $0x186A0, s12  }
0x8: {  	s10 =	sor.u32 s2, s7;
	s11 =	ssub.s32 $0x2, s2;
	s2 =	smul.u32 $0xC350, s2  }
0x9: {  	s6 =	sadd.s32 $0x5600, s0;
	s9 =	sadd.s32 $0x13DBE00, s0;
	s8 =	smul.u32 $0xC350, s10  }
0xa: {  	_ =	strace $0x8000004A;
	s22 =	sshrl.u32 s11, $0x1;
	s10 =	smul.u32 $0x186A00, s10  }
0xb: {  	s7 =	sadd.s32 $0xDC1600, s0;
	s0 =	ssub.s32 s11, s22;
	s2 =	sadd.s32 s2, s15  }
0xc: {  	s22 =	simm.s32 $0x3520;
	s23 =	sshrl.u32 s8, $0x3;
	s10 =	sshrl.u32 s10, $0x3  }
0xd: {  	s12 =	sadd.s32 $0xC8, s8;
	s13 =	sadd.s32 $0x190, s8;
	s0 =	smax.u32 s0, $0x1  }
0xe: {  	s26 =	sshll.u32 s2, $0x2;
	s24 =	sadd.s32 s5, s23;
	s11 =	sadd.s32 s6, s23  }
.Ltmp0:
0xf: {  	s10 =	sadd.s32 $0x30A20, s10;
	[dreg:$0x6] =	wrdreg s0;
	(pc) =	sbr.rel .LBB2_1-.Ltmp0, $4  }
0x10: {  	s2 =	sadd.s32 $0x1FFFFCE0, s26;
	s23 =	simm.s32 $0x258;
	[dreg:$0x2] =	wrdreg s24  }
0x11: {  	s26 =	simm.s32 $0x1C20;
	[dreg:$0x3] =	wrdreg s11;
	s25 =	sadd.s32 s7, s10  }
0x12: {  	s0 =	simm.s32 $0x0;
	s10 =	sadd.s32 s9, s10;
	[dreg:$0x4] =	wrdreg s25  }
0x13: {  	s24 =	simm.s32 $0x3;
	[dreg:$0x5] =	wrdreg s10;
	s25 =	simm.s32 $0x2  }
.LBB2_4:
0x14: {  	_ =	swait.ge [sflag:s29], $0x1900  }
0x15: {  	[sflag:s29] =	ssyncset.done $0x0  }
0x16: {  	[sflag:s29] =	ssyncadd.s32 $0xFFFFE700  }
0x17: {  	_ =	swait.ge [sflag:s29], $0x1900  }
0x18: {  	[sflag:s29] =	ssyncset.done $0x0  }
0x19: {  	s10 =	rddreg [dreg:$0x4];
	[sflag:s29] =	ssyncadd.s32 $0xFFFFE700  }
0x1a: {  	[hbm4b:s10+s1] =	stream.linear.scatter [tilespmem:s26], [sflag:$0x6], $0x1900, $0x38;
	[tilespmem:$0x6720] =	vst v63  }
0x1b: {  	s16 =	rddreg [dreg:$0x5]  }
0x1c: {  	[hbm4b:s16+s1] =	stream.linear.scatter [tilespmem:s28], [sflag:$0x6], $0x1900, $0x38;
	[tilespmem:$0x6720] =	vst v63  }
0x1d: {  	_ =	swait.ge [sflag:s30], $0x1900  }
0x1e: {  	[sflag:s30] =	ssyncset.done $0x0  }
0x1f: {  	[sflag:s30] =	ssyncadd.s32 $0xFFFFE700  }
0x20: {  	_ =	swait.ge [sflag:s30], $0x1900  }
0x21: {  	[sflag:s30] =	ssyncset.done $0x0  }
0x22: {  	[sflag:s30] =	ssyncadd.s32 $0xFFFFE700  }
0x23: {  	_ =	swait.ge [sflag:s31], $0x1900  }
0x24: {  	[sflag:s31] =	ssyncset.done $0x0  }
0x25: {  	[sflag:s31] =	ssyncadd.s32 $0xFFFFE700  }
0x26: {  	_ =	swait.ge [sflag:s31], $0x1900  }
0x27: {  	s0 =	sadd.s32 $0x1, s0;
	s17 =	rddreg [dreg:$0x6]  }
0x28: {  	p0 =	sne.s32 s0, s17  }
.Ltmp1:
0x29: {  	_ = 	snop;
	(pc) =	sbr.rel @!p0 .LBB2_5-.Ltmp1, $3  }
0x2a: {  	_ =	sdelay $0x1  }
0x2b: {  	[sflag:s31] =	ssyncset.done $0x0  }
0x2c: {  	[sflag:s31] =	ssyncadd.s32 $0xFFFFE700  }
.LBB2_1:
0x2d: {  	s10 =	rddreg [dreg:$0x2]  }
0x2e: {  	[tilespmem:s1], [sflag:$0x1] =	stream.linear.gather [hbm4b:s10+s1], $0xC8, $0x38;
	[tilespmem:$0x6720] =	vst v63  }
0x2f: {  	s17 =	rddreg [dreg:$0x3]  }
0x30: {  	[tilespmem:s18], [sflag:$0x1] =	stream.linear.gather [hbm4b:s17+s1], $0xC8, $0x38;
	[tilespmem:$0x6720] =	vst v63  }
0x31: {  	s11 =	simm.s32 $0x0;
	s17 =	smov.u32 s2  }
.LBB2_2:
0x32: {  	p0 =	seq.s32 s11, $0x0  }
0x33: {  	s10 =	simm.s32 @!p0 $0x5  }
0x34: {  	_ =	swait.ge @!p0 [sflag:s10], $0x1900  }
0x35: {  	[sflag:s10] =	ssyncset.done @!p0 $0x0  }
0x36: {  	[sflag:s10] =	ssyncadd.s32 @!p0 $0xFFFFE700  }
0x37: {  	_ =	swait.ge @!p0 [sflag:s10], $0x1900  }
0x38: {  	[sflag:s10] =	ssyncset.done @!p0 $0x0  }
0x39: {  	[sflag:s10] =	ssyncadd.s32 @!p0 $0xFFFFE700;
	s10 =	simm.s32 @!p0 $0x4  }
0x3a: {  	_ =	swait.ge @!p0 [sflag:s10], $0x1900  }
0x3b: {  	[sflag:s10] =	ssyncset.done @!p0 $0x0  }
0x3c: {  	[sflag:s10] =	ssyncadd.s32 @!p0 $0xFFFFE700  }
0x3d: {  	_ =	swait.ge @!p0 [sflag:s10], $0x1900  }
0x3e: {  	[sflag:s10] =	ssyncset.done @!p0 $0x0  }
0x3f: {  	[sflag:s10] =	ssyncadd.s32 @!p0 $0xFFFFE700;
	s10 =	sand.u32 @!p0 $0x1FFFFFE0, s17  }
0x40: {  	s15 =	simm.s32 @!p0 $0x0;
	s16 =	simm.s32 @!p0 $0x1C20;
	s14 =	sadd.s32 @!p0 s7, s10  }
0x41: {  	[hbm4b:s14+s15] =	stream.linear.scatter @!p0 [tilespmem:s16], [sflag:$0x6], $0x1900, $0x38;
	[tilespmem:$0x6720] =	vst v63  }
0x42: {  	s10 =	sadd.s32 @!p0 s9, s10;
	s14 =	simm.s32 @!p0 $0x4E20  }
0x43: {  	[hbm4b:s10+s15] =	stream.linear.scatter @!p0 [tilespmem:s14], [sflag:$0x6], $0x1900, $0x38;
	[tilespmem:$0x6720] =	vst v63  }
0x44: {  	_ =	swait.ge [sflag:s19], $0xC8  }
0x45: {  	[sflag:s19] =	ssyncset.done $0x0  }
0x46: {  	[sflag:s19] =	ssyncadd.s32 $0xFFFFFF38  }
0x47: {  	s10 =	smov.u32 s11;
	_ =	swait.ge [sflag:s19], $0xC8  }
0x48: {  	s10 =	simm.s32 @p0 $0x0;
	[sflag:s19] =	ssyncset.done $0x0  }
0x49: {  	s15 =	sadd.s32 s10, s12;
	[sflag:s19] =	ssyncadd.s32 $0xFFFFFF38  }
0x4a: {  	[tilespmem:s21], [sflag:$0x3] =	stream.indirect.gather [hbm4b:s3+s20], $0x20, s1, s20, $0xb8;
	[tilespmem:$0x6720] =	vst v63  }
0x4b: {  	s14 =	sshrl.u32 s15, $0x3  }
0x4c: {  	[tilespmem:s22], [sflag:$0x3] =	stream.indirect.gather [hbm4b:s4+s20], $0x20, s18, s20, $0xb8;
	[tilespmem:$0x6720] =	vst v63  }
0x4d: {  	s16 =	sadd.s32 s5, s14  }
0x4e: {  	[tilespmem:s20], [sflag:$0x2] =	stream.linear.gather [hbm4b:s16+s1], $0xC8, $0x38;
	[tilespmem:$0x6720] =	vst v63  }
0x4f: {  	s14 =	sadd.s32 s6, s14  }
0x50: {  	[tilespmem:s23], [sflag:$0x2] =	stream.linear.gather [hbm4b:s14+s1], $0xC8, $0x38;
	[tilespmem:$0x6720] =	vst v63  }
0x51: {  	s14 =	simm.s32 @!p0 $0x6  }
0x52: {  	_ =	swait.ge @!p0 [sflag:s14], $0x1900  }
0x53: {  	[sflag:s14] =	ssyncset.done @!p0 $0x0  }
0x54: {  	[sflag:s14] =	ssyncadd.s32 @!p0 $0xFFFFE700  }
0x55: {  	_ =	swait.ge @!p0 [sflag:s14], $0x1900  }
0x56: {  	[sflag:s14] =	ssyncset.done @!p0 $0x0  }
0x57: {  	[sflag:s14] =	ssyncadd.s32 @!p0 $0xFFFFE700  }
0x58: {  	_ =	swait.ge [sflag:s24], $0x1900  }
0x59: {  	[sflag:s24] =	ssyncset.done $0x0  }
0x5a: {  	[sflag:s24] =	ssyncadd.s32 $0xFFFFE700  }
0x5b: {  	s15 =	sadd.s32 s8, s10;
	_ =	swait.ge [sflag:s24], $0x1900  }
0x5c: {  	s14 =	sshll.u32 s15, $0x2;
	[sflag:s24] =	ssyncset.done $0x0  }
0x5d: {  	s16 =	sadd.s32 s7, s14;
	[sflag:s24] =	ssyncadd.s32 $0xFFFFE700  }
0x5e: {  	[hbm4b:s16+s1] =	stream.linear.scatter [tilespmem:s21], [sflag:$0x5], $0x1900, $0x38;
	[tilespmem:$0x6720] =	vst v63  }
0x5f: {  	s14 =	sadd.s32 s9, s14  }
0x60: {  	[hbm4b:s14+s1] =	stream.linear.scatter [tilespmem:s22], [sflag:$0x5], $0x1900, $0x38;
	[tilespmem:$0x6720] =	vst v63  }
0x61: {  	_ =	swait.ge [sflag:s25], $0xC8  }
0x62: {  	[sflag:s25] =	ssyncset.done $0x0  }
0x63: {  	[sflag:s25] =	ssyncadd.s32 $0xFFFFFF38  }
0x64: {  	p0 =	seq.s32 s11, $0xC1C0;
	_ =	swait.ge [sflag:s25], $0xC8  }
.Ltmp2:
0x65: {  	[sflag:s25] =	ssyncset.done $0x0;
	(pc) =	sbr.rel @p0 .LBB2_4-.Ltmp2, $4  }
0x66: {  	[sflag:s25] =	ssyncadd.s32 $0xFFFFFF38  }
0x67: {  	[tilespmem:s26], [sflag:$0x4] =	stream.indirect.gather [hbm4b:s3+s20], $0x20, s20, s20, $0xb8;
	[tilespmem:$0x6720] =	vst v63  }
0x68: {  	_ = 	snop  }
0x69: {  	[tilespmem:s28], [sflag:$0x4] =	stream.indirect.gather [hbm4b:s4+s20], $0x20, s23, s20, $0xb8;
	[tilespmem:$0x6720] =	vst v63  }
0x6a: {  	s10 =	sadd.s32 s10, s13  }
.Ltmp3:
0x6b: {  	s10 =	sshrl.u32 s10, $0x3;
	(pc) =	sbr.rel .LBB2_2-.Ltmp3, $4  }
0x6c: {  	s14 =	sadd.s32 s5, s10  }
0x6d: {  	[tilespmem:s1], [sflag:$0x1] =	stream.linear.gather [hbm4b:s14+s1], $0xC8, $0x38;
	[tilespmem:$0x6720] =	vst v63  }
0x6e: {  	s11 =	sadd.s32 $0x190, s11;
	s17 =	sadd.s32 $0x640, s17;
	s10 =	sadd.s32 s6, s10  }
0x6f: {  	[tilespmem:s18], [sflag:$0x1] =	stream.linear.gather [hbm4b:s10+s1], $0xC8, $0x38;
	[tilespmem:$0x6720] =	vst v63  }
.LBB2_5:
0x70: {  	_ =	sfence.sel $0x180000  }
0x71: {  	[bflag:$0x0] =	sbarrier.arrive $0xFFFF  }
0x72: {  	_ =	strace $0x9000004A  }
0x73: {  	s0 =	stileid.u32;
	[bflag:$0x2] =	sbarrier.arrive $0xFFFF  }
0x74: {  	p0 =	sne.s32 s0, $0x0;
	s0 =	rddreg [dreg:$0x1]  }
0x75: {  	s0 =	sadd.s32 @!p0 $0x100000, s0  }
0x76: {  	[sflag:s0] =	ssyncadd.tile.s32 @!p0 $0x1;
	_ =	shalt  }
.Lfunc_end2:
_tile_overlayer_lowered:
.L_overlay_start_2:
0x77: {  	(tag) =	ssettag $0x2  }
0x78: {  	s0 =	rddreg [dreg:$0x0];
	s2 =	stileid.u32  }
0x79: {  	s1 =	rddreg [dreg:$0x1];
	p0 =	sne.s32 s2, $0x0  }
0x7a: {  	s3 =	rddreg [dreg:$0x2];
	[bflag:$0x3] =	sbarrier.arrive $0xFFFF;
	s2 =	simm.s32 @!p0 $0x1C07  }
0x7b: {  	[timem:s3], [sflag:s2] =	dma.local @!p0 [hbm:s0], s1  }
0x7c: {  	s0 =	simm.s32 @!p0 $0x7  }
0x7d: {  	_ =	swait.ge @!p0 [sflag:s0], s1  }
0x7e: {  	s1 =	ssub.s32 @!p0 $0x0, s1;
	[sflag:s0] =	ssyncset.done @!p0 $0x0  }
0x7f: {  	[sflag:s0] =	ssyncadd.s32 @!p0 s1  }
0x80: {  	[bflag:$0x3] =	sbarrier.arrive $0xFFFF  }
0x81: {  	_ =	shalt  }

// kernel: kernel.18.cloned.1.call-start
scs
__scs_entry_jumppad:
0x0: {  	(pc) =	sbr.rel $0x88, $3  }
0x1: {  	(tag) =	ssettag $0x0;
	lr =	simm.s32 $0x1  }
0x2: {  	[smem:$0x3F90] =	sst lr;
	_ =	strace $0xD0000000  }
0x3: {  	_ = 	snop  }
0x4: {  	_ = 	snop  }
0x5: {  	_ = 	snop  }
0x6: {  	_ = 	snop  }
0x7: {  	_ = 	snop  }
__scs_overlays_trampoline_lowered:
0x8: {  	[smem:$0x3F9F] =	sst s0  }
0x9: {  	[smem:$0x3FA0] =	sst s1  }
0xa: {  	[smem:$0x3FA1] =	sst s2  }
0xb: {  	[smem:$0x3FA2] =	sst s3  }
0xc: {  	[smem:$0x3FA3] =	sst s4  }
0xd: {  	[smem:$0x3FA4] =	sst s5  }
0xe: {  	[smem:$0x3FA5] =	sst s6  }
0xf: {  	[smem:$0x3FA6] =	sst s7  }
0x10: {  	[smem:$0x3FA7] =	sst s8  }
0x11: {  	[smem:$0x3FA8] =	sst s9;
	s0 =	simm.s32 @!p0 $0x0  }
0x12: {  	s1 =	sld [smem:$0x3F8E];
	s0 =	simm.s32 @p0 $0x1  }
0x13: {  	[smem:$0x3FA9] =	sst s0;
	s0 =	simm.s32 @!p1 $0x0  }
0x14: {  	s2 =	sld [smem:$0x3F8D];
	s0 =	simm.s32 @p1 $0x1  }
0x15: {  	[smem:$0x3FAA] =	sst s0;
	s0 =	simm.s32 @!p2 $0x0  }
0x16: {  	s3 =	sld [smem:$0x3FDB];
	s0 =	simm.s32 @p2 $0x1  }
0x17: {  	s4 =	simm.s32 $0x1BF5;
	[smem:$0x3FAC] =	sst s0  }
0x18: {  	s0 =	sld [smem:$0x3F8F];
	_ =	swait.ge [sflag:s4], $0x0  }
0x19: {  	s7 =	sld [smem:$0x3F90]  }
0x1a: {  	s8 =	sadd.s32 $0xFFFFE003, lr  }
0x1b: {  	s9 =	sadd.s32 $0xFFFFFEF7, lr;
	s5 =	simm.s32 $0xFFFFFFFF;
	p2 =	slt.u32 s8, $0xFFFFF086  }
0x1c: {  	p1 =	slt.u32 s9, $0xF7A;
	s5 =	simm.s32 @!p2 $0x0  }
0x1d: {  	s5 =	simm.s32 @p1 $0x1;
	p0 =	seq.s32 s7, s2  }
0x1e: {  	s7 =	smul.u32 @!p0 $0xF7A, s2;
	p2 =	seq.s32 @!p0 s5, $0x0  }
0x1f: {  	s9 =	smul.u32 $0xF7A, s1;
	s8 =	simm.s32 @!p0 $0x1BF5;
	p2 =	por !p2, p0  }
0x20: {  	[sflag:s8] =	ssyncset.s32 @!p0 $0xFFFFF086;
	s6 =	sadd.s32 @!p0 s3, s7;
	s7 =	simm.s32 @!p0 $0x108  }
0x21: {  	s3 =	sadd.s32 s3, s9;
	s6 =	sadd.s32 @!p0 $0x88, s6;
	s7 =	simm.s32 @p2 $0x1082  }
0x22: {  	[simem:s7], [sflag:s8] =	dma.local @!p0 [hbm:s6], $0xF7A  }
0x23: {  	s9 =	sor.u32 $0xD0000000, s2;
	s6 =	simm.s32 $0x108;
	_ =	swait.ge @!p0 [sflag:s8], $0x0  }
0x24: {  	s3 =	sadd.s32 $0x88, s3;
	s6 =	simm.s32 @!p1 $0x1082;
	[sflag:s4] =	ssyncset.s32 $0xFFFFF086  }
0x25: {  	[simem:s6], [sflag:s4] =	dma.local [hbm:s3], $0xF7A  }
0x26: {  	[smem:$0x3F90] =	sst s1;
	(tag) =	ssettag s2;
	_ =	strace s9  }
0x27: {  	s1 =	sld [smem:$0x3FA0]  }
0x28: {  	s2 =	sld [smem:$0x3FA1]  }
0x29: {  	s4 =	sld [smem:$0x3FA3]  }
0x2a: {  	p0 =	seq.s32 s5, $0x0;
	s5 =	sld [smem:$0x3FA4]  }
0x2b: {  	s6 =	sld [smem:$0x3FA5]  }
0x2c: {  	s7 =	sld [smem:$0x3FA6]  }
0x2d: {  	s3 =	simm.s32 $0x108;
	s8 =	sld [smem:$0x3FA7]  }
0x2e: {  	s3 =	simm.s32 @!p0 $0x1082;
	s9 =	sld [smem:$0x3FA8]  }
0x2f: {  	lr =	sadd.s32 s0, s3;
	s0 =	sld [smem:$0x3F9F]  }
0x30: {  	s3 =	sld [smem:$0x3FA2]  }
0x31: {  	[smem:$0x3FAB] =	sst s10  }
0x32: {  	s10 =	sld [smem:$0x3FA9];
	_ =	sdelay $0x3  }
0x33: {  	p0 =	seq.s32 s10, $0x1;
	s10 =	sld [smem:$0x3FAB];
	_ =	sdelay $0x3  }
0x34: {  	[smem:$0x3FAB] =	sst s10  }
0x35: {  	s10 =	sld [smem:$0x3FAA];
	_ =	sdelay $0x3  }
0x36: {  	p1 =	seq.s32 s10, $0x1;
	s10 =	sld [smem:$0x3FAB];
	_ =	sdelay $0x3  }
0x37: {  	[smem:$0x3FAB] =	sst s10  }
0x38: {  	s10 =	sld [smem:$0x3FAC]  }
0x39: {  	_ = 	snop;
	(pc) =	sbr.ind lr, $3  }
0x3a: {  	_ = 	snop  }
0x3b: {  	_ = 	snop  }
0x3c: {  	p2 =	seq.s32 s10, $0x1;
	s10 =	sld [smem:$0x3FAB]  }
0x3d: {  	_ =	shalt  }
0x3e: {  	_ =	shalt  }
0x3f: {  	_ =	shalt  }
0x40: {  	_ =	shalt  }
0x41: {  	_ =	shalt  }
0x42: {  	_ =	shalt  }
0x43: {  	_ =	shalt  }
0x44: {  	_ =	shalt  }
0x45: {  	_ =	shalt  }
0x46: {  	_ =	shalt  }
0x47: {  	_ =	shalt  }
0x48: {  	_ =	shalt  }
0x49: {  	_ =	shalt  }
0x4a: {  	_ =	shalt  }
0x4b: {  	_ =	shalt  }
0x4c: {  	_ =	shalt  }
0x4d: {  	_ =	shalt  }
0x4e: {  	_ =	shalt  }
0x4f: {  	_ =	shalt  }
0x50: {  	_ =	shalt  }
0x51: {  	_ =	shalt  }
0x52: {  	_ =	shalt  }
0x53: {  	_ =	shalt  }
0x54: {  	_ =	shalt  }
0x55: {  	_ =	shalt  }
0x56: {  	_ =	shalt  }
0x57: {  	_ =	shalt  }
0x58: {  	_ =	shalt  }
0x59: {  	_ =	shalt  }
0x5a: {  	_ =	shalt  }
0x5b: {  	_ =	shalt  }
0x5c: {  	_ =	shalt  }
0x5d: {  	_ =	shalt  }
0x5e: {  	_ =	shalt  }
0x5f: {  	_ =	shalt  }
0x60: {  	_ =	shalt  }
0x61: {  	_ =	shalt  }
0x62: {  	_ =	shalt  }
0x63: {  	_ =	shalt  }
0x64: {  	_ =	shalt  }
0x65: {  	_ =	shalt  }
0x66: {  	_ =	shalt  }
0x67: {  	_ =	shalt  }
0x68: {  	_ =	shalt  }
0x69: {  	_ =	shalt  }
0x6a: {  	_ =	shalt  }
0x6b: {  	_ =	shalt  }
0x6c: {  	_ =	shalt  }
0x6d: {  	_ =	shalt  }
0x6e: {  	_ =	shalt  }
0x6f: {  	_ =	shalt  }
0x70: {  	_ =	shalt  }
0x71: {  	_ =	shalt  }
0x72: {  	_ =	shalt  }
0x73: {  	_ =	shalt  }
0x74: {  	_ =	shalt  }
0x75: {  	_ =	shalt  }
0x76: {  	_ =	shalt  }
0x77: {  	_ =	shalt  }
0x78: {  	_ =	shalt  }
0x79: {  	_ =	shalt  }
0x7a: {  	_ =	shalt  }
0x7b: {  	_ =	shalt  }
0x7c: {  	_ =	shalt  }
0x7d: {  	_ =	shalt  }
0x7e: {  	_ =	shalt  }
0x7f: {  	_ =	shalt  }
0x80: {  	_ =	shalt  }
0x81: {  	_ =	shalt  }
0x82: {  	_ =	shalt  }
0x83: {  	_ =	shalt  }
0x84: {  	_ =	shalt  }
0x85: {  	_ =	shalt  }
0x86: {  	_ =	shalt  }
0x87: {  	_ =	shalt  }
.Lfunc_end0:
.L_simem_size_0:
called_computation.1_lowered:
.L_overlay_start_0:
0x88: {  	s2 =	sld [smem:$0x3FD9]  }
0x89: {  	s3 =	sld [smem:$0x3FFE];
	_ =	sdelay $0x1  }
0x8a: {  	s1 =	srdreg.scid  }
0x8b: {  	s0 =	sand.u32 $0x1, s1  }
0x8c: {  	s16 =	sshll.u32 s0, $0xA;
	s2 =	sadd.s32 s3, s2  }
0x8d: {  	s2 =	sadd.s32 s2, s16  }
0x8e: {  	[smem:$0x3FB7] =	sst s2  }
0x8f: {  	_ = 	snop  }
0x90: {  	(tm) =	ssettm $0x1  }
0x91: {  	s17 =	sld [smem:$0x3FFB];
	_ =	sdelay $0x3  }
0x92: {  	_ =	strace s17  }
0x93: {  	s2 =	sld [smem:$0x3FFC];
	_ =	sdelay $0x3  }
0x94: {  	_ =	strace s2  }
0x95: {  	s2 =	sld [smem:$0x3FFD];
	_ =	sdelay $0x3  }
0x96: {  	_ =	strace s2  }
0x97: {  	_ =	strace $0x8FFFFFFF  }
0x98: {  	s18 =	sld [smem:$0x3FDB];
	_ =	sdelay $0x1  }
0x99: {  	s19 =	simm.s32 $_scs_section_size  }
0x9a: {  	s4 =	simm.s32 $_size__tile_overlayer_lowered;
	s5 =	simm.s32 $_tile_overlayer_lowered  }
0x9b: {  	s22 =	simm.s32 $0x1BFF;
	s21 =	sshll.u32 s5, $0x1;
	s2 =	sadd.s32 s19, s18  }
0x9c: {  	s6 =	simm.s32 $0x0;
	s20 =	sshll.u32 s4, $0x1;
	s4 =	sadd.s32 s21, s2  }
0x9d: {  	[timem:s6], [sflag:s22] =	dma.local [hbm:s4], s20  }
0x9e: {  	_ =	swait.ge [sflag:s22], s20  }
0x9f: {  	s3 =	ssub.s32 $0x0, s20;
	[sflag:s22] =	ssyncset.done $0x0  }
0xa0: {  	[sflag:s22] =	ssyncadd.s32 s3;
	_ =	sdelay $0x1  }
0xa1: {  	s23 =	simm.s32 $0x1B8B  }
0xa2: {  	_ =	swait.ge [sflag:s23], $0x1  }
0xa3: {  	[sflag:s23] =	ssyncset.done $0x0  }
0xa4: {  	s25 =	simm.s32 $0x1B8E;
	s24 =	sld [smem:$0x3FFE];
	[sflag:s23] =	ssyncadd.s32 $0xFFFFFFFF  }
0xa5: {  	s26 =	simm.s32 $execute0_lowered;
	[smem:$0x3FD2] =	sst s25  }
0xa6: {  	s4 =	sshll.u32 s26, $0x1;
	_ =	strace $0x80000046;
	[dreg:$0x1] =	wrdreg $0xFFFFFFFF  }
0xa7: {  	s28 =	simm.s32 $_size_execute0_lowered;
	s2 =	sadd.s32 s2, s4;
	[dreg:$0x0] =	wrdreg $0x0  }
0xa8: {  	s4 =	sshll.u32 s28, $0x1;
	[dreg:$0x2] =	wrdreg s2  }
0xa9: {  	[dreg:$0x3] =	wrdreg s4  }
0xaa: {  	[dreg:$0x4] =	wrdreg $0xC0  }
0xab: {  	_ =	task [dreg:s6], $0x5FFFF  }
0xac: {  	[dreg:$0x1] =	wrdreg $0xFFFFFFFF  }
0xad: {  	[dreg:$0x0] =	wrdreg $0x60  }
0xae: {  	[dreg:$0x2] =	wrdreg s24  }
0xaf: {  	[dreg:$0x3] =	wrdreg $0xA  }
0xb0: {  	_ =	task.clear_ibuf [dreg:s6], $0x4FFFF;
	_ =	strace $0x90000046  }
0xb1: {  	s29 =	simm.s32 $0xA;
	_ =	strace $0x80000048  }
0xb2: {  	_ =	swait.ge [sflag:s29], $0x1  }
0xb3: {  	[sflag:s29] =	ssyncadd.s32 $0xFFFFFFFF  }
0xb4: {  	_ =	strace $0x90000048  }
0xb5: {  	_ =	sfence  }
0xb6: {  	s30 =	sld [smem:$0x0];
	_ =	sdelay $0x2  }
0xb7: {  	s31 =	sshll.u32 s1, $0xD;
	s1 =	sshrl.u32 s1, $0x2  }
0xb8: {  	s3 =	sand.u32 $0x4000, s31;
	s1 =	sadd.s32 s1, s30  }
0xb9: {  	s0 =	sor.u32 s3, s0;
	s1 =	sshll.u32 s1, $0x11  }
0xba: {  	s0 =	sor.u32 s1, s0  }
0xbb: {  	s0 =	sadd.s32 $0x8F2B, s0  }
0xbc: {  	[sflag:s0] =	ssyncadd.remote.s32 $0x1  }
0xbd: {  	_ =	sfence.sel $0xFFFF  }
0xbe: {  	[dreg:$0x0] =	wrdreg $0xFFFFFFFF;
	(pc) =	sbr.abs _section_cstart, $3  }
0xbf: {  	[dreg:$0x1] =	wrdreg $0xFFFFFFFF  }
0xc0: {  	_ =	task.clear_ibuf [dreg:s6], $0x2FFFF;
	_ =	strace $0x9FFFFFFF  }
0xc1: {  	(tm) =	ssettm $0x7FFFFFFF  }
tec
execute0_lowered:
.L_overlay_start_1:
0x0: {  	(tag) =	ssettag $0x1  }
0x1: {  	s0 =	rddreg [dreg:$0x0];
	s2 =	simm.s32 $0x0  }
0x2: {  	s1 =	srdreg.scid;
	s13 =	stileid.u32;
	s18 =	simm.s32 $0x190  }
0x3: {  	s19 =	simm.s32 $0x1;
	s20 =	simm.s32 $0xC8;
	s21 =	simm.s32 $0x320  }
0x4: {  	s22 =	simm.s32 $0x3520;
	s28 =	simm.s32 $0x4E20;
	s29 =	simm.s32 $0x4  }
0x5: {  	s30 =	simm.s32 $0x5;
	s31 =	simm.s32 $0x6;
	[smem:$0x7FF] =	sst s2  }
0x6: {  	s1 =	sand.u32 $0x1, s1;
	s5 =	sshll.u32 s13, $0x1;
	s4 =	sadd.s32 $0x12AA00, s0  }
0x7: {  	s3 =	sadd.s32 $0xC8E00, s0;
	s8 =	sadd.s32 $0x18C600, s0;
	s15 =	smul.u32 $0x186A0, s13  }
0x8: {  	s10 =	sor.u32 s1, s5;
	s23 =	ssub.s32 $0x2, s1;
	s1 =	smul.u32 $0xC350, s1  }
0x9: {  	s6 =	sadd.s32 $0x5600, s0;
	s9 =	sadd.s32 $0x7A6E00, s0;
	s7 =	smul.u32 $0xC350, s10  }
0xa: {  	_ =	strace $0x80000047;
	s11 =	sshrl.u32 s23, $0x1;
	s10 =	smul.u32 $0x186A00, s10  }
0xb: {  	s5 =	sadd.s32 $0x67200, s0;
	s0 =	ssub.s32 s23, s11;
	s1 =	sadd.s32 s1, s15  }
0xc: {  	s23 =	simm.s32 $0x258;
	s12 =	sshrl.u32 s7, $0x3;
	s10 =	sshrl.u32 s10, $0x3  }
0xd: {  	s13 =	sadd.s32 $0x186B90, s7;
	s0 =	smax.u32 s0, $0x1;
	s26 =	sshll.u32 s1, $0x2  }
0xe: {  	s24 =	sadd.s32 $0x30D40, s12;
	s10 =	sadd.s32 $0x30A20, s10;
	[dreg:$0x6] =	wrdreg s0  }
.Ltmp0:
0xf: {  	s1 =	sadd.s32 $0x1FFFFCE0, s26;
	s12 =	sadd.s32 s5, s24;
	(pc) =	sbr.rel .LBB2_1-.Ltmp0, $4  }
0x10: {  	s26 =	simm.s32 $0x1C20;
	s11 =	sadd.s32 s6, s24;
	[dreg:$0x2] =	wrdreg s12  }
0x11: {  	s0 =	simm.s32 $0x0;
	s25 =	sadd.s32 s8, s10;
	[dreg:$0x3] =	wrdreg s11  }
0x12: {  	s10 =	sadd.s32 s9, s10;
	s24 =	simm.s32 $0x3;
	[dreg:$0x4] =	wrdreg s25  }
0x13: {  	s12 =	sadd.s32 $0x186AC8, s7;
	[dreg:$0x5] =	wrdreg s10;
	s25 =	simm.s32 $0x2  }
.LBB2_4:
0x14: {  	_ =	swait.ge [sflag:s29], $0x1900  }
0x15: {  	[sflag:s29] =	ssyncset.done $0x0  }
0x16: {  	[sflag:s29] =	ssyncadd.s32 $0xFFFFE700  }
0x17: {  	_ =	swait.ge [sflag:s29], $0x1900  }
0x18: {  	[sflag:s29] =	ssyncset.done $0x0  }
0x19: {  	s10 =	rddreg [dreg:$0x4];
	[sflag:s29] =	ssyncadd.s32 $0xFFFFE700  }
0x1a: {  	[hbm4b:s10+s2] =	stream.linear.scatter [tilespmem:s26], [sflag:$0x6], $0x1900, $0x38;
	[tilespmem:$0x6720] =	vst v63  }
0x1b: {  	s16 =	rddreg [dreg:$0x5]  }
0x1c: {  	[hbm4b:s16+s2] =	stream.linear.scatter [tilespmem:s28], [sflag:$0x6], $0x1900, $0x38;
	[tilespmem:$0x6720] =	vst v63  }
0x1d: {  	_ =	swait.ge [sflag:s30], $0x1900  }
0x1e: {  	[sflag:s30] =	ssyncset.done $0x0  }
0x1f: {  	[sflag:s30] =	ssyncadd.s32 $0xFFFFE700  }
0x20: {  	_ =	swait.ge [sflag:s30], $0x1900  }
0x21: {  	[sflag:s30] =	ssyncset.done $0x0  }
0x22: {  	[sflag:s30] =	ssyncadd.s32 $0xFFFFE700  }
0x23: {  	_ =	swait.ge [sflag:s31], $0x1900  }
0x24: {  	[sflag:s31] =	ssyncset.done $0x0  }
0x25: {  	[sflag:s31] =	ssyncadd.s32 $0xFFFFE700  }
0x26: {  	_ =	swait.ge [sflag:s31], $0x1900  }
0x27: {  	s0 =	sadd.s32 $0x1, s0;
	s17 =	rddreg [dreg:$0x6]  }
0x28: {  	p0 =	sne.s32 s0, s17  }
.Ltmp1:
0x29: {  	_ = 	snop;
	(pc) =	sbr.rel @!p0 .LBB2_5-.Ltmp1, $3  }
0x2a: {  	_ =	sdelay $0x1  }
0x2b: {  	[sflag:s31] =	ssyncset.done $0x0  }
0x2c: {  	[sflag:s31] =	ssyncadd.s32 $0xFFFFE700  }
.LBB2_1:
0x2d: {  	s10 =	rddreg [dreg:$0x2]  }
0x2e: {  	[tilespmem:s2], [sflag:$0x1] =	stream.linear.gather [hbm4b:s10+s2], $0xC8, $0x38;
	[tilespmem:$0x6720] =	vst v63  }
0x2f: {  	s17 =	rddreg [dreg:$0x3]  }
0x30: {  	[tilespmem:s18], [sflag:$0x1] =	stream.linear.gather [hbm4b:s17+s2], $0xC8, $0x38;
	[tilespmem:$0x6720] =	vst v63  }
0x31: {  	s11 =	simm.s32 $0x0;
	s17 =	smov.u32 s1  }
.LBB2_2:
0x32: {  	p0 =	seq.s32 s11, $0x0  }
0x33: {  	s10 =	simm.s32 @!p0 $0x5  }
0x34: {  	_ =	swait.ge @!p0 [sflag:s10], $0x1900  }
0x35: {  	[sflag:s10] =	ssyncset.done @!p0 $0x0  }
0x36: {  	[sflag:s10] =	ssyncadd.s32 @!p0 $0xFFFFE700  }
0x37: {  	_ =	swait.ge @!p0 [sflag:s10], $0x1900  }
0x38: {  	[sflag:s10] =	ssyncset.done @!p0 $0x0  }
0x39: {  	[sflag:s10] =	ssyncadd.s32 @!p0 $0xFFFFE700;
	s10 =	simm.s32 @!p0 $0x4  }
0x3a: {  	_ =	swait.ge @!p0 [sflag:s10], $0x1900  }
0x3b: {  	[sflag:s10] =	ssyncset.done @!p0 $0x0  }
0x3c: {  	[sflag:s10] =	ssyncadd.s32 @!p0 $0xFFFFE700  }
0x3d: {  	_ =	swait.ge @!p0 [sflag:s10], $0x1900  }
0x3e: {  	[sflag:s10] =	ssyncset.done @!p0 $0x0  }
0x3f: {  	[sflag:s10] =	ssyncadd.s32 @!p0 $0xFFFFE700;
	s10 =	sand.u32 @!p0 $0x1FFFFFE0, s17  }
0x40: {  	s15 =	simm.s32 @!p0 $0x0;
	s16 =	simm.s32 @!p0 $0x1C20;
	s14 =	sadd.s32 @!p0 s8, s10  }
0x41: {  	[hbm4b:s14+s15] =	stream.linear.scatter @!p0 [tilespmem:s16], [sflag:$0x6], $0x1900, $0x38;
	[tilespmem:$0x6720] =	vst v63  }
0x42: {  	s10 =	sadd.s32 @!p0 s9, s10;
	s14 =	simm.s32 @!p0 $0x4E20  }
0x43: {  	[hbm4b:s10+s15] =	stream.linear.scatter @!p0 [tilespmem:s14], [sflag:$0x6], $0x1900, $0x38;
	[tilespmem:$0x6720] =	vst v63  }
0x44: {  	_ =	swait.ge [sflag:s19], $0xC8  }
0x45: {  	[sflag:s19] =	ssyncset.done $0x0  }
0x46: {  	[sflag:s19] =	ssyncadd.s32 $0xFFFFFF38  }
0x47: {  	s10 =	smov.u32 s11;
	_ =	swait.ge [sflag:s19], $0xC8  }
0x48: {  	s10 =	simm.s32 @p0 $0x0;
	[sflag:s19] =	ssyncset.done $0x0  }
0x49: {  	s15 =	sadd.s32 s10, s12;
	[sflag:s19] =	ssyncadd.s32 $0xFFFFFF38  }
0x4a: {  	[tilespmem:s21], [sflag:$0x3] =	stream.indirect.gather [hbm4b:s3+s20], $0x20, s2, s20, $0xb8;
	[tilespmem:$0x6720] =	vst v63  }
0x4b: {  	s14 =	sshrl.u32 s15, $0x3  }
0x4c: {  	[tilespmem:s22], [sflag:$0x3] =	stream.indirect.gather [hbm4b:s4+s20], $0x20, s18, s20, $0xb8;
	[tilespmem:$0x6720] =	vst v63  }
0x4d: {  	s16 =	sadd.s32 s5, s14  }
0x4e: {  	[tilespmem:s20], [sflag:$0x2] =	stream.linear.gather [hbm4b:s16+s2], $0xC8, $0x38;
	[tilespmem:$0x6720] =	vst v63  }
0x4f: {  	s14 =	sadd.s32 s6, s14  }
0x50: {  	[tilespmem:s23], [sflag:$0x2] =	stream.linear.gather [hbm4b:s14+s2], $0xC8, $0x38;
	[tilespmem:$0x6720] =	vst v63  }
0x51: {  	s14 =	simm.s32 @!p0 $0x6  }
0x52: {  	_ =	swait.ge @!p0 [sflag:s14], $0x1900  }
0x53: {  	[sflag:s14] =	ssyncset.done @!p0 $0x0  }
0x54: {  	[sflag:s14] =	ssyncadd.s32 @!p0 $0xFFFFE700  }
0x55: {  	_ =	swait.ge @!p0 [sflag:s14], $0x1900  }
0x56: {  	[sflag:s14] =	ssyncset.done @!p0 $0x0  }
0x57: {  	[sflag:s14] =	ssyncadd.s32 @!p0 $0xFFFFE700  }
0x58: {  	_ =	swait.ge [sflag:s24], $0x1900  }
0x59: {  	[sflag:s24] =	ssyncset.done $0x0  }
0x5a: {  	[sflag:s24] =	ssyncadd.s32 $0xFFFFE700  }
0x5b: {  	s15 =	sadd.s32 s7, s10;
	_ =	swait.ge [sflag:s24], $0x1900  }
0x5c: {  	s14 =	sshll.u32 s15, $0x2;
	[sflag:s24] =	ssyncset.done $0x0  }
0x5d: {  	s16 =	sadd.s32 s8, s14;
	[sflag:s24] =	ssyncadd.s32 $0xFFFFE700  }
0x5e: {  	[hbm4b:s16+s2] =	stream.linear.scatter [tilespmem:s21], [sflag:$0x5], $0x1900, $0x38;
	[tilespmem:$0x6720] =	vst v63  }
0x5f: {  	s14 =	sadd.s32 s9, s14  }
0x60: {  	[hbm4b:s14+s2] =	stream.linear.scatter [tilespmem:s22], [sflag:$0x5], $0x1900, $0x38;
	[tilespmem:$0x6720] =	vst v63  }
0x61: {  	_ =	swait.ge [sflag:s25], $0xC8  }
0x62: {  	[sflag:s25] =	ssyncset.done $0x0  }
0x63: {  	[sflag:s25] =	ssyncadd.s32 $0xFFFFFF38  }
0x64: {  	p0 =	seq.s32 s11, $0xC1C0;
	_ =	swait.ge [sflag:s25], $0xC8  }
.Ltmp2:
0x65: {  	[sflag:s25] =	ssyncset.done $0x0;
	(pc) =	sbr.rel @p0 .LBB2_4-.Ltmp2, $4  }
0x66: {  	[sflag:s25] =	ssyncadd.s32 $0xFFFFFF38  }
0x67: {  	[tilespmem:s26], [sflag:$0x4] =	stream.indirect.gather [hbm4b:s3+s20], $0x20, s20, s20, $0xb8;
	[tilespmem:$0x6720] =	vst v63  }
0x68: {  	_ = 	snop  }
0x69: {  	[tilespmem:s28], [sflag:$0x4] =	stream.indirect.gather [hbm4b:s4+s20], $0x20, s23, s20, $0xb8;
	[tilespmem:$0x6720] =	vst v63  }
0x6a: {  	s10 =	sadd.s32 s10, s13  }
.Ltmp3:
0x6b: {  	s10 =	sshrl.u32 s10, $0x3;
	(pc) =	sbr.rel .LBB2_2-.Ltmp3, $4  }
0x6c: {  	s14 =	sadd.s32 s5, s10  }
0x6d: {  	[tilespmem:s2], [sflag:$0x1] =	stream.linear.gather [hbm4b:s14+s2], $0xC8, $0x38;
	[tilespmem:$0x6720] =	vst v63  }
0x6e: {  	s11 =	sadd.s32 $0x190, s11;
	s17 =	sadd.s32 $0x640, s17;
	s10 =	sadd.s32 s6, s10  }
0x6f: {  	[tilespmem:s18], [sflag:$0x1] =	stream.linear.gather [hbm4b:s10+s2], $0xC8, $0x38;
	[tilespmem:$0x6720] =	vst v63  }
.LBB2_5:
0x70: {  	_ =	sfence.sel $0x180000  }
0x71: {  	[bflag:$0x0] =	sbarrier.arrive $0xFFFF  }
0x72: {  	_ =	strace $0x90000047  }
0x73: {  	s0 =	stileid.u32;
	[bflag:$0x2] =	sbarrier.arrive $0xFFFF  }
0x74: {  	p0 =	sne.s32 s0, $0x0;
	s0 =	rddreg [dreg:$0x1]  }
0x75: {  	s0 =	sadd.s32 @!p0 $0x100000, s0  }
0x76: {  	[sflag:s0] =	ssyncadd.tile.s32 @!p0 $0x1;
	_ =	shalt  }
.Lfunc_end2:
_tile_overlayer_lowered:
.L_overlay_start_2:
0x77: {  	(tag) =	ssettag $0x2  }
0x78: {  	s0 =	rddreg [dreg:$0x0];
	s2 =	stileid.u32  }
0x79: {  	s1 =	rddreg [dreg:$0x1];
	p0 =	sne.s32 s2, $0x0  }
0x7a: {  	s3 =	rddreg [dreg:$0x2];
	[bflag:$0x3] =	sbarrier.arrive $0xFFFF;
	s2 =	simm.s32 @!p0 $0x1C07  }
0x7b: {  	[timem:s3], [sflag:s2] =	dma.local @!p0 [hbm:s0], s1  }
0x7c: {  	s0 =	simm.s32 @!p0 $0x7  }
0x7d: {  	_ =	swait.ge @!p0 [sflag:s0], s1  }
0x7e: {  	s1 =	ssub.s32 @!p0 $0x0, s1;
	[sflag:s0] =	ssyncset.done @!p0 $0x0  }
0x7f: {  	[sflag:s0] =	ssyncadd.s32 @!p0 s1  }
0x80: {  	[bflag:$0x3] =	sbarrier.arrive $0xFFFF  }
0x81: {  	_ =	shalt  }

// kernel: kernel.21.cloned.1.call-start
scs
__scs_entry_jumppad:
0x0: {  	(pc) =	sbr.rel $0x88, $3  }
0x1: {  	(tag) =	ssettag $0x0;
	lr =	simm.s32 $0x1  }
0x2: {  	[smem:$0x3F90] =	sst lr;
	_ =	strace $0xD0000000  }
0x3: {  	_ = 	snop  }
0x4: {  	_ = 	snop  }
0x5: {  	_ = 	snop  }
0x6: {  	_ = 	snop  }
0x7: {  	_ = 	snop  }
__scs_overlays_trampoline_lowered:
0x8: {  	[smem:$0x3F9F] =	sst s0  }
0x9: {  	[smem:$0x3FA0] =	sst s1  }
0xa: {  	[smem:$0x3FA1] =	sst s2  }
0xb: {  	[smem:$0x3FA2] =	sst s3  }
0xc: {  	[smem:$0x3FA3] =	sst s4  }
0xd: {  	[smem:$0x3FA4] =	sst s5  }
0xe: {  	[smem:$0x3FA5] =	sst s6  }
0xf: {  	[smem:$0x3FA6] =	sst s7  }
0x10: {  	[smem:$0x3FA7] =	sst s8  }
0x11: {  	[smem:$0x3FA8] =	sst s9;
	s0 =	simm.s32 @!p0 $0x0  }
0x12: {  	s1 =	sld [smem:$0x3F8E];
	s0 =	simm.s32 @p0 $0x1  }
0x13: {  	[smem:$0x3FA9] =	sst s0;
	s0 =	simm.s32 @!p1 $0x0  }
0x14: {  	s2 =	sld [smem:$0x3F8D];
	s0 =	simm.s32 @p1 $0x1  }
0x15: {  	[smem:$0x3FAA] =	sst s0;
	s0 =	simm.s32 @!p2 $0x0  }
0x16: {  	s3 =	sld [smem:$0x3FDB];
	s0 =	simm.s32 @p2 $0x1  }
0x17: {  	s4 =	simm.s32 $0x1BF5;
	[smem:$0x3FAC] =	sst s0  }
0x18: {  	s0 =	sld [smem:$0x3F8F];
	_ =	swait.ge [sflag:s4], $0x0  }
0x19: {  	s7 =	sld [smem:$0x3F90]  }
0x1a: {  	s8 =	sadd.s32 $0xFFFFE003, lr  }
0x1b: {  	s9 =	sadd.s32 $0xFFFFFEF7, lr;
	s5 =	simm.s32 $0xFFFFFFFF;
	p2 =	slt.u32 s8, $0xFFFFF086  }
0x1c: {  	p1 =	slt.u32 s9, $0xF7A;
	s5 =	simm.s32 @!p2 $0x0  }
0x1d: {  	s5 =	simm.s32 @p1 $0x1;
	p0 =	seq.s32 s7, s2  }
0x1e: {  	s7 =	smul.u32 @!p0 $0xF7A, s2;
	p2 =	seq.s32 @!p0 s5, $0x0  }
0x1f: {  	s9 =	smul.u32 $0xF7A, s1;
	s8 =	simm.s32 @!p0 $0x1BF5;
	p2 =	por !p2, p0  }
0x20: {  	[sflag:s8] =	ssyncset.s32 @!p0 $0xFFFFF086;
	s6 =	sadd.s32 @!p0 s3, s7;
	s7 =	simm.s32 @!p0 $0x108  }
0x21: {  	s3 =	sadd.s32 s3, s9;
	s6 =	sadd.s32 @!p0 $0x88, s6;
	s7 =	simm.s32 @p2 $0x1082  }
0x22: {  	[simem:s7], [sflag:s8] =	dma.local @!p0 [hbm:s6], $0xF7A  }
0x23: {  	s9 =	sor.u32 $0xD0000000, s2;
	s6 =	simm.s32 $0x108;
	_ =	swait.ge @!p0 [sflag:s8], $0x0  }
0x24: {  	s3 =	sadd.s32 $0x88, s3;
	s6 =	simm.s32 @!p1 $0x1082;
	[sflag:s4] =	ssyncset.s32 $0xFFFFF086  }
0x25: {  	[simem:s6], [sflag:s4] =	dma.local [hbm:s3], $0xF7A  }
0x26: {  	[smem:$0x3F90] =	sst s1;
	(tag) =	ssettag s2;
	_ =	strace s9  }
0x27: {  	s1 =	sld [smem:$0x3FA0]  }
0x28: {  	s2 =	sld [smem:$0x3FA1]  }
0x29: {  	s4 =	sld [smem:$0x3FA3]  }
0x2a: {  	p0 =	seq.s32 s5, $0x0;
	s5 =	sld [smem:$0x3FA4]  }
0x2b: {  	s6 =	sld [smem:$0x3FA5]  }
0x2c: {  	s7 =	sld [smem:$0x3FA6]  }
0x2d: {  	s3 =	simm.s32 $0x108;
	s8 =	sld [smem:$0x3FA7]  }
0x2e: {  	s3 =	simm.s32 @!p0 $0x1082;
	s9 =	sld [smem:$0x3FA8]  }
0x2f: {  	lr =	sadd.s32 s0, s3;
	s0 =	sld [smem:$0x3F9F]  }
0x30: {  	s3 =	sld [smem:$0x3FA2]  }
0x31: {  	[smem:$0x3FAB] =	sst s10  }
0x32: {  	s10 =	sld [smem:$0x3FA9];
	_ =	sdelay $0x3  }
0x33: {  	p0 =	seq.s32 s10, $0x1;
	s10 =	sld [smem:$0x3FAB];
	_ =	sdelay $0x3  }
0x34: {  	[smem:$0x3FAB] =	sst s10  }
0x35: {  	s10 =	sld [smem:$0x3FAA];
	_ =	sdelay $0x3  }
0x36: {  	p1 =	seq.s32 s10, $0x1;
	s10 =	sld [smem:$0x3FAB];
	_ =	sdelay $0x3  }
0x37: {  	[smem:$0x3FAB] =	sst s10  }
0x38: {  	s10 =	sld [smem:$0x3FAC]  }
0x39: {  	_ = 	snop;
	(pc) =	sbr.ind lr, $3  }
0x3a: {  	_ = 	snop  }
0x3b: {  	_ = 	snop  }
0x3c: {  	p2 =	seq.s32 s10, $0x1;
	s10 =	sld [smem:$0x3FAB]  }
0x3d: {  	_ =	shalt  }
0x3e: {  	_ =	shalt  }
0x3f: {  	_ =	shalt  }
0x40: {  	_ =	shalt  }
0x41: {  	_ =	shalt  }
0x42: {  	_ =	shalt  }
0x43: {  	_ =	shalt  }
0x44: {  	_ =	shalt  }
0x45: {  	_ =	shalt  }
0x46: {  	_ =	shalt  }
0x47: {  	_ =	shalt  }
0x48: {  	_ =	shalt  }
0x49: {  	_ =	shalt  }
0x4a: {  	_ =	shalt  }
0x4b: {  	_ =	shalt  }
0x4c: {  	_ =	shalt  }
0x4d: {  	_ =	shalt  }
0x4e: {  	_ =	shalt  }
0x4f: {  	_ =	shalt  }
0x50: {  	_ =	shalt  }
0x51: {  	_ =	shalt  }
0x52: {  	_ =	shalt  }
0x53: {  	_ =	shalt  }
0x54: {  	_ =	shalt  }
0x55: {  	_ =	shalt  }
0x56: {  	_ =	shalt  }
0x57: {  	_ =	shalt  }
0x58: {  	_ =	shalt  }
0x59: {  	_ =	shalt  }
0x5a: {  	_ =	shalt  }
0x5b: {  	_ =	shalt  }
0x5c: {  	_ =	shalt  }
0x5d: {  	_ =	shalt  }
0x5e: {  	_ =	shalt  }
0x5f: {  	_ =	shalt  }
0x60: {  	_ =	shalt  }
0x61: {  	_ =	shalt  }
0x62: {  	_ =	shalt  }
0x63: {  	_ =	shalt  }
0x64: {  	_ =	shalt  }
0x65: {  	_ =	shalt  }
0x66: {  	_ =	shalt  }
0x67: {  	_ =	shalt  }
0x68: {  	_ =	shalt  }
0x69: {  	_ =	shalt  }
0x6a: {  	_ =	shalt  }
0x6b: {  	_ =	shalt  }
0x6c: {  	_ =	shalt  }
0x6d: {  	_ =	shalt  }
0x6e: {  	_ =	shalt  }
0x6f: {  	_ =	shalt  }
0x70: {  	_ =	shalt  }
0x71: {  	_ =	shalt  }
0x72: {  	_ =	shalt  }
0x73: {  	_ =	shalt  }
0x74: {  	_ =	shalt  }
0x75: {  	_ =	shalt  }
0x76: {  	_ =	shalt  }
0x77: {  	_ =	shalt  }
0x78: {  	_ =	shalt  }
0x79: {  	_ =	shalt  }
0x7a: {  	_ =	shalt  }
0x7b: {  	_ =	shalt  }
0x7c: {  	_ =	shalt  }
0x7d: {  	_ =	shalt  }
0x7e: {  	_ =	shalt  }
0x7f: {  	_ =	shalt  }
0x80: {  	_ =	shalt  }
0x81: {  	_ =	shalt  }
0x82: {  	_ =	shalt  }
0x83: {  	_ =	shalt  }
0x84: {  	_ =	shalt  }
0x85: {  	_ =	shalt  }
0x86: {  	_ =	shalt  }
0x87: {  	_ =	shalt  }
.Lfunc_end0:
.L_simem_size_0:
called_computation.2_lowered:
.L_overlay_start_0:
0x88: {  	s2 =	sld [smem:$0x3FD9]  }
0x89: {  	s3 =	sld [smem:$0x3FFE];
	_ =	sdelay $0x1  }
0x8a: {  	s1 =	srdreg.scid  }
0x8b: {  	s0 =	sand.u32 $0x1, s1  }
0x8c: {  	s14 =	sshll.u32 s0, $0xA;
	s2 =	sadd.s32 s3, s2  }
0x8d: {  	s2 =	sadd.s32 s2, s14  }
0x8e: {  	[smem:$0x3FB7] =	sst s2  }
0x8f: {  	_ = 	snop  }
0x90: {  	s2 =	sld [smem:$0x3FD0];
	_ =	sdelay $0x2  }
0x91: {  	s15 =	simm.s32 $0xB;
	s4 =	simm.s32 $0x10  }
0x92: {  	[smem:s4], [sflag:s15] =	dma.local [hbm:s2], $0x1  }
0x93: {  	_ =	swait.eq [sflag:s15], $0x1  }
0x94: {  	[sflag:s15] =	ssyncset.done $0x0  }
0x95: {  	[sflag:s15] =	ssyncadd.s32 $0xFFFFFFFF  }
0x96: {  	s16 =	sld [smem:$0x10];
	(tm) =	ssettm $0x1  }
0x97: {  	s17 =	sld [smem:$0x3FFB];
	_ =	sdelay $0x3  }
0x98: {  	_ =	strace s17  }
0x99: {  	s3 =	sld [smem:$0x3FFC];
	_ =	sdelay $0x3  }
0x9a: {  	_ =	strace s3  }
0x9b: {  	s3 =	sld [smem:$0x3FFD];
	_ =	sdelay $0x3  }
0x9c: {  	_ =	strace s3  }
0x9d: {  	_ =	strace $0x8FFFFFFF  }
0x9e: {  	s18 =	sld [smem:$0x3FDB];
	_ =	sdelay $0x1  }
0x9f: {  	s19 =	simm.s32 $_scs_section_size  }
0xa0: {  	s5 =	simm.s32 $_size__tile_overlayer_lowered;
	s6 =	simm.s32 $_tile_overlayer_lowered  }
0xa1: {  	s22 =	simm.s32 $0x1BFF;
	s21 =	sshll.u32 s6, $0x1;
	s3 =	sadd.s32 s19, s18  }
0xa2: {  	s7 =	simm.s32 $0x0;
	s20 =	sshll.u32 s5, $0x1;
	s5 =	sadd.s32 s21, s3  }
0xa3: {  	[timem:s7], [sflag:s22] =	dma.local [hbm:s5], s20  }
0xa4: {  	_ =	swait.ge [sflag:s22], s20  }
0xa5: {  	s4 =	ssub.s32 $0x0, s20;
	[sflag:s22] =	ssyncset.done $0x0  }
0xa6: {  	[sflag:s22] =	ssyncadd.s32 s4;
	_ =	sdelay $0x1  }
0xa7: {  	s23 =	simm.s32 $0x1B8B  }
0xa8: {  	_ =	swait.ge [sflag:s23], $0x1  }
0xa9: {  	[sflag:s23] =	ssyncset.done $0x0  }
0xaa: {  	s25 =	simm.s32 $0x1B8E;
	s24 =	sld [smem:$0x3FFE];
	[sflag:s23] =	ssyncadd.s32 $0xFFFFFFFF  }
0xab: {  	s26 =	simm.s32 $execute0_lowered;
	[smem:$0x3FD2] =	sst s25  }
0xac: {  	s5 =	sshll.u32 s26, $0x1;
	_ =	strace $0x8000004C;
	[dreg:$0x1] =	wrdreg $0xFFFFFFFF  }
0xad: {  	s28 =	simm.s32 $_size_execute0_lowered;
	s3 =	sadd.s32 s3, s5;
	[dreg:$0x0] =	wrdreg $0x0  }
0xae: {  	s5 =	sshll.u32 s28, $0x1;
	[dreg:$0x2] =	wrdreg s3  }
0xaf: {  	[dreg:$0x3] =	wrdreg s5  }
0xb0: {  	[dreg:$0x4] =	wrdreg $0xC0  }
0xb1: {  	_ =	task [dreg:s7], $0x5FFFF  }
0xb2: {  	[dreg:$0x1] =	wrdreg $0xFFFFFFFF  }
0xb3: {  	[dreg:$0x0] =	wrdreg $0x60  }
0xb4: {  	[dreg:$0x2] =	wrdreg s24  }
0xb5: {  	[dreg:$0x3] =	wrdreg s16  }
0xb6: {  	[dreg:$0x4] =	wrdreg $0x8CA00  }
0xb7: {  	[dreg:$0x5] =	wrdreg $0x9  }
0xb8: {  	_ =	task.clear_ibuf [dreg:s7], $0x6FFFF;
	_ =	strace $0x9000004C  }
0xb9: {  	s29 =	simm.s32 $0x9;
	_ =	strace $0x8000004E  }
0xba: {  	_ =	swait.ge [sflag:s29], $0x1  }
0xbb: {  	[sflag:s29] =	ssyncadd.s32 $0xFFFFFFFF  }
0xbc: {  	_ =	strace $0x9000004E  }
0xbd: {  	_ =	sfence  }
0xbe: {  	s30 =	sld [smem:$0x0];
	_ =	sdelay $0x2  }
0xbf: {  	s31 =	sshll.u32 s1, $0xD;
	s1 =	sshrl.u32 s1, $0x2  }
0xc0: {  	s3 =	sand.u32 $0x4000, s31;
	s1 =	sadd.s32 s1, s30  }
0xc1: {  	s0 =	sor.u32 s3, s0;
	s1 =	sshll.u32 s1, $0x11  }
0xc2: {  	s0 =	sor.u32 s1, s0  }
0xc3: {  	s0 =	sadd.s32 $0x8F2B, s0  }
0xc4: {  	[sflag:s0] =	ssyncadd.remote.s32 $0x1  }
0xc5: {  	_ =	sfence.sel $0xFFFF  }
0xc6: {  	[dreg:$0x0] =	wrdreg $0xFFFFFFFF;
	(pc) =	sbr.abs _section_cstart, $3  }
0xc7: {  	[dreg:$0x1] =	wrdreg $0xFFFFFFFF  }
0xc8: {  	_ =	task.clear_ibuf [dreg:s7], $0x2FFFF;
	_ =	strace $0x9FFFFFFF  }
0xc9: {  	(tm) =	ssettm $0x7FFFFFFF  }
tec
execute0_lowered:
.L_overlay_start_1:
0x0: {  	(tag) =	ssettag $0x1  }
0x1: {  	s0 =	rddreg [dreg:$0x0]  }
0x2: {  	s1 =	srdreg.scid;
	s3 =	rddreg [dreg:$0x2]  }
0x3: {  	s19 =	stileid.u32;
	s4 =	simm.s32 $0x0;
	s20 =	simm.s32 $0x8  }
0x4: {  	s21 =	simm.s32 $0x20;
	s22 =	simm.s32 $0xFA0;
	s28 =	simm.s32 $0x2  }
0x5: {  	s30 =	simm.s32 $0x4;
	s31 =	simm.s32 $0x0;
	s1 =	sand.u32 $0x1, s1  }
0x6: {  	s12 =	smul.u32 $0x61A8, s19;
	[smem:$0x7FF] =	sst s4;
	s5 =	sadd.s32 $0xC8E00, s0  }
0x7: {  	s6 =	sadd.s32 $0x19F6600, s0;
	s8 =	smul.u32 $0x186C0, s19;
	s7 =	sadd.s32 $0x67200, s0  }
0x8: {  	s24 =	sshll.u32 s19, $0x6;
	s14 =	smul.u32 $0xC3500, s19;
	s29 =	sor.u32 $0xC350, s19  }
0x9: {  	p0 =	sgt.u32 s19, $0x7;
	s2 =	smul.u32 $0x61A80, s1;
	_ =	strace $0x8000004D  }
0xa: {  	s23 =	ssub.s32 $0x2, s1;
	s1 =	smul.u32 $0xC350, s1;
	v1 =	vmov s29;
	s29 =	simm.s32 $0x3  }
0xb: {  	s9 =	sshrl.u32 s23, $0x1;
	s10 =	sshrl.u32 s8, $0x2;
	s8 =	smul.u32 $0x30D40, s19  }
0xc: {  	s25 =	sadd.s32 s5, s14;
	s26 =	sadd.s32 s12, s3;
	s19 =	simm.s32 $0x5  }
0xd: {  	s2 =	sadd.s32 s12, s2;
	s18 =	sadd.s32 s10, s3;
	[dreg:$0x5] =	wrdreg s25  }
0xe: {  	s25 =	simm.s32 $0x7D0;
	s2 =	sshrl.u32 s2, $0x3;
	s10 =	sadd.s32 $0xFFE79600, s8  }
0xf: {  	s11 =	sshrl.u32 s8, $0x3;
	s14 =	sadd.s32 $0x7D0, s8;
	s15 =	sadd.s32 $0xFA0, s8  }
.Ltmp0:
0x10: {  	s18 =	sshrl.u32 s18, $0x3;
	s0 =	sadd.s32 s2, s0;
	(pc) =	sbr.rel .LBB2_1-.Ltmp0, $4  }
0x11: {  	s2 =	ssub.s32 s23, s9;
	s9 =	sor.u32 $0x1C05, s24;
	s13 =	sshll.u32 s10, $0x2  }
0x12: {  	s11 =	sadd.s32 s7, s11;
	s23 =	sshrl.u32 s26, $0x3;
	s13 =	sand.u32 $0x1FFFFF00, s13  }
0x13: {  	s24 =	simm.s32 $0x1;
	s26 =	simm.s32 $0x4E20;
	s13 =	sadd.s32 s6, s13  }
0x14: {  	v0 =	vmov s1;
	s16 =	sadd.s32 $0x6E3600, s0;
	s17 =	smax.u32 s2, $0x1;
	[dreg:$0x4] =	wrdreg s13  }
.LBB2_16:
0x15: {  	_ =	swait.ge [sflag:s30], $0x3E80  }
0x16: {  	s31 =	sadd.s32 $0x1, s31;
	[sflag:s30] =	ssyncset.done $0x0  }
0x17: {  	p1 =	sne.s32 s31, s17;
	[sflag:s30] =	ssyncadd.s32 $0xFFFFC180  }
.Ltmp1:
0x18: {  	[bflag:$0x0] =	sbarrier.arrive $0xFFFF;
	(pc) =	sbr.rel @!p1 .LBB2_17-.Ltmp1, $4  }
0x19: {  	[hbm:s16], [sflag:s9] =	dma.local [spmem:s23], $0xC35  }
0x1a: {  	_ =	swait.ge [sflag:s19], $0xC35  }
0x1b: {  	[sflag:s19] =	ssyncset.done $0x0  }
0x1c: {  	[sflag:s19] =	ssyncadd.s32 $0xFFFFF3CB  }
.LBB2_1:
0x1d: {  	s0 =	rddreg [dreg:$0x1]  }
0x1e: {  	[spmem:s18], [sflag:s9] =	dma.local [hbm:s0], $0xC36  }
.Ltmp2:
0x1f: {  	_ =	swait.ge [sflag:s19], $0xC36;
	(pc) =	sbr.rel @p0 .LBB2_9-.Ltmp2, $4  }
0x20: {  	[sflag:s19] =	ssyncset.done $0x0  }
0x21: {  	[sflag:s19] =	ssyncadd.s32 $0xFFFFF3CA  }
0x22: {  	[bflag:$0x0] =	sbarrier.arrive $0xFFFF  }
0x23: {  	[tilespmem:s4], [sflag:$0x1] =	stream.linear.gather [hbm4b:s11+s4], $0x7D0, $0x38;
	[tilespmem:$0xEE50] =	vst v63  }
0x24: {  	s0 =	rddreg [dreg:$0x5]  }
0x25: {  	[tilespmem:s22], [sflag:$0x1] =	stream.strided.gather [hbm4b:s0+s20], $0x3E80, s21, s20, $0x38;
	[tilespmem:$0xEE50] =	vst v63  }
0x26: {  	s0 =	simm.s32 $0x0  }
.LBB2_3:
0x27: {  	_ =	swait.ge [sflag:s24], $0x7D0  }
0x28: {  	[sflag:s24] =	ssyncset.done $0x0  }
0x29: {  	[sflag:s24] =	ssyncadd.s32 $0xFFFFF830  }
0x2a: {  	_ =	swait.ge [sflag:s24], $0x3E80  }
0x2b: {  	[sflag:s24] =	ssyncset.done $0x0  }
0x2c: {  	s1 =	simm.s32 $0x0;
	s2 =	simm.s32 $0x40;
	[sflag:s24] =	ssyncadd.s32 $0xFFFFC180  }
.LBB2_4:
0x2d: {  	p1 =	sne.s32 s2, $0x1F00;
	v2 =	vld [tilespmem:s1+$0x0];
	_ =	sdelay $0x3  }
.Ltmp3:
0x2e: {  	(pc) =	sbr.rel @p1 .LBB2_4-.Ltmp3, $4  }
0x2f: {  	v2 =	vsub.s32 v2, v0  }
0x30: {  	vm0 =	vgt.u32 v2, $0xC34F  }
0x31: {  	v2 =	vsel vm0, v1, v2  }
0x32: {  	[tilespmem:s1+$0x0] =	vst v2;
	s1 =	sshra.s32 s2, $0x2;
	s2 =	sadd.s32 $0x40, s2  }
0x33: {  	v2 =	vld [tilespmem:s1+$0x0];
	_ =	sdelay $0x4  }
0x34: {  	v2 =	vsub.s32 v2, v0  }
0x35: {  	vm0 =	vgt.u32 v2, $0xC34F  }
0x36: {  	p1 =	seq.s32 s0, $0x0;
	v2 =	vsel vm0, v1, v2  }
0x37: {  	s2 =	simm.s32 @!p1 $0x4;
	[tilespmem:s1+$0x0] =	vst v2;
	s1 =	smul.u32 $0xFA0, s0  }
0x38: {  	[spmem:s3] =	stream.indirect.scatter.add.f32 [tilespmem:s22], [sflag:$0x3], $0x8, s4, s25, $0xb8;
	[tilespmem:$0xEE50] =	vst v63  }
0x39: {  	_ =	swait.ge @!p1 [sflag:s2], $0x3E80;
	s12 =	sadd.s32 s1, s14  }
0x3a: {  	[sflag:s2] =	ssyncset.done @!p1 $0x0;
	s13 =	sshrl.u32 s12, $0x3  }
0x3b: {  	[sflag:s2] =	ssyncadd.s32 @!p1 $0xFFFFC180;
	s2 =	sadd.s32 s7, s13;
	s13 =	simm.s32 $0x0  }
0x3c: {  	[tilespmem:s25], [sflag:$0x2] =	stream.linear.gather [hbm4b:s2+s13], $0x7D0, $0x38;
	[tilespmem:$0xEE50] =	vst v63  }
0x3d: {  	s13 =	sshll.u32 s12, $0x2  }
0x3e: {  	s2 =	sadd.s32 s5, s13  }
0x3f: {  	[tilespmem:s26], [sflag:$0x2] =	stream.strided.gather [hbm4b:s2+s20], $0x3E80, s21, s20, $0x38;
	[tilespmem:$0xEE50] =	vst v63  }
0x40: {  	_ =	swait.ge [sflag:s28], $0x7D0  }
0x41: {  	[sflag:s28] =	ssyncset.done $0x0  }
0x42: {  	[sflag:s28] =	ssyncadd.s32 $0xFFFFF830  }
0x43: {  	_ =	swait.ge [sflag:s28], $0x3E80  }
0x44: {  	[sflag:s28] =	ssyncset.done $0x0  }
0x45: {  	s12 =	simm.s32 $0x40;
	s2 =	simm.s32 $0x0;
	[sflag:s28] =	ssyncadd.s32 $0xFFFFC180  }
.LBB2_6:
0x46: {  	p1 =	sne.s32 s12, $0x1F00;
	v2 =	vld [tilespmem:s2+$0x7D0];
	_ =	sdelay $0x3  }
.Ltmp4:
0x47: {  	(pc) =	sbr.rel @p1 .LBB2_6-.Ltmp4, $4  }
0x48: {  	v2 =	vsub.s32 v2, v0  }
0x49: {  	vm0 =	vgt.u32 v2, $0xC34F  }
0x4a: {  	v2 =	vsel vm0, v1, v2  }
0x4b: {  	[tilespmem:s2+$0x7D0] =	vst v2;
	s2 =	sshra.s32 s12, $0x2;
	s12 =	sadd.s32 $0x40, s12  }
0x4c: {  	v2 =	vld [tilespmem:s2+$0x7D0];
	_ =	sdelay $0x4  }
0x4d: {  	v2 =	vsub.s32 v2, v0  }
0x4e: {  	vm0 =	vgt.u32 v2, $0xC34F  }
0x4f: {  	p1 =	seq.s32 s0, $0x31;
	v2 =	vsel vm0, v1, v2  }
.Ltmp5:
0x50: {  	[tilespmem:s2+$0x7D0] =	vst v2;
	(pc) =	sbr.rel @p1 .LBB2_16-.Ltmp5, $4  }
0x51: {  	[spmem:s3] =	stream.indirect.scatter.add.f32 [tilespmem:s26], [sflag:$0x4], $0x8, s25, s25, $0xb8;
	[tilespmem:$0xEE50] =	vst v63  }
0x52: {  	_ =	swait.ge [sflag:s29], $0x3E80  }
0x53: {  	[sflag:s29] =	ssyncset.done $0x0  }
0x54: {  	[sflag:s29] =	ssyncadd.s32 $0xFFFFC180  }
0x55: {  	s1 =	sadd.s32 s1, s15  }
.Ltmp6:
0x56: {  	s2 =	sshrl.u32 s1, $0x3;
	(pc) =	sbr.rel .LBB2_3-.Ltmp6, $4  }
0x57: {  	s1 =	sshll.u32 s1, $0x2;
	s2 =	sadd.s32 s7, s2  }
0x58: {  	[tilespmem:s4], [sflag:$0x1] =	stream.linear.gather [hbm4b:s2+s4], $0x7D0, $0x38;
	[tilespmem:$0xEE50] =	vst v63  }
0x59: {  	s0 =	sadd.s32 $0x1, s0;
	s1 =	sadd.s32 s5, s1  }
0x5a: {  	[tilespmem:s22], [sflag:$0x1] =	stream.strided.gather [hbm4b:s1+s20], $0x3E80, s21, s20, $0x38;
	[tilespmem:$0xEE50] =	vst v63  }
.LBB2_9:
0x5b: {  	s0 =	rddreg [dreg:$0x4]  }
0x5c: {  	[tilespmem:s22], [sflag:$0x1] =	stream.strided.gather [hbm4b:s0+s20], $0x3E80, s21, s20, $0x38;
	[tilespmem:$0xEE50] =	vst v63  }
0x5d: {  	s0 =	simm.s32 $0x0  }
.LBB2_10:
0x5e: {  	_ =	swait.ge [sflag:s24], $0x7D0  }
0x5f: {  	[sflag:s24] =	ssyncset.done $0x0  }
0x60: {  	[sflag:s24] =	ssyncadd.s32 $0xFFFFF830  }
0x61: {  	_ =	swait.ge [sflag:s24], $0x3E80  }
0x62: {  	[sflag:s24] =	ssyncset.done $0x0  }
0x63: {  	s1 =	simm.s32 $0x0;
	s2 =	simm.s32 $0x40;
	[sflag:s24] =	ssyncadd.s32 $0xFFFFC180  }
.LBB2_11:
0x64: {  	p1 =	sne.s32 s2, $0x1F00;
	v2 =	vld [tilespmem:s1+$0x0];
	_ =	sdelay $0x3  }
.Ltmp7:
0x65: {  	(pc) =	sbr.rel @p1 .LBB2_11-.Ltmp7, $4  }
0x66: {  	v2 =	vsub.s32 v2, v0  }
0x67: {  	vm0 =	vgt.u32 v2, $0xC34F  }
0x68: {  	v2 =	vsel vm0, v1, v2  }
0x69: {  	[tilespmem:s1+$0x0] =	vst v2;
	s1 =	sshra.s32 s2, $0x2;
	s2 =	sadd.s32 $0x40, s2  }
0x6a: {  	v2 =	vld [tilespmem:s1+$0x0];
	_ =	sdelay $0x4  }
0x6b: {  	v2 =	vsub.s32 v2, v0  }
0x6c: {  	vm0 =	vgt.u32 v2, $0xC34F  }
0x6d: {  	v2 =	vsel vm0, v1, v2  }
0x6e: {  	p1 =	seq.s32 s0, $0x0;
	[tilespmem:s1+$0x0] =	vst v2;
	s1 =	smul.u32 $0xFA0, s0  }
0x6f: {  	[spmem:s3] =	stream.indirect.scatter.add.f32 [tilespmem:s22], [sflag:$0x3], $0x8, s4, s25, $0xb8;
	[tilespmem:$0xEE50] =	vst v63  }
0x70: {  	s2 =	simm.s32 @!p1 $0x4;
	s12 =	sadd.s32 $0x7D0, s1  }
0x71: {  	_ =	swait.ge @!p1 [sflag:s2], $0x3E80;
	s13 =	sadd.s32 s8, s12  }
0x72: {  	[sflag:s2] =	ssyncset.done @!p1 $0x0;
	s13 =	sshrl.u32 s13, $0x3  }
0x73: {  	[sflag:s2] =	ssyncadd.s32 @!p1 $0xFFFFC180;
	s2 =	sadd.s32 s7, s13;
	s13 =	simm.s32 $0x0  }
0x74: {  	[tilespmem:s25], [sflag:$0x2] =	stream.linear.gather [hbm4b:s2+s13], $0x7D0, $0x38;
	[tilespmem:$0xEE50] =	vst v63  }
0x75: {  	s13 =	sadd.s32 s10, s12  }
0x76: {  	s2 =	sshll.u32 s13, $0x2  }
0x77: {  	s2 =	sand.u32 $0x1FFFFFC0, s2  }
0x78: {  	s2 =	sadd.s32 s6, s2  }
0x79: {  	[tilespmem:s26], [sflag:$0x2] =	stream.strided.gather [hbm4b:s2+s20], $0x3E80, s21, s20, $0x38;
	[tilespmem:$0xEE50] =	vst v63  }
0x7a: {  	_ =	swait.ge [sflag:s28], $0x7D0  }
0x7b: {  	[sflag:s28] =	ssyncset.done $0x0  }
0x7c: {  	[sflag:s28] =	ssyncadd.s32 $0xFFFFF830  }
0x7d: {  	_ =	swait.ge [sflag:s28], $0x3E80  }
0x7e: {  	[sflag:s28] =	ssyncset.done $0x0  }
0x7f: {  	s12 =	simm.s32 $0x40;
	s2 =	simm.s32 $0x0;
	[sflag:s28] =	ssyncadd.s32 $0xFFFFC180  }
.LBB2_13:
0x80: {  	p1 =	sne.s32 s12, $0x1F00;
	v2 =	vld [tilespmem:s2+$0x7D0];
	_ =	sdelay $0x3  }
.Ltmp8:
0x81: {  	(pc) =	sbr.rel @p1 .LBB2_13-.Ltmp8, $4  }
0x82: {  	v2 =	vsub.s32 v2, v0  }
0x83: {  	vm0 =	vgt.u32 v2, $0xC34F  }
0x84: {  	v2 =	vsel vm0, v1, v2  }
0x85: {  	[tilespmem:s2+$0x7D0] =	vst v2;
	s2 =	sshra.s32 s12, $0x2;
	s12 =	sadd.s32 $0x40, s12  }
0x86: {  	v2 =	vld [tilespmem:s2+$0x7D0];
	_ =	sdelay $0x4  }
0x87: {  	v2 =	vsub.s32 v2, v0  }
0x88: {  	vm0 =	vgt.u32 v2, $0xC34F  }
0x89: {  	p1 =	seq.s32 s0, $0x31;
	v2 =	vsel vm0, v1, v2  }
.Ltmp9:
0x8a: {  	[tilespmem:s2+$0x7D0] =	vst v2;
	(pc) =	sbr.rel @p1 .LBB2_16-.Ltmp9, $4  }
0x8b: {  	[spmem:s3] =	stream.indirect.scatter.add.f32 [tilespmem:s26], [sflag:$0x4], $0x8, s25, s25, $0xb8;
	[tilespmem:$0xEE50] =	vst v63  }
0x8c: {  	_ =	swait.ge [sflag:s29], $0x3E80  }
0x8d: {  	[sflag:s29] =	ssyncset.done $0x0  }
0x8e: {  	[sflag:s29] =	ssyncadd.s32 $0xFFFFC180  }
0x8f: {  	s1 =	sadd.s32 $0xFA0, s1  }
0x90: {  	s2 =	sadd.s32 s8, s1;
	s1 =	sadd.s32 s10, s1  }
.Ltmp10:
0x91: {  	s2 =	sshrl.u32 s2, $0x3;
	s1 =	sshll.u32 s1, $0x2;
	(pc) =	sbr.rel .LBB2_10-.Ltmp10, $4  }
0x92: {  	s2 =	sadd.s32 s7, s2;
	s1 =	sand.u32 $0x1FFFFF80, s1  }
0x93: {  	[tilespmem:s4], [sflag:$0x1] =	stream.linear.gather [hbm4b:s2+s4], $0x7D0, $0x38;
	[tilespmem:$0xEE50] =	vst v63  }
0x94: {  	s0 =	sadd.s32 $0x1, s0;
	s1 =	sadd.s32 s6, s1  }
0x95: {  	[tilespmem:s22], [sflag:$0x1] =	stream.strided.gather [hbm4b:s1+s20], $0x3E80, s21, s20, $0x38;
	[tilespmem:$0xEE50] =	vst v63  }
.LBB2_17:
0x96: {  	_ =	sfence.sel $0x180000  }
0x97: {  	[bflag:$0x0] =	sbarrier.arrive $0xFFFF  }
0x98: {  	_ =	strace $0x9000004D  }
0x99: {  	s0 =	stileid.u32;
	[bflag:$0x2] =	sbarrier.arrive $0xFFFF  }
0x9a: {  	p0 =	sne.s32 s0, $0x0;
	s0 =	rddreg [dreg:$0x3]  }
0x9b: {  	s0 =	sadd.s32 @!p0 $0x100000, s0  }
0x9c: {  	[sflag:s0] =	ssyncadd.tile.s32 @!p0 $0x1;
	_ =	shalt  }
.Lfunc_end2:
_tile_overlayer_lowered:
.L_overlay_start_2:
0x9d: {  	(tag) =	ssettag $0x2  }
0x9e: {  	s0 =	rddreg [dreg:$0x0];
	s2 =	stileid.u32  }
0x9f: {  	s1 =	rddreg [dreg:$0x1];
	p0 =	sne.s32 s2, $0x0  }
0xa0: {  	s3 =	rddreg [dreg:$0x2];
	[bflag:$0x3] =	sbarrier.arrive $0xFFFF;
	s2 =	simm.s32 @!p0 $0x1C05  }
0xa1: {  	[timem:s3], [sflag:s2] =	dma.local @!p0 [hbm:s0], s1  }
0xa2: {  	s0 =	simm.s32 @!p0 $0x5  }
0xa3: {  	_ =	swait.ge @!p0 [sflag:s0], s1  }
0xa4: {  	s1 =	ssub.s32 @!p0 $0x0, s1;
	[sflag:s0] =	ssyncset.done @!p0 $0x0  }
0xa5: {  	[sflag:s0] =	ssyncadd.s32 @!p0 s1  }
0xa6: {  	[bflag:$0x3] =	sbarrier.arrive $0xFFFF  }
0xa7: {  	_ =	shalt  }

// kernel: kernel.24.cloned.1.call-start
scs
__scs_entry_jumppad:
0x0: {  	(pc) =	sbr.rel $0x88, $3  }
0x1: {  	(tag) =	ssettag $0x0;
	lr =	simm.s32 $0x1  }
0x2: {  	[smem:$0x3F90] =	sst lr;
	_ =	strace $0xD0000000  }
0x3: {  	_ = 	snop  }
0x4: {  	_ = 	snop  }
0x5: {  	_ = 	snop  }
0x6: {  	_ = 	snop  }
0x7: {  	_ = 	snop  }
__scs_overlays_trampoline_lowered:
0x8: {  	[smem:$0x3F9F] =	sst s0  }
0x9: {  	[smem:$0x3FA0] =	sst s1  }
0xa: {  	[smem:$0x3FA1] =	sst s2  }
0xb: {  	[smem:$0x3FA2] =	sst s3  }
0xc: {  	[smem:$0x3FA3] =	sst s4  }
0xd: {  	[smem:$0x3FA4] =	sst s5  }
0xe: {  	[smem:$0x3FA5] =	sst s6  }
0xf: {  	[smem:$0x3FA6] =	sst s7  }
0x10: {  	[smem:$0x3FA7] =	sst s8  }
0x11: {  	[smem:$0x3FA8] =	sst s9;
	s0 =	simm.s32 @!p0 $0x0  }
0x12: {  	s1 =	sld [smem:$0x3F8E];
	s0 =	simm.s32 @p0 $0x1  }
0x13: {  	[smem:$0x3FA9] =	sst s0;
	s0 =	simm.s32 @!p1 $0x0  }
0x14: {  	s2 =	sld [smem:$0x3F8D];
	s0 =	simm.s32 @p1 $0x1  }
0x15: {  	[smem:$0x3FAA] =	sst s0;
	s0 =	simm.s32 @!p2 $0x0  }
0x16: {  	s3 =	sld [smem:$0x3FDB];
	s0 =	simm.s32 @p2 $0x1  }
0x17: {  	s4 =	simm.s32 $0x1BF5;
	[smem:$0x3FAC] =	sst s0  }
0x18: {  	s0 =	sld [smem:$0x3F8F];
	_ =	swait.ge [sflag:s4], $0x0  }
0x19: {  	s7 =	sld [smem:$0x3F90]  }
0x1a: {  	s8 =	sadd.s32 $0xFFFFE003, lr  }
0x1b: {  	s9 =	sadd.s32 $0xFFFFFEF7, lr;
	s5 =	simm.s32 $0xFFFFFFFF;
	p2 =	slt.u32 s8, $0xFFFFF086  }
0x1c: {  	p1 =	slt.u32 s9, $0xF7A;
	s5 =	simm.s32 @!p2 $0x0  }
0x1d: {  	s5 =	simm.s32 @p1 $0x1;
	p0 =	seq.s32 s7, s2  }
0x1e: {  	s7 =	smul.u32 @!p0 $0xF7A, s2;
	p2 =	seq.s32 @!p0 s5, $0x0  }
0x1f: {  	s9 =	smul.u32 $0xF7A, s1;
	s8 =	simm.s32 @!p0 $0x1BF5;
	p2 =	por !p2, p0  }
0x20: {  	[sflag:s8] =	ssyncset.s32 @!p0 $0xFFFFF086;
	s6 =	sadd.s32 @!p0 s3, s7;
	s7 =	simm.s32 @!p0 $0x108  }
0x21: {  	s3 =	sadd.s32 s3, s9;
	s6 =	sadd.s32 @!p0 $0x88, s6;
	s7 =	simm.s32 @p2 $0x1082  }
0x22: {  	[simem:s7], [sflag:s8] =	dma.local @!p0 [hbm:s6], $0xF7A  }
0x23: {  	s9 =	sor.u32 $0xD0000000, s2;
	s6 =	simm.s32 $0x108;
	_ =	swait.ge @!p0 [sflag:s8], $0x0  }
0x24: {  	s3 =	sadd.s32 $0x88, s3;
	s6 =	simm.s32 @!p1 $0x1082;
	[sflag:s4] =	ssyncset.s32 $0xFFFFF086  }
0x25: {  	[simem:s6], [sflag:s4] =	dma.local [hbm:s3], $0xF7A  }
0x26: {  	[smem:$0x3F90] =	sst s1;
	(tag) =	ssettag s2;
	_ =	strace s9  }
0x27: {  	s1 =	sld [smem:$0x3FA0]  }
0x28: {  	s2 =	sld [smem:$0x3FA1]  }
0x29: {  	s4 =	sld [smem:$0x3FA3]  }
0x2a: {  	p0 =	seq.s32 s5, $0x0;
	s5 =	sld [smem:$0x3FA4]  }
0x2b: {  	s6 =	sld [smem:$0x3FA5]  }
0x2c: {  	s7 =	sld [smem:$0x3FA6]  }
0x2d: {  	s3 =	simm.s32 $0x108;
	s8 =	sld [smem:$0x3FA7]  }
0x2e: {  	s3 =	simm.s32 @!p0 $0x1082;
	s9 =	sld [smem:$0x3FA8]  }
0x2f: {  	lr =	sadd.s32 s0, s3;
	s0 =	sld [smem:$0x3F9F]  }
0x30: {  	s3 =	sld [smem:$0x3FA2]  }
0x31: {  	[smem:$0x3FAB] =	sst s10  }
0x32: {  	s10 =	sld [smem:$0x3FA9];
	_ =	sdelay $0x3  }
0x33: {  	p0 =	seq.s32 s10, $0x1;
	s10 =	sld [smem:$0x3FAB];
	_ =	sdelay $0x3  }
0x34: {  	[smem:$0x3FAB] =	sst s10  }
0x35: {  	s10 =	sld [smem:$0x3FAA];
	_ =	sdelay $0x3  }
0x36: {  	p1 =	seq.s32 s10, $0x1;
	s10 =	sld [smem:$0x3FAB];
	_ =	sdelay $0x3  }
0x37: {  	[smem:$0x3FAB] =	sst s10  }
0x38: {  	s10 =	sld [smem:$0x3FAC]  }
0x39: {  	_ = 	snop;
	(pc) =	sbr.ind lr, $3  }
0x3a: {  	_ = 	snop  }
0x3b: {  	_ = 	snop  }
0x3c: {  	p2 =	seq.s32 s10, $0x1;
	s10 =	sld [smem:$0x3FAB]  }
0x3d: {  	_ =	shalt  }
0x3e: {  	_ =	shalt  }
0x3f: {  	_ =	shalt  }
0x40: {  	_ =	shalt  }
0x41: {  	_ =	shalt  }
0x42: {  	_ =	shalt  }
0x43: {  	_ =	shalt  }
0x44: {  	_ =	shalt  }
0x45: {  	_ =	shalt  }
0x46: {  	_ =	shalt  }
0x47: {  	_ =	shalt  }
0x48: {  	_ =	shalt  }
0x49: {  	_ =	shalt  }
0x4a: {  	_ =	shalt  }
0x4b: {  	_ =	shalt  }
0x4c: {  	_ =	shalt  }
0x4d: {  	_ =	shalt  }
0x4e: {  	_ =	shalt  }
0x4f: {  	_ =	shalt  }
0x50: {  	_ =	shalt  }
0x51: {  	_ =	shalt  }
0x52: {  	_ =	shalt  }
0x53: {  	_ =	shalt  }
0x54: {  	_ =	shalt  }
0x55: {  	_ =	shalt  }
0x56: {  	_ =	shalt  }
0x57: {  	_ =	shalt  }
0x58: {  	_ =	shalt  }
0x59: {  	_ =	shalt  }
0x5a: {  	_ =	shalt  }
0x5b: {  	_ =	shalt  }
0x5c: {  	_ =	shalt  }
0x5d: {  	_ =	shalt  }
0x5e: {  	_ =	shalt  }
0x5f: {  	_ =	shalt  }
0x60: {  	_ =	shalt  }
0x61: {  	_ =	shalt  }
0x62: {  	_ =	shalt  }
0x63: {  	_ =	shalt  }
0x64: {  	_ =	shalt  }
0x65: {  	_ =	shalt  }
0x66: {  	_ =	shalt  }
0x67: {  	_ =	shalt  }
0x68: {  	_ =	shalt  }
0x69: {  	_ =	shalt  }
0x6a: {  	_ =	shalt  }
0x6b: {  	_ =	shalt  }
0x6c: {  	_ =	shalt  }
0x6d: {  	_ =	shalt  }
0x6e: {  	_ =	shalt  }
0x6f: {  	_ =	shalt  }
0x70: {  	_ =	shalt  }
0x71: {  	_ =	shalt  }
0x72: {  	_ =	shalt  }
0x73: {  	_ =	shalt  }
0x74: {  	_ =	shalt  }
0x75: {  	_ =	shalt  }
0x76: {  	_ =	shalt  }
0x77: {  	_ =	shalt  }
0x78: {  	_ =	shalt  }
0x79: {  	_ =	shalt  }
0x7a: {  	_ =	shalt  }
0x7b: {  	_ =	shalt  }
0x7c: {  	_ =	shalt  }
0x7d: {  	_ =	shalt  }
0x7e: {  	_ =	shalt  }
0x7f: {  	_ =	shalt  }
0x80: {  	_ =	shalt  }
0x81: {  	_ =	shalt  }
0x82: {  	_ =	shalt  }
0x83: {  	_ =	shalt  }
0x84: {  	_ =	shalt  }
0x85: {  	_ =	shalt  }
0x86: {  	_ =	shalt  }
0x87: {  	_ =	shalt  }
.Lfunc_end0:
.L_simem_size_0:
called_computation.3_lowered:
.L_overlay_start_0:
0x88: {  	s2 =	sld [smem:$0x3FD9]  }
0x89: {  	s3 =	sld [smem:$0x3FFE];
	_ =	sdelay $0x1  }
0x8a: {  	s1 =	srdreg.scid  }
0x8b: {  	s0 =	sand.u32 $0x1, s1  }
0x8c: {  	s17 =	sshll.u32 s0, $0xA;
	s2 =	sadd.s32 s3, s2  }
0x8d: {  	s2 =	sadd.s32 s2, s17  }
0x8e: {  	[smem:$0x3FB7] =	sst s2  }
0x8f: {  	_ = 	snop  }
0x90: {  	(tm) =	ssettm $0x1  }
0x91: {  	s18 =	sld [smem:$0x3FFB];
	_ =	sdelay $0x3  }
0x92: {  	_ =	strace s18  }
0x93: {  	s2 =	sld [smem:$0x3FFC];
	_ =	sdelay $0x3  }
0x94: {  	_ =	strace s2  }
0x95: {  	s2 =	sld [smem:$0x3FFD];
	_ =	sdelay $0x3  }
0x96: {  	_ =	strace s2  }
0x97: {  	_ =	strace $0x8FFFFFFF  }
0x98: {  	s19 =	sld [smem:$0x3FDB];
	_ =	sdelay $0x1  }
0x99: {  	s20 =	simm.s32 $_scs_section_size  }
0x9a: {  	s4 =	simm.s32 $_size__tile_overlayer_lowered;
	s5 =	simm.s32 $_tile_overlayer_lowered  }
0x9b: {  	s6 =	simm.s32 $0x1BFF;
	s21 =	sshll.u32 s5, $0x1;
	s3 =	sadd.s32 s20, s19  }
0x9c: {  	s22 =	simm.s32 $0x0;
	s4 =	sshll.u32 s4, $0x1;
	s5 =	sadd.s32 s21, s3  }
0x9d: {  	[timem:s22], [sflag:s6] =	dma.local [hbm:s5], s4  }
0x9e: {  	_ =	swait.ge [sflag:s6], s4  }
0x9f: {  	s4 =	ssub.s32 $0x0, s4;
	[sflag:s6] =	ssyncset.done $0x0  }
0xa0: {  	[sflag:s6] =	ssyncadd.s32 s4;
	_ =	sdelay $0x1  }
0xa1: {  	s23 =	simm.s32 $0x1B8B  }
0xa2: {  	_ =	swait.ge [sflag:s23], $0x1  }
0xa3: {  	[sflag:s23] =	ssyncset.done $0x0  }
0xa4: {  	[sflag:s23] =	ssyncadd.s32 $0xFFFFFFFF  }
0xa5: {  	s4 =	sld [smem:$0x0]  }
0xa6: {  	s5 =	sand.u32 $0xFFFFFFFE, s1  }
0xa7: {  	p0 =	sne.s32 s1, s5  }
0xa8: {  	s5 =	sshll.u32 @p0 s5, $0xE  }
0xa9: {  	s5 =	sadd.s32 @p0 $0x11B8D, s5;
	s6 =	sshll.u32 @p0 s4, $0x11  }
0xaa: {  	s5 =	sor.u32 @p0 s6, s5  }
0xab: {  	[sflag:s5] =	ssyncadd.remote.s32 @p0 $0x1;
	_ =	sdelay $0x1  }
0xac: {  	s5 =	simm.s32 @p0 $0x1B8D  }
0xad: {  	_ =	swait.eq @p0 [sflag:s5], $0x1  }
0xae: {  	[sflag:s5] =	ssyncadd.s32 @p0 $0xFFFFFFFF  }
0xaf: {  	s6 =	sshll.u32 @!p0 s1, $0xE  }
0xb0: {  	s6 =	sor.u32 @!p0 $0x4000, s6;
	s5 =	simm.s32 @!p0 $0x1B8D  }
0xb1: {  	s4 =	sshll.u32 @!p0 s4, $0x11;
	s6 =	sadd.s32 @!p0 $0x11B8D, s6;
	_ =	swait.eq @!p0 [sflag:s5], $0x1  }
0xb2: {  	s4 =	sor.u32 @!p0 s4, s6;
	[sflag:s5] =	ssyncadd.s32 @!p0 $0xFFFFFFFF  }
0xb3: {  	s25 =	simm.s32 $0x1B8E;
	s24 =	sld [smem:$0x3FFE];
	[sflag:s4] =	ssyncadd.remote.s32 @!p0 $0x1  }
0xb4: {  	s26 =	simm.s32 $execute0_lowered;
	[smem:$0x3FD2] =	sst s25  }
0xb5: {  	s5 =	sshll.u32 s26, $0x1;
	_ =	strace $0x80000052;
	[dreg:$0x1] =	wrdreg $0xFFFFFFFF  }
0xb6: {  	s28 =	simm.s32 $_size_execute0_lowered;
	s3 =	sadd.s32 s3, s5;
	[dreg:$0x0] =	wrdreg $0x0  }
0xb7: {  	s5 =	sshll.u32 s28, $0x1;
	[dreg:$0x2] =	wrdreg s3  }
0xb8: {  	[dreg:$0x3] =	wrdreg s5  }
0xb9: {  	[dreg:$0x4] =	wrdreg $0xC0  }
0xba: {  	_ =	task [dreg:s22], $0x5FFFF  }
0xbb: {  	[dreg:$0x1] =	wrdreg $0xFFFFFFFF  }
0xbc: {  	[dreg:$0x0] =	wrdreg $0x60  }
0xbd: {  	[dreg:$0x2] =	wrdreg s24  }
0xbe: {  	[dreg:$0x3] =	wrdreg $0x9  }
0xbf: {  	_ =	task.clear_ibuf [dreg:s22], $0x4FFFF;
	_ =	strace $0x90000052  }
0xc0: {  	s29 =	simm.s32 $0x9;
	_ =	strace $0x80000054  }
0xc1: {  	_ =	swait.ge [sflag:s29], $0x1  }
0xc2: {  	[sflag:s29] =	ssyncadd.s32 $0xFFFFFFFF  }
0xc3: {  	_ =	strace $0x90000054  }
0xc4: {  	_ =	sfence  }
0xc5: {  	s30 =	sld [smem:$0x0];
	_ =	sdelay $0x2  }
0xc6: {  	s31 =	sshll.u32 s1, $0xD;
	s1 =	sshrl.u32 s1, $0x2  }
0xc7: {  	s4 =	sand.u32 $0x4000, s31;
	s1 =	sadd.s32 s1, s30  }
0xc8: {  	s0 =	sor.u32 s4, s0;
	s1 =	sshll.u32 s1, $0x11  }
0xc9: {  	s0 =	sor.u32 s1, s0  }
0xca: {  	s0 =	sadd.s32 $0x8F2B, s0  }
0xcb: {  	[sflag:s0] =	ssyncadd.remote.s32 $0x1  }
0xcc: {  	_ =	sfence.sel $0xFFFF  }
0xcd: {  	[dreg:$0x0] =	wrdreg $0xFFFFFFFF;
	(pc) =	sbr.abs _section_cstart, $3  }
0xce: {  	[dreg:$0x1] =	wrdreg $0xFFFFFFFF  }
0xcf: {  	_ =	task.clear_ibuf [dreg:s22], $0x2FFFF;
	_ =	strace $0x9FFFFFFF  }
0xd0: {  	(tm) =	ssettm $0x7FFFFFFF  }
0xd1: {  	_ =	shalt  }
tec
execute0_lowered:
.L_overlay_start_1:
0x0: {  	(tag) =	ssettag $0x1  }
0x1: {  	s0 =	rddreg [dreg:$0x0]  }
0x2: {  	s1 =	simm.s32 $0x0;
	s2 =	srdreg.scid;
	s12 =	stileid.u32  }
0x3: {  	s18 =	simm.s32 $0x190;
	s19 =	simm.s32 $0x1;
	s20 =	simm.s32 $0xC8  }
0x4: {  	s21 =	simm.s32 $0x320;
	s28 =	simm.s32 $0x4E20;
	s29 =	simm.s32 $0x4  }
0x5: {  	s30 =	simm.s32 $0x5;
	s31 =	simm.s32 $0x6;
	[smem:$0x7FF] =	sst s1  }
0x6: {  	s3 =	sadd.s32 $0xC8E00, s0;
	s4 =	sadd.s32 $0x6E3600, s0;
	s2 =	sand.u32 $0x1, s2  }
0x7: {  	s7 =	sshll.u32 s12, $0x1;
	s5 =	sadd.s32 $0x67200, s0;
	s15 =	smul.u32 $0x186A0, s12  }
0x8: {  	s10 =	sor.u32 s2, s7;
	s11 =	ssub.s32 $0x2, s2;
	s2 =	smul.u32 $0xC350, s2  }
0x9: {  	s6 =	sadd.s32 $0x5600, s0;
	s9 =	sadd.s32 $0x1DDF400, s0;
	s8 =	smul.u32 $0xC350, s10  }
0xa: {  	_ =	strace $0x80000053;
	s22 =	sshrl.u32 s11, $0x1;
	s10 =	smul.u32 $0x186A00, s10  }
0xb: {  	s7 =	sadd.s32 $0x17C4C00, s0;
	s0 =	ssub.s32 s11, s22;
	s2 =	sadd.s32 s2, s15  }
0xc: {  	s22 =	simm.s32 $0x3520;
	s23 =	sshrl.u32 s8, $0x3;
	s10 =	sshrl.u32 s10, $0x3  }
0xd: {  	s12 =	sadd.s32 $0xC8, s8;
	s13 =	sadd.s32 $0x190, s8;
	s0 =	smax.u32 s0, $0x1  }
0xe: {  	s26 =	sshll.u32 s2, $0x2;
	s24 =	sadd.s32 s5, s23;
	s11 =	sadd.s32 s6, s23  }
.Ltmp0:
0xf: {  	s10 =	sadd.s32 $0x30A20, s10;
	[dreg:$0x6] =	wrdreg s0;
	(pc) =	sbr.rel .LBB2_1-.Ltmp0, $4  }
0x10: {  	s2 =	sadd.s32 $0x1FFFFCE0, s26;
	s23 =	simm.s32 $0x258;
	[dreg:$0x2] =	wrdreg s24  }
0x11: {  	s26 =	simm.s32 $0x1C20;
	[dreg:$0x3] =	wrdreg s11;
	s25 =	sadd.s32 s7, s10  }
0x12: {  	s0 =	simm.s32 $0x0;
	s10 =	sadd.s32 s9, s10;
	[dreg:$0x4] =	wrdreg s25  }
0x13: {  	s24 =	simm.s32 $0x3;
	[dreg:$0x5] =	wrdreg s10;
	s25 =	simm.s32 $0x2  }
.LBB2_4:
0x14: {  	_ =	swait.ge [sflag:s29], $0x1900  }
0x15: {  	[sflag:s29] =	ssyncset.done $0x0  }
0x16: {  	[sflag:s29] =	ssyncadd.s32 $0xFFFFE700  }
0x17: {  	_ =	swait.ge [sflag:s29], $0x1900  }
0x18: {  	[sflag:s29] =	ssyncset.done $0x0  }
0x19: {  	s10 =	rddreg [dreg:$0x4];
	[sflag:s29] =	ssyncadd.s32 $0xFFFFE700  }
0x1a: {  	[hbm4b:s10+s1] =	stream.linear.scatter [tilespmem:s26], [sflag:$0x6], $0x1900, $0x38;
	[tilespmem:$0x6720] =	vst v63  }
0x1b: {  	s16 =	rddreg [dreg:$0x5]  }
0x1c: {  	[hbm4b:s16+s1] =	stream.linear.scatter [tilespmem:s28], [sflag:$0x6], $0x1900, $0x38;
	[tilespmem:$0x6720] =	vst v63  }
0x1d: {  	_ =	swait.ge [sflag:s30], $0x1900  }
0x1e: {  	[sflag:s30] =	ssyncset.done $0x0  }
0x1f: {  	[sflag:s30] =	ssyncadd.s32 $0xFFFFE700  }
0x20: {  	_ =	swait.ge [sflag:s30], $0x1900  }
0x21: {  	[sflag:s30] =	ssyncset.done $0x0  }
0x22: {  	[sflag:s30] =	ssyncadd.s32 $0xFFFFE700  }
0x23: {  	_ =	swait.ge [sflag:s31], $0x1900  }
0x24: {  	[sflag:s31] =	ssyncset.done $0x0  }
0x25: {  	[sflag:s31] =	ssyncadd.s32 $0xFFFFE700  }
0x26: {  	_ =	swait.ge [sflag:s31], $0x1900  }
0x27: {  	s0 =	sadd.s32 $0x1, s0;
	s17 =	rddreg [dreg:$0x6]  }
0x28: {  	p0 =	sne.s32 s0, s17  }
.Ltmp1:
0x29: {  	_ = 	snop;
	(pc) =	sbr.rel @!p0 .LBB2_5-.Ltmp1, $3  }
0x2a: {  	_ =	sdelay $0x1  }
0x2b: {  	[sflag:s31] =	ssyncset.done $0x0  }
0x2c: {  	[sflag:s31] =	ssyncadd.s32 $0xFFFFE700  }
.LBB2_1:
0x2d: {  	s10 =	rddreg [dreg:$0x2]  }
0x2e: {  	[tilespmem:s1], [sflag:$0x1] =	stream.linear.gather [hbm4b:s10+s1], $0xC8, $0x38;
	[tilespmem:$0x6720] =	vst v63  }
0x2f: {  	s17 =	rddreg [dreg:$0x3]  }
0x30: {  	[tilespmem:s18], [sflag:$0x1] =	stream.linear.gather [hbm4b:s17+s1], $0xC8, $0x38;
	[tilespmem:$0x6720] =	vst v63  }
0x31: {  	s11 =	simm.s32 $0x0;
	s17 =	smov.u32 s2  }
.LBB2_2:
0x32: {  	p0 =	seq.s32 s11, $0x0  }
0x33: {  	s10 =	simm.s32 @!p0 $0x5  }
0x34: {  	_ =	swait.ge @!p0 [sflag:s10], $0x1900  }
0x35: {  	[sflag:s10] =	ssyncset.done @!p0 $0x0  }
0x36: {  	[sflag:s10] =	ssyncadd.s32 @!p0 $0xFFFFE700  }
0x37: {  	_ =	swait.ge @!p0 [sflag:s10], $0x1900  }
0x38: {  	[sflag:s10] =	ssyncset.done @!p0 $0x0  }
0x39: {  	[sflag:s10] =	ssyncadd.s32 @!p0 $0xFFFFE700;
	s10 =	simm.s32 @!p0 $0x4  }
0x3a: {  	_ =	swait.ge @!p0 [sflag:s10], $0x1900  }
0x3b: {  	[sflag:s10] =	ssyncset.done @!p0 $0x0  }
0x3c: {  	[sflag:s10] =	ssyncadd.s32 @!p0 $0xFFFFE700  }
0x3d: {  	_ =	swait.ge @!p0 [sflag:s10], $0x1900  }
0x3e: {  	[sflag:s10] =	ssyncset.done @!p0 $0x0  }
0x3f: {  	[sflag:s10] =	ssyncadd.s32 @!p0 $0xFFFFE700;
	s10 =	sand.u32 @!p0 $0x1FFFFFE0, s17  }
0x40: {  	s15 =	simm.s32 @!p0 $0x0;
	s16 =	simm.s32 @!p0 $0x1C20;
	s14 =	sadd.s32 @!p0 s7, s10  }
0x41: {  	[hbm4b:s14+s15] =	stream.linear.scatter @!p0 [tilespmem:s16], [sflag:$0x6], $0x1900, $0x38;
	[tilespmem:$0x6720] =	vst v63  }
0x42: {  	s10 =	sadd.s32 @!p0 s9, s10;
	s14 =	simm.s32 @!p0 $0x4E20  }
0x43: {  	[hbm4b:s10+s15] =	stream.linear.scatter @!p0 [tilespmem:s14], [sflag:$0x6], $0x1900, $0x38;
	[tilespmem:$0x6720] =	vst v63  }
0x44: {  	_ =	swait.ge [sflag:s19], $0xC8  }
0x45: {  	[sflag:s19] =	ssyncset.done $0x0  }
0x46: {  	[sflag:s19] =	ssyncadd.s32 $0xFFFFFF38  }
0x47: {  	s10 =	smov.u32 s11;
	_ =	swait.ge [sflag:s19], $0xC8  }
0x48: {  	s10 =	simm.s32 @p0 $0x0;
	[sflag:s19] =	ssyncset.done $0x0  }
0x49: {  	s15 =	sadd.s32 s10, s12;
	[sflag:s19] =	ssyncadd.s32 $0xFFFFFF38  }
0x4a: {  	[tilespmem:s21], [sflag:$0x3] =	stream.indirect.gather [hbm4b:s3+s20], $0x20, s1, s20, $0xb8;
	[tilespmem:$0x6720] =	vst v63  }
0x4b: {  	s14 =	sshrl.u32 s15, $0x3  }
0x4c: {  	[tilespmem:s22], [sflag:$0x3] =	stream.indirect.gather [hbm4b:s4+s20], $0x20, s18, s20, $0xb8;
	[tilespmem:$0x6720] =	vst v63  }
0x4d: {  	s16 =	sadd.s32 s5, s14  }
0x4e: {  	[tilespmem:s20], [sflag:$0x2] =	stream.linear.gather [hbm4b:s16+s1], $0xC8, $0x38;
	[tilespmem:$0x6720] =	vst v63  }
0x4f: {  	s14 =	sadd.s32 s6, s14  }
0x50: {  	[tilespmem:s23], [sflag:$0x2] =	stream.linear.gather [hbm4b:s14+s1], $0xC8, $0x38;
	[tilespmem:$0x6720] =	vst v63  }
0x51: {  	s14 =	simm.s32 @!p0 $0x6  }
0x52: {  	_ =	swait.ge @!p0 [sflag:s14], $0x1900  }
0x53: {  	[sflag:s14] =	ssyncset.done @!p0 $0x0  }
0x54: {  	[sflag:s14] =	ssyncadd.s32 @!p0 $0xFFFFE700  }
0x55: {  	_ =	swait.ge @!p0 [sflag:s14], $0x1900  }
0x56: {  	[sflag:s14] =	ssyncset.done @!p0 $0x0  }
0x57: {  	[sflag:s14] =	ssyncadd.s32 @!p0 $0xFFFFE700  }
0x58: {  	_ =	swait.ge [sflag:s24], $0x1900  }
0x59: {  	[sflag:s24] =	ssyncset.done $0x0  }
0x5a: {  	[sflag:s24] =	ssyncadd.s32 $0xFFFFE700  }
0x5b: {  	s15 =	sadd.s32 s8, s10;
	_ =	swait.ge [sflag:s24], $0x1900  }
0x5c: {  	s14 =	sshll.u32 s15, $0x2;
	[sflag:s24] =	ssyncset.done $0x0  }
0x5d: {  	s16 =	sadd.s32 s7, s14;
	[sflag:s24] =	ssyncadd.s32 $0xFFFFE700  }
0x5e: {  	[hbm4b:s16+s1] =	stream.linear.scatter [tilespmem:s21], [sflag:$0x5], $0x1900, $0x38;
	[tilespmem:$0x6720] =	vst v63  }
0x5f: {  	s14 =	sadd.s32 s9, s14  }
0x60: {  	[hbm4b:s14+s1] =	stream.linear.scatter [tilespmem:s22], [sflag:$0x5], $0x1900, $0x38;
	[tilespmem:$0x6720] =	vst v63  }
0x61: {  	_ =	swait.ge [sflag:s25], $0xC8  }
0x62: {  	[sflag:s25] =	ssyncset.done $0x0  }
0x63: {  	[sflag:s25] =	ssyncadd.s32 $0xFFFFFF38  }
0x64: {  	p0 =	seq.s32 s11, $0xC1C0;
	_ =	swait.ge [sflag:s25], $0xC8  }
.Ltmp2:
0x65: {  	[sflag:s25] =	ssyncset.done $0x0;
	(pc) =	sbr.rel @p0 .LBB2_4-.Ltmp2, $4  }
0x66: {  	[sflag:s25] =	ssyncadd.s32 $0xFFFFFF38  }
0x67: {  	[tilespmem:s26], [sflag:$0x4] =	stream.indirect.gather [hbm4b:s3+s20], $0x20, s20, s20, $0xb8;
	[tilespmem:$0x6720] =	vst v63  }
0x68: {  	_ = 	snop  }
0x69: {  	[tilespmem:s28], [sflag:$0x4] =	stream.indirect.gather [hbm4b:s4+s20], $0x20, s23, s20, $0xb8;
	[tilespmem:$0x6720] =	vst v63  }
0x6a: {  	s10 =	sadd.s32 s10, s13  }
.Ltmp3:
0x6b: {  	s10 =	sshrl.u32 s10, $0x3;
	(pc) =	sbr.rel .LBB2_2-.Ltmp3, $4  }
0x6c: {  	s14 =	sadd.s32 s5, s10  }
0x6d: {  	[tilespmem:s1], [sflag:$0x1] =	stream.linear.gather [hbm4b:s14+s1], $0xC8, $0x38;
	[tilespmem:$0x6720] =	vst v63  }
0x6e: {  	s11 =	sadd.s32 $0x190, s11;
	s17 =	sadd.s32 $0x640, s17;
	s10 =	sadd.s32 s6, s10  }
0x6f: {  	[tilespmem:s18], [sflag:$0x1] =	stream.linear.gather [hbm4b:s10+s1], $0xC8, $0x38;
	[tilespmem:$0x6720] =	vst v63  }
.LBB2_5:
0x70: {  	_ =	sfence.sel $0x180000  }
0x71: {  	[bflag:$0x0] =	sbarrier.arrive $0xFFFF  }
0x72: {  	_ =	strace $0x90000053  }
0x73: {  	s0 =	stileid.u32;
	[bflag:$0x2] =	sbarrier.arrive $0xFFFF  }
0x74: {  	p0 =	sne.s32 s0, $0x0;
	s0 =	rddreg [dreg:$0x1]  }
0x75: {  	s0 =	sadd.s32 @!p0 $0x100000, s0  }
0x76: {  	[sflag:s0] =	ssyncadd.tile.s32 @!p0 $0x1;
	_ =	shalt  }
.Lfunc_end2:
_tile_overlayer_lowered:
.L_overlay_start_2:
0x77: {  	(tag) =	ssettag $0x2  }
0x78: {  	s0 =	rddreg [dreg:$0x0];
	s2 =	stileid.u32  }
0x79: {  	s1 =	rddreg [dreg:$0x1];
	p0 =	sne.s32 s2, $0x0  }
0x7a: {  	s3 =	rddreg [dreg:$0x2];
	[bflag:$0x3] =	sbarrier.arrive $0xFFFF;
	s2 =	simm.s32 @!p0 $0x1C07  }
0x7b: {  	[timem:s3], [sflag:s2] =	dma.local @!p0 [hbm:s0], s1  }
0x7c: {  	s0 =	simm.s32 @!p0 $0x7  }
0x7d: {  	_ =	swait.ge @!p0 [sflag:s0], s1  }
0x7e: {  	s1 =	ssub.s32 @!p0 $0x0, s1;
	[sflag:s0] =	ssyncset.done @!p0 $0x0  }
0x7f: {  	[sflag:s0] =	ssyncadd.s32 @!p0 s1  }
0x80: {  	[bflag:$0x3] =	sbarrier.arrive $0xFFFF  }
0x81: {  	_ =	shalt  }

// kernel: kernel.27.cloned.1.call-start
scs
__scs_entry_jumppad:
0x0: {  	(pc) =	sbr.rel $0x88, $3  }
0x1: {  	(tag) =	ssettag $0x0;
	lr =	simm.s32 $0x1  }
0x2: {  	[smem:$0x3F90] =	sst lr;
	_ =	strace $0xD0000000  }
0x3: {  	_ = 	snop  }
0x4: {  	_ = 	snop  }
0x5: {  	_ = 	snop  }
0x6: {  	_ = 	snop  }
0x7: {  	_ = 	snop  }
__scs_overlays_trampoline_lowered:
0x8: {  	[smem:$0x3F9F] =	sst s0  }
0x9: {  	[smem:$0x3FA0] =	sst s1  }
0xa: {  	[smem:$0x3FA1] =	sst s2  }
0xb: {  	[smem:$0x3FA2] =	sst s3  }
0xc: {  	[smem:$0x3FA3] =	sst s4  }
0xd: {  	[smem:$0x3FA4] =	sst s5  }
0xe: {  	[smem:$0x3FA5] =	sst s6  }
0xf: {  	[smem:$0x3FA6] =	sst s7  }
0x10: {  	[smem:$0x3FA7] =	sst s8  }
0x11: {  	[smem:$0x3FA8] =	sst s9;
	s0 =	simm.s32 @!p0 $0x0  }
0x12: {  	s1 =	sld [smem:$0x3F8E];
	s0 =	simm.s32 @p0 $0x1  }
0x13: {  	[smem:$0x3FA9] =	sst s0;
	s0 =	simm.s32 @!p1 $0x0  }
0x14: {  	s2 =	sld [smem:$0x3F8D];
	s0 =	simm.s32 @p1 $0x1  }
0x15: {  	[smem:$0x3FAA] =	sst s0;
	s0 =	simm.s32 @!p2 $0x0  }
0x16: {  	s3 =	sld [smem:$0x3FDB];
	s0 =	simm.s32 @p2 $0x1  }
0x17: {  	s4 =	simm.s32 $0x1BF5;
	[smem:$0x3FAC] =	sst s0  }
0x18: {  	s0 =	sld [smem:$0x3F8F];
	_ =	swait.ge [sflag:s4], $0x0  }
0x19: {  	s7 =	sld [smem:$0x3F90]  }
0x1a: {  	s8 =	sadd.s32 $0xFFFFE003, lr  }
0x1b: {  	s9 =	sadd.s32 $0xFFFFFEF7, lr;
	s5 =	simm.s32 $0xFFFFFFFF;
	p2 =	slt.u32 s8, $0xFFFFF086  }
0x1c: {  	p1 =	slt.u32 s9, $0xF7A;
	s5 =	simm.s32 @!p2 $0x0  }
0x1d: {  	s5 =	simm.s32 @p1 $0x1;
	p0 =	seq.s32 s7, s2  }
0x1e: {  	s7 =	smul.u32 @!p0 $0xF7A, s2;
	p2 =	seq.s32 @!p0 s5, $0x0  }
0x1f: {  	s9 =	smul.u32 $0xF7A, s1;
	s8 =	simm.s32 @!p0 $0x1BF5;
	p2 =	por !p2, p0  }
0x20: {  	[sflag:s8] =	ssyncset.s32 @!p0 $0xFFFFF086;
	s6 =	sadd.s32 @!p0 s3, s7;
	s7 =	simm.s32 @!p0 $0x108  }
0x21: {  	s3 =	sadd.s32 s3, s9;
	s6 =	sadd.s32 @!p0 $0x88, s6;
	s7 =	simm.s32 @p2 $0x1082  }
0x22: {  	[simem:s7], [sflag:s8] =	dma.local @!p0 [hbm:s6], $0xF7A  }
0x23: {  	s9 =	sor.u32 $0xD0000000, s2;
	s6 =	simm.s32 $0x108;
	_ =	swait.ge @!p0 [sflag:s8], $0x0  }
0x24: {  	s3 =	sadd.s32 $0x88, s3;
	s6 =	simm.s32 @!p1 $0x1082;
	[sflag:s4] =	ssyncset.s32 $0xFFFFF086  }
0x25: {  	[simem:s6], [sflag:s4] =	dma.local [hbm:s3], $0xF7A  }
0x26: {  	[smem:$0x3F90] =	sst s1;
	(tag) =	ssettag s2;
	_ =	strace s9  }
0x27: {  	s1 =	sld [smem:$0x3FA0]  }
0x28: {  	s2 =	sld [smem:$0x3FA1]  }
0x29: {  	s4 =	sld [smem:$0x3FA3]  }
0x2a: {  	p0 =	seq.s32 s5, $0x0;
	s5 =	sld [smem:$0x3FA4]  }
0x2b: {  	s6 =	sld [smem:$0x3FA5]  }
0x2c: {  	s7 =	sld [smem:$0x3FA6]  }
0x2d: {  	s3 =	simm.s32 $0x108;
	s8 =	sld [smem:$0x3FA7]  }
0x2e: {  	s3 =	simm.s32 @!p0 $0x1082;
	s9 =	sld [smem:$0x3FA8]  }
0x2f: {  	lr =	sadd.s32 s0, s3;
	s0 =	sld [smem:$0x3F9F]  }
0x30: {  	s3 =	sld [smem:$0x3FA2]  }
0x31: {  	[smem:$0x3FAB] =	sst s10  }
0x32: {  	s10 =	sld [smem:$0x3FA9];
	_ =	sdelay $0x3  }
0x33: {  	p0 =	seq.s32 s10, $0x1;
	s10 =	sld [smem:$0x3FAB];
	_ =	sdelay $0x3  }
0x34: {  	[smem:$0x3FAB] =	sst s10  }
0x35: {  	s10 =	sld [smem:$0x3FAA];
	_ =	sdelay $0x3  }
0x36: {  	p1 =	seq.s32 s10, $0x1;
	s10 =	sld [smem:$0x3FAB];
	_ =	sdelay $0x3  }
0x37: {  	[smem:$0x3FAB] =	sst s10  }
0x38: {  	s10 =	sld [smem:$0x3FAC]  }
0x39: {  	_ = 	snop;
	(pc) =	sbr.ind lr, $3  }
0x3a: {  	_ = 	snop  }
0x3b: {  	_ = 	snop  }
0x3c: {  	p2 =	seq.s32 s10, $0x1;
	s10 =	sld [smem:$0x3FAB]  }
0x3d: {  	_ =	shalt  }
0x3e: {  	_ =	shalt  }
0x3f: {  	_ =	shalt  }
0x40: {  	_ =	shalt  }
0x41: {  	_ =	shalt  }
0x42: {  	_ =	shalt  }
0x43: {  	_ =	shalt  }
0x44: {  	_ =	shalt  }
0x45: {  	_ =	shalt  }
0x46: {  	_ =	shalt  }
0x47: {  	_ =	shalt  }
0x48: {  	_ =	shalt  }
0x49: {  	_ =	shalt  }
0x4a: {  	_ =	shalt  }
0x4b: {  	_ =	shalt  }
0x4c: {  	_ =	shalt  }
0x4d: {  	_ =	shalt  }
0x4e: {  	_ =	shalt  }
0x4f: {  	_ =	shalt  }
0x50: {  	_ =	shalt  }
0x51: {  	_ =	shalt  }
0x52: {  	_ =	shalt  }
0x53: {  	_ =	shalt  }
0x54: {  	_ =	shalt  }
0x55: {  	_ =	shalt  }
0x56: {  	_ =	shalt  }
0x57: {  	_ =	shalt  }
0x58: {  	_ =	shalt  }
0x59: {  	_ =	shalt  }
0x5a: {  	_ =	shalt  }
0x5b: {  	_ =	shalt  }
0x5c: {  	_ =	shalt  }
0x5d: {  	_ =	shalt  }
0x5e: {  	_ =	shalt  }
0x5f: {  	_ =	shalt  }
0x60: {  	_ =	shalt  }
0x61: {  	_ =	shalt  }
0x62: {  	_ =	shalt  }
0x63: {  	_ =	shalt  }
0x64: {  	_ =	shalt  }
0x65: {  	_ =	shalt  }
0x66: {  	_ =	shalt  }
0x67: {  	_ =	shalt  }
0x68: {  	_ =	shalt  }
0x69: {  	_ =	shalt  }
0x6a: {  	_ =	shalt  }
0x6b: {  	_ =	shalt  }
0x6c: {  	_ =	shalt  }
0x6d: {  	_ =	shalt  }
0x6e: {  	_ =	shalt  }
0x6f: {  	_ =	shalt  }
0x70: {  	_ =	shalt  }
0x71: {  	_ =	shalt  }
0x72: {  	_ =	shalt  }
0x73: {  	_ =	shalt  }
0x74: {  	_ =	shalt  }
0x75: {  	_ =	shalt  }
0x76: {  	_ =	shalt  }
0x77: {  	_ =	shalt  }
0x78: {  	_ =	shalt  }
0x79: {  	_ =	shalt  }
0x7a: {  	_ =	shalt  }
0x7b: {  	_ =	shalt  }
0x7c: {  	_ =	shalt  }
0x7d: {  	_ =	shalt  }
0x7e: {  	_ =	shalt  }
0x7f: {  	_ =	shalt  }
0x80: {  	_ =	shalt  }
0x81: {  	_ =	shalt  }
0x82: {  	_ =	shalt  }
0x83: {  	_ =	shalt  }
0x84: {  	_ =	shalt  }
0x85: {  	_ =	shalt  }
0x86: {  	_ =	shalt  }
0x87: {  	_ =	shalt  }
.Lfunc_end0:
.L_simem_size_0:
called_computation.4_lowered:
.L_overlay_start_0:
0x88: {  	s2 =	sld [smem:$0x3FD9]  }
0x89: {  	s3 =	sld [smem:$0x3FFE];
	_ =	sdelay $0x1  }
0x8a: {  	s1 =	srdreg.scid  }
0x8b: {  	s0 =	sand.u32 $0x1, s1  }
0x8c: {  	s16 =	sshll.u32 s0, $0xA;
	s2 =	sadd.s32 s3, s2  }
0x8d: {  	s2 =	sadd.s32 s2, s16  }
0x8e: {  	[smem:$0x3FB7] =	sst s2  }
0x8f: {  	_ = 	snop  }
0x90: {  	(tm) =	ssettm $0x1  }
0x91: {  	s17 =	sld [smem:$0x3FFB];
	_ =	sdelay $0x3  }
0x92: {  	_ =	strace s17  }
0x93: {  	s2 =	sld [smem:$0x3FFC];
	_ =	sdelay $0x3  }
0x94: {  	_ =	strace s2  }
0x95: {  	s2 =	sld [smem:$0x3FFD];
	_ =	sdelay $0x3  }
0x96: {  	_ =	strace s2  }
0x97: {  	_ =	strace $0x8FFFFFFF  }
0x98: {  	s18 =	sld [smem:$0x3FDB];
	_ =	sdelay $0x1  }
0x99: {  	s19 =	simm.s32 $_scs_section_size  }
0x9a: {  	s4 =	simm.s32 $_size__tile_overlayer_lowered;
	s5 =	simm.s32 $_tile_overlayer_lowered  }
0x9b: {  	s22 =	simm.s32 $0x1BFF;
	s21 =	sshll.u32 s5, $0x1;
	s2 =	sadd.s32 s19, s18  }
0x9c: {  	s6 =	simm.s32 $0x0;
	s20 =	sshll.u32 s4, $0x1;
	s4 =	sadd.s32 s21, s2  }
0x9d: {  	[timem:s6], [sflag:s22] =	dma.local [hbm:s4], s20  }
0x9e: {  	_ =	swait.ge [sflag:s22], s20  }
0x9f: {  	s3 =	ssub.s32 $0x0, s20;
	[sflag:s22] =	ssyncset.done $0x0  }
0xa0: {  	[sflag:s22] =	ssyncadd.s32 s3;
	_ =	sdelay $0x1  }
0xa1: {  	s23 =	simm.s32 $0x1B8B  }
0xa2: {  	_ =	swait.ge [sflag:s23], $0x1  }
0xa3: {  	[sflag:s23] =	ssyncset.done $0x0  }
0xa4: {  	s25 =	simm.s32 $0x1B8E;
	s24 =	sld [smem:$0x3FFE];
	[sflag:s23] =	ssyncadd.s32 $0xFFFFFFFF  }
0xa5: {  	s26 =	simm.s32 $execute0_lowered;
	[smem:$0x3FD2] =	sst s25  }
0xa6: {  	s4 =	sshll.u32 s26, $0x1;
	_ =	strace $0x8000004F;
	[dreg:$0x1] =	wrdreg $0xFFFFFFFF  }
0xa7: {  	s28 =	simm.s32 $_size_execute0_lowered;
	s2 =	sadd.s32 s2, s4;
	[dreg:$0x0] =	wrdreg $0x0  }
0xa8: {  	s4 =	sshll.u32 s28, $0x1;
	[dreg:$0x2] =	wrdreg s2  }
0xa9: {  	[dreg:$0x3] =	wrdreg s4  }
0xaa: {  	[dreg:$0x4] =	wrdreg $0xC0  }
0xab: {  	_ =	task [dreg:s6], $0x5FFFF  }
0xac: {  	[dreg:$0x1] =	wrdreg $0xFFFFFFFF  }
0xad: {  	[dreg:$0x0] =	wrdreg $0x60  }
0xae: {  	[dreg:$0x2] =	wrdreg s24  }
0xaf: {  	[dreg:$0x3] =	wrdreg $0xA  }
0xb0: {  	_ =	task.clear_ibuf [dreg:s6], $0x4FFFF;
	_ =	strace $0x9000004F  }
0xb1: {  	s29 =	simm.s32 $0xA;
	_ =	strace $0x80000051  }
0xb2: {  	_ =	swait.ge [sflag:s29], $0x1  }
0xb3: {  	[sflag:s29] =	ssyncadd.s32 $0xFFFFFFFF  }
0xb4: {  	_ =	strace $0x90000051  }
0xb5: {  	_ =	sfence  }
0xb6: {  	s30 =	sld [smem:$0x0];
	_ =	sdelay $0x2  }
0xb7: {  	s31 =	sshll.u32 s1, $0xD;
	s1 =	sshrl.u32 s1, $0x2  }
0xb8: {  	s3 =	sand.u32 $0x4000, s31;
	s1 =	sadd.s32 s1, s30  }
0xb9: {  	s0 =	sor.u32 s3, s0;
	s1 =	sshll.u32 s1, $0x11  }
0xba: {  	s0 =	sor.u32 s1, s0  }
0xbb: {  	s0 =	sadd.s32 $0x8F2B, s0  }
0xbc: {  	[sflag:s0] =	ssyncadd.remote.s32 $0x1  }
0xbd: {  	_ =	sfence.sel $0xFFFF  }
0xbe: {  	[dreg:$0x0] =	wrdreg $0xFFFFFFFF;
	(pc) =	sbr.abs _section_cstart, $3  }
0xbf: {  	[dreg:$0x1] =	wrdreg $0xFFFFFFFF  }
0xc0: {  	_ =	task.clear_ibuf [dreg:s6], $0x2FFFF;
	_ =	strace $0x9FFFFFFF  }
0xc1: {  	(tm) =	ssettm $0x7FFFFFFF  }
tec
execute0_lowered:
.L_overlay_start_1:
0x0: {  	(tag) =	ssettag $0x1  }
0x1: {  	s0 =	rddreg [dreg:$0x0];
	s2 =	simm.s32 $0x0  }
0x2: {  	s1 =	srdreg.scid;
	s13 =	stileid.u32;
	s18 =	simm.s32 $0x190  }
0x3: {  	s19 =	simm.s32 $0x1;
	s20 =	simm.s32 $0xC8;
	s21 =	simm.s32 $0x320  }
0x4: {  	s22 =	simm.s32 $0x3520;
	s28 =	simm.s32 $0x4E20;
	s29 =	simm.s32 $0x4  }
0x5: {  	s30 =	simm.s32 $0x5;
	s31 =	simm.s32 $0x6;
	[smem:$0x7FF] =	sst s2  }
0x6: {  	s1 =	sand.u32 $0x1, s1;
	s5 =	sshll.u32 s13, $0x1;
	s4 =	sadd.s32 $0x6E3600, s0  }
0x7: {  	s3 =	sadd.s32 $0xC8E00, s0;
	s8 =	sadd.s32 $0xB8FC00, s0;
	s15 =	smul.u32 $0x186A0, s13  }
0x8: {  	s10 =	sor.u32 s1, s5;
	s23 =	ssub.s32 $0x2, s1;
	s1 =	smul.u32 $0xC350, s1  }
0x9: {  	s6 =	sadd.s32 $0x5600, s0;
	s9 =	sadd.s32 $0x11AA400, s0;
	s7 =	smul.u32 $0xC350, s10  }
0xa: {  	_ =	strace $0x80000050;
	s11 =	sshrl.u32 s23, $0x1;
	s10 =	smul.u32 $0x186A00, s10  }
0xb: {  	s5 =	sadd.s32 $0x67200, s0;
	s0 =	ssub.s32 s23, s11;
	s1 =	sadd.s32 s1, s15  }
0xc: {  	s23 =	simm.s32 $0x258;
	s12 =	sshrl.u32 s7, $0x3;
	s10 =	sshrl.u32 s10, $0x3  }
0xd: {  	s13 =	sadd.s32 $0x186B90, s7;
	s0 =	smax.u32 s0, $0x1;
	s26 =	sshll.u32 s1, $0x2  }
0xe: {  	s24 =	sadd.s32 $0x30D40, s12;
	s10 =	sadd.s32 $0x30A20, s10;
	[dreg:$0x6] =	wrdreg s0  }
.Ltmp0:
0xf: {  	s1 =	sadd.s32 $0x1FFFFCE0, s26;
	s12 =	sadd.s32 s5, s24;
	(pc) =	sbr.rel .LBB2_1-.Ltmp0, $4  }
0x10: {  	s26 =	simm.s32 $0x1C20;
	s11 =	sadd.s32 s6, s24;
	[dreg:$0x2] =	wrdreg s12  }
0x11: {  	s0 =	simm.s32 $0x0;
	s25 =	sadd.s32 s8, s10;
	[dreg:$0x3] =	wrdreg s11  }
0x12: {  	s10 =	sadd.s32 s9, s10;
	s24 =	simm.s32 $0x3;
	[dreg:$0x4] =	wrdreg s25  }
0x13: {  	s12 =	sadd.s32 $0x186AC8, s7;
	[dreg:$0x5] =	wrdreg s10;
	s25 =	simm.s32 $0x2  }
.LBB2_4:
0x14: {  	_ =	swait.ge [sflag:s29], $0x1900  }
0x15: {  	[sflag:s29] =	ssyncset.done $0x0  }
0x16: {  	[sflag:s29] =	ssyncadd.s32 $0xFFFFE700  }
0x17: {  	_ =	swait.ge [sflag:s29], $0x1900  }
0x18: {  	[sflag:s29] =	ssyncset.done $0x0  }
0x19: {  	s10 =	rddreg [dreg:$0x4];
	[sflag:s29] =	ssyncadd.s32 $0xFFFFE700  }
0x1a: {  	[hbm4b:s10+s2] =	stream.linear.scatter [tilespmem:s26], [sflag:$0x6], $0x1900, $0x38;
	[tilespmem:$0x6720] =	vst v63  }
0x1b: {  	s16 =	rddreg [dreg:$0x5]  }
0x1c: {  	[hbm4b:s16+s2] =	stream.linear.scatter [tilespmem:s28], [sflag:$0x6], $0x1900, $0x38;
	[tilespmem:$0x6720] =	vst v63  }
0x1d: {  	_ =	swait.ge [sflag:s30], $0x1900  }
0x1e: {  	[sflag:s30] =	ssyncset.done $0x0  }
0x1f: {  	[sflag:s30] =	ssyncadd.s32 $0xFFFFE700  }
0x20: {  	_ =	swait.ge [sflag:s30], $0x1900  }
0x21: {  	[sflag:s30] =	ssyncset.done $0x0  }
0x22: {  	[sflag:s30] =	ssyncadd.s32 $0xFFFFE700  }
0x23: {  	_ =	swait.ge [sflag:s31], $0x1900  }
0x24: {  	[sflag:s31] =	ssyncset.done $0x0  }
0x25: {  	[sflag:s31] =	ssyncadd.s32 $0xFFFFE700  }
0x26: {  	_ =	swait.ge [sflag:s31], $0x1900  }
0x27: {  	s0 =	sadd.s32 $0x1, s0;
	s17 =	rddreg [dreg:$0x6]  }
0x28: {  	p0 =	sne.s32 s0, s17  }
.Ltmp1:
0x29: {  	_ = 	snop;
	(pc) =	sbr.rel @!p0 .LBB2_5-.Ltmp1, $3  }
0x2a: {  	_ =	sdelay $0x1  }
0x2b: {  	[sflag:s31] =	ssyncset.done $0x0  }
0x2c: {  	[sflag:s31] =	ssyncadd.s32 $0xFFFFE700  }
.LBB2_1:
0x2d: {  	s10 =	rddreg [dreg:$0x2]  }
0x2e: {  	[tilespmem:s2], [sflag:$0x1] =	stream.linear.gather [hbm4b:s10+s2], $0xC8, $0x38;
	[tilespmem:$0x6720] =	vst v63  }
0x2f: {  	s17 =	rddreg [dreg:$0x3]  }
0x30: {  	[tilespmem:s18], [sflag:$0x1] =	stream.linear.gather [hbm4b:s17+s2], $0xC8, $0x38;
	[tilespmem:$0x6720] =	vst v63  }
0x31: {  	s11 =	simm.s32 $0x0;
	s17 =	smov.u32 s1  }
.LBB2_2:
0x32: {  	p0 =	seq.s32 s11, $0x0  }
0x33: {  	s10 =	simm.s32 @!p0 $0x5  }
0x34: {  	_ =	swait.ge @!p0 [sflag:s10], $0x1900  }
0x35: {  	[sflag:s10] =	ssyncset.done @!p0 $0x0  }
0x36: {  	[sflag:s10] =	ssyncadd.s32 @!p0 $0xFFFFE700  }
0x37: {  	_ =	swait.ge @!p0 [sflag:s10], $0x1900  }
0x38: {  	[sflag:s10] =	ssyncset.done @!p0 $0x0  }
0x39: {  	[sflag:s10] =	ssyncadd.s32 @!p0 $0xFFFFE700;
	s10 =	simm.s32 @!p0 $0x4  }
0x3a: {  	_ =	swait.ge @!p0 [sflag:s10], $0x1900  }
0x3b: {  	[sflag:s10] =	ssyncset.done @!p0 $0x0  }
0x3c: {  	[sflag:s10] =	ssyncadd.s32 @!p0 $0xFFFFE700  }
0x3d: {  	_ =	swait.ge @!p0 [sflag:s10], $0x1900  }
0x3e: {  	[sflag:s10] =	ssyncset.done @!p0 $0x0  }
0x3f: {  	[sflag:s10] =	ssyncadd.s32 @!p0 $0xFFFFE700;
	s10 =	sand.u32 @!p0 $0x1FFFFFE0, s17  }
0x40: {  	s15 =	simm.s32 @!p0 $0x0;
	s16 =	simm.s32 @!p0 $0x1C20;
	s14 =	sadd.s32 @!p0 s8, s10  }
0x41: {  	[hbm4b:s14+s15] =	stream.linear.scatter @!p0 [tilespmem:s16], [sflag:$0x6], $0x1900, $0x38;
	[tilespmem:$0x6720] =	vst v63  }
0x42: {  	s10 =	sadd.s32 @!p0 s9, s10;
	s14 =	simm.s32 @!p0 $0x4E20  }
0x43: {  	[hbm4b:s10+s15] =	stream.linear.scatter @!p0 [tilespmem:s14], [sflag:$0x6], $0x1900, $0x38;
	[tilespmem:$0x6720] =	vst v63  }
0x44: {  	_ =	swait.ge [sflag:s19], $0xC8  }
0x45: {  	[sflag:s19] =	ssyncset.done $0x0  }
0x46: {  	[sflag:s19] =	ssyncadd.s32 $0xFFFFFF38  }
0x47: {  	s10 =	smov.u32 s11;
	_ =	swait.ge [sflag:s19], $0xC8  }
0x48: {  	s10 =	simm.s32 @p0 $0x0;
	[sflag:s19] =	ssyncset.done $0x0  }
0x49: {  	s15 =	sadd.s32 s10, s12;
	[sflag:s19] =	ssyncadd.s32 $0xFFFFFF38  }
0x4a: {  	[tilespmem:s21], [sflag:$0x3] =	stream.indirect.gather [hbm4b:s3+s20], $0x20, s2, s20, $0xb8;
	[tilespmem:$0x6720] =	vst v63  }
0x4b: {  	s14 =	sshrl.u32 s15, $0x3  }
0x4c: {  	[tilespmem:s22], [sflag:$0x3] =	stream.indirect.gather [hbm4b:s4+s20], $0x20, s18, s20, $0xb8;
	[tilespmem:$0x6720] =	vst v63  }
0x4d: {  	s16 =	sadd.s32 s5, s14  }
0x4e: {  	[tilespmem:s20], [sflag:$0x2] =	stream.linear.gather [hbm4b:s16+s2], $0xC8, $0x38;
	[tilespmem:$0x6720] =	vst v63  }
0x4f: {  	s14 =	sadd.s32 s6, s14  }
0x50: {  	[tilespmem:s23], [sflag:$0x2] =	stream.linear.gather [hbm4b:s14+s2], $0xC8, $0x38;
	[tilespmem:$0x6720] =	vst v63  }
0x51: {  	s14 =	simm.s32 @!p0 $0x6  }
0x52: {  	_ =	swait.ge @!p0 [sflag:s14], $0x1900  }
0x53: {  	[sflag:s14] =	ssyncset.done @!p0 $0x0  }
0x54: {  	[sflag:s14] =	ssyncadd.s32 @!p0 $0xFFFFE700  }
0x55: {  	_ =	swait.ge @!p0 [sflag:s14], $0x1900  }
0x56: {  	[sflag:s14] =	ssyncset.done @!p0 $0x0  }
0x57: {  	[sflag:s14] =	ssyncadd.s32 @!p0 $0xFFFFE700  }
0x58: {  	_ =	swait.ge [sflag:s24], $0x1900  }
0x59: {  	[sflag:s24] =	ssyncset.done $0x0  }
0x5a: {  	[sflag:s24] =	ssyncadd.s32 $0xFFFFE700  }
0x5b: {  	s15 =	sadd.s32 s7, s10;
	_ =	swait.ge [sflag:s24], $0x1900  }
0x5c: {  	s14 =	sshll.u32 s15, $0x2;
	[sflag:s24] =	ssyncset.done $0x0  }
0x5d: {  	s16 =	sadd.s32 s8, s14;
	[sflag:s24] =	ssyncadd.s32 $0xFFFFE700  }
0x5e: {  	[hbm4b:s16+s2] =	stream.linear.scatter [tilespmem:s21], [sflag:$0x5], $0x1900, $0x38;
	[tilespmem:$0x6720] =	vst v63  }
0x5f: {  	s14 =	sadd.s32 s9, s14  }
0x60: {  	[hbm4b:s14+s2] =	stream.linear.scatter [tilespmem:s22], [sflag:$0x5], $0x1900, $0x38;
	[tilespmem:$0x6720] =	vst v63  }
0x61: {  	_ =	swait.ge [sflag:s25], $0xC8  }
0x62: {  	[sflag:s25] =	ssyncset.done $0x0  }
0x63: {  	[sflag:s25] =	ssyncadd.s32 $0xFFFFFF38  }
0x64: {  	p0 =	seq.s32 s11, $0xC1C0;
	_ =	swait.ge [sflag:s25], $0xC8  }
.Ltmp2:
0x65: {  	[sflag:s25] =	ssyncset.done $0x0;
	(pc) =	sbr.rel @p0 .LBB2_4-.Ltmp2, $4  }
0x66: {  	[sflag:s25] =	ssyncadd.s32 $0xFFFFFF38  }
0x67: {  	[tilespmem:s26], [sflag:$0x4] =	stream.indirect.gather [hbm4b:s3+s20], $0x20, s20, s20, $0xb8;
	[tilespmem:$0x6720] =	vst v63  }
0x68: {  	_ = 	snop  }
0x69: {  	[tilespmem:s28], [sflag:$0x4] =	stream.indirect.gather [hbm4b:s4+s20], $0x20, s23, s20, $0xb8;
	[tilespmem:$0x6720] =	vst v63  }
0x6a: {  	s10 =	sadd.s32 s10, s13  }
.Ltmp3:
0x6b: {  	s10 =	sshrl.u32 s10, $0x3;
	(pc) =	sbr.rel .LBB2_2-.Ltmp3, $4  }
0x6c: {  	s14 =	sadd.s32 s5, s10  }
0x6d: {  	[tilespmem:s2], [sflag:$0x1] =	stream.linear.gather [hbm4b:s14+s2], $0xC8, $0x38;
	[tilespmem:$0x6720] =	vst v63  }
0x6e: {  	s11 =	sadd.s32 $0x190, s11;
	s17 =	sadd.s32 $0x640, s17;
	s10 =	sadd.s32 s6, s10  }
0x6f: {  	[tilespmem:s18], [sflag:$0x1] =	stream.linear.gather [hbm4b:s10+s2], $0xC8, $0x38;
	[tilespmem:$0x6720] =	vst v63  }
.LBB2_5:
0x70: {  	_ =	sfence.sel $0x180000  }
0x71: {  	[bflag:$0x0] =	sbarrier.arrive $0xFFFF  }
0x72: {  	_ =	strace $0x90000050  }
0x73: {  	s0 =	stileid.u32;
	[bflag:$0x2] =	sbarrier.arrive $0xFFFF  }
0x74: {  	p0 =	sne.s32 s0, $0x0;
	s0 =	rddreg [dreg:$0x1]  }
0x75: {  	s0 =	sadd.s32 @!p0 $0x100000, s0  }
0x76: {  	[sflag:s0] =	ssyncadd.tile.s32 @!p0 $0x1;
	_ =	shalt  }
.Lfunc_end2:
_tile_overlayer_lowered:
.L_overlay_start_2:
0x77: {  	(tag) =	ssettag $0x2  }
0x78: {  	s0 =	rddreg [dreg:$0x0];
	s2 =	stileid.u32  }
0x79: {  	s1 =	rddreg [dreg:$0x1];
	p0 =	sne.s32 s2, $0x0  }
0x7a: {  	s3 =	rddreg [dreg:$0x2];
	[bflag:$0x3] =	sbarrier.arrive $0xFFFF;
	s2 =	simm.s32 @!p0 $0x1C07  }
0x7b: {  	[timem:s3], [sflag:s2] =	dma.local @!p0 [hbm:s0], s1  }
0x7c: {  	s0 =	simm.s32 @!p0 $0x7  }
0x7d: {  	_ =	swait.ge @!p0 [sflag:s0], s1  }
0x7e: {  	s1 =	ssub.s32 @!p0 $0x0, s1;
	[sflag:s0] =	ssyncset.done @!p0 $0x0  }
0x7f: {  	[sflag:s0] =	ssyncadd.s32 @!p0 s1  }
0x80: {  	[bflag:$0x3] =	sbarrier.arrive $0xFFFF  }
0x81: {  	_ =	shalt  }

// kernel: kernel.30.cloned.1.call-start
scs
__scs_entry_jumppad:
0x0: {  	(pc) =	sbr.rel $0x88, $3  }
0x1: {  	(tag) =	ssettag $0x0;
	lr =	simm.s32 $0x1  }
0x2: {  	[smem:$0x3F90] =	sst lr;
	_ =	strace $0xD0000000  }
0x3: {  	_ = 	snop  }
0x4: {  	_ = 	snop  }
0x5: {  	_ = 	snop  }
0x6: {  	_ = 	snop  }
0x7: {  	_ = 	snop  }
__scs_overlays_trampoline_lowered:
0x8: {  	[smem:$0x3F9F] =	sst s0  }
0x9: {  	[smem:$0x3FA0] =	sst s1  }
0xa: {  	[smem:$0x3FA1] =	sst s2  }
0xb: {  	[smem:$0x3FA2] =	sst s3  }
0xc: {  	[smem:$0x3FA3] =	sst s4  }
0xd: {  	[smem:$0x3FA4] =	sst s5  }
0xe: {  	[smem:$0x3FA5] =	sst s6  }
0xf: {  	[smem:$0x3FA6] =	sst s7  }
0x10: {  	[smem:$0x3FA7] =	sst s8  }
0x11: {  	[smem:$0x3FA8] =	sst s9;
	s0 =	simm.s32 @!p0 $0x0  }
0x12: {  	s1 =	sld [smem:$0x3F8E];
	s0 =	simm.s32 @p0 $0x1  }
0x13: {  	[smem:$0x3FA9] =	sst s0;
	s0 =	simm.s32 @!p1 $0x0  }
0x14: {  	s2 =	sld [smem:$0x3F8D];
	s0 =	simm.s32 @p1 $0x1  }
0x15: {  	[smem:$0x3FAA] =	sst s0;
	s0 =	simm.s32 @!p2 $0x0  }
0x16: {  	s3 =	sld [smem:$0x3FDB];
	s0 =	simm.s32 @p2 $0x1  }
0x17: {  	s4 =	simm.s32 $0x1BF5;
	[smem:$0x3FAC] =	sst s0  }
0x18: {  	s0 =	sld [smem:$0x3F8F];
	_ =	swait.ge [sflag:s4], $0x0  }
0x19: {  	s7 =	sld [smem:$0x3F90]  }
0x1a: {  	s8 =	sadd.s32 $0xFFFFE003, lr  }
0x1b: {  	s9 =	sadd.s32 $0xFFFFFEF7, lr;
	s5 =	simm.s32 $0xFFFFFFFF;
	p2 =	slt.u32 s8, $0xFFFFF086  }
0x1c: {  	p1 =	slt.u32 s9, $0xF7A;
	s5 =	simm.s32 @!p2 $0x0  }
0x1d: {  	s5 =	simm.s32 @p1 $0x1;
	p0 =	seq.s32 s7, s2  }
0x1e: {  	s7 =	smul.u32 @!p0 $0xF7A, s2;
	p2 =	seq.s32 @!p0 s5, $0x0  }
0x1f: {  	s9 =	smul.u32 $0xF7A, s1;
	s8 =	simm.s32 @!p0 $0x1BF5;
	p2 =	por !p2, p0  }
0x20: {  	[sflag:s8] =	ssyncset.s32 @!p0 $0xFFFFF086;
	s6 =	sadd.s32 @!p0 s3, s7;
	s7 =	simm.s32 @!p0 $0x108  }
0x21: {  	s3 =	sadd.s32 s3, s9;
	s6 =	sadd.s32 @!p0 $0x88, s6;
	s7 =	simm.s32 @p2 $0x1082  }
0x22: {  	[simem:s7], [sflag:s8] =	dma.local @!p0 [hbm:s6], $0xF7A  }
0x23: {  	s9 =	sor.u32 $0xD0000000, s2;
	s6 =	simm.s32 $0x108;
	_ =	swait.ge @!p0 [sflag:s8], $0x0  }
0x24: {  	s3 =	sadd.s32 $0x88, s3;
	s6 =	simm.s32 @!p1 $0x1082;
	[sflag:s4] =	ssyncset.s32 $0xFFFFF086  }
0x25: {  	[simem:s6], [sflag:s4] =	dma.local [hbm:s3], $0xF7A  }
0x26: {  	[smem:$0x3F90] =	sst s1;
	(tag) =	ssettag s2;
	_ =	strace s9  }
0x27: {  	s1 =	sld [smem:$0x3FA0]  }
0x28: {  	s2 =	sld [smem:$0x3FA1]  }
0x29: {  	s4 =	sld [smem:$0x3FA3]  }
0x2a: {  	p0 =	seq.s32 s5, $0x0;
	s5 =	sld [smem:$0x3FA4]  }
0x2b: {  	s6 =	sld [smem:$0x3FA5]  }
0x2c: {  	s7 =	sld [smem:$0x3FA6]  }
0x2d: {  	s3 =	simm.s32 $0x108;
	s8 =	sld [smem:$0x3FA7]  }
0x2e: {  	s3 =	simm.s32 @!p0 $0x1082;
	s9 =	sld [smem:$0x3FA8]  }
0x2f: {  	lr =	sadd.s32 s0, s3;
	s0 =	sld [smem:$0x3F9F]  }
0x30: {  	s3 =	sld [smem:$0x3FA2]  }
0x31: {  	[smem:$0x3FAB] =	sst s10  }
0x32: {  	s10 =	sld [smem:$0x3FA9];
	_ =	sdelay $0x3  }
0x33: {  	p0 =	seq.s32 s10, $0x1;
	s10 =	sld [smem:$0x3FAB];
	_ =	sdelay $0x3  }
0x34: {  	[smem:$0x3FAB] =	sst s10  }
0x35: {  	s10 =	sld [smem:$0x3FAA];
	_ =	sdelay $0x3  }
0x36: {  	p1 =	seq.s32 s10, $0x1;
	s10 =	sld [smem:$0x3FAB];
	_ =	sdelay $0x3  }
0x37: {  	[smem:$0x3FAB] =	sst s10  }
0x38: {  	s10 =	sld [smem:$0x3FAC]  }
0x39: {  	_ = 	snop;
	(pc) =	sbr.ind lr, $3  }
0x3a: {  	_ = 	snop  }
0x3b: {  	_ = 	snop  }
0x3c: {  	p2 =	seq.s32 s10, $0x1;
	s10 =	sld [smem:$0x3FAB]  }
0x3d: {  	_ =	shalt  }
0x3e: {  	_ =	shalt  }
0x3f: {  	_ =	shalt  }
0x40: {  	_ =	shalt  }
0x41: {  	_ =	shalt  }
0x42: {  	_ =	shalt  }
0x43: {  	_ =	shalt  }
0x44: {  	_ =	shalt  }
0x45: {  	_ =	shalt  }
0x46: {  	_ =	shalt  }
0x47: {  	_ =	shalt  }
0x48: {  	_ =	shalt  }
0x49: {  	_ =	shalt  }
0x4a: {  	_ =	shalt  }
0x4b: {  	_ =	shalt  }
0x4c: {  	_ =	shalt  }
0x4d: {  	_ =	shalt  }
0x4e: {  	_ =	shalt  }
0x4f: {  	_ =	shalt  }
0x50: {  	_ =	shalt  }
0x51: {  	_ =	shalt  }
0x52: {  	_ =	shalt  }
0x53: {  	_ =	shalt  }
0x54: {  	_ =	shalt  }
0x55: {  	_ =	shalt  }
0x56: {  	_ =	shalt  }
0x57: {  	_ =	shalt  }
0x58: {  	_ =	shalt  }
0x59: {  	_ =	shalt  }
0x5a: {  	_ =	shalt  }
0x5b: {  	_ =	shalt  }
0x5c: {  	_ =	shalt  }
0x5d: {  	_ =	shalt  }
0x5e: {  	_ =	shalt  }
0x5f: {  	_ =	shalt  }
0x60: {  	_ =	shalt  }
0x61: {  	_ =	shalt  }
0x62: {  	_ =	shalt  }
0x63: {  	_ =	shalt  }
0x64: {  	_ =	shalt  }
0x65: {  	_ =	shalt  }
0x66: {  	_ =	shalt  }
0x67: {  	_ =	shalt  }
0x68: {  	_ =	shalt  }
0x69: {  	_ =	shalt  }
0x6a: {  	_ =	shalt  }
0x6b: {  	_ =	shalt  }
0x6c: {  	_ =	shalt  }
0x6d: {  	_ =	shalt  }
0x6e: {  	_ =	shalt  }
0x6f: {  	_ =	shalt  }
0x70: {  	_ =	shalt  }
0x71: {  	_ =	shalt  }
0x72: {  	_ =	shalt  }
0x73: {  	_ =	shalt  }
0x74: {  	_ =	shalt  }
0x75: {  	_ =	shalt  }
0x76: {  	_ =	shalt  }
0x77: {  	_ =	shalt  }
0x78: {  	_ =	shalt  }
0x79: {  	_ =	shalt  }
0x7a: {  	_ =	shalt  }
0x7b: {  	_ =	shalt  }
0x7c: {  	_ =	shalt  }
0x7d: {  	_ =	shalt  }
0x7e: {  	_ =	shalt  }
0x7f: {  	_ =	shalt  }
0x80: {  	_ =	shalt  }
0x81: {  	_ =	shalt  }
0x82: {  	_ =	shalt  }
0x83: {  	_ =	shalt  }
0x84: {  	_ =	shalt  }
0x85: {  	_ =	shalt  }
0x86: {  	_ =	shalt  }
0x87: {  	_ =	shalt  }
.Lfunc_end0:
.L_simem_size_0:
called_computation.5_lowered:
.L_overlay_start_0:
0x88: {  	s2 =	sld [smem:$0x3FD9]  }
0x89: {  	s3 =	sld [smem:$0x3FFE];
	_ =	sdelay $0x1  }
0x8a: {  	s1 =	srdreg.scid  }
0x8b: {  	s0 =	sand.u32 $0x1, s1  }
0x8c: {  	s14 =	sshll.u32 s0, $0xA;
	s2 =	sadd.s32 s3, s2  }
0x8d: {  	s2 =	sadd.s32 s2, s14  }
0x8e: {  	[smem:$0x3FB7] =	sst s2  }
0x8f: {  	_ = 	snop  }
0x90: {  	s2 =	sld [smem:$0x3FD0];
	_ =	sdelay $0x2  }
0x91: {  	s15 =	simm.s32 $0xB;
	s4 =	simm.s32 $0x10  }
0x92: {  	[smem:s4], [sflag:s15] =	dma.local [hbm:s2], $0x1  }
0x93: {  	_ =	swait.eq [sflag:s15], $0x1  }
0x94: {  	[sflag:s15] =	ssyncset.done $0x0  }
0x95: {  	[sflag:s15] =	ssyncadd.s32 $0xFFFFFFFF  }
0x96: {  	s16 =	sld [smem:$0x10];
	(tm) =	ssettm $0x1  }
0x97: {  	s17 =	sld [smem:$0x3FFB];
	_ =	sdelay $0x3  }
0x98: {  	_ =	strace s17  }
0x99: {  	s3 =	sld [smem:$0x3FFC];
	_ =	sdelay $0x3  }
0x9a: {  	_ =	strace s3  }
0x9b: {  	s3 =	sld [smem:$0x3FFD];
	_ =	sdelay $0x3  }
0x9c: {  	_ =	strace s3  }
0x9d: {  	_ =	strace $0x8FFFFFFF  }
0x9e: {  	s18 =	sld [smem:$0x3FDB];
	_ =	sdelay $0x1  }
0x9f: {  	s19 =	simm.s32 $_scs_section_size  }
0xa0: {  	s5 =	simm.s32 $_size__tile_overlayer_lowered;
	s6 =	simm.s32 $_tile_overlayer_lowered  }
0xa1: {  	s22 =	simm.s32 $0x1BFF;
	s21 =	sshll.u32 s6, $0x1;
	s3 =	sadd.s32 s19, s18  }
0xa2: {  	s7 =	simm.s32 $0x0;
	s20 =	sshll.u32 s5, $0x1;
	s5 =	sadd.s32 s21, s3  }
0xa3: {  	[timem:s7], [sflag:s22] =	dma.local [hbm:s5], s20  }
0xa4: {  	_ =	swait.ge [sflag:s22], s20  }
0xa5: {  	s4 =	ssub.s32 $0x0, s20;
	[sflag:s22] =	ssyncset.done $0x0  }
0xa6: {  	[sflag:s22] =	ssyncadd.s32 s4;
	_ =	sdelay $0x1  }
0xa7: {  	s23 =	simm.s32 $0x1B8B  }
0xa8: {  	_ =	swait.ge [sflag:s23], $0x1  }
0xa9: {  	[sflag:s23] =	ssyncset.done $0x0  }
0xaa: {  	s25 =	simm.s32 $0x1B8E;
	s24 =	sld [smem:$0x3FFE];
	[sflag:s23] =	ssyncadd.s32 $0xFFFFFFFF  }
0xab: {  	s26 =	simm.s32 $execute0_lowered;
	[smem:$0x3FD2] =	sst s25  }
0xac: {  	s5 =	sshll.u32 s26, $0x1;
	_ =	strace $0x80000055;
	[dreg:$0x1] =	wrdreg $0xFFFFFFFF  }
0xad: {  	s28 =	simm.s32 $_size_execute0_lowered;
	s3 =	sadd.s32 s3, s5;
	[dreg:$0x0] =	wrdreg $0x0  }
0xae: {  	s5 =	sshll.u32 s28, $0x1;
	[dreg:$0x2] =	wrdreg s3  }
0xaf: {  	[dreg:$0x3] =	wrdreg s5  }
0xb0: {  	[dreg:$0x4] =	wrdreg $0xC0  }
0xb1: {  	_ =	task [dreg:s7], $0x5FFFF  }
0xb2: {  	[dreg:$0x1] =	wrdreg $0xFFFFFFFF  }
0xb3: {  	[dreg:$0x0] =	wrdreg $0x60  }
0xb4: {  	[dreg:$0x2] =	wrdreg s24  }
0xb5: {  	[dreg:$0x3] =	wrdreg s16  }
0xb6: {  	[dreg:$0x4] =	wrdreg $0x8CA00  }
0xb7: {  	[dreg:$0x5] =	wrdreg $0x9  }
0xb8: {  	_ =	task.clear_ibuf [dreg:s7], $0x6FFFF;
	_ =	strace $0x90000055  }
0xb9: {  	s29 =	simm.s32 $0x9;
	_ =	strace $0x80000057  }
0xba: {  	_ =	swait.ge [sflag:s29], $0x1  }
0xbb: {  	[sflag:s29] =	ssyncadd.s32 $0xFFFFFFFF  }
0xbc: {  	_ =	strace $0x90000057  }
0xbd: {  	_ =	sfence  }
0xbe: {  	s30 =	sld [smem:$0x0];
	_ =	sdelay $0x2  }
0xbf: {  	s31 =	sshll.u32 s1, $0xD;
	s1 =	sshrl.u32 s1, $0x2  }
0xc0: {  	s3 =	sand.u32 $0x4000, s31;
	s1 =	sadd.s32 s1, s30  }
0xc1: {  	s0 =	sor.u32 s3, s0;
	s1 =	sshll.u32 s1, $0x11  }
0xc2: {  	s0 =	sor.u32 s1, s0  }
0xc3: {  	s0 =	sadd.s32 $0x8F2B, s0  }
0xc4: {  	[sflag:s0] =	ssyncadd.remote.s32 $0x1  }
0xc5: {  	_ =	sfence.sel $0xFFFF  }
0xc6: {  	[dreg:$0x0] =	wrdreg $0xFFFFFFFF;
	(pc) =	sbr.abs _section_cstart, $3  }
0xc7: {  	[dreg:$0x1] =	wrdreg $0xFFFFFFFF  }
0xc8: {  	_ =	task.clear_ibuf [dreg:s7], $0x2FFFF;
	_ =	strace $0x9FFFFFFF  }
0xc9: {  	(tm) =	ssettm $0x7FFFFFFF  }
tec
execute0_lowered:
.L_overlay_start_1:
0x0: {  	(tag) =	ssettag $0x1  }
0x1: {  	s0 =	rddreg [dreg:$0x0]  }
0x2: {  	s1 =	srdreg.scid;
	s3 =	rddreg [dreg:$0x2]  }
0x3: {  	s19 =	stileid.u32;
	s4 =	simm.s32 $0x0;
	s20 =	simm.s32 $0x8  }
0x4: {  	s21 =	simm.s32 $0x20;
	s22 =	simm.s32 $0xFA0;
	s28 =	simm.s32 $0x2  }
0x5: {  	s30 =	simm.s32 $0x4;
	s31 =	simm.s32 $0x0;
	s1 =	sand.u32 $0x1, s1  }
0x6: {  	s12 =	smul.u32 $0x61A8, s19;
	[smem:$0x7FF] =	sst s4;
	s5 =	sadd.s32 $0xB8FC00, s0  }
0x7: {  	s6 =	sadd.s32 $0x23F9C00, s0;
	s8 =	smul.u32 $0x186C0, s19;
	s7 =	sadd.s32 $0x67200, s0  }
0x8: {  	s24 =	sshll.u32 s19, $0x6;
	s14 =	smul.u32 $0xC3500, s19;
	s29 =	sor.u32 $0xC350, s19  }
0x9: {  	p0 =	sgt.u32 s19, $0x7;
	s2 =	smul.u32 $0x61A80, s1;
	_ =	strace $0x80000056  }
0xa: {  	s23 =	ssub.s32 $0x2, s1;
	s1 =	smul.u32 $0xC350, s1;
	v1 =	vmov s29;
	s29 =	simm.s32 $0x3  }
0xb: {  	s9 =	sshrl.u32 s23, $0x1;
	s10 =	sshrl.u32 s8, $0x2;
	s8 =	smul.u32 $0x30D40, s19  }
0xc: {  	s25 =	sadd.s32 s5, s14;
	s26 =	sadd.s32 s12, s3;
	s19 =	simm.s32 $0x5  }
0xd: {  	s2 =	sadd.s32 s12, s2;
	s18 =	sadd.s32 s10, s3;
	[dreg:$0x5] =	wrdreg s25  }
0xe: {  	s25 =	simm.s32 $0x7D0;
	s2 =	sshrl.u32 s2, $0x3;
	s10 =	sadd.s32 $0xFFE79600, s8  }
0xf: {  	s11 =	sshrl.u32 s8, $0x3;
	s14 =	sadd.s32 $0x7D0, s8;
	s15 =	sadd.s32 $0xFA0, s8  }
.Ltmp0:
0x10: {  	s18 =	sshrl.u32 s18, $0x3;
	s0 =	sadd.s32 s2, s0;
	(pc) =	sbr.rel .LBB2_1-.Ltmp0, $4  }
0x11: {  	s2 =	ssub.s32 s23, s9;
	s9 =	sor.u32 $0x1C05, s24;
	s13 =	sshll.u32 s10, $0x2  }
0x12: {  	s11 =	sadd.s32 s7, s11;
	s23 =	sshrl.u32 s26, $0x3;
	s13 =	sand.u32 $0x1FFFFF00, s13  }
0x13: {  	s24 =	simm.s32 $0x1;
	s26 =	simm.s32 $0x4E20;
	s13 =	sadd.s32 s6, s13  }
0x14: {  	v0 =	vmov s1;
	s16 =	sadd.s32 $0x5600, s0;
	s17 =	smax.u32 s2, $0x1;
	[dreg:$0x4] =	wrdreg s13  }
.LBB2_16:
0x15: {  	_ =	swait.ge [sflag:s30], $0x3E80  }
0x16: {  	s31 =	sadd.s32 $0x1, s31;
	[sflag:s30] =	ssyncset.done $0x0  }
0x17: {  	p1 =	sne.s32 s31, s17;
	[sflag:s30] =	ssyncadd.s32 $0xFFFFC180  }
.Ltmp1:
0x18: {  	[bflag:$0x0] =	sbarrier.arrive $0xFFFF;
	(pc) =	sbr.rel @!p1 .LBB2_17-.Ltmp1, $4  }
0x19: {  	[hbm:s16], [sflag:s9] =	dma.local [spmem:s23], $0xC35  }
0x1a: {  	_ =	swait.ge [sflag:s19], $0xC35  }
0x1b: {  	[sflag:s19] =	ssyncset.done $0x0  }
0x1c: {  	[sflag:s19] =	ssyncadd.s32 $0xFFFFF3CB  }
.LBB2_1:
0x1d: {  	s0 =	rddreg [dreg:$0x1]  }
0x1e: {  	[spmem:s18], [sflag:s9] =	dma.local [hbm:s0], $0xC36  }
.Ltmp2:
0x1f: {  	_ =	swait.ge [sflag:s19], $0xC36;
	(pc) =	sbr.rel @p0 .LBB2_9-.Ltmp2, $4  }
0x20: {  	[sflag:s19] =	ssyncset.done $0x0  }
0x21: {  	[sflag:s19] =	ssyncadd.s32 $0xFFFFF3CA  }
0x22: {  	[bflag:$0x0] =	sbarrier.arrive $0xFFFF  }
0x23: {  	[tilespmem:s4], [sflag:$0x1] =	stream.linear.gather [hbm4b:s11+s4], $0x7D0, $0x38;
	[tilespmem:$0xEE50] =	vst v63  }
0x24: {  	s0 =	rddreg [dreg:$0x5]  }
0x25: {  	[tilespmem:s22], [sflag:$0x1] =	stream.strided.gather [hbm4b:s0+s20], $0x3E80, s21, s20, $0x38;
	[tilespmem:$0xEE50] =	vst v63  }
0x26: {  	s0 =	simm.s32 $0x0  }
.LBB2_3:
0x27: {  	_ =	swait.ge [sflag:s24], $0x7D0  }
0x28: {  	[sflag:s24] =	ssyncset.done $0x0  }
0x29: {  	[sflag:s24] =	ssyncadd.s32 $0xFFFFF830  }
0x2a: {  	_ =	swait.ge [sflag:s24], $0x3E80  }
0x2b: {  	[sflag:s24] =	ssyncset.done $0x0  }
0x2c: {  	s1 =	simm.s32 $0x0;
	s2 =	simm.s32 $0x40;
	[sflag:s24] =	ssyncadd.s32 $0xFFFFC180  }
.LBB2_4:
0x2d: {  	p1 =	sne.s32 s2, $0x1F00;
	v2 =	vld [tilespmem:s1+$0x0];
	_ =	sdelay $0x3  }
.Ltmp3:
0x2e: {  	(pc) =	sbr.rel @p1 .LBB2_4-.Ltmp3, $4  }
0x2f: {  	v2 =	vsub.s32 v2, v0  }
0x30: {  	vm0 =	vgt.u32 v2, $0xC34F  }
0x31: {  	v2 =	vsel vm0, v1, v2  }
0x32: {  	[tilespmem:s1+$0x0] =	vst v2;
	s1 =	sshra.s32 s2, $0x2;
	s2 =	sadd.s32 $0x40, s2  }
0x33: {  	v2 =	vld [tilespmem:s1+$0x0];
	_ =	sdelay $0x4  }
0x34: {  	v2 =	vsub.s32 v2, v0  }
0x35: {  	vm0 =	vgt.u32 v2, $0xC34F  }
0x36: {  	p1 =	seq.s32 s0, $0x0;
	v2 =	vsel vm0, v1, v2  }
0x37: {  	s2 =	simm.s32 @!p1 $0x4;
	[tilespmem:s1+$0x0] =	vst v2;
	s1 =	smul.u32 $0xFA0, s0  }
0x38: {  	[spmem:s3] =	stream.indirect.scatter.add.f32 [tilespmem:s22], [sflag:$0x3], $0x8, s4, s25, $0xb8;
	[tilespmem:$0xEE50] =	vst v63  }
0x39: {  	_ =	swait.ge @!p1 [sflag:s2], $0x3E80;
	s12 =	sadd.s32 s1, s14  }
0x3a: {  	[sflag:s2] =	ssyncset.done @!p1 $0x0;
	s13 =	sshrl.u32 s12, $0x3  }
0x3b: {  	[sflag:s2] =	ssyncadd.s32 @!p1 $0xFFFFC180;
	s2 =	sadd.s32 s7, s13;
	s13 =	simm.s32 $0x0  }
0x3c: {  	[tilespmem:s25], [sflag:$0x2] =	stream.linear.gather [hbm4b:s2+s13], $0x7D0, $0x38;
	[tilespmem:$0xEE50] =	vst v63  }
0x3d: {  	s13 =	sshll.u32 s12, $0x2  }
0x3e: {  	s2 =	sadd.s32 s5, s13  }
0x3f: {  	[tilespmem:s26], [sflag:$0x2] =	stream.strided.gather [hbm4b:s2+s20], $0x3E80, s21, s20, $0x38;
	[tilespmem:$0xEE50] =	vst v63  }
0x40: {  	_ =	swait.ge [sflag:s28], $0x7D0  }
0x41: {  	[sflag:s28] =	ssyncset.done $0x0  }
0x42: {  	[sflag:s28] =	ssyncadd.s32 $0xFFFFF830  }
0x43: {  	_ =	swait.ge [sflag:s28], $0x3E80  }
0x44: {  	[sflag:s28] =	ssyncset.done $0x0  }
0x45: {  	s12 =	simm.s32 $0x40;
	s2 =	simm.s32 $0x0;
	[sflag:s28] =	ssyncadd.s32 $0xFFFFC180  }
.LBB2_6:
0x46: {  	p1 =	sne.s32 s12, $0x1F00;
	v2 =	vld [tilespmem:s2+$0x7D0];
	_ =	sdelay $0x3  }
.Ltmp4:
0x47: {  	(pc) =	sbr.rel @p1 .LBB2_6-.Ltmp4, $4  }
0x48: {  	v2 =	vsub.s32 v2, v0  }
0x49: {  	vm0 =	vgt.u32 v2, $0xC34F  }
0x4a: {  	v2 =	vsel vm0, v1, v2  }
0x4b: {  	[tilespmem:s2+$0x7D0] =	vst v2;
	s2 =	sshra.s32 s12, $0x2;
	s12 =	sadd.s32 $0x40, s12  }
0x4c: {  	v2 =	vld [tilespmem:s2+$0x7D0];
	_ =	sdelay $0x4  }
0x4d: {  	v2 =	vsub.s32 v2, v0  }
0x4e: {  	vm0 =	vgt.u32 v2, $0xC34F  }
0x4f: {  	p1 =	seq.s32 s0, $0x31;
	v2 =	vsel vm0, v1, v2  }
.Ltmp5:
0x50: {  	[tilespmem:s2+$0x7D0] =	vst v2;
	(pc) =	sbr.rel @p1 .LBB2_16-.Ltmp5, $4  }
0x51: {  	[spmem:s3] =	stream.indirect.scatter.add.f32 [tilespmem:s26], [sflag:$0x4], $0x8, s25, s25, $0xb8;
	[tilespmem:$0xEE50] =	vst v63  }
0x52: {  	_ =	swait.ge [sflag:s29], $0x3E80  }
0x53: {  	[sflag:s29] =	ssyncset.done $0x0  }
0x54: {  	[sflag:s29] =	ssyncadd.s32 $0xFFFFC180  }
0x55: {  	s1 =	sadd.s32 s1, s15  }
.Ltmp6:
0x56: {  	s2 =	sshrl.u32 s1, $0x3;
	(pc) =	sbr.rel .LBB2_3-.Ltmp6, $4  }
0x57: {  	s1 =	sshll.u32 s1, $0x2;
	s2 =	sadd.s32 s7, s2  }
0x58: {  	[tilespmem:s4], [sflag:$0x1] =	stream.linear.gather [hbm4b:s2+s4], $0x7D0, $0x38;
	[tilespmem:$0xEE50] =	vst v63  }
0x59: {  	s0 =	sadd.s32 $0x1, s0;
	s1 =	sadd.s32 s5, s1  }
0x5a: {  	[tilespmem:s22], [sflag:$0x1] =	stream.strided.gather [hbm4b:s1+s20], $0x3E80, s21, s20, $0x38;
	[tilespmem:$0xEE50] =	vst v63  }
.LBB2_9:
0x5b: {  	s0 =	rddreg [dreg:$0x4]  }
0x5c: {  	[tilespmem:s22], [sflag:$0x1] =	stream.strided.gather [hbm4b:s0+s20], $0x3E80, s21, s20, $0x38;
	[tilespmem:$0xEE50] =	vst v63  }
0x5d: {  	s0 =	simm.s32 $0x0  }
.LBB2_10:
0x5e: {  	_ =	swait.ge [sflag:s24], $0x7D0  }
0x5f: {  	[sflag:s24] =	ssyncset.done $0x0  }
0x60: {  	[sflag:s24] =	ssyncadd.s32 $0xFFFFF830  }
0x61: {  	_ =	swait.ge [sflag:s24], $0x3E80  }
0x62: {  	[sflag:s24] =	ssyncset.done $0x0  }
0x63: {  	s1 =	simm.s32 $0x0;
	s2 =	simm.s32 $0x40;
	[sflag:s24] =	ssyncadd.s32 $0xFFFFC180  }
.LBB2_11:
0x64: {  	p1 =	sne.s32 s2, $0x1F00;
	v2 =	vld [tilespmem:s1+$0x0];
	_ =	sdelay $0x3  }
.Ltmp7:
0x65: {  	(pc) =	sbr.rel @p1 .LBB2_11-.Ltmp7, $4  }
0x66: {  	v2 =	vsub.s32 v2, v0  }
0x67: {  	vm0 =	vgt.u32 v2, $0xC34F  }
0x68: {  	v2 =	vsel vm0, v1, v2  }
0x69: {  	[tilespmem:s1+$0x0] =	vst v2;
	s1 =	sshra.s32 s2, $0x2;
	s2 =	sadd.s32 $0x40, s2  }
0x6a: {  	v2 =	vld [tilespmem:s1+$0x0];
	_ =	sdelay $0x4  }
0x6b: {  	v2 =	vsub.s32 v2, v0  }
0x6c: {  	vm0 =	vgt.u32 v2, $0xC34F  }
0x6d: {  	v2 =	vsel vm0, v1, v2  }
0x6e: {  	p1 =	seq.s32 s0, $0x0;
	[tilespmem:s1+$0x0] =	vst v2;
	s1 =	smul.u32 $0xFA0, s0  }
0x6f: {  	[spmem:s3] =	stream.indirect.scatter.add.f32 [tilespmem:s22], [sflag:$0x3], $0x8, s4, s25, $0xb8;
	[tilespmem:$0xEE50] =	vst v63  }
0x70: {  	s2 =	simm.s32 @!p1 $0x4;
	s12 =	sadd.s32 $0x7D0, s1  }
0x71: {  	_ =	swait.ge @!p1 [sflag:s2], $0x3E80;
	s13 =	sadd.s32 s8, s12  }
0x72: {  	[sflag:s2] =	ssyncset.done @!p1 $0x0;
	s13 =	sshrl.u32 s13, $0x3  }
0x73: {  	[sflag:s2] =	ssyncadd.s32 @!p1 $0xFFFFC180;
	s2 =	sadd.s32 s7, s13;
	s13 =	simm.s32 $0x0  }
0x74: {  	[tilespmem:s25], [sflag:$0x2] =	stream.linear.gather [hbm4b:s2+s13], $0x7D0, $0x38;
	[tilespmem:$0xEE50] =	vst v63  }
0x75: {  	s13 =	sadd.s32 s10, s12  }
0x76: {  	s2 =	sshll.u32 s13, $0x2  }
0x77: {  	s2 =	sand.u32 $0x1FFFFFC0, s2  }
0x78: {  	s2 =	sadd.s32 s6, s2  }
0x79: {  	[tilespmem:s26], [sflag:$0x2] =	stream.strided.gather [hbm4b:s2+s20], $0x3E80, s21, s20, $0x38;
	[tilespmem:$0xEE50] =	vst v63  }
0x7a: {  	_ =	swait.ge [sflag:s28], $0x7D0  }
0x7b: {  	[sflag:s28] =	ssyncset.done $0x0  }
0x7c: {  	[sflag:s28] =	ssyncadd.s32 $0xFFFFF830  }
0x7d: {  	_ =	swait.ge [sflag:s28], $0x3E80  }
0x7e: {  	[sflag:s28] =	ssyncset.done $0x0  }
0x7f: {  	s12 =	simm.s32 $0x40;
	s2 =	simm.s32 $0x0;
	[sflag:s28] =	ssyncadd.s32 $0xFFFFC180  }
.LBB2_13:
0x80: {  	p1 =	sne.s32 s12, $0x1F00;
	v2 =	vld [tilespmem:s2+$0x7D0];
	_ =	sdelay $0x3  }
.Ltmp8:
0x81: {  	(pc) =	sbr.rel @p1 .LBB2_13-.Ltmp8, $4  }
0x82: {  	v2 =	vsub.s32 v2, v0  }
0x83: {  	vm0 =	vgt.u32 v2, $0xC34F  }
0x84: {  	v2 =	vsel vm0, v1, v2  }
0x85: {  	[tilespmem:s2+$0x7D0] =	vst v2;
	s2 =	sshra.s32 s12, $0x2;
	s12 =	sadd.s32 $0x40, s12  }
0x86: {  	v2 =	vld [tilespmem:s2+$0x7D0];
	_ =	sdelay $0x4  }
0x87: {  	v2 =	vsub.s32 v2, v0  }
0x88: {  	vm0 =	vgt.u32 v2, $0xC34F  }
0x89: {  	p1 =	seq.s32 s0, $0x31;
	v2 =	vsel vm0, v1, v2  }
.Ltmp9:
0x8a: {  	[tilespmem:s2+$0x7D0] =	vst v2;
	(pc) =	sbr.rel @p1 .LBB2_16-.Ltmp9, $4  }
0x8b: {  	[spmem:s3] =	stream.indirect.scatter.add.f32 [tilespmem:s26], [sflag:$0x4], $0x8, s25, s25, $0xb8;
	[tilespmem:$0xEE50] =	vst v63  }
0x8c: {  	_ =	swait.ge [sflag:s29], $0x3E80  }
0x8d: {  	[sflag:s29] =	ssyncset.done $0x0  }
0x8e: {  	[sflag:s29] =	ssyncadd.s32 $0xFFFFC180  }
0x8f: {  	s1 =	sadd.s32 $0xFA0, s1  }
0x90: {  	s2 =	sadd.s32 s8, s1;
	s1 =	sadd.s32 s10, s1  }
.Ltmp10:
0x91: {  	s2 =	sshrl.u32 s2, $0x3;
	s1 =	sshll.u32 s1, $0x2;
	(pc) =	sbr.rel .LBB2_10-.Ltmp10, $4  }
0x92: {  	s2 =	sadd.s32 s7, s2;
	s1 =	sand.u32 $0x1FFFFF80, s1  }
0x93: {  	[tilespmem:s4], [sflag:$0x1] =	stream.linear.gather [hbm4b:s2+s4], $0x7D0, $0x38;
	[tilespmem:$0xEE50] =	vst v63  }
0x94: {  	s0 =	sadd.s32 $0x1, s0;
	s1 =	sadd.s32 s6, s1  }
0x95: {  	[tilespmem:s22], [sflag:$0x1] =	stream.strided.gather [hbm4b:s1+s20], $0x3E80, s21, s20, $0x38;
	[tilespmem:$0xEE50] =	vst v63  }
.LBB2_17:
0x96: {  	_ =	sfence.sel $0x180000  }
0x97: {  	[bflag:$0x0] =	sbarrier.arrive $0xFFFF  }
0x98: {  	_ =	strace $0x90000056  }
0x99: {  	s0 =	stileid.u32;
	[bflag:$0x2] =	sbarrier.arrive $0xFFFF  }
0x9a: {  	p0 =	sne.s32 s0, $0x0;
	s0 =	rddreg [dreg:$0x3]  }
0x9b: {  	s0 =	sadd.s32 @!p0 $0x100000, s0  }
0x9c: {  	[sflag:s0] =	ssyncadd.tile.s32 @!p0 $0x1;
	_ =	shalt  }
.Lfunc_end2:
_tile_overlayer_lowered:
.L_overlay_start_2:
0x9d: {  	(tag) =	ssettag $0x2  }
0x9e: {  	s0 =	rddreg [dreg:$0x0];
	s2 =	stileid.u32  }
0x9f: {  	s1 =	rddreg [dreg:$0x1];
	p0 =	sne.s32 s2, $0x0  }
0xa0: {  	s3 =	rddreg [dreg:$0x2];
	[bflag:$0x3] =	sbarrier.arrive $0xFFFF;
	s2 =	simm.s32 @!p0 $0x1C05  }
0xa1: {  	[timem:s3], [sflag:s2] =	dma.local @!p0 [hbm:s0], s1  }
0xa2: {  	s0 =	simm.s32 @!p0 $0x5  }
0xa3: {  	_ =	swait.ge @!p0 [sflag:s0], s1  }
0xa4: {  	s1 =	ssub.s32 @!p0 $0x0, s1;
	[sflag:s0] =	ssyncset.done @!p0 $0x0  }
0xa5: {  	[sflag:s0] =	ssyncadd.s32 @!p0 s1  }
0xa6: {  	[bflag:$0x3] =	sbarrier.arrive $0xFFFF  }
0xa7: {  	_ =	shalt  }

</sc_bundles>
